<compile_context>
chip_gen: v7x
topology: tpu7x:2x2x1
jax: 0.10.2.dev20260603
libtpu: 0.0.44.dev20260713+nightly
codegen_flags: <defaults>
</compile_context>

<pallas_src>
import functools

import jax
import jax.numpy as jnp
from jax import lax
from jax.experimental import pallas as pl
from jax.experimental.pallas import tpu as pltpu
from jax.experimental.pallas import tpu_sc as plsc

NC, NS, LANES = 2, 16, 16
NW = NC * NS

_MESH = dict(core_axis_name="c", subcore_axis_name="s", num_cores=NC,
             num_subcores=NS)
_SC_PARAMS = pltpu.CompilerParams(needs_layout_passes=False)



_K = 80
_CH = 80


def _make_agg(N, C, E):
    K = _K
    ept = E // NW
    nb = ept // K
    nt = nb // 2
    nch = N // _CH
    tmax = -(-nch // NS)
    mesh = plsc.VectorSubcoreMesh(**_MESH)

    @functools.partial(
        pl.kernel,
        out_type=jax.ShapeDtypeStruct((NC, N, C), jnp.float32),
        mesh=mesh,
        scratch_types=[
            pltpu.VMEM((K,), jnp.int32),
            pltpu.VMEM((K,), jnp.int32),
            pltpu.VMEM((K,), jnp.int32),
            pltpu.VMEM((K,), jnp.int32),
            pltpu.VMEM((K,), jnp.int32),
            pltpu.VMEM((K,), jnp.int32),
            pltpu.VMEM((K,), jnp.float32),
            pltpu.VMEM((K,), jnp.float32),
            pltpu.VMEM((K, C), jnp.float32),
            pltpu.VMEM((K, C), jnp.float32),
            pltpu.VMEM_SHARED((N, C), jnp.float32),
            pltpu.SemaphoreType.DMA,
            pltpu.SemaphoreType.DMA,
            pltpu.SemaphoreType.DMA,
            pltpu.SemaphoreType.DMA,
        ],
        compiler_params=_SC_PARAMS,
    )
    def agg(g_hbm, src_hbm, dst_hbm, w_hbm, out_hbm,
            src_a, src_b, dst_a, dst_b, dsts_a, dsts_b, w_a, w_b,
            rows_a, rows_b, acc_sh,
            sem_ia, sem_ib, sem_ga, sem_gb):
        c = lax.axis_index("c")
        s = lax.axis_index("s")
        wid = c * NS + s
        base = wid * ept

        zv = jnp.zeros((LANES,), jnp.float32)

        def zrow(r, carry):
            for j in range(C // LANES):
                rows_a[r, pl.ds(j * LANES, LANES)] = zv
            return carry

        lax.fori_loop(0, _CH, zrow, 0)
        for t in range(tmax):
            ck = s + NS * t

            @pl.when(ck < nch)
            def _():
                pltpu.sync_copy(rows_a.at[pl.ds(0, _CH)],
                                acc_sh.at[pl.ds(ck * _CH, _CH)])

        plsc.subcore_barrier()

        def idx_descs(i, srcb, dstb, wb, sem):
            off = base + i * K
            return (
                pltpu.make_async_copy(src_hbm.at[pl.ds(off, K)], srcb, sem),
                pltpu.make_async_copy(dst_hbm.at[pl.ds(off, K)], dstb, sem),
                pltpu.make_async_copy(w_hbm.at[pl.ds(off, K)], wb, sem),
            )

        def idx_load(i, srcb, dstb, wb, sem):
            for d in idx_descs(i, srcb, dstb, wb, sem):
                d.start()

        def idx_wait(i, srcb, dstb, wb, sem):
            for d in idx_descs(i, srcb, dstb, wb, sem):
                d.wait()

        def gath(rows, srcb, sem):
            return pltpu.make_async_copy(g_hbm.at[srcb], rows, sem)

        def scale(rows, wb):
            def srow(r, carry):
                wv = plsc.load_gather(wb, [jnp.full((LANES,), r, jnp.int32)])
                for j in range(C // LANES):
                    sl = pl.ds(j * LANES, LANES)
                    rows[r, sl] = rows[r, sl] * wv
                return carry

            lax.fori_loop(0, K, srow, 0)

        def cpidx(dstb, dstsb):
            for j in range(K // LANES):
                sl = pl.ds(j * LANES, LANES)
                dstsb[sl] = dstb[sl]

        idx_load(0, src_a, dst_a, w_a, sem_ia)
        idx_load(1, src_b, dst_b, w_b, sem_ib)

        def step(t, carry):
            i0 = 2 * t
            i1 = i0 + 1

            idx_wait(i0, src_a, dst_a, w_a, sem_ia)
            gath(rows_a, src_a, sem_ga).start()
            idx_wait(i1, src_b, dst_b, w_b, sem_ib)
            gath(rows_b, src_b, sem_gb).start()

            gath(rows_a, src_a, sem_ga).wait()
            scale(rows_a, w_a)
            cpidx(dst_a, dsts_a)
            pltpu.sync_copy(rows_a, acc_sh.at[dsts_a], add=True)

            @pl.when(i0 + 2 < nb)
            def _():
                idx_load(i0 + 2, src_a, dst_a, w_a, sem_ia)

            gath(rows_b, src_b, sem_gb).wait()
            scale(rows_b, w_b)
            cpidx(dst_b, dsts_b)
            pltpu.sync_copy(rows_b, acc_sh.at[dsts_b], add=True)

            @pl.when(i1 + 2 < nb)
            def _():
                idx_load(i1 + 2, src_b, dst_b, w_b, sem_ib)

            return carry

        lax.fori_loop(0, nt, step, 0)

        if nb % 2:
            last = nb - 1
            idx_wait(last, src_a, dst_a, w_a, sem_ia)
            gath(rows_a, src_a, sem_ga).start()
            gath(rows_a, src_a, sem_ga).wait()
            scale(rows_a, w_a)
            cpidx(dst_a, dsts_a)
            pltpu.sync_copy(rows_a, acc_sh.at[dsts_a], add=True)

        plsc.subcore_barrier()
        for t in range(tmax):
            ck = s + NS * t

            @pl.when(ck < nch)
            def _():
                pltpu.sync_copy(acc_sh.at[pl.ds(ck * _CH, _CH)],
                                out_hbm.at[c, pl.ds(ck * _CH, _CH)])

    return agg


def _make_deg(N, E):
    C = LANES
    K = _K
    ept = E // NW
    nb = ept // K
    nt = nb // 2
    nch = N // _CH
    tmax = -(-nch // NS)
    mesh = plsc.VectorSubcoreMesh(**_MESH)

    @functools.partial(
        pl.kernel,
        out_type=jax.ShapeDtypeStruct((NC, N, C), jnp.float32),
        mesh=mesh,
        scratch_types=[
            pltpu.VMEM((K,), jnp.int32),
            pltpu.VMEM((K,), jnp.int32),
            pltpu.VMEM((K,), jnp.int32),
            pltpu.VMEM((K,), jnp.int32),
            pltpu.VMEM((K,), jnp.float32),
            pltpu.VMEM((K,), jnp.float32),
            pltpu.VMEM((K, C), jnp.float32),
            pltpu.VMEM((K, C), jnp.float32),
            pltpu.VMEM_SHARED((N, C), jnp.float32),
            pltpu.SemaphoreType.DMA,
            pltpu.SemaphoreType.DMA,
        ],
        compiler_params=_SC_PARAMS,
    )
    def deg(dst_hbm, w_hbm, out_hbm,
            dst_a, dst_b, dsts_a, dsts_b, w_a, w_b, rows_a, rows_b,
            acc_sh, sem_ia, sem_ib):
        c = lax.axis_index("c")
        s = lax.axis_index("s")
        wid = c * NS + s
        base = wid * ept

        zv = jnp.zeros((LANES,), jnp.float32)

        def zrow(r, carry):
            rows_a[r, pl.ds(0, LANES)] = zv
            return carry

        lax.fori_loop(0, _CH, zrow, 0)
        for t in range(tmax):
            ck = s + NS * t

            @pl.when(ck < nch)
            def _():
                pltpu.sync_copy(rows_a.at[pl.ds(0, _CH)],
                                acc_sh.at[pl.ds(ck * _CH, _CH)])

        plsc.subcore_barrier()

        def idx_descs(i, dstb, wb, sem):
            off = base + i * K
            return (
                pltpu.make_async_copy(dst_hbm.at[pl.ds(off, K)], dstb, sem),
                pltpu.make_async_copy(w_hbm.at[pl.ds(off, K)], wb, sem),
            )

        def idx_load(i, dstb, wb, sem):
            for d in idx_descs(i, dstb, wb, sem):
                d.start()

        def idx_wait(i, dstb, wb, sem):
            for d in idx_descs(i, dstb, wb, sem):
                d.wait()

        def fill(rows, wb):
            def frow(r, carry):
                wv = plsc.load_gather(wb, [jnp.full((LANES,), r, jnp.int32)])
                rows[r, pl.ds(0, LANES)] = wv
                return carry

            lax.fori_loop(0, K, frow, 0)

        def cpidx(dstb, dstsb):
            for j in range(K // LANES):
                sl = pl.ds(j * LANES, LANES)
                dstsb[sl] = dstb[sl]

        idx_load(0, dst_a, w_a, sem_ia)
        idx_load(1, dst_b, w_b, sem_ib)

        def step(t, carry):
            i0 = 2 * t
            i1 = i0 + 1

            idx_wait(i0, dst_a, w_a, sem_ia)
            fill(rows_a, w_a)
            cpidx(dst_a, dsts_a)
            pltpu.sync_copy(rows_a, acc_sh.at[dsts_a], add=True)

            @pl.when(i0 + 2 < nb)
            def _():
                idx_load(i0 + 2, dst_a, w_a, sem_ia)

            idx_wait(i1, dst_b, w_b, sem_ib)
            fill(rows_b, w_b)
            cpidx(dst_b, dsts_b)
            pltpu.sync_copy(rows_b, acc_sh.at[dsts_b], add=True)

            @pl.when(i1 + 2 < nb)
            def _():
                idx_load(i1 + 2, dst_b, w_b, sem_ib)

            return carry

        lax.fori_loop(0, nt, step, 0)

        if nb % 2:
            last = nb - 1
            idx_wait(last, dst_a, w_a, sem_ia)
            fill(rows_a, w_a)
            cpidx(dst_a, dsts_a)
            pltpu.sync_copy(rows_a, acc_sh.at[dsts_a], add=True)

        plsc.subcore_barrier()
        for t in range(tmax):
            ck = s + NS * t

            @pl.when(ck < nch)
            def _():
                pltpu.sync_copy(acc_sh.at[pl.ds(ck * _CH, _CH)],
                                out_hbm.at[c, pl.ds(ck * _CH, _CH)])

    return deg



_BR = 400


def _dis_of(degp_ref):
    deg = degp_ref[0] + degp_ref[1]
    return lax.rsqrt(deg[:, 0:1] + 1.0)


def _mm_scale(x, W, degp):
    N, IC = x.shape
    H = W.shape[1]

    def body(x_ref, w_ref, degp_ref, o_ref):
        dis = _dis_of(degp_ref)
        h = jnp.dot(x_ref[...], w_ref[...], preferred_element_type=jnp.float32)
        o_ref[...] = h * dis

    return pl.pallas_call(
        body,
        grid=(N // _BR,),
        in_specs=[
            pl.BlockSpec((_BR, IC), lambda i: (i, 0)),
            pl.BlockSpec((IC, H), lambda i: (0, 0)),
            pl.BlockSpec((NC, _BR, LANES), lambda i: (0, i, 0)),
        ],
        out_specs=pl.BlockSpec((_BR, H), lambda i: (i, 0)),
        out_shape=jax.ShapeDtypeStruct((N, H), jnp.float32),
    )(x, W, degp)


def _mid(p, g1, degp, b1, W2):
    N, H = g1.shape
    O = W2.shape[1]

    def body(p_ref, g1_ref, degp_ref, b1_ref, w2_ref, o_ref):
        dis = _dis_of(degp_ref)
        t = dis * (p_ref[0] + p_ref[1] + g1_ref[...]) + b1_ref[...]
        h1 = jnp.maximum(t, 0.0)
        h2 = jnp.dot(h1, w2_ref[...], preferred_element_type=jnp.float32)
        o_ref[...] = h2 * dis

    return pl.pallas_call(
        body,
        grid=(N // _BR,),
        in_specs=[
            pl.BlockSpec((NC, _BR, H), lambda i: (0, i, 0)),
            pl.BlockSpec((_BR, H), lambda i: (i, 0)),
            pl.BlockSpec((NC, _BR, LANES), lambda i: (0, i, 0)),
            pl.BlockSpec((1, H), lambda i: (0, 0)),
            pl.BlockSpec((H, O), lambda i: (0, 0)),
        ],
        out_specs=pl.BlockSpec((_BR, O), lambda i: (i, 0)),
        out_shape=jax.ShapeDtypeStruct((N, O), jnp.float32),
    )(p, g1, degp, b1, W2)


def _final(p, g2, degp, b2, O):
    N, OP = g2.shape

    def body(p_ref, g2_ref, degp_ref, b2_ref, o_ref):
        dis = _dis_of(degp_ref)
        o = (dis * (p_ref[0] + p_ref[1] + g2_ref[...]) + b2_ref[...])[:, :O]
        m = jnp.max(o, axis=1, keepdims=True)
        e = jnp.exp(o - m)
        lse = jnp.log(jnp.sum(e, axis=1, keepdims=True))
        o_ref[...] = o - m - lse

    return pl.pallas_call(
        body,
        grid=(N // _BR,),
        in_specs=[
            pl.BlockSpec((NC, _BR, OP), lambda i: (0, i, 0)),
            pl.BlockSpec((_BR, OP), lambda i: (i, 0)),
            pl.BlockSpec((NC, _BR, LANES), lambda i: (0, i, 0)),
            pl.BlockSpec((1, OP), lambda i: (0, 0)),
        ],
        out_specs=pl.BlockSpec((_BR, O), lambda i: (i, 0)),
        out_shape=jax.ShapeDtypeStruct((N, O), jnp.float32),
    )(p, g2, degp, b2)



def kernel(x, adj, edge_weights, W1, b1, W2, b2):
    N, IC = x.shape
    H = W1.shape[1]
    O = W2.shape[1]
    E = adj.shape[1]
    src = adj[0]
    dst = adj[1]

    OP = 128
    W2p = jnp.pad(W2, ((0, 0), (0, OP - O)))
    b2p = jnp.pad(b2, (0, OP - O))

    degp = _make_deg(N, E)(dst, edge_weights)
    g1 = _mm_scale(x, W1, degp)
    p1 = _make_agg(N, H, E)(g1, src, dst, edge_weights)
    g2 = _mid(p1, g1, degp, b1.reshape(1, H), W2p)
    p2 = _make_agg(N, OP, E)(g2, src, dst, edge_weights)
    return _final(p2, g2, degp, b2p.reshape(1, OP), O)

# --- scband reference (transcript-rebuilt; emitter-appended) ---
"""Pipeline reference for scband-gcn-pyg-23347442221163 (READ-ONLY COPY).

The authoritative reference and input builder live on the scoring server;
editing this copy changes nothing except your own understanding.
"""

import jax, jax.numpy as jnp
import numpy as np

N = 10000
E = 320000
IN_C, HID, OUT_C = 128, 128, 64


def setup_inputs(seed: int = 0) -> dict:
    key = jax.random.key(seed)
    k1, k2, k3, k4, k5 = jax.random.split(key, 5)
    x = jax.random.normal(k1, (N, IN_C), dtype=jnp.float32)
    edge_index = jax.random.randint(k2, (2, E), 0, N, dtype=jnp.int32)
    edge_weights = jax.random.uniform(k3, (E,), dtype=jnp.float32)
    W1 = jax.random.normal(k4, (IN_C, HID), dtype=jnp.float32) * 0.05
    b1 = jnp.zeros((HID,), dtype=jnp.float32)
    W2 = jax.random.normal(k5, (HID, OUT_C), dtype=jnp.float32) * 0.05
    b2 = jnp.zeros((OUT_C,), dtype=jnp.float32)
    return {"x": x, "adj": edge_index, "edge_weights": edge_weights,
            "W1": W1, "b1": b1, "W2": W2, "b2": b2}


def _gcn_conv(x, src, dst, ew, W, b):
    # PyG GCNConv with add_self_loops=True, normalize=True
    h = x @ W
    loop = jnp.arange(N, dtype=src.dtype)
    s = jnp.concatenate([src, loop])
    d = jnp.concatenate([dst, loop])
    w = jnp.concatenate([ew, jnp.ones((N,), dtype=ew.dtype)])
    deg = jnp.zeros((N,), dtype=ew.dtype).at[d].add(w)
    dis = jnp.where(deg > 0, jax.lax.rsqrt(jnp.where(deg > 0, deg, 1.0)), 0.0)
    norm = dis[s] * w * dis[d]
    msg = h[s] * norm[:, None]
    out = jnp.zeros((N, h.shape[1]), dtype=h.dtype).at[d].add(msg)
    return out + b


def reference(x, adj, edge_weights, W1, b1, W2, b2):
    src, dst = adj[0], adj[1]
    h = jax.nn.relu(_gcn_conv(x, src, dst, edge_weights, W1, b1))
    # dropout is a no-op in eval mode (training=False)
    o = _gcn_conv(h, src, dst, edge_weights, W2, b2)
    return jax.nn.log_softmax(o, axis=-1)

if __name__ == "__main__":
    import jax
    _d = setup_inputs()
    print(jax.jit(kernel)(*tuple(_d.values())))

</pallas_src>

<mosaic_0001>
#map = affine_map<(d0, d1) -> (0, 0)>
#map1 = affine_map<(d0, d1) -> (0)>
#map2 = affine_map<(d0, d1) -> (0, 0, 0)>
module attributes {stable_mosaic.version = 14 : i64} {
  func.func @agg(%arg0: i32, %arg1: i32, %arg2: memref<10000x128xf32, #tpu.memory_space<hbm>>, %arg3: memref<320000xi32, #tpu.memory_space<hbm>>, %arg4: memref<320000xi32, #tpu.memory_space<hbm>>, %arg5: memref<320000xf32, #tpu.memory_space<hbm>>, %arg6: memref<2x10000x128xf32, #tpu.memory_space<hbm>>, %arg7: memref<80xi32, #tpu.memory_space<vmem>>, %arg8: memref<80xi32, #tpu.memory_space<vmem>>, %arg9: memref<80xi32, #tpu.memory_space<vmem>>, %arg10: memref<80xi32, #tpu.memory_space<vmem>>, %arg11: memref<80xi32, #tpu.memory_space<vmem>>, %arg12: memref<80xi32, #tpu.memory_space<vmem>>, %arg13: memref<80xf32, #tpu.memory_space<vmem>>, %arg14: memref<80xf32, #tpu.memory_space<vmem>>, %arg15: memref<80x128xf32, #tpu.memory_space<vmem>>, %arg16: memref<80x128xf32, #tpu.memory_space<vmem>>, %arg17: memref<10000x128xf32, #tpu.memory_space<vmem_shared>>, %arg18: memref<!tpu.dma_semaphore, #tpu.memory_space<semaphore_mem>>, %arg19: memref<!tpu.dma_semaphore, #tpu.memory_space<semaphore_mem>>, %arg20: memref<!tpu.dma_semaphore, #tpu.memory_space<semaphore_mem>>, %arg21: memref<!tpu.dma_semaphore, #tpu.memory_space<semaphore_mem>>) attributes {dimension_semantics = [#tpu.dimension_semantics<core_parallel>, #tpu.dimension_semantics<subcore_parallel>], iteration_bounds = array<i64: 2, 16>, scalar_prefetch = 0 : i64, scratch_operands = 15 : i64, tpu.core_type = #tpu.core_type<sc_vector_subcore>, window_params = [{transform_indices = #map}, {transform_indices = #map1}, {transform_indices = #map1}, {transform_indices = #map1}, {transform_indices = #map2}]} {
    %mul3A = arith.constant 16 : i32
    %mul3A_0 = arith.muli %arg0, %mul3A : i32
    %add3A = arith.addi %mul3A_0, %arg1 : i32
    %mul3A_1 = arith.constant 10000 : i32
    %mul3A_2 = arith.muli %add3A, %mul3A_1 : i32
    %broadcast_in_dim3A = arith.constant 0.000000e+00 : f32
    %broadcast_in_dim3A_3 = vector.broadcast %broadcast_in_dim3A : f32 to vector<16xf32>
    %scan3A = arith.constant 0 : i32
    %scan3A_4 = arith.constant 0 : i32
    %scan3A_5 = arith.constant 80 : i32
    %scan3A_6 = arith.addi %scan3A_4, %scan3A_5 : i32
    %scan3A_7 = arith.constant 1 : i32
    scf.for %scan3A_177 = %scan3A_4 to %scan3A_6 step %scan3A_7  : i32 {
      %swap3A_178 = arith.index_cast %scan3A_177 : i32 to index
      %swap3A_179 = arith.constant 0 : index
      %swap3A_180 = tpu.vector_load %arg15[%swap3A_178, %swap3A_179] {strides = array<i32>} : memref<80x128xf32, #tpu.memory_space<vmem>>, vector<16xf32>,
      tpu.vector_store %arg15[%swap3A_178, %swap3A_179], %broadcast_in_dim3A_3 {strides = array<i32>} : memref<80x128xf32, #tpu.memory_space<vmem>>, vector<16xf32>,
      %swap3A_181 = arith.index_cast %scan3A_177 : i32 to index
      %swap3A_182 = arith.constant 16 : index
      %swap3A_183 = tpu.vector_load %arg15[%swap3A_181, %swap3A_182] {strides = array<i32>} : memref<80x128xf32, #tpu.memory_space<vmem>>, vector<16xf32>,
      tpu.vector_store %arg15[%swap3A_181, %swap3A_182], %broadcast_in_dim3A_3 {strides = array<i32>} : memref<80x128xf32, #tpu.memory_space<vmem>>, vector<16xf32>,
      %swap3A_184 = arith.index_cast %scan3A_177 : i32 to index
      %swap3A_185 = arith.constant 32 : index
      %swap3A_186 = tpu.vector_load %arg15[%swap3A_184, %swap3A_185] {strides = array<i32>} : memref<80x128xf32, #tpu.memory_space<vmem>>, vector<16xf32>,
      tpu.vector_store %arg15[%swap3A_184, %swap3A_185], %broadcast_in_dim3A_3 {strides = array<i32>} : memref<80x128xf32, #tpu.memory_space<vmem>>, vector<16xf32>,
      %swap3A_187 = arith.index_cast %scan3A_177 : i32 to index
      %swap3A_188 = arith.constant 48 : index
      %swap3A_189 = tpu.vector_load %arg15[%swap3A_187, %swap3A_188] {strides = array<i32>} : memref<80x128xf32, #tpu.memory_space<vmem>>, vector<16xf32>,
      tpu.vector_store %arg15[%swap3A_187, %swap3A_188], %broadcast_in_dim3A_3 {strides = array<i32>} : memref<80x128xf32, #tpu.memory_space<vmem>>, vector<16xf32>,
      %swap3A_190 = arith.index_cast %scan3A_177 : i32 to index
      %swap3A_191 = arith.constant 64 : index
      %swap3A_192 = tpu.vector_load %arg15[%swap3A_190, %swap3A_191] {strides = array<i32>} : memref<80x128xf32, #tpu.memory_space<vmem>>, vector<16xf32>,
      tpu.vector_store %arg15[%swap3A_190, %swap3A_191], %broadcast_in_dim3A_3 {strides = array<i32>} : memref<80x128xf32, #tpu.memory_space<vmem>>, vector<16xf32>,
      %swap3A_193 = arith.index_cast %scan3A_177 : i32 to index
      %swap3A_194 = arith.constant 80 : index
      %swap3A_195 = tpu.vector_load %arg15[%swap3A_193, %swap3A_194] {strides = array<i32>} : memref<80x128xf32, #tpu.memory_space<vmem>>, vector<16xf32>,
      tpu.vector_store %arg15[%swap3A_193, %swap3A_194], %broadcast_in_dim3A_3 {strides = array<i32>} : memref<80x128xf32, #tpu.memory_space<vmem>>, vector<16xf32>,
      %swap3A_196 = arith.index_cast %scan3A_177 : i32 to index
      %swap3A_197 = arith.constant 96 : index
      %swap3A_198 = tpu.vector_load %arg15[%swap3A_196, %swap3A_197] {strides = array<i32>} : memref<80x128xf32, #tpu.memory_space<vmem>>, vector<16xf32>,
      tpu.vector_store %arg15[%swap3A_196, %swap3A_197], %broadcast_in_dim3A_3 {strides = array<i32>} : memref<80x128xf32, #tpu.memory_space<vmem>>, vector<16xf32>,
      %swap3A_199 = arith.index_cast %scan3A_177 : i32 to index
      %swap3A_200 = arith.constant 112 : index
      %swap3A_201 = tpu.vector_load %arg15[%swap3A_199, %swap3A_200] {strides = array<i32>} : memref<80x128xf32, #tpu.memory_space<vmem>>, vector<16xf32>,
      tpu.vector_store %arg15[%swap3A_199, %swap3A_200], %broadcast_in_dim3A_3 {strides = array<i32>} : memref<80x128xf32, #tpu.memory_space<vmem>>, vector<16xf32>,
    }
    %scan3A_8 = arith.constant 80 : i32
    %add3A_9 = arith.constant 0 : i32
    %add3A_10 = arith.addi %arg1, %add3A_9 : i32
    %lt3A = arith.constant 125 : i32
    %lt3A_11 = arith.cmpi slt, %add3A_10, %lt3A : i32
    %convert_element_type3A = arith.extui %lt3A_11 : i1 to i32
    %cond3A = arith.constant 0 : i32
    %cond3A_12 = arith.cmpi ne, %convert_element_type3A, %cond3A : i32
    scf.if %cond3A_12 {
      %mul3A_177 = arith.constant 80 : i32
      %mul3A_178 = arith.muli %add3A_10, %mul3A_177 : i32
      "tpu.region"() ({
        %run_scoped3A = tpu.sem_alloc : memref<!tpu.dma_semaphore, #tpu.memory_space<semaphore_mem>>
        %dma_start3A_179 = arith.constant 0 : i32
        %dma_start3A_180 = arith.constant 0 : i32
        %dma_start3A_181 = tpu.memref_slice %arg15[%dma_start3A_179, %dma_start3A_180] : memref<80x128xf32, #tpu.memory_space<vmem>> -> memref<80x128xf32, #tpu.memory_space<vmem>>
        %dma_start3A_182 = arith.constant 0 : i32
        %dma_start3A_183 = tpu.memref_slice %arg17[%mul3A_178, %dma_start3A_182] : memref<10000x128xf32, #tpu.memory_space<vmem_shared>> -> memref<80x128xf32, #tpu.memory_space<vmem_shared>>
        %dma_start3A_184 = arith.constant 0 : i32
        %dma_start3A_185 = tpu.memref_slice %arg17[%mul3A_178, %dma_start3A_184] : memref<10000x128xf32, #tpu.memory_space<vmem_shared>> -> memref<80x128xf32, #tpu.memory_space<vmem_shared>>
        %dma_start3A_186 = arith.constant 0 : i32
        %dma_start3A_187 = arith.constant 0 : i32
        %dma_start3A_188 = tpu.memref_slice %arg15[%dma_start3A_186, %dma_start3A_187] : memref<80x128xf32, #tpu.memory_space<vmem>> -> memref<80x128xf32, #tpu.memory_space<vmem>>
        tpu.enqueue_dma source(%dma_start3A_188 : memref<80x128xf32, #tpu.memory_space<vmem>>) target(%dma_start3A_185 : memref<80x128xf32, #tpu.memory_space<vmem_shared>>) target_semaphore(%run_scoped3A : memref<!tpu.dma_semaphore, #tpu.memory_space<semaphore_mem>>)
        %dma_wait3A_189 = arith.constant 0 : i32
        %dma_wait3A_190 = arith.constant 0 : i32
        %dma_wait3A_191 = tpu.memref_slice %arg15[%dma_wait3A_189, %dma_wait3A_190] : memref<80x128xf32, #tpu.memory_space<vmem>> -> memref<80x128xf32, #tpu.memory_space<vmem>>
        %dma_wait3A_192 = arith.constant 0 : i32
        %dma_wait3A_193 = tpu.memref_slice %arg17[%mul3A_178, %dma_wait3A_192] : memref<10000x128xf32, #tpu.memory_space<vmem_shared>> -> memref<80x128xf32, #tpu.memory_space<vmem_shared>>
        %dma_wait3A_194 = arith.constant 0 : i32
        %dma_wait3A_195 = tpu.memref_slice %arg17[%mul3A_178, %dma_wait3A_194] : memref<10000x128xf32, #tpu.memory_space<vmem_shared>> -> memref<80x128xf32, #tpu.memory_space<vmem_shared>>
        %dma_wait3A_196 = arith.constant 0 : i32
        %dma_wait3A_197 = arith.constant 0 : i32
        %dma_wait3A_198 = tpu.memref_slice %arg15[%dma_wait3A_196, %dma_wait3A_197] : memref<80x128xf32, #tpu.memory_space<vmem>> -> memref<80x128xf32, #tpu.memory_space<vmem>>
        tpu.wait_dma2 semaphore(%run_scoped3A : memref<!tpu.dma_semaphore, #tpu.memory_space<semaphore_mem>>) src(%dma_wait3A_198 : memref<80x128xf32, #tpu.memory_space<vmem>>) dst(%dma_wait3A_195 : memref<80x128xf32, #tpu.memory_space<vmem_shared>>)
        tpu.yield
      }) : () -> ()
    } else {
    }
    %add3A_13 = arith.constant 16 : i32
    %add3A_14 = arith.addi %arg1, %add3A_13 : i32
    %lt3A_15 = arith.constant 125 : i32
    %lt3A_16 = arith.cmpi slt, %add3A_14, %lt3A_15 : i32
    %convert_element_type3A_17 = arith.extui %lt3A_16 : i1 to i32
    %cond3A_18 = arith.constant 0 : i32
    %cond3A_19 = arith.cmpi ne, %convert_element_type3A_17, %cond3A_18 : i32
    scf.if %cond3A_19 {
      %mul3A_177 = arith.constant 80 : i32
      %mul3A_178 = arith.muli %add3A_14, %mul3A_177 : i32
      "tpu.region"() ({
        %run_scoped3A = tpu.sem_alloc : memref<!tpu.dma_semaphore, #tpu.memory_space<semaphore_mem>>
        %dma_start3A_179 = arith.constant 0 : i32
        %dma_start3A_180 = arith.constant 0 : i32
        %dma_start3A_181 = tpu.memref_slice %arg15[%dma_start3A_179, %dma_start3A_180] : memref<80x128xf32, #tpu.memory_space<vmem>> -> memref<80x128xf32, #tpu.memory_space<vmem>>
        %dma_start3A_182 = arith.constant 0 : i32
        %dma_start3A_183 = tpu.memref_slice %arg17[%mul3A_178, %dma_start3A_182] : memref<10000x128xf32, #tpu.memory_space<vmem_shared>> -> memref<80x128xf32, #tpu.memory_space<vmem_shared>>
        %dma_start3A_184 = arith.constant 0 : i32
        %dma_start3A_185 = tpu.memref_slice %arg17[%mul3A_178, %dma_start3A_184] : memref<10000x128xf32, #tpu.memory_space<vmem_shared>> -> memref<80x128xf32, #tpu.memory_space<vmem_shared>>
        %dma_start3A_186 = arith.constant 0 : i32
        %dma_start3A_187 = arith.constant 0 : i32
        %dma_start3A_188 = tpu.memref_slice %arg15[%dma_start3A_186, %dma_start3A_187] : memref<80x128xf32, #tpu.memory_space<vmem>> -> memref<80x128xf32, #tpu.memory_space<vmem>>
        tpu.enqueue_dma source(%dma_start3A_188 : memref<80x128xf32, #tpu.memory_space<vmem>>) target(%dma_start3A_185 : memref<80x128xf32, #tpu.memory_space<vmem_shared>>) target_semaphore(%run_scoped3A : memref<!tpu.dma_semaphore, #tpu.memory_space<semaphore_mem>>)
        %dma_wait3A_189 = arith.constant 0 : i32
        %dma_wait3A_190 = arith.constant 0 : i32
        %dma_wait3A_191 = tpu.memref_slice %arg15[%dma_wait3A_189, %dma_wait3A_190] : memref<80x128xf32, #tpu.memory_space<vmem>> -> memref<80x128xf32, #tpu.memory_space<vmem>>
        %dma_wait3A_192 = arith.constant 0 : i32
        %dma_wait3A_193 = tpu.memref_slice %arg17[%mul3A_178, %dma_wait3A_192] : memref<10000x128xf32, #tpu.memory_space<vmem_shared>> -> memref<80x128xf32, #tpu.memory_space<vmem_shared>>
        %dma_wait3A_194 = arith.constant 0 : i32
        %dma_wait3A_195 = tpu.memref_slice %arg17[%mul3A_178, %dma_wait3A_194] : memref<10000x128xf32, #tpu.memory_space<vmem_shared>> -> memref<80x128xf32, #tpu.memory_space<vmem_shared>>
        %dma_wait3A_196 = arith.constant 0 : i32
        %dma_wait3A_197 = arith.constant 0 : i32
        %dma_wait3A_198 = tpu.memref_slice %arg15[%dma_wait3A_196, %dma_wait3A_197] : memref<80x128xf32, #tpu.memory_space<vmem>> -> memref<80x128xf32, #tpu.memory_space<vmem>>
        tpu.wait_dma2 semaphore(%run_scoped3A : memref<!tpu.dma_semaphore, #tpu.memory_space<semaphore_mem>>) src(%dma_wait3A_198 : memref<80x128xf32, #tpu.memory_space<vmem>>) dst(%dma_wait3A_195 : memref<80x128xf32, #tpu.memory_space<vmem_shared>>)
        tpu.yield
      }) : () -> ()
    } else {
    }
    %add3A_20 = arith.constant 32 : i32
    %add3A_21 = arith.addi %arg1, %add3A_20 : i32
    %lt3A_22 = arith.constant 125 : i32
    %lt3A_23 = arith.cmpi slt, %add3A_21, %lt3A_22 : i32
    %convert_element_type3A_24 = arith.extui %lt3A_23 : i1 to i32
    %cond3A_25 = arith.constant 0 : i32
    %cond3A_26 = arith.cmpi ne, %convert_element_type3A_24, %cond3A_25 : i32
    scf.if %cond3A_26 {
      %mul3A_177 = arith.constant 80 : i32
      %mul3A_178 = arith.muli %add3A_21, %mul3A_177 : i32
      "tpu.region"() ({
        %run_scoped3A = tpu.sem_alloc : memref<!tpu.dma_semaphore, #tpu.memory_space<semaphore_mem>>
        %dma_start3A_179 = arith.constant 0 : i32
        %dma_start3A_180 = arith.constant 0 : i32
        %dma_start3A_181 = tpu.memref_slice %arg15[%dma_start3A_179, %dma_start3A_180] : memref<80x128xf32, #tpu.memory_space<vmem>> -> memref<80x128xf32, #tpu.memory_space<vmem>>
        %dma_start3A_182 = arith.constant 0 : i32
        %dma_start3A_183 = tpu.memref_slice %arg17[%mul3A_178, %dma_start3A_182] : memref<10000x128xf32, #tpu.memory_space<vmem_shared>> -> memref<80x128xf32, #tpu.memory_space<vmem_shared>>
        %dma_start3A_184 = arith.constant 0 : i32
        %dma_start3A_185 = tpu.memref_slice %arg17[%mul3A_178, %dma_start3A_184] : memref<10000x128xf32, #tpu.memory_space<vmem_shared>> -> memref<80x128xf32, #tpu.memory_space<vmem_shared>>
        %dma_start3A_186 = arith.constant 0 : i32
        %dma_start3A_187 = arith.constant 0 : i32
        %dma_start3A_188 = tpu.memref_slice %arg15[%dma_start3A_186, %dma_start3A_187] : memref<80x128xf32, #tpu.memory_space<vmem>> -> memref<80x128xf32, #tpu.memory_space<vmem>>
        tpu.enqueue_dma source(%dma_start3A_188 : memref<80x128xf32, #tpu.memory_space<vmem>>) target(%dma_start3A_185 : memref<80x128xf32, #tpu.memory_space<vmem_shared>>) target_semaphore(%run_scoped3A : memref<!tpu.dma_semaphore, #tpu.memory_space<semaphore_mem>>)
        %dma_wait3A_189 = arith.constant 0 : i32
        %dma_wait3A_190 = arith.constant 0 : i32
        %dma_wait3A_191 = tpu.memref_slice %arg15[%dma_wait3A_189, %dma_wait3A_190] : memref<80x128xf32, #tpu.memory_space<vmem>> -> memref<80x128xf32, #tpu.memory_space<vmem>>
        %dma_wait3A_192 = arith.constant 0 : i32
        %dma_wait3A_193 = tpu.memref_slice %arg17[%mul3A_178, %dma_wait3A_192] : memref<10000x128xf32, #tpu.memory_space<vmem_shared>> -> memref<80x128xf32, #tpu.memory_space<vmem_shared>>
        %dma_wait3A_194 = arith.constant 0 : i32
        %dma_wait3A_195 = tpu.memref_slice %arg17[%mul3A_178, %dma_wait3A_194] : memref<10000x128xf32, #tpu.memory_space<vmem_shared>> -> memref<80x128xf32, #tpu.memory_space<vmem_shared>>
        %dma_wait3A_196 = arith.constant 0 : i32
        %dma_wait3A_197 = arith.constant 0 : i32
        %dma_wait3A_198 = tpu.memref_slice %arg15[%dma_wait3A_196, %dma_wait3A_197] : memref<80x128xf32, #tpu.memory_space<vmem>> -> memref<80x128xf32, #tpu.memory_space<vmem>>
        tpu.wait_dma2 semaphore(%run_scoped3A : memref<!tpu.dma_semaphore, #tpu.memory_space<semaphore_mem>>) src(%dma_wait3A_198 : memref<80x128xf32, #tpu.memory_space<vmem>>) dst(%dma_wait3A_195 : memref<80x128xf32, #tpu.memory_space<vmem_shared>>)
        tpu.yield
      }) : () -> ()
    } else {
    }
    %add3A_27 = arith.constant 48 : i32
    %add3A_28 = arith.addi %arg1, %add3A_27 : i32
    %lt3A_29 = arith.constant 125 : i32
    %lt3A_30 = arith.cmpi slt, %add3A_28, %lt3A_29 : i32
    %convert_element_type3A_31 = arith.extui %lt3A_30 : i1 to i32
    %cond3A_32 = arith.constant 0 : i32
    %cond3A_33 = arith.cmpi ne, %convert_element_type3A_31, %cond3A_32 : i32
    scf.if %cond3A_33 {
      %mul3A_177 = arith.constant 80 : i32
      %mul3A_178 = arith.muli %add3A_28, %mul3A_177 : i32
      "tpu.region"() ({
        %run_scoped3A = tpu.sem_alloc : memref<!tpu.dma_semaphore, #tpu.memory_space<semaphore_mem>>
        %dma_start3A_179 = arith.constant 0 : i32
        %dma_start3A_180 = arith.constant 0 : i32
        %dma_start3A_181 = tpu.memref_slice %arg15[%dma_start3A_179, %dma_start3A_180] : memref<80x128xf32, #tpu.memory_space<vmem>> -> memref<80x128xf32, #tpu.memory_space<vmem>>
        %dma_start3A_182 = arith.constant 0 : i32
        %dma_start3A_183 = tpu.memref_slice %arg17[%mul3A_178, %dma_start3A_182] : memref<10000x128xf32, #tpu.memory_space<vmem_shared>> -> memref<80x128xf32, #tpu.memory_space<vmem_shared>>
        %dma_start3A_184 = arith.constant 0 : i32
        %dma_start3A_185 = tpu.memref_slice %arg17[%mul3A_178, %dma_start3A_184] : memref<10000x128xf32, #tpu.memory_space<vmem_shared>> -> memref<80x128xf32, #tpu.memory_space<vmem_shared>>
        %dma_start3A_186 = arith.constant 0 : i32
        %dma_start3A_187 = arith.constant 0 : i32
        %dma_start3A_188 = tpu.memref_slice %arg15[%dma_start3A_186, %dma_start3A_187] : memref<80x128xf32, #tpu.memory_space<vmem>> -> memref<80x128xf32, #tpu.memory_space<vmem>>
        tpu.enqueue_dma source(%dma_start3A_188 : memref<80x128xf32, #tpu.memory_space<vmem>>) target(%dma_start3A_185 : memref<80x128xf32, #tpu.memory_space<vmem_shared>>) target_semaphore(%run_scoped3A : memref<!tpu.dma_semaphore, #tpu.memory_space<semaphore_mem>>)
        %dma_wait3A_189 = arith.constant 0 : i32
        %dma_wait3A_190 = arith.constant 0 : i32
        %dma_wait3A_191 = tpu.memref_slice %arg15[%dma_wait3A_189, %dma_wait3A_190] : memref<80x128xf32, #tpu.memory_space<vmem>> -> memref<80x128xf32, #tpu.memory_space<vmem>>
        %dma_wait3A_192 = arith.constant 0 : i32
        %dma_wait3A_193 = tpu.memref_slice %arg17[%mul3A_178, %dma_wait3A_192] : memref<10000x128xf32, #tpu.memory_space<vmem_shared>> -> memref<80x128xf32, #tpu.memory_space<vmem_shared>>
        %dma_wait3A_194 = arith.constant 0 : i32
        %dma_wait3A_195 = tpu.memref_slice %arg17[%mul3A_178, %dma_wait3A_194] : memref<10000x128xf32, #tpu.memory_space<vmem_shared>> -> memref<80x128xf32, #tpu.memory_space<vmem_shared>>
        %dma_wait3A_196 = arith.constant 0 : i32
        %dma_wait3A_197 = arith.constant 0 : i32
        %dma_wait3A_198 = tpu.memref_slice %arg15[%dma_wait3A_196, %dma_wait3A_197] : memref<80x128xf32, #tpu.memory_space<vmem>> -> memref<80x128xf32, #tpu.memory_space<vmem>>
        tpu.wait_dma2 semaphore(%run_scoped3A : memref<!tpu.dma_semaphore, #tpu.memory_space<semaphore_mem>>) src(%dma_wait3A_198 : memref<80x128xf32, #tpu.memory_space<vmem>>) dst(%dma_wait3A_195 : memref<80x128xf32, #tpu.memory_space<vmem_shared>>)
        tpu.yield
      }) : () -> ()
    } else {
    }
    %add3A_34 = arith.constant 64 : i32
    %add3A_35 = arith.addi %arg1, %add3A_34 : i32
    %lt3A_36 = arith.constant 125 : i32
    %lt3A_37 = arith.cmpi slt, %add3A_35, %lt3A_36 : i32
    %convert_element_type3A_38 = arith.extui %lt3A_37 : i1 to i32
    %cond3A_39 = arith.constant 0 : i32
    %cond3A_40 = arith.cmpi ne, %convert_element_type3A_38, %cond3A_39 : i32
    scf.if %cond3A_40 {
      %mul3A_177 = arith.constant 80 : i32
      %mul3A_178 = arith.muli %add3A_35, %mul3A_177 : i32
      "tpu.region"() ({
        %run_scoped3A = tpu.sem_alloc : memref<!tpu.dma_semaphore, #tpu.memory_space<semaphore_mem>>
        %dma_start3A_179 = arith.constant 0 : i32
        %dma_start3A_180 = arith.constant 0 : i32
        %dma_start3A_181 = tpu.memref_slice %arg15[%dma_start3A_179, %dma_start3A_180] : memref<80x128xf32, #tpu.memory_space<vmem>> -> memref<80x128xf32, #tpu.memory_space<vmem>>
        %dma_start3A_182 = arith.constant 0 : i32
        %dma_start3A_183 = tpu.memref_slice %arg17[%mul3A_178, %dma_start3A_182] : memref<10000x128xf32, #tpu.memory_space<vmem_shared>> -> memref<80x128xf32, #tpu.memory_space<vmem_shared>>
        %dma_start3A_184 = arith.constant 0 : i32
        %dma_start3A_185 = tpu.memref_slice %arg17[%mul3A_178, %dma_start3A_184] : memref<10000x128xf32, #tpu.memory_space<vmem_shared>> -> memref<80x128xf32, #tpu.memory_space<vmem_shared>>
        %dma_start3A_186 = arith.constant 0 : i32
        %dma_start3A_187 = arith.constant 0 : i32
        %dma_start3A_188 = tpu.memref_slice %arg15[%dma_start3A_186, %dma_start3A_187] : memref<80x128xf32, #tpu.memory_space<vmem>> -> memref<80x128xf32, #tpu.memory_space<vmem>>
        tpu.enqueue_dma source(%dma_start3A_188 : memref<80x128xf32, #tpu.memory_space<vmem>>) target(%dma_start3A_185 : memref<80x128xf32, #tpu.memory_space<vmem_shared>>) target_semaphore(%run_scoped3A : memref<!tpu.dma_semaphore, #tpu.memory_space<semaphore_mem>>)
        %dma_wait3A_189 = arith.constant 0 : i32
        %dma_wait3A_190 = arith.constant 0 : i32
        %dma_wait3A_191 = tpu.memref_slice %arg15[%dma_wait3A_189, %dma_wait3A_190] : memref<80x128xf32, #tpu.memory_space<vmem>> -> memref<80x128xf32, #tpu.memory_space<vmem>>
        %dma_wait3A_192 = arith.constant 0 : i32
        %dma_wait3A_193 = tpu.memref_slice %arg17[%mul3A_178, %dma_wait3A_192] : memref<10000x128xf32, #tpu.memory_space<vmem_shared>> -> memref<80x128xf32, #tpu.memory_space<vmem_shared>>
        %dma_wait3A_194 = arith.constant 0 : i32
        %dma_wait3A_195 = tpu.memref_slice %arg17[%mul3A_178, %dma_wait3A_194] : memref<10000x128xf32, #tpu.memory_space<vmem_shared>> -> memref<80x128xf32, #tpu.memory_space<vmem_shared>>
        %dma_wait3A_196 = arith.constant 0 : i32
        %dma_wait3A_197 = arith.constant 0 : i32
        %dma_wait3A_198 = tpu.memref_slice %arg15[%dma_wait3A_196, %dma_wait3A_197] : memref<80x128xf32, #tpu.memory_space<vmem>> -> memref<80x128xf32, #tpu.memory_space<vmem>>
        tpu.wait_dma2 semaphore(%run_scoped3A : memref<!tpu.dma_semaphore, #tpu.memory_space<semaphore_mem>>) src(%dma_wait3A_198 : memref<80x128xf32, #tpu.memory_space<vmem>>) dst(%dma_wait3A_195 : memref<80x128xf32, #tpu.memory_space<vmem_shared>>)
        tpu.yield
      }) : () -> ()
    } else {
    }
    %add3A_41 = arith.constant 80 : i32
    %add3A_42 = arith.addi %arg1, %add3A_41 : i32
    %lt3A_43 = arith.constant 125 : i32
    %lt3A_44 = arith.cmpi slt, %add3A_42, %lt3A_43 : i32
    %convert_element_type3A_45 = arith.extui %lt3A_44 : i1 to i32
    %cond3A_46 = arith.constant 0 : i32
    %cond3A_47 = arith.cmpi ne, %convert_element_type3A_45, %cond3A_46 : i32
    scf.if %cond3A_47 {
      %mul3A_177 = arith.constant 80 : i32
      %mul3A_178 = arith.muli %add3A_42, %mul3A_177 : i32
      "tpu.region"() ({
        %run_scoped3A = tpu.sem_alloc : memref<!tpu.dma_semaphore, #tpu.memory_space<semaphore_mem>>
        %dma_start3A_179 = arith.constant 0 : i32
        %dma_start3A_180 = arith.constant 0 : i32
        %dma_start3A_181 = tpu.memref_slice %arg15[%dma_start3A_179, %dma_start3A_180] : memref<80x128xf32, #tpu.memory_space<vmem>> -> memref<80x128xf32, #tpu.memory_space<vmem>>
        %dma_start3A_182 = arith.constant 0 : i32
        %dma_start3A_183 = tpu.memref_slice %arg17[%mul3A_178, %dma_start3A_182] : memref<10000x128xf32, #tpu.memory_space<vmem_shared>> -> memref<80x128xf32, #tpu.memory_space<vmem_shared>>
        %dma_start3A_184 = arith.constant 0 : i32
        %dma_start3A_185 = tpu.memref_slice %arg17[%mul3A_178, %dma_start3A_184] : memref<10000x128xf32, #tpu.memory_space<vmem_shared>> -> memref<80x128xf32, #tpu.memory_space<vmem_shared>>
        %dma_start3A_186 = arith.constant 0 : i32
        %dma_start3A_187 = arith.constant 0 : i32
        %dma_start3A_188 = tpu.memref_slice %arg15[%dma_start3A_186, %dma_start3A_187] : memref<80x128xf32, #tpu.memory_space<vmem>> -> memref<80x128xf32, #tpu.memory_space<vmem>>
        tpu.enqueue_dma source(%dma_start3A_188 : memref<80x128xf32, #tpu.memory_space<vmem>>) target(%dma_start3A_185 : memref<80x128xf32, #tpu.memory_space<vmem_shared>>) target_semaphore(%run_scoped3A : memref<!tpu.dma_semaphore, #tpu.memory_space<semaphore_mem>>)
        %dma_wait3A_189 = arith.constant 0 : i32
        %dma_wait3A_190 = arith.constant 0 : i32
        %dma_wait3A_191 = tpu.memref_slice %arg15[%dma_wait3A_189, %dma_wait3A_190] : memref<80x128xf32, #tpu.memory_space<vmem>> -> memref<80x128xf32, #tpu.memory_space<vmem>>
        %dma_wait3A_192 = arith.constant 0 : i32
        %dma_wait3A_193 = tpu.memref_slice %arg17[%mul3A_178, %dma_wait3A_192] : memref<10000x128xf32, #tpu.memory_space<vmem_shared>> -> memref<80x128xf32, #tpu.memory_space<vmem_shared>>
        %dma_wait3A_194 = arith.constant 0 : i32
        %dma_wait3A_195 = tpu.memref_slice %arg17[%mul3A_178, %dma_wait3A_194] : memref<10000x128xf32, #tpu.memory_space<vmem_shared>> -> memref<80x128xf32, #tpu.memory_space<vmem_shared>>
        %dma_wait3A_196 = arith.constant 0 : i32
        %dma_wait3A_197 = arith.constant 0 : i32
        %dma_wait3A_198 = tpu.memref_slice %arg15[%dma_wait3A_196, %dma_wait3A_197] : memref<80x128xf32, #tpu.memory_space<vmem>> -> memref<80x128xf32, #tpu.memory_space<vmem>>
        tpu.wait_dma2 semaphore(%run_scoped3A : memref<!tpu.dma_semaphore, #tpu.memory_space<semaphore_mem>>) src(%dma_wait3A_198 : memref<80x128xf32, #tpu.memory_space<vmem>>) dst(%dma_wait3A_195 : memref<80x128xf32, #tpu.memory_space<vmem_shared>>)
        tpu.yield
      }) : () -> ()
    } else {
    }
    %add3A_48 = arith.constant 96 : i32
    %add3A_49 = arith.addi %arg1, %add3A_48 : i32
    %lt3A_50 = arith.constant 125 : i32
    %lt3A_51 = arith.cmpi slt, %add3A_49, %lt3A_50 : i32
    %convert_element_type3A_52 = arith.extui %lt3A_51 : i1 to i32
    %cond3A_53 = arith.constant 0 : i32
    %cond3A_54 = arith.cmpi ne, %convert_element_type3A_52, %cond3A_53 : i32
    scf.if %cond3A_54 {
      %mul3A_177 = arith.constant 80 : i32
      %mul3A_178 = arith.muli %add3A_49, %mul3A_177 : i32
      "tpu.region"() ({
        %run_scoped3A = tpu.sem_alloc : memref<!tpu.dma_semaphore, #tpu.memory_space<semaphore_mem>>
        %dma_start3A_179 = arith.constant 0 : i32
        %dma_start3A_180 = arith.constant 0 : i32
        %dma_start3A_181 = tpu.memref_slice %arg15[%dma_start3A_179, %dma_start3A_180] : memref<80x128xf32, #tpu.memory_space<vmem>> -> memref<80x128xf32, #tpu.memory_space<vmem>>
        %dma_start3A_182 = arith.constant 0 : i32
        %dma_start3A_183 = tpu.memref_slice %arg17[%mul3A_178, %dma_start3A_182] : memref<10000x128xf32, #tpu.memory_space<vmem_shared>> -> memref<80x128xf32, #tpu.memory_space<vmem_shared>>
        %dma_start3A_184 = arith.constant 0 : i32
        %dma_start3A_185 = tpu.memref_slice %arg17[%mul3A_178, %dma_start3A_184] : memref<10000x128xf32, #tpu.memory_space<vmem_shared>> -> memref<80x128xf32, #tpu.memory_space<vmem_shared>>
        %dma_start3A_186 = arith.constant 0 : i32
        %dma_start3A_187 = arith.constant 0 : i32
        %dma_start3A_188 = tpu.memref_slice %arg15[%dma_start3A_186, %dma_start3A_187] : memref<80x128xf32, #tpu.memory_space<vmem>> -> memref<80x128xf32, #tpu.memory_space<vmem>>
        tpu.enqueue_dma source(%dma_start3A_188 : memref<80x128xf32, #tpu.memory_space<vmem>>) target(%dma_start3A_185 : memref<80x128xf32, #tpu.memory_space<vmem_shared>>) target_semaphore(%run_scoped3A : memref<!tpu.dma_semaphore, #tpu.memory_space<semaphore_mem>>)
        %dma_wait3A_189 = arith.constant 0 : i32
        %dma_wait3A_190 = arith.constant 0 : i32
        %dma_wait3A_191 = tpu.memref_slice %arg15[%dma_wait3A_189, %dma_wait3A_190] : memref<80x128xf32, #tpu.memory_space<vmem>> -> memref<80x128xf32, #tpu.memory_space<vmem>>
        %dma_wait3A_192 = arith.constant 0 : i32
        %dma_wait3A_193 = tpu.memref_slice %arg17[%mul3A_178, %dma_wait3A_192] : memref<10000x128xf32, #tpu.memory_space<vmem_shared>> -> memref<80x128xf32, #tpu.memory_space<vmem_shared>>
        %dma_wait3A_194 = arith.constant 0 : i32
        %dma_wait3A_195 = tpu.memref_slice %arg17[%mul3A_178, %dma_wait3A_194] : memref<10000x128xf32, #tpu.memory_space<vmem_shared>> -> memref<80x128xf32, #tpu.memory_space<vmem_shared>>
        %dma_wait3A_196 = arith.constant 0 : i32
        %dma_wait3A_197 = arith.constant 0 : i32
        %dma_wait3A_198 = tpu.memref_slice %arg15[%dma_wait3A_196, %dma_wait3A_197] : memref<80x128xf32, #tpu.memory_space<vmem>> -> memref<80x128xf32, #tpu.memory_space<vmem>>
        tpu.wait_dma2 semaphore(%run_scoped3A : memref<!tpu.dma_semaphore, #tpu.memory_space<semaphore_mem>>) src(%dma_wait3A_198 : memref<80x128xf32, #tpu.memory_space<vmem>>) dst(%dma_wait3A_195 : memref<80x128xf32, #tpu.memory_space<vmem_shared>>)
        tpu.yield
      }) : () -> ()
    } else {
    }
    %add3A_55 = arith.constant 112 : i32
    %add3A_56 = arith.addi %arg1, %add3A_55 : i32
    %lt3A_57 = arith.constant 125 : i32
    %lt3A_58 = arith.cmpi slt, %add3A_56, %lt3A_57 : i32
    %convert_element_type3A_59 = arith.extui %lt3A_58 : i1 to i32
    %cond3A_60 = arith.constant 0 : i32
    %cond3A_61 = arith.cmpi ne, %convert_element_type3A_59, %cond3A_60 : i32
    scf.if %cond3A_61 {
      %mul3A_177 = arith.constant 80 : i32
      %mul3A_178 = arith.muli %add3A_56, %mul3A_177 : i32
      "tpu.region"() ({
        %run_scoped3A = tpu.sem_alloc : memref<!tpu.dma_semaphore, #tpu.memory_space<semaphore_mem>>
        %dma_start3A_179 = arith.constant 0 : i32
        %dma_start3A_180 = arith.constant 0 : i32
        %dma_start3A_181 = tpu.memref_slice %arg15[%dma_start3A_179, %dma_start3A_180] : memref<80x128xf32, #tpu.memory_space<vmem>> -> memref<80x128xf32, #tpu.memory_space<vmem>>
        %dma_start3A_182 = arith.constant 0 : i32
        %dma_start3A_183 = tpu.memref_slice %arg17[%mul3A_178, %dma_start3A_182] : memref<10000x128xf32, #tpu.memory_space<vmem_shared>> -> memref<80x128xf32, #tpu.memory_space<vmem_shared>>
        %dma_start3A_184 = arith.constant 0 : i32
        %dma_start3A_185 = tpu.memref_slice %arg17[%mul3A_178, %dma_start3A_184] : memref<10000x128xf32, #tpu.memory_space<vmem_shared>> -> memref<80x128xf32, #tpu.memory_space<vmem_shared>>
        %dma_start3A_186 = arith.constant 0 : i32
        %dma_start3A_187 = arith.constant 0 : i32
        %dma_start3A_188 = tpu.memref_slice %arg15[%dma_start3A_186, %dma_start3A_187] : memref<80x128xf32, #tpu.memory_space<vmem>> -> memref<80x128xf32, #tpu.memory_space<vmem>>
        tpu.enqueue_dma source(%dma_start3A_188 : memref<80x128xf32, #tpu.memory_space<vmem>>) target(%dma_start3A_185 : memref<80x128xf32, #tpu.memory_space<vmem_shared>>) target_semaphore(%run_scoped3A : memref<!tpu.dma_semaphore, #tpu.memory_space<semaphore_mem>>)
        %dma_wait3A_189 = arith.constant 0 : i32
        %dma_wait3A_190 = arith.constant 0 : i32
        %dma_wait3A_191 = tpu.memref_slice %arg15[%dma_wait3A_189, %dma_wait3A_190] : memref<80x128xf32, #tpu.memory_space<vmem>> -> memref<80x128xf32, #tpu.memory_space<vmem>>
        %dma_wait3A_192 = arith.constant 0 : i32
        %dma_wait3A_193 = tpu.memref_slice %arg17[%mul3A_178, %dma_wait3A_192] : memref<10000x128xf32, #tpu.memory_space<vmem_shared>> -> memref<80x128xf32, #tpu.memory_space<vmem_shared>>
        %dma_wait3A_194 = arith.constant 0 : i32
        %dma_wait3A_195 = tpu.memref_slice %arg17[%mul3A_178, %dma_wait3A_194] : memref<10000x128xf32, #tpu.memory_space<vmem_shared>> -> memref<80x128xf32, #tpu.memory_space<vmem_shared>>
        %dma_wait3A_196 = arith.constant 0 : i32
        %dma_wait3A_197 = arith.constant 0 : i32
        %dma_wait3A_198 = tpu.memref_slice %arg15[%dma_wait3A_196, %dma_wait3A_197] : memref<80x128xf32, #tpu.memory_space<vmem>> -> memref<80x128xf32, #tpu.memory_space<vmem>>
        tpu.wait_dma2 semaphore(%run_scoped3A : memref<!tpu.dma_semaphore, #tpu.memory_space<semaphore_mem>>) src(%dma_wait3A_198 : memref<80x128xf32, #tpu.memory_space<vmem>>) dst(%dma_wait3A_195 : memref<80x128xf32, #tpu.memory_space<vmem_shared>>)
        tpu.yield
      }) : () -> ()
    } else {
    }
    %barrier3A = arith.constant 0 : index
    tpu.barrier barrier_id(%barrier3A)
    %add3A_62 = arith.constant 0 : i32
    %add3A_63 = arith.addi %mul3A_2, %add3A_62 : i32
    %dma_start3A = tpu.memref_slice %arg3[%add3A_63] : memref<320000xi32, #tpu.memory_space<hbm>> -> memref<80xi32, #tpu.memory_space<hbm>>
    %dma_start3A_64 = tpu.memref_slice %arg3[%add3A_63] : memref<320000xi32, #tpu.memory_space<hbm>> -> memref<80xi32, #tpu.memory_space<hbm>>
    tpu.enqueue_dma source(%dma_start3A_64 : memref<80xi32, #tpu.memory_space<hbm>>) target(%arg7 : memref<80xi32, #tpu.memory_space<vmem>>) target_semaphore(%arg18 : memref<!tpu.dma_semaphore, #tpu.memory_space<semaphore_mem>>)
    %dma_start3A_65 = tpu.memref_slice %arg4[%add3A_63] : memref<320000xi32, #tpu.memory_space<hbm>> -> memref<80xi32, #tpu.memory_space<hbm>>
    %dma_start3A_66 = tpu.memref_slice %arg4[%add3A_63] : memref<320000xi32, #tpu.memory_space<hbm>> -> memref<80xi32, #tpu.memory_space<hbm>>
    tpu.enqueue_dma source(%dma_start3A_66 : memref<80xi32, #tpu.memory_space<hbm>>) target(%arg9 : memref<80xi32, #tpu.memory_space<vmem>>) target_semaphore(%arg18 : memref<!tpu.dma_semaphore, #tpu.memory_space<semaphore_mem>>)
    %dma_start3A_67 = tpu.memref_slice %arg5[%add3A_63] : memref<320000xf32, #tpu.memory_space<hbm>> -> memref<80xf32, #tpu.memory_space<hbm>>
    %dma_start3A_68 = tpu.memref_slice %arg5[%add3A_63] : memref<320000xf32, #tpu.memory_space<hbm>> -> memref<80xf32, #tpu.memory_space<hbm>>
    tpu.enqueue_dma source(%dma_start3A_68 : memref<80xf32, #tpu.memory_space<hbm>>) target(%arg13 : memref<80xf32, #tpu.memory_space<vmem>>) target_semaphore(%arg18 : memref<!tpu.dma_semaphore, #tpu.memory_space<semaphore_mem>>)
    %add3A_69 = arith.constant 80 : i32
    %add3A_70 = arith.addi %mul3A_2, %add3A_69 : i32
    %dma_start3A_71 = tpu.memref_slice %arg3[%add3A_70] : memref<320000xi32, #tpu.memory_space<hbm>> -> memref<80xi32, #tpu.memory_space<hbm>>
    %dma_start3A_72 = tpu.memref_slice %arg3[%add3A_70] : memref<320000xi32, #tpu.memory_space<hbm>> -> memref<80xi32, #tpu.memory_space<hbm>>
    tpu.enqueue_dma source(%dma_start3A_72 : memref<80xi32, #tpu.memory_space<hbm>>) target(%arg8 : memref<80xi32, #tpu.memory_space<vmem>>) target_semaphore(%arg19 : memref<!tpu.dma_semaphore, #tpu.memory_space<semaphore_mem>>)
    %dma_start3A_73 = tpu.memref_slice %arg4[%add3A_70] : memref<320000xi32, #tpu.memory_space<hbm>> -> memref<80xi32, #tpu.memory_space<hbm>>
    %dma_start3A_74 = tpu.memref_slice %arg4[%add3A_70] : memref<320000xi32, #tpu.memory_space<hbm>> -> memref<80xi32, #tpu.memory_space<hbm>>
    tpu.enqueue_dma source(%dma_start3A_74 : memref<80xi32, #tpu.memory_space<hbm>>) target(%arg10 : memref<80xi32, #tpu.memory_space<vmem>>) target_semaphore(%arg19 : memref<!tpu.dma_semaphore, #tpu.memory_space<semaphore_mem>>)
    %dma_start3A_75 = tpu.memref_slice %arg5[%add3A_70] : memref<320000xf32, #tpu.memory_space<hbm>> -> memref<80xf32, #tpu.memory_space<hbm>>
    %dma_start3A_76 = tpu.memref_slice %arg5[%add3A_70] : memref<320000xf32, #tpu.memory_space<hbm>> -> memref<80xf32, #tpu.memory_space<hbm>>
    tpu.enqueue_dma source(%dma_start3A_76 : memref<80xf32, #tpu.memory_space<hbm>>) target(%arg14 : memref<80xf32, #tpu.memory_space<vmem>>) target_semaphore(%arg19 : memref<!tpu.dma_semaphore, #tpu.memory_space<semaphore_mem>>)
    %scan3A_77 = arith.constant 0 : i32
    %scan3A_78 = arith.constant 0 : i32
    %scan3A_79 = arith.constant 62 : i32
    %scan3A_80 = arith.addi %scan3A_78, %scan3A_79 : i32
    %scan3A_81 = arith.constant 1 : i32
    scf.for %scan3A_177 = %scan3A_78 to %scan3A_80 step %scan3A_81  : i32 {
      %mul3A_178 = arith.constant 2 : i32
      %mul3A_179 = arith.muli %mul3A_178, %scan3A_177 : i32
      %add3A_180 = arith.constant 1 : i32
      %add3A_181 = arith.addi %mul3A_179, %add3A_180 : i32
      %mul3A_182 = arith.constant 80 : i32
      %mul3A_183 = arith.muli %mul3A_179, %mul3A_182 : i32
      %add3A_184 = arith.addi %mul3A_2, %mul3A_183 : i32
      %dma_wait3A_185 = tpu.memref_slice %arg3[%add3A_184] : memref<320000xi32, #tpu.memory_space<hbm>> -> memref<80xi32, #tpu.memory_space<hbm>>
      %dma_wait3A_186 = tpu.memref_slice %arg3[%add3A_184] : memref<320000xi32, #tpu.memory_space<hbm>> -> memref<80xi32, #tpu.memory_space<hbm>>
      tpu.wait_dma2 semaphore(%arg18 : memref<!tpu.dma_semaphore, #tpu.memory_space<semaphore_mem>>) src(%dma_wait3A_186 : memref<80xi32, #tpu.memory_space<hbm>>) dst(%arg7 : memref<80xi32, #tpu.memory_space<vmem>>)
      %dma_wait3A_187 = tpu.memref_slice %arg4[%add3A_184] : memref<320000xi32, #tpu.memory_space<hbm>> -> memref<80xi32, #tpu.memory_space<hbm>>
      %dma_wait3A_188 = tpu.memref_slice %arg4[%add3A_184] : memref<320000xi32, #tpu.memory_space<hbm>> -> memref<80xi32, #tpu.memory_space<hbm>>
      tpu.wait_dma2 semaphore(%arg18 : memref<!tpu.dma_semaphore, #tpu.memory_space<semaphore_mem>>) src(%dma_wait3A_188 : memref<80xi32, #tpu.memory_space<hbm>>) dst(%arg9 : memref<80xi32, #tpu.memory_space<vmem>>)
      %dma_wait3A_189 = tpu.memref_slice %arg5[%add3A_184] : memref<320000xf32, #tpu.memory_space<hbm>> -> memref<80xf32, #tpu.memory_space<hbm>>
      %dma_wait3A_190 = tpu.memref_slice %arg5[%add3A_184] : memref<320000xf32, #tpu.memory_space<hbm>> -> memref<80xf32, #tpu.memory_space<hbm>>
      tpu.wait_dma2 semaphore(%arg18 : memref<!tpu.dma_semaphore, #tpu.memory_space<semaphore_mem>>) src(%dma_wait3A_190 : memref<80xf32, #tpu.memory_space<hbm>>) dst(%arg13 : memref<80xf32, #tpu.memory_space<vmem>>)
      %dma_start3A_191 = arith.constant 0 : i32
      %dma_start3A_192 = arith.constant 0 : i32
      %dma_start3A_193 = tpu.memref_slice %arg2[%dma_start3A_191, %dma_start3A_192] : memref<10000x128xf32, #tpu.memory_space<hbm>> -> memref<10000x128xf32, #tpu.memory_space<hbm>>
      tpu.enqueue_indirect_dma source(%dma_start3A_193 : memref<10000x128xf32, #tpu.memory_space<hbm>>) target(%arg15 : memref<80x128xf32, #tpu.memory_space<vmem>>) offsets(%arg7 : memref<80xi32, #tpu.memory_space<vmem>>) semaphore(%arg20 : memref<!tpu.dma_semaphore, #tpu.memory_space<semaphore_mem>>)
      %mul3A_194 = arith.constant 80 : i32
      %mul3A_195 = arith.muli %add3A_181, %mul3A_194 : i32
      %add3A_196 = arith.addi %mul3A_2, %mul3A_195 : i32
      %dma_wait3A_197 = tpu.memref_slice %arg3[%add3A_196] : memref<320000xi32, #tpu.memory_space<hbm>> -> memref<80xi32, #tpu.memory_space<hbm>>
      %dma_wait3A_198 = tpu.memref_slice %arg3[%add3A_196] : memref<320000xi32, #tpu.memory_space<hbm>> -> memref<80xi32, #tpu.memory_space<hbm>>
      tpu.wait_dma2 semaphore(%arg19 : memref<!tpu.dma_semaphore, #tpu.memory_space<semaphore_mem>>) src(%dma_wait3A_198 : memref<80xi32, #tpu.memory_space<hbm>>) dst(%arg8 : memref<80xi32, #tpu.memory_space<vmem>>)
      %dma_wait3A_199 = tpu.memref_slice %arg4[%add3A_196] : memref<320000xi32, #tpu.memory_space<hbm>> -> memref<80xi32, #tpu.memory_space<hbm>>
      %dma_wait3A_200 = tpu.memref_slice %arg4[%add3A_196] : memref<320000xi32, #tpu.memory_space<hbm>> -> memref<80xi32, #tpu.memory_space<hbm>>
      tpu.wait_dma2 semaphore(%arg19 : memref<!tpu.dma_semaphore, #tpu.memory_space<semaphore_mem>>) src(%dma_wait3A_200 : memref<80xi32, #tpu.memory_space<hbm>>) dst(%arg10 : memref<80xi32, #tpu.memory_space<vmem>>)
      %dma_wait3A_201 = tpu.memref_slice %arg5[%add3A_196] : memref<320000xf32, #tpu.memory_space<hbm>> -> memref<80xf32, #tpu.memory_space<hbm>>
      %dma_wait3A_202 = tpu.memref_slice %arg5[%add3A_196] : memref<320000xf32, #tpu.memory_space<hbm>> -> memref<80xf32, #tpu.memory_space<hbm>>
      tpu.wait_dma2 semaphore(%arg19 : memref<!tpu.dma_semaphore, #tpu.memory_space<semaphore_mem>>) src(%dma_wait3A_202 : memref<80xf32, #tpu.memory_space<hbm>>) dst(%arg14 : memref<80xf32, #tpu.memory_space<vmem>>)
      %dma_start3A_203 = arith.constant 0 : i32
      %dma_start3A_204 = arith.constant 0 : i32
      %dma_start3A_205 = tpu.memref_slice %arg2[%dma_start3A_203, %dma_start3A_204] : memref<10000x128xf32, #tpu.memory_space<hbm>> -> memref<10000x128xf32, #tpu.memory_space<hbm>>
      tpu.enqueue_indirect_dma source(%dma_start3A_205 : memref<10000x128xf32, #tpu.memory_space<hbm>>) target(%arg16 : memref<80x128xf32, #tpu.memory_space<vmem>>) offsets(%arg8 : memref<80xi32, #tpu.memory_space<vmem>>) semaphore(%arg21 : memref<!tpu.dma_semaphore, #tpu.memory_space<semaphore_mem>>)
      %dma_wait3A_206 = arith.constant 0 : i32
      %dma_wait3A_207 = arith.constant 0 : i32
      %dma_wait3A_208 = tpu.memref_slice %arg2[%dma_wait3A_206, %dma_wait3A_207] : memref<10000x128xf32, #tpu.memory_space<hbm>> -> memref<10000x128xf32, #tpu.memory_space<hbm>>
      tpu.wait_indirect_dma semaphore(%arg20 : memref<!tpu.dma_semaphore, #tpu.memory_space<semaphore_mem>>) src(%dma_wait3A_208 : memref<10000x128xf32, #tpu.memory_space<hbm>>) dst(%arg15 : memref<80x128xf32, #tpu.memory_space<vmem>>)
      %scan3A_209 = arith.constant 0 : i32
      %scan3A_210 = arith.constant 0 : i32
      %scan3A_211 = arith.constant 80 : i32
      %scan3A_212 = arith.addi %scan3A_210, %scan3A_211 : i32
      %scan3A_213 = arith.constant 1 : i32
      scf.for %scan3A_278 = %scan3A_210 to %scan3A_212 step %scan3A_213  : i32 {
        %broadcast_in_dim3A_279 = vector.broadcast %scan3A_278 : i32 to vector<16xi32>
        %gather3A = tpu.vector_load_idx %arg13[%broadcast_in_dim3A_279] : memref<80xf32, #tpu.memory_space<vmem>>[vector<16xi32>], vector<16xf32>,
        %get3A_280 = arith.index_cast %scan3A_278 : i32 to index
        %get3A_281 = arith.constant 0 : index
        %get3A_282 = tpu.vector_load %arg15[%get3A_280, %get3A_281] {strides = array<i32>} : memref<80x128xf32, #tpu.memory_space<vmem>>, vector<16xf32>,
        %mul3A_283 = arith.mulf %get3A_282, %gather3A : vector<16xf32>
        %swap3A_284 = arith.index_cast %scan3A_278 : i32 to index
        %swap3A_285 = arith.constant 0 : index
        %swap3A_286 = tpu.vector_load %arg15[%swap3A_284, %swap3A_285] {strides = array<i32>} : memref<80x128xf32, #tpu.memory_space<vmem>>, vector<16xf32>,
        tpu.vector_store %arg15[%swap3A_284, %swap3A_285], %mul3A_283 {strides = array<i32>} : memref<80x128xf32, #tpu.memory_space<vmem>>, vector<16xf32>,
        %get3A_287 = arith.index_cast %scan3A_278 : i32 to index
        %get3A_288 = arith.constant 16 : index
        %get3A_289 = tpu.vector_load %arg15[%get3A_287, %get3A_288] {strides = array<i32>} : memref<80x128xf32, #tpu.memory_space<vmem>>, vector<16xf32>,
        %mul3A_290 = arith.mulf %get3A_289, %gather3A : vector<16xf32>
        %swap3A_291 = arith.index_cast %scan3A_278 : i32 to index
        %swap3A_292 = arith.constant 16 : index
        %swap3A_293 = tpu.vector_load %arg15[%swap3A_291, %swap3A_292] {strides = array<i32>} : memref<80x128xf32, #tpu.memory_space<vmem>>, vector<16xf32>,
        tpu.vector_store %arg15[%swap3A_291, %swap3A_292], %mul3A_290 {strides = array<i32>} : memref<80x128xf32, #tpu.memory_space<vmem>>, vector<16xf32>,
        %get3A_294 = arith.index_cast %scan3A_278 : i32 to index
        %get3A_295 = arith.constant 32 : index
        %get3A_296 = tpu.vector_load %arg15[%get3A_294, %get3A_295] {strides = array<i32>} : memref<80x128xf32, #tpu.memory_space<vmem>>, vector<16xf32>,
        %mul3A_297 = arith.mulf %get3A_296, %gather3A : vector<16xf32>
        %swap3A_298 = arith.index_cast %scan3A_278 : i32 to index
        %swap3A_299 = arith.constant 32 : index
        %swap3A_300 = tpu.vector_load %arg15[%swap3A_298, %swap3A_299] {strides = array<i32>} : memref<80x128xf32, #tpu.memory_space<vmem>>, vector<16xf32>,
        tpu.vector_store %arg15[%swap3A_298, %swap3A_299], %mul3A_297 {strides = array<i32>} : memref<80x128xf32, #tpu.memory_space<vmem>>, vector<16xf32>,
        %get3A_301 = arith.index_cast %scan3A_278 : i32 to index
        %get3A_302 = arith.constant 48 : index
        %get3A_303 = tpu.vector_load %arg15[%get3A_301, %get3A_302] {strides = array<i32>} : memref<80x128xf32, #tpu.memory_space<vmem>>, vector<16xf32>,
        %mul3A_304 = arith.mulf %get3A_303, %gather3A : vector<16xf32>
        %swap3A_305 = arith.index_cast %scan3A_278 : i32 to index
        %swap3A_306 = arith.constant 48 : index
        %swap3A_307 = tpu.vector_load %arg15[%swap3A_305, %swap3A_306] {strides = array<i32>} : memref<80x128xf32, #tpu.memory_space<vmem>>, vector<16xf32>,
        tpu.vector_store %arg15[%swap3A_305, %swap3A_306], %mul3A_304 {strides = array<i32>} : memref<80x128xf32, #tpu.memory_space<vmem>>, vector<16xf32>,
        %get3A_308 = arith.index_cast %scan3A_278 : i32 to index
        %get3A_309 = arith.constant 64 : index
        %get3A_310 = tpu.vector_load %arg15[%get3A_308, %get3A_309] {strides = array<i32>} : memref<80x128xf32, #tpu.memory_space<vmem>>, vector<16xf32>,
        %mul3A_311 = arith.mulf %get3A_310, %gather3A : vector<16xf32>
        %swap3A_312 = arith.index_cast %scan3A_278 : i32 to index
        %swap3A_313 = arith.constant 64 : index
        %swap3A_314 = tpu.vector_load %arg15[%swap3A_312, %swap3A_313] {strides = array<i32>} : memref<80x128xf32, #tpu.memory_space<vmem>>, vector<16xf32>,
        tpu.vector_store %arg15[%swap3A_312, %swap3A_313], %mul3A_311 {strides = array<i32>} : memref<80x128xf32, #tpu.memory_space<vmem>>, vector<16xf32>,
        %get3A_315 = arith.index_cast %scan3A_278 : i32 to index
        %get3A_316 = arith.constant 80 : index
        %get3A_317 = tpu.vector_load %arg15[%get3A_315, %get3A_316] {strides = array<i32>} : memref<80x128xf32, #tpu.memory_space<vmem>>, vector<16xf32>,
        %mul3A_318 = arith.mulf %get3A_317, %gather3A : vector<16xf32>
        %swap3A_319 = arith.index_cast %scan3A_278 : i32 to index
        %swap3A_320 = arith.constant 80 : index
        %swap3A_321 = tpu.vector_load %arg15[%swap3A_319, %swap3A_320] {strides = array<i32>} : memref<80x128xf32, #tpu.memory_space<vmem>>, vector<16xf32>,
        tpu.vector_store %arg15[%swap3A_319, %swap3A_320], %mul3A_318 {strides = array<i32>} : memref<80x128xf32, #tpu.memory_space<vmem>>, vector<16xf32>,
        %get3A_322 = arith.index_cast %scan3A_278 : i32 to index
        %get3A_323 = arith.constant 96 : index
        %get3A_324 = tpu.vector_load %arg15[%get3A_322, %get3A_323] {strides = array<i32>} : memref<80x128xf32, #tpu.memory_space<vmem>>, vector<16xf32>,
        %mul3A_325 = arith.mulf %get3A_324, %gather3A : vector<16xf32>
        %swap3A_326 = arith.index_cast %scan3A_278 : i32 to index
        %swap3A_327 = arith.constant 96 : index
        %swap3A_328 = tpu.vector_load %arg15[%swap3A_326, %swap3A_327] {strides = array<i32>} : memref<80x128xf32, #tpu.memory_space<vmem>>, vector<16xf32>,
        tpu.vector_store %arg15[%swap3A_326, %swap3A_327], %mul3A_325 {strides = array<i32>} : memref<80x128xf32, #tpu.memory_space<vmem>>, vector<16xf32>,
        %get3A_329 = arith.index_cast %scan3A_278 : i32 to index
        %get3A_330 = arith.constant 112 : index
        %get3A_331 = tpu.vector_load %arg15[%get3A_329, %get3A_330] {strides = array<i32>} : memref<80x128xf32, #tpu.memory_space<vmem>>, vector<16xf32>,
        %mul3A_332 = arith.mulf %get3A_331, %gather3A : vector<16xf32>
        %swap3A_333 = arith.index_cast %scan3A_278 : i32 to index
        %swap3A_334 = arith.constant 112 : index
        %swap3A_335 = tpu.vector_load %arg15[%swap3A_333, %swap3A_334] {strides = array<i32>} : memref<80x128xf32, #tpu.memory_space<vmem>>, vector<16xf32>,
        tpu.vector_store %arg15[%swap3A_333, %swap3A_334], %mul3A_332 {strides = array<i32>} : memref<80x128xf32, #tpu.memory_space<vmem>>, vector<16xf32>,
      }
      %scan3A_214 = arith.constant 80 : i32
      %get3A_215 = arith.constant 0 : index
      %get3A_216 = tpu.vector_load %arg9[%get3A_215] {strides = array<i32>} : memref<80xi32, #tpu.memory_space<vmem>>, vector<16xi32>,
      %swap3A_217 = arith.constant 0 : index
      %swap3A_218 = tpu.vector_load %arg11[%swap3A_217] {strides = array<i32>} : memref<80xi32, #tpu.memory_space<vmem>>, vector<16xi32>,
      tpu.vector_store %arg11[%swap3A_217], %get3A_216 {strides = array<i32>} : memref<80xi32, #tpu.memory_space<vmem>>, vector<16xi32>,
      %get3A_219 = arith.constant 16 : index
      %get3A_220 = tpu.vector_load %arg9[%get3A_219] {strides = array<i32>} : memref<80xi32, #tpu.memory_space<vmem>>, vector<16xi32>,
      %swap3A_221 = arith.constant 16 : index
      %swap3A_222 = tpu.vector_load %arg11[%swap3A_221] {strides = array<i32>} : memref<80xi32, #tpu.memory_space<vmem>>, vector<16xi32>,
      tpu.vector_store %arg11[%swap3A_221], %get3A_220 {strides = array<i32>} : memref<80xi32, #tpu.memory_space<vmem>>, vector<16xi32>,
      %get3A_223 = arith.constant 32 : index
      %get3A_224 = tpu.vector_load %arg9[%get3A_223] {strides = array<i32>} : memref<80xi32, #tpu.memory_space<vmem>>, vector<16xi32>,
      %swap3A_225 = arith.constant 32 : index
      %swap3A_226 = tpu.vector_load %arg11[%swap3A_225] {strides = array<i32>} : memref<80xi32, #tpu.memory_space<vmem>>, vector<16xi32>,
      tpu.vector_store %arg11[%swap3A_225], %get3A_224 {strides = array<i32>} : memref<80xi32, #tpu.memory_space<vmem>>, vector<16xi32>,
      %get3A_227 = arith.constant 48 : index
      %get3A_228 = tpu.vector_load %arg9[%get3A_227] {strides = array<i32>} : memref<80xi32, #tpu.memory_space<vmem>>, vector<16xi32>,
      %swap3A_229 = arith.constant 48 : index
      %swap3A_230 = tpu.vector_load %arg11[%swap3A_229] {strides = array<i32>} : memref<80xi32, #tpu.memory_space<vmem>>, vector<16xi32>,
      tpu.vector_store %arg11[%swap3A_229], %get3A_228 {strides = array<i32>} : memref<80xi32, #tpu.memory_space<vmem>>, vector<16xi32>,
      %get3A_231 = arith.constant 64 : index
      %get3A_232 = tpu.vector_load %arg9[%get3A_231] {strides = array<i32>} : memref<80xi32, #tpu.memory_space<vmem>>, vector<16xi32>,
      %swap3A_233 = arith.constant 64 : index
      %swap3A_234 = tpu.vector_load %arg11[%swap3A_233] {strides = array<i32>} : memref<80xi32, #tpu.memory_space<vmem>>, vector<16xi32>,
      tpu.vector_store %arg11[%swap3A_233], %get3A_232 {strides = array<i32>} : memref<80xi32, #tpu.memory_space<vmem>>, vector<16xi32>,
      "tpu.region"() ({
        %run_scoped3A = tpu.sem_alloc : memref<!tpu.dma_semaphore, #tpu.memory_space<semaphore_mem>>
        %dma_start3A_278 = arith.constant 0 : i32
        %dma_start3A_279 = arith.constant 0 : i32
        %dma_start3A_280 = tpu.memref_slice %arg17[%dma_start3A_278, %dma_start3A_279] : memref<10000x128xf32, #tpu.memory_space<vmem_shared>> -> memref<10000x128xf32, #tpu.memory_space<vmem_shared>>
        tpu.enqueue_indirect_dma source(%arg15 : memref<80x128xf32, #tpu.memory_space<vmem>>) target(%dma_start3A_280 : memref<10000x128xf32, #tpu.memory_space<vmem_shared>>) offsets(%arg11 : memref<80xi32, #tpu.memory_space<vmem>>) semaphore(%run_scoped3A : memref<!tpu.dma_semaphore, #tpu.memory_space<semaphore_mem>>) {add = true}
        %dma_wait3A_281 = arith.constant 0 : i32
        %dma_wait3A_282 = arith.constant 0 : i32
        %dma_wait3A_283 = tpu.memref_slice %arg17[%dma_wait3A_281, %dma_wait3A_282] : memref<10000x128xf32, #tpu.memory_space<vmem_shared>> -> memref<10000x128xf32, #tpu.memory_space<vmem_shared>>
        tpu.wait_indirect_dma semaphore(%run_scoped3A : memref<!tpu.dma_semaphore, #tpu.memory_space<semaphore_mem>>) src(%arg15 : memref<80x128xf32, #tpu.memory_space<vmem>>) dst(%dma_wait3A_283 : memref<10000x128xf32, #tpu.memory_space<vmem_shared>>)
        tpu.yield
      }) : () -> ()
      %add3A_235 = arith.constant 2 : i32
      %add3A_236 = arith.addi %mul3A_179, %add3A_235 : i32
      %lt3A_237 = arith.constant 125 : i32
      %lt3A_238 = arith.cmpi slt, %add3A_236, %lt3A_237 : i32
      %convert_element_type3A_239 = arith.extui %lt3A_238 : i1 to i32
      %cond3A_240 = arith.constant 0 : i32
      %cond3A_241 = arith.cmpi ne, %convert_element_type3A_239, %cond3A_240 : i32
      scf.if %cond3A_241 {
        %add3A_278 = arith.constant 2 : i32
        %add3A_279 = arith.addi %mul3A_179, %add3A_278 : i32
        %mul3A_280 = arith.constant 80 : i32
        %mul3A_281 = arith.muli %add3A_279, %mul3A_280 : i32
        %add3A_282 = arith.addi %mul3A_2, %mul3A_281 : i32
        %dma_start3A_283 = tpu.memref_slice %arg3[%add3A_282] : memref<320000xi32, #tpu.memory_space<hbm>> -> memref<80xi32, #tpu.memory_space<hbm>>
        %dma_start3A_284 = tpu.memref_slice %arg3[%add3A_282] : memref<320000xi32, #tpu.memory_space<hbm>> -> memref<80xi32, #tpu.memory_space<hbm>>
        tpu.enqueue_dma source(%dma_start3A_284 : memref<80xi32, #tpu.memory_space<hbm>>) target(%arg7 : memref<80xi32, #tpu.memory_space<vmem>>) target_semaphore(%arg18 : memref<!tpu.dma_semaphore, #tpu.memory_space<semaphore_mem>>)
        %dma_start3A_285 = tpu.memref_slice %arg4[%add3A_282] : memref<320000xi32, #tpu.memory_space<hbm>> -> memref<80xi32, #tpu.memory_space<hbm>>
        %dma_start3A_286 = tpu.memref_slice %arg4[%add3A_282] : memref<320000xi32, #tpu.memory_space<hbm>> -> memref<80xi32, #tpu.memory_space<hbm>>
        tpu.enqueue_dma source(%dma_start3A_286 : memref<80xi32, #tpu.memory_space<hbm>>) target(%arg9 : memref<80xi32, #tpu.memory_space<vmem>>) target_semaphore(%arg18 : memref<!tpu.dma_semaphore, #tpu.memory_space<semaphore_mem>>)
        %dma_start3A_287 = tpu.memref_slice %arg5[%add3A_282] : memref<320000xf32, #tpu.memory_space<hbm>> -> memref<80xf32, #tpu.memory_space<hbm>>
        %dma_start3A_288 = tpu.memref_slice %arg5[%add3A_282] : memref<320000xf32, #tpu.memory_space<hbm>> -> memref<80xf32, #tpu.memory_space<hbm>>
        tpu.enqueue_dma source(%dma_start3A_288 : memref<80xf32, #tpu.memory_space<hbm>>) target(%arg13 : memref<80xf32, #tpu.memory_space<vmem>>) target_semaphore(%arg18 : memref<!tpu.dma_semaphore, #tpu.memory_space<semaphore_mem>>)
      } else {
      }
      %dma_wait3A_242 = arith.constant 0 : i32
      %dma_wait3A_243 = arith.constant 0 : i32
      %dma_wait3A_244 = tpu.memref_slice %arg2[%dma_wait3A_242, %dma_wait3A_243] : memref<10000x128xf32, #tpu.memory_space<hbm>> -> memref<10000x128xf32, #tpu.memory_space<hbm>>
      tpu.wait_indirect_dma semaphore(%arg21 : memref<!tpu.dma_semaphore, #tpu.memory_space<semaphore_mem>>) src(%dma_wait3A_244 : memref<10000x128xf32, #tpu.memory_space<hbm>>) dst(%arg16 : memref<80x128xf32, #tpu.memory_space<vmem>>)
      %scan3A_245 = arith.constant 0 : i32
      %scan3A_246 = arith.constant 0 : i32
      %scan3A_247 = arith.constant 80 : i32
      %scan3A_248 = arith.addi %scan3A_246, %scan3A_247 : i32
      %scan3A_249 = arith.constant 1 : i32
      scf.for %scan3A_278 = %scan3A_246 to %scan3A_248 step %scan3A_249  : i32 {
        %broadcast_in_dim3A_279 = vector.broadcast %scan3A_278 : i32 to vector<16xi32>
        %gather3A = tpu.vector_load_idx %arg14[%broadcast_in_dim3A_279] : memref<80xf32, #tpu.memory_space<vmem>>[vector<16xi32>], vector<16xf32>,
        %get3A_280 = arith.index_cast %scan3A_278 : i32 to index
        %get3A_281 = arith.constant 0 : index
        %get3A_282 = tpu.vector_load %arg16[%get3A_280, %get3A_281] {strides = array<i32>} : memref<80x128xf32, #tpu.memory_space<vmem>>, vector<16xf32>,
        %mul3A_283 = arith.mulf %get3A_282, %gather3A : vector<16xf32>
        %swap3A_284 = arith.index_cast %scan3A_278 : i32 to index
        %swap3A_285 = arith.constant 0 : index
        %swap3A_286 = tpu.vector_load %arg16[%swap3A_284, %swap3A_285] {strides = array<i32>} : memref<80x128xf32, #tpu.memory_space<vmem>>, vector<16xf32>,
        tpu.vector_store %arg16[%swap3A_284, %swap3A_285], %mul3A_283 {strides = array<i32>} : memref<80x128xf32, #tpu.memory_space<vmem>>, vector<16xf32>,
        %get3A_287 = arith.index_cast %scan3A_278 : i32 to index
        %get3A_288 = arith.constant 16 : index
        %get3A_289 = tpu.vector_load %arg16[%get3A_287, %get3A_288] {strides = array<i32>} : memref<80x128xf32, #tpu.memory_space<vmem>>, vector<16xf32>,
        %mul3A_290 = arith.mulf %get3A_289, %gather3A : vector<16xf32>
        %swap3A_291 = arith.index_cast %scan3A_278 : i32 to index
        %swap3A_292 = arith.constant 16 : index
        %swap3A_293 = tpu.vector_load %arg16[%swap3A_291, %swap3A_292] {strides = array<i32>} : memref<80x128xf32, #tpu.memory_space<vmem>>, vector<16xf32>,
        tpu.vector_store %arg16[%swap3A_291, %swap3A_292], %mul3A_290 {strides = array<i32>} : memref<80x128xf32, #tpu.memory_space<vmem>>, vector<16xf32>,
        %get3A_294 = arith.index_cast %scan3A_278 : i32 to index
        %get3A_295 = arith.constant 32 : index
        %get3A_296 = tpu.vector_load %arg16[%get3A_294, %get3A_295] {strides = array<i32>} : memref<80x128xf32, #tpu.memory_space<vmem>>, vector<16xf32>,
        %mul3A_297 = arith.mulf %get3A_296, %gather3A : vector<16xf32>
        %swap3A_298 = arith.index_cast %scan3A_278 : i32 to index
        %swap3A_299 = arith.constant 32 : index
        %swap3A_300 = tpu.vector_load %arg16[%swap3A_298, %swap3A_299] {strides = array<i32>} : memref<80x128xf32, #tpu.memory_space<vmem>>, vector<16xf32>,
        tpu.vector_store %arg16[%swap3A_298, %swap3A_299], %mul3A_297 {strides = array<i32>} : memref<80x128xf32, #tpu.memory_space<vmem>>, vector<16xf32>,
        %get3A_301 = arith.index_cast %scan3A_278 : i32 to index
        %get3A_302 = arith.constant 48 : index
        %get3A_303 = tpu.vector_load %arg16[%get3A_301, %get3A_302] {strides = array<i32>} : memref<80x128xf32, #tpu.memory_space<vmem>>, vector<16xf32>,
        %mul3A_304 = arith.mulf %get3A_303, %gather3A : vector<16xf32>
        %swap3A_305 = arith.index_cast %scan3A_278 : i32 to index
        %swap3A_306 = arith.constant 48 : index
        %swap3A_307 = tpu.vector_load %arg16[%swap3A_305, %swap3A_306] {strides = array<i32>} : memref<80x128xf32, #tpu.memory_space<vmem>>, vector<16xf32>,
        tpu.vector_store %arg16[%swap3A_305, %swap3A_306], %mul3A_304 {strides = array<i32>} : memref<80x128xf32, #tpu.memory_space<vmem>>, vector<16xf32>,
        %get3A_308 = arith.index_cast %scan3A_278 : i32 to index
        %get3A_309 = arith.constant 64 : index
        %get3A_310 = tpu.vector_load %arg16[%get3A_308, %get3A_309] {strides = array<i32>} : memref<80x128xf32, #tpu.memory_space<vmem>>, vector<16xf32>,
        %mul3A_311 = arith.mulf %get3A_310, %gather3A : vector<16xf32>
        %swap3A_312 = arith.index_cast %scan3A_278 : i32 to index
        %swap3A_313 = arith.constant 64 : index
        %swap3A_314 = tpu.vector_load %arg16[%swap3A_312, %swap3A_313] {strides = array<i32>} : memref<80x128xf32, #tpu.memory_space<vmem>>, vector<16xf32>,
        tpu.vector_store %arg16[%swap3A_312, %swap3A_313], %mul3A_311 {strides = array<i32>} : memref<80x128xf32, #tpu.memory_space<vmem>>, vector<16xf32>,
        %get3A_315 = arith.index_cast %scan3A_278 : i32 to index
        %get3A_316 = arith.constant 80 : index
        %get3A_317 = tpu.vector_load %arg16[%get3A_315, %get3A_316] {strides = array<i32>} : memref<80x128xf32, #tpu.memory_space<vmem>>, vector<16xf32>,
        %mul3A_318 = arith.mulf %get3A_317, %gather3A : vector<16xf32>
        %swap3A_319 = arith.index_cast %scan3A_278 : i32 to index
        %swap3A_320 = arith.constant 80 : index
        %swap3A_321 = tpu.vector_load %arg16[%swap3A_319, %swap3A_320] {strides = array<i32>} : memref<80x128xf32, #tpu.memory_space<vmem>>, vector<16xf32>,
        tpu.vector_store %arg16[%swap3A_319, %swap3A_320], %mul3A_318 {strides = array<i32>} : memref<80x128xf32, #tpu.memory_space<vmem>>, vector<16xf32>,
        %get3A_322 = arith.index_cast %scan3A_278 : i32 to index
        %get3A_323 = arith.constant 96 : index
        %get3A_324 = tpu.vector_load %arg16[%get3A_322, %get3A_323] {strides = array<i32>} : memref<80x128xf32, #tpu.memory_space<vmem>>, vector<16xf32>,
        %mul3A_325 = arith.mulf %get3A_324, %gather3A : vector<16xf32>
        %swap3A_326 = arith.index_cast %scan3A_278 : i32 to index
        %swap3A_327 = arith.constant 96 : index
        %swap3A_328 = tpu.vector_load %arg16[%swap3A_326, %swap3A_327] {strides = array<i32>} : memref<80x128xf32, #tpu.memory_space<vmem>>, vector<16xf32>,
        tpu.vector_store %arg16[%swap3A_326, %swap3A_327], %mul3A_325 {strides = array<i32>} : memref<80x128xf32, #tpu.memory_space<vmem>>, vector<16xf32>,
        %get3A_329 = arith.index_cast %scan3A_278 : i32 to index
        %get3A_330 = arith.constant 112 : index
        %get3A_331 = tpu.vector_load %arg16[%get3A_329, %get3A_330] {strides = array<i32>} : memref<80x128xf32, #tpu.memory_space<vmem>>, vector<16xf32>,
        %mul3A_332 = arith.mulf %get3A_331, %gather3A : vector<16xf32>
        %swap3A_333 = arith.index_cast %scan3A_278 : i32 to index
        %swap3A_334 = arith.constant 112 : index
        %swap3A_335 = tpu.vector_load %arg16[%swap3A_333, %swap3A_334] {strides = array<i32>} : memref<80x128xf32, #tpu.memory_space<vmem>>, vector<16xf32>,
        tpu.vector_store %arg16[%swap3A_333, %swap3A_334], %mul3A_332 {strides = array<i32>} : memref<80x128xf32, #tpu.memory_space<vmem>>, vector<16xf32>,
      }
      %scan3A_250 = arith.constant 80 : i32
      %get3A_251 = arith.constant 0 : index
      %get3A_252 = tpu.vector_load %arg10[%get3A_251] {strides = array<i32>} : memref<80xi32, #tpu.memory_space<vmem>>, vector<16xi32>,
      %swap3A_253 = arith.constant 0 : index
      %swap3A_254 = tpu.vector_load %arg12[%swap3A_253] {strides = array<i32>} : memref<80xi32, #tpu.memory_space<vmem>>, vector<16xi32>,
      tpu.vector_store %arg12[%swap3A_253], %get3A_252 {strides = array<i32>} : memref<80xi32, #tpu.memory_space<vmem>>, vector<16xi32>,
      %get3A_255 = arith.constant 16 : index
      %get3A_256 = tpu.vector_load %arg10[%get3A_255] {strides = array<i32>} : memref<80xi32, #tpu.memory_space<vmem>>, vector<16xi32>,
      %swap3A_257 = arith.constant 16 : index
      %swap3A_258 = tpu.vector_load %arg12[%swap3A_257] {strides = array<i32>} : memref<80xi32, #tpu.memory_space<vmem>>, vector<16xi32>,
      tpu.vector_store %arg12[%swap3A_257], %get3A_256 {strides = array<i32>} : memref<80xi32, #tpu.memory_space<vmem>>, vector<16xi32>,
      %get3A_259 = arith.constant 32 : index
      %get3A_260 = tpu.vector_load %arg10[%get3A_259] {strides = array<i32>} : memref<80xi32, #tpu.memory_space<vmem>>, vector<16xi32>,
      %swap3A_261 = arith.constant 32 : index
      %swap3A_262 = tpu.vector_load %arg12[%swap3A_261] {strides = array<i32>} : memref<80xi32, #tpu.memory_space<vmem>>, vector<16xi32>,
      tpu.vector_store %arg12[%swap3A_261], %get3A_260 {strides = array<i32>} : memref<80xi32, #tpu.memory_space<vmem>>, vector<16xi32>,
      %get3A_263 = arith.constant 48 : index
      %get3A_264 = tpu.vector_load %arg10[%get3A_263] {strides = array<i32>} : memref<80xi32, #tpu.memory_space<vmem>>, vector<16xi32>,
      %swap3A_265 = arith.constant 48 : index
      %swap3A_266 = tpu.vector_load %arg12[%swap3A_265] {strides = array<i32>} : memref<80xi32, #tpu.memory_space<vmem>>, vector<16xi32>,
      tpu.vector_store %arg12[%swap3A_265], %get3A_264 {strides = array<i32>} : memref<80xi32, #tpu.memory_space<vmem>>, vector<16xi32>,
      %get3A_267 = arith.constant 64 : index
      %get3A_268 = tpu.vector_load %arg10[%get3A_267] {strides = array<i32>} : memref<80xi32, #tpu.memory_space<vmem>>, vector<16xi32>,
      %swap3A_269 = arith.constant 64 : index
      %swap3A_270 = tpu.vector_load %arg12[%swap3A_269] {strides = array<i32>} : memref<80xi32, #tpu.memory_space<vmem>>, vector<16xi32>,
      tpu.vector_store %arg12[%swap3A_269], %get3A_268 {strides = array<i32>} : memref<80xi32, #tpu.memory_space<vmem>>, vector<16xi32>,
      "tpu.region"() ({
        %run_scoped3A = tpu.sem_alloc : memref<!tpu.dma_semaphore, #tpu.memory_space<semaphore_mem>>
        %dma_start3A_278 = arith.constant 0 : i32
        %dma_start3A_279 = arith.constant 0 : i32
        %dma_start3A_280 = tpu.memref_slice %arg17[%dma_start3A_278, %dma_start3A_279] : memref<10000x128xf32, #tpu.memory_space<vmem_shared>> -> memref<10000x128xf32, #tpu.memory_space<vmem_shared>>
        tpu.enqueue_indirect_dma source(%arg16 : memref<80x128xf32, #tpu.memory_space<vmem>>) target(%dma_start3A_280 : memref<10000x128xf32, #tpu.memory_space<vmem_shared>>) offsets(%arg12 : memref<80xi32, #tpu.memory_space<vmem>>) semaphore(%run_scoped3A : memref<!tpu.dma_semaphore, #tpu.memory_space<semaphore_mem>>) {add = true}
        %dma_wait3A_281 = arith.constant 0 : i32
        %dma_wait3A_282 = arith.constant 0 : i32
        %dma_wait3A_283 = tpu.memref_slice %arg17[%dma_wait3A_281, %dma_wait3A_282] : memref<10000x128xf32, #tpu.memory_space<vmem_shared>> -> memref<10000x128xf32, #tpu.memory_space<vmem_shared>>
        tpu.wait_indirect_dma semaphore(%run_scoped3A : memref<!tpu.dma_semaphore, #tpu.memory_space<semaphore_mem>>) src(%arg16 : memref<80x128xf32, #tpu.memory_space<vmem>>) dst(%dma_wait3A_283 : memref<10000x128xf32, #tpu.memory_space<vmem_shared>>)
        tpu.yield
      }) : () -> ()
      %add3A_271 = arith.constant 2 : i32
      %add3A_272 = arith.addi %add3A_181, %add3A_271 : i32
      %lt3A_273 = arith.constant 125 : i32
      %lt3A_274 = arith.cmpi slt, %add3A_272, %lt3A_273 : i32
      %convert_element_type3A_275 = arith.extui %lt3A_274 : i1 to i32
      %cond3A_276 = arith.constant 0 : i32
      %cond3A_277 = arith.cmpi ne, %convert_element_type3A_275, %cond3A_276 : i32
      scf.if %cond3A_277 {
        %add3A_278 = arith.constant 2 : i32
        %add3A_279 = arith.addi %add3A_181, %add3A_278 : i32
        %mul3A_280 = arith.constant 80 : i32
        %mul3A_281 = arith.muli %add3A_279, %mul3A_280 : i32
        %add3A_282 = arith.addi %mul3A_2, %mul3A_281 : i32
        %dma_start3A_283 = tpu.memref_slice %arg3[%add3A_282] : memref<320000xi32, #tpu.memory_space<hbm>> -> memref<80xi32, #tpu.memory_space<hbm>>
        %dma_start3A_284 = tpu.memref_slice %arg3[%add3A_282] : memref<320000xi32, #tpu.memory_space<hbm>> -> memref<80xi32, #tpu.memory_space<hbm>>
        tpu.enqueue_dma source(%dma_start3A_284 : memref<80xi32, #tpu.memory_space<hbm>>) target(%arg8 : memref<80xi32, #tpu.memory_space<vmem>>) target_semaphore(%arg19 : memref<!tpu.dma_semaphore, #tpu.memory_space<semaphore_mem>>)
        %dma_start3A_285 = tpu.memref_slice %arg4[%add3A_282] : memref<320000xi32, #tpu.memory_space<hbm>> -> memref<80xi32, #tpu.memory_space<hbm>>
        %dma_start3A_286 = tpu.memref_slice %arg4[%add3A_282] : memref<320000xi32, #tpu.memory_space<hbm>> -> memref<80xi32, #tpu.memory_space<hbm>>
        tpu.enqueue_dma source(%dma_start3A_286 : memref<80xi32, #tpu.memory_space<hbm>>) target(%arg10 : memref<80xi32, #tpu.memory_space<vmem>>) target_semaphore(%arg19 : memref<!tpu.dma_semaphore, #tpu.memory_space<semaphore_mem>>)
        %dma_start3A_287 = tpu.memref_slice %arg5[%add3A_282] : memref<320000xf32, #tpu.memory_space<hbm>> -> memref<80xf32, #tpu.memory_space<hbm>>
        %dma_start3A_288 = tpu.memref_slice %arg5[%add3A_282] : memref<320000xf32, #tpu.memory_space<hbm>> -> memref<80xf32, #tpu.memory_space<hbm>>
        tpu.enqueue_dma source(%dma_start3A_288 : memref<80xf32, #tpu.memory_space<hbm>>) target(%arg14 : memref<80xf32, #tpu.memory_space<vmem>>) target_semaphore(%arg19 : memref<!tpu.dma_semaphore, #tpu.memory_space<semaphore_mem>>)
      } else {
      }
    }
    %scan3A_82 = arith.constant 62 : i32
    %add3A_83 = arith.constant 9920 : i32
    %add3A_84 = arith.addi %mul3A_2, %add3A_83 : i32
    %dma_wait3A = tpu.memref_slice %arg3[%add3A_84] : memref<320000xi32, #tpu.memory_space<hbm>> -> memref<80xi32, #tpu.memory_space<hbm>>
    %dma_wait3A_85 = tpu.memref_slice %arg3[%add3A_84] : memref<320000xi32, #tpu.memory_space<hbm>> -> memref<80xi32, #tpu.memory_space<hbm>>
    tpu.wait_dma2 semaphore(%arg18 : memref<!tpu.dma_semaphore, #tpu.memory_space<semaphore_mem>>) src(%dma_wait3A_85 : memref<80xi32, #tpu.memory_space<hbm>>) dst(%arg7 : memref<80xi32, #tpu.memory_space<vmem>>)
    %dma_wait3A_86 = tpu.memref_slice %arg4[%add3A_84] : memref<320000xi32, #tpu.memory_space<hbm>> -> memref<80xi32, #tpu.memory_space<hbm>>
    %dma_wait3A_87 = tpu.memref_slice %arg4[%add3A_84] : memref<320000xi32, #tpu.memory_space<hbm>> -> memref<80xi32, #tpu.memory_space<hbm>>
    tpu.wait_dma2 semaphore(%arg18 : memref<!tpu.dma_semaphore, #tpu.memory_space<semaphore_mem>>) src(%dma_wait3A_87 : memref<80xi32, #tpu.memory_space<hbm>>) dst(%arg9 : memref<80xi32, #tpu.memory_space<vmem>>)
    %dma_wait3A_88 = tpu.memref_slice %arg5[%add3A_84] : memref<320000xf32, #tpu.memory_space<hbm>> -> memref<80xf32, #tpu.memory_space<hbm>>
    %dma_wait3A_89 = tpu.memref_slice %arg5[%add3A_84] : memref<320000xf32, #tpu.memory_space<hbm>> -> memref<80xf32, #tpu.memory_space<hbm>>
    tpu.wait_dma2 semaphore(%arg18 : memref<!tpu.dma_semaphore, #tpu.memory_space<semaphore_mem>>) src(%dma_wait3A_89 : memref<80xf32, #tpu.memory_space<hbm>>) dst(%arg13 : memref<80xf32, #tpu.memory_space<vmem>>)
    %dma_start3A_90 = arith.constant 0 : i32
    %dma_start3A_91 = arith.constant 0 : i32
    %dma_start3A_92 = tpu.memref_slice %arg2[%dma_start3A_90, %dma_start3A_91] : memref<10000x128xf32, #tpu.memory_space<hbm>> -> memref<10000x128xf32, #tpu.memory_space<hbm>>
    tpu.enqueue_indirect_dma source(%dma_start3A_92 : memref<10000x128xf32, #tpu.memory_space<hbm>>) target(%arg15 : memref<80x128xf32, #tpu.memory_space<vmem>>) offsets(%arg7 : memref<80xi32, #tpu.memory_space<vmem>>) semaphore(%arg20 : memref<!tpu.dma_semaphore, #tpu.memory_space<semaphore_mem>>)
    %dma_wait3A_93 = arith.constant 0 : i32
    %dma_wait3A_94 = arith.constant 0 : i32
    %dma_wait3A_95 = tpu.memref_slice %arg2[%dma_wait3A_93, %dma_wait3A_94] : memref<10000x128xf32, #tpu.memory_space<hbm>> -> memref<10000x128xf32, #tpu.memory_space<hbm>>
    tpu.wait_indirect_dma semaphore(%arg20 : memref<!tpu.dma_semaphore, #tpu.memory_space<semaphore_mem>>) src(%dma_wait3A_95 : memref<10000x128xf32, #tpu.memory_space<hbm>>) dst(%arg15 : memref<80x128xf32, #tpu.memory_space<vmem>>)
    %scan3A_96 = arith.constant 0 : i32
    %scan3A_97 = arith.constant 0 : i32
    %scan3A_98 = arith.constant 80 : i32
    %scan3A_99 = arith.addi %scan3A_97, %scan3A_98 : i32
    %scan3A_100 = arith.constant 1 : i32
    scf.for %scan3A_177 = %scan3A_97 to %scan3A_99 step %scan3A_100  : i32 {
      %broadcast_in_dim3A_178 = vector.broadcast %scan3A_177 : i32 to vector<16xi32>
      %gather3A = tpu.vector_load_idx %arg13[%broadcast_in_dim3A_178] : memref<80xf32, #tpu.memory_space<vmem>>[vector<16xi32>], vector<16xf32>,
      %get3A_179 = arith.index_cast %scan3A_177 : i32 to index
      %get3A_180 = arith.constant 0 : index
      %get3A_181 = tpu.vector_load %arg15[%get3A_179, %get3A_180] {strides = array<i32>} : memref<80x128xf32, #tpu.memory_space<vmem>>, vector<16xf32>,
      %mul3A_182 = arith.mulf %get3A_181, %gather3A : vector<16xf32>
      %swap3A_183 = arith.index_cast %scan3A_177 : i32 to index
      %swap3A_184 = arith.constant 0 : index
      %swap3A_185 = tpu.vector_load %arg15[%swap3A_183, %swap3A_184] {strides = array<i32>} : memref<80x128xf32, #tpu.memory_space<vmem>>, vector<16xf32>,
      tpu.vector_store %arg15[%swap3A_183, %swap3A_184], %mul3A_182 {strides = array<i32>} : memref<80x128xf32, #tpu.memory_space<vmem>>, vector<16xf32>,
      %get3A_186 = arith.index_cast %scan3A_177 : i32 to index
      %get3A_187 = arith.constant 16 : index
      %get3A_188 = tpu.vector_load %arg15[%get3A_186, %get3A_187] {strides = array<i32>} : memref<80x128xf32, #tpu.memory_space<vmem>>, vector<16xf32>,
      %mul3A_189 = arith.mulf %get3A_188, %gather3A : vector<16xf32>
      %swap3A_190 = arith.index_cast %scan3A_177 : i32 to index
      %swap3A_191 = arith.constant 16 : index
      %swap3A_192 = tpu.vector_load %arg15[%swap3A_190, %swap3A_191] {strides = array<i32>} : memref<80x128xf32, #tpu.memory_space<vmem>>, vector<16xf32>,
      tpu.vector_store %arg15[%swap3A_190, %swap3A_191], %mul3A_189 {strides = array<i32>} : memref<80x128xf32, #tpu.memory_space<vmem>>, vector<16xf32>,
      %get3A_193 = arith.index_cast %scan3A_177 : i32 to index
      %get3A_194 = arith.constant 32 : index
      %get3A_195 = tpu.vector_load %arg15[%get3A_193, %get3A_194] {strides = array<i32>} : memref<80x128xf32, #tpu.memory_space<vmem>>, vector<16xf32>,
      %mul3A_196 = arith.mulf %get3A_195, %gather3A : vector<16xf32>
      %swap3A_197 = arith.index_cast %scan3A_177 : i32 to index
      %swap3A_198 = arith.constant 32 : index
      %swap3A_199 = tpu.vector_load %arg15[%swap3A_197, %swap3A_198] {strides = array<i32>} : memref<80x128xf32, #tpu.memory_space<vmem>>, vector<16xf32>,
      tpu.vector_store %arg15[%swap3A_197, %swap3A_198], %mul3A_196 {strides = array<i32>} : memref<80x128xf32, #tpu.memory_space<vmem>>, vector<16xf32>,
      %get3A_200 = arith.index_cast %scan3A_177 : i32 to index
      %get3A_201 = arith.constant 48 : index
      %get3A_202 = tpu.vector_load %arg15[%get3A_200, %get3A_201] {strides = array<i32>} : memref<80x128xf32, #tpu.memory_space<vmem>>, vector<16xf32>,
      %mul3A_203 = arith.mulf %get3A_202, %gather3A : vector<16xf32>
      %swap3A_204 = arith.index_cast %scan3A_177 : i32 to index
      %swap3A_205 = arith.constant 48 : index
      %swap3A_206 = tpu.vector_load %arg15[%swap3A_204, %swap3A_205] {strides = array<i32>} : memref<80x128xf32, #tpu.memory_space<vmem>>, vector<16xf32>,
      tpu.vector_store %arg15[%swap3A_204, %swap3A_205], %mul3A_203 {strides = array<i32>} : memref<80x128xf32, #tpu.memory_space<vmem>>, vector<16xf32>,
      %get3A_207 = arith.index_cast %scan3A_177 : i32 to index
      %get3A_208 = arith.constant 64 : index
      %get3A_209 = tpu.vector_load %arg15[%get3A_207, %get3A_208] {strides = array<i32>} : memref<80x128xf32, #tpu.memory_space<vmem>>, vector<16xf32>,
      %mul3A_210 = arith.mulf %get3A_209, %gather3A : vector<16xf32>
      %swap3A_211 = arith.index_cast %scan3A_177 : i32 to index
      %swap3A_212 = arith.constant 64 : index
      %swap3A_213 = tpu.vector_load %arg15[%swap3A_211, %swap3A_212] {strides = array<i32>} : memref<80x128xf32, #tpu.memory_space<vmem>>, vector<16xf32>,
      tpu.vector_store %arg15[%swap3A_211, %swap3A_212], %mul3A_210 {strides = array<i32>} : memref<80x128xf32, #tpu.memory_space<vmem>>, vector<16xf32>,
      %get3A_214 = arith.index_cast %scan3A_177 : i32 to index
      %get3A_215 = arith.constant 80 : index
      %get3A_216 = tpu.vector_load %arg15[%get3A_214, %get3A_215] {strides = array<i32>} : memref<80x128xf32, #tpu.memory_space<vmem>>, vector<16xf32>,
      %mul3A_217 = arith.mulf %get3A_216, %gather3A : vector<16xf32>
      %swap3A_218 = arith.index_cast %scan3A_177 : i32 to index
      %swap3A_219 = arith.constant 80 : index
      %swap3A_220 = tpu.vector_load %arg15[%swap3A_218, %swap3A_219] {strides = array<i32>} : memref<80x128xf32, #tpu.memory_space<vmem>>, vector<16xf32>,
      tpu.vector_store %arg15[%swap3A_218, %swap3A_219], %mul3A_217 {strides = array<i32>} : memref<80x128xf32, #tpu.memory_space<vmem>>, vector<16xf32>,
      %get3A_221 = arith.index_cast %scan3A_177 : i32 to index
      %get3A_222 = arith.constant 96 : index
      %get3A_223 = tpu.vector_load %arg15[%get3A_221, %get3A_222] {strides = array<i32>} : memref<80x128xf32, #tpu.memory_space<vmem>>, vector<16xf32>,
      %mul3A_224 = arith.mulf %get3A_223, %gather3A : vector<16xf32>
      %swap3A_225 = arith.index_cast %scan3A_177 : i32 to index
      %swap3A_226 = arith.constant 96 : index
      %swap3A_227 = tpu.vector_load %arg15[%swap3A_225, %swap3A_226] {strides = array<i32>} : memref<80x128xf32, #tpu.memory_space<vmem>>, vector<16xf32>,
      tpu.vector_store %arg15[%swap3A_225, %swap3A_226], %mul3A_224 {strides = array<i32>} : memref<80x128xf32, #tpu.memory_space<vmem>>, vector<16xf32>,
      %get3A_228 = arith.index_cast %scan3A_177 : i32 to index
      %get3A_229 = arith.constant 112 : index
      %get3A_230 = tpu.vector_load %arg15[%get3A_228, %get3A_229] {strides = array<i32>} : memref<80x128xf32, #tpu.memory_space<vmem>>, vector<16xf32>,
      %mul3A_231 = arith.mulf %get3A_230, %gather3A : vector<16xf32>
      %swap3A_232 = arith.index_cast %scan3A_177 : i32 to index
      %swap3A_233 = arith.constant 112 : index
      %swap3A_234 = tpu.vector_load %arg15[%swap3A_232, %swap3A_233] {strides = array<i32>} : memref<80x128xf32, #tpu.memory_space<vmem>>, vector<16xf32>,
      tpu.vector_store %arg15[%swap3A_232, %swap3A_233], %mul3A_231 {strides = array<i32>} : memref<80x128xf32, #tpu.memory_space<vmem>>, vector<16xf32>,
    }
    %scan3A_101 = arith.constant 80 : i32
    %get3A = arith.constant 0 : index
    %get3A_102 = tpu.vector_load %arg9[%get3A] {strides = array<i32>} : memref<80xi32, #tpu.memory_space<vmem>>, vector<16xi32>,
    %swap3A = arith.constant 0 : index
    %swap3A_103 = tpu.vector_load %arg11[%swap3A] {strides = array<i32>} : memref<80xi32, #tpu.memory_space<vmem>>, vector<16xi32>,
    tpu.vector_store %arg11[%swap3A], %get3A_102 {strides = array<i32>} : memref<80xi32, #tpu.memory_space<vmem>>, vector<16xi32>,
    %get3A_104 = arith.constant 16 : index
    %get3A_105 = tpu.vector_load %arg9[%get3A_104] {strides = array<i32>} : memref<80xi32, #tpu.memory_space<vmem>>, vector<16xi32>,
    %swap3A_106 = arith.constant 16 : index
    %swap3A_107 = tpu.vector_load %arg11[%swap3A_106] {strides = array<i32>} : memref<80xi32, #tpu.memory_space<vmem>>, vector<16xi32>,
    tpu.vector_store %arg11[%swap3A_106], %get3A_105 {strides = array<i32>} : memref<80xi32, #tpu.memory_space<vmem>>, vector<16xi32>,
    %get3A_108 = arith.constant 32 : index
    %get3A_109 = tpu.vector_load %arg9[%get3A_108] {strides = array<i32>} : memref<80xi32, #tpu.memory_space<vmem>>, vector<16xi32>,
    %swap3A_110 = arith.constant 32 : index
    %swap3A_111 = tpu.vector_load %arg11[%swap3A_110] {strides = array<i32>} : memref<80xi32, #tpu.memory_space<vmem>>, vector<16xi32>,
    tpu.vector_store %arg11[%swap3A_110], %get3A_109 {strides = array<i32>} : memref<80xi32, #tpu.memory_space<vmem>>, vector<16xi32>,
    %get3A_112 = arith.constant 48 : index
    %get3A_113 = tpu.vector_load %arg9[%get3A_112] {strides = array<i32>} : memref<80xi32, #tpu.memory_space<vmem>>, vector<16xi32>,
    %swap3A_114 = arith.constant 48 : index
    %swap3A_115 = tpu.vector_load %arg11[%swap3A_114] {strides = array<i32>} : memref<80xi32, #tpu.memory_space<vmem>>, vector<16xi32>,
    tpu.vector_store %arg11[%swap3A_114], %get3A_113 {strides = array<i32>} : memref<80xi32, #tpu.memory_space<vmem>>, vector<16xi32>,
    %get3A_116 = arith.constant 64 : index
    %get3A_117 = tpu.vector_load %arg9[%get3A_116] {strides = array<i32>} : memref<80xi32, #tpu.memory_space<vmem>>, vector<16xi32>,
    %swap3A_118 = arith.constant 64 : index
    %swap3A_119 = tpu.vector_load %arg11[%swap3A_118] {strides = array<i32>} : memref<80xi32, #tpu.memory_space<vmem>>, vector<16xi32>,
    tpu.vector_store %arg11[%swap3A_118], %get3A_117 {strides = array<i32>} : memref<80xi32, #tpu.memory_space<vmem>>, vector<16xi32>,
    "tpu.region"() ({
      %run_scoped3A = tpu.sem_alloc : memref<!tpu.dma_semaphore, #tpu.memory_space<semaphore_mem>>
      %dma_start3A_177 = arith.constant 0 : i32
      %dma_start3A_178 = arith.constant 0 : i32
      %dma_start3A_179 = tpu.memref_slice %arg17[%dma_start3A_177, %dma_start3A_178] : memref<10000x128xf32, #tpu.memory_space<vmem_shared>> -> memref<10000x128xf32, #tpu.memory_space<vmem_shared>>
      tpu.enqueue_indirect_dma source(%arg15 : memref<80x128xf32, #tpu.memory_space<vmem>>) target(%dma_start3A_179 : memref<10000x128xf32, #tpu.memory_space<vmem_shared>>) offsets(%arg11 : memref<80xi32, #tpu.memory_space<vmem>>) semaphore(%run_scoped3A : memref<!tpu.dma_semaphore, #tpu.memory_space<semaphore_mem>>) {add = true}
      %dma_wait3A_180 = arith.constant 0 : i32
      %dma_wait3A_181 = arith.constant 0 : i32
      %dma_wait3A_182 = tpu.memref_slice %arg17[%dma_wait3A_180, %dma_wait3A_181] : memref<10000x128xf32, #tpu.memory_space<vmem_shared>> -> memref<10000x128xf32, #tpu.memory_space<vmem_shared>>
      tpu.wait_indirect_dma semaphore(%run_scoped3A : memref<!tpu.dma_semaphore, #tpu.memory_space<semaphore_mem>>) src(%arg15 : memref<80x128xf32, #tpu.memory_space<vmem>>) dst(%dma_wait3A_182 : memref<10000x128xf32, #tpu.memory_space<vmem_shared>>)
      tpu.yield
    }) : () -> ()
    %barrier3A_120 = arith.constant 0 : index
    tpu.barrier barrier_id(%barrier3A_120)
    %add3A_121 = arith.constant 0 : i32
    %add3A_122 = arith.addi %arg1, %add3A_121 : i32
    %lt3A_123 = arith.constant 125 : i32
    %lt3A_124 = arith.cmpi slt, %add3A_122, %lt3A_123 : i32
    %convert_element_type3A_125 = arith.extui %lt3A_124 : i1 to i32
    %cond3A_126 = arith.constant 0 : i32
    %cond3A_127 = arith.cmpi ne, %convert_element_type3A_125, %cond3A_126 : i32
    scf.if %cond3A_127 {
      %mul3A_177 = arith.constant 80 : i32
      %mul3A_178 = arith.muli %add3A_122, %mul3A_177 : i32
      %mul3A_179 = arith.constant 80 : i32
      %mul3A_180 = arith.muli %add3A_122, %mul3A_179 : i32
      "tpu.region"() ({
        %run_scoped3A = tpu.sem_alloc : memref<!tpu.dma_semaphore, #tpu.memory_space<semaphore_mem>>
        %dma_start3A_181 = arith.constant 0 : i32
        %dma_start3A_182 = tpu.memref_slice %arg6[%arg0, %mul3A_180, %dma_start3A_181] : memref<2x10000x128xf32, #tpu.memory_space<hbm>> -> memref<1x80x128xf32, #tpu.memory_space<hbm>>
        %dma_start3A_183 = tpu.memref_squeeze %dma_start3A_182 : memref<1x80x128xf32, #tpu.memory_space<hbm>> -> memref<80x128xf32, #tpu.memory_space<hbm>>
        %dma_start3A_184 = arith.constant 0 : i32
        %dma_start3A_185 = tpu.memref_slice %arg17[%mul3A_178, %dma_start3A_184] : memref<10000x128xf32, #tpu.memory_space<vmem_shared>> -> memref<80x128xf32, #tpu.memory_space<vmem_shared>>
        tpu.enqueue_dma source(%dma_start3A_185 : memref<80x128xf32, #tpu.memory_space<vmem_shared>>) target(%dma_start3A_183 : memref<80x128xf32, #tpu.memory_space<hbm>>) target_semaphore(%run_scoped3A : memref<!tpu.dma_semaphore, #tpu.memory_space<semaphore_mem>>)
        %dma_wait3A_186 = arith.constant 0 : i32
        %dma_wait3A_187 = tpu.memref_slice %arg6[%arg0, %mul3A_180, %dma_wait3A_186] : memref<2x10000x128xf32, #tpu.memory_space<hbm>> -> memref<1x80x128xf32, #tpu.memory_space<hbm>>
        %dma_wait3A_188 = tpu.memref_squeeze %dma_wait3A_187 : memref<1x80x128xf32, #tpu.memory_space<hbm>> -> memref<80x128xf32, #tpu.memory_space<hbm>>
        %dma_wait3A_189 = arith.constant 0 : i32
        %dma_wait3A_190 = tpu.memref_slice %arg17[%mul3A_178, %dma_wait3A_189] : memref<10000x128xf32, #tpu.memory_space<vmem_shared>> -> memref<80x128xf32, #tpu.memory_space<vmem_shared>>
        tpu.wait_dma2 semaphore(%run_scoped3A : memref<!tpu.dma_semaphore, #tpu.memory_space<semaphore_mem>>) src(%dma_wait3A_190 : memref<80x128xf32, #tpu.memory_space<vmem_shared>>) dst(%dma_wait3A_188 : memref<80x128xf32, #tpu.memory_space<hbm>>)
        tpu.yield
      }) : () -> ()
    } else {
    }
    %add3A_128 = arith.constant 16 : i32
    %add3A_129 = arith.addi %arg1, %add3A_128 : i32
    %lt3A_130 = arith.constant 125 : i32
    %lt3A_131 = arith.cmpi slt, %add3A_129, %lt3A_130 : i32
    %convert_element_type3A_132 = arith.extui %lt3A_131 : i1 to i32
    %cond3A_133 = arith.constant 0 : i32
    %cond3A_134 = arith.cmpi ne, %convert_element_type3A_132, %cond3A_133 : i32
    scf.if %cond3A_134 {
      %mul3A_177 = arith.constant 80 : i32
      %mul3A_178 = arith.muli %add3A_129, %mul3A_177 : i32
      %mul3A_179 = arith.constant 80 : i32
      %mul3A_180 = arith.muli %add3A_129, %mul3A_179 : i32
      "tpu.region"() ({
        %run_scoped3A = tpu.sem_alloc : memref<!tpu.dma_semaphore, #tpu.memory_space<semaphore_mem>>
        %dma_start3A_181 = arith.constant 0 : i32
        %dma_start3A_182 = tpu.memref_slice %arg6[%arg0, %mul3A_180, %dma_start3A_181] : memref<2x10000x128xf32, #tpu.memory_space<hbm>> -> memref<1x80x128xf32, #tpu.memory_space<hbm>>
        %dma_start3A_183 = tpu.memref_squeeze %dma_start3A_182 : memref<1x80x128xf32, #tpu.memory_space<hbm>> -> memref<80x128xf32, #tpu.memory_space<hbm>>
        %dma_start3A_184 = arith.constant 0 : i32
        %dma_start3A_185 = tpu.memref_slice %arg17[%mul3A_178, %dma_start3A_184] : memref<10000x128xf32, #tpu.memory_space<vmem_shared>> -> memref<80x128xf32, #tpu.memory_space<vmem_shared>>
        tpu.enqueue_dma source(%dma_start3A_185 : memref<80x128xf32, #tpu.memory_space<vmem_shared>>) target(%dma_start3A_183 : memref<80x128xf32, #tpu.memory_space<hbm>>) target_semaphore(%run_scoped3A : memref<!tpu.dma_semaphore, #tpu.memory_space<semaphore_mem>>)
        %dma_wait3A_186 = arith.constant 0 : i32
        %dma_wait3A_187 = tpu.memref_slice %arg6[%arg0, %mul3A_180, %dma_wait3A_186] : memref<2x10000x128xf32, #tpu.memory_space<hbm>> -> memref<1x80x128xf32, #tpu.memory_space<hbm>>
        %dma_wait3A_188 = tpu.memref_squeeze %dma_wait3A_187 : memref<1x80x128xf32, #tpu.memory_space<hbm>> -> memref<80x128xf32, #tpu.memory_space<hbm>>
        %dma_wait3A_189 = arith.constant 0 : i32
        %dma_wait3A_190 = tpu.memref_slice %arg17[%mul3A_178, %dma_wait3A_189] : memref<10000x128xf32, #tpu.memory_space<vmem_shared>> -> memref<80x128xf32, #tpu.memory_space<vmem_shared>>
        tpu.wait_dma2 semaphore(%run_scoped3A : memref<!tpu.dma_semaphore, #tpu.memory_space<semaphore_mem>>) src(%dma_wait3A_190 : memref<80x128xf32, #tpu.memory_space<vmem_shared>>) dst(%dma_wait3A_188 : memref<80x128xf32, #tpu.memory_space<hbm>>)
        tpu.yield
      }) : () -> ()
    } else {
    }
    %add3A_135 = arith.constant 32 : i32
    %add3A_136 = arith.addi %arg1, %add3A_135 : i32
    %lt3A_137 = arith.constant 125 : i32
    %lt3A_138 = arith.cmpi slt, %add3A_136, %lt3A_137 : i32
    %convert_element_type3A_139 = arith.extui %lt3A_138 : i1 to i32
    %cond3A_140 = arith.constant 0 : i32
    %cond3A_141 = arith.cmpi ne, %convert_element_type3A_139, %cond3A_140 : i32
    scf.if %cond3A_141 {
      %mul3A_177 = arith.constant 80 : i32
      %mul3A_178 = arith.muli %add3A_136, %mul3A_177 : i32
      %mul3A_179 = arith.constant 80 : i32
      %mul3A_180 = arith.muli %add3A_136, %mul3A_179 : i32
      "tpu.region"() ({
        %run_scoped3A = tpu.sem_alloc : memref<!tpu.dma_semaphore, #tpu.memory_space<semaphore_mem>>
        %dma_start3A_181 = arith.constant 0 : i32
        %dma_start3A_182 = tpu.memref_slice %arg6[%arg0, %mul3A_180, %dma_start3A_181] : memref<2x10000x128xf32, #tpu.memory_space<hbm>> -> memref<1x80x128xf32, #tpu.memory_space<hbm>>
        %dma_start3A_183 = tpu.memref_squeeze %dma_start3A_182 : memref<1x80x128xf32, #tpu.memory_space<hbm>> -> memref<80x128xf32, #tpu.memory_space<hbm>>
        %dma_start3A_184 = arith.constant 0 : i32
        %dma_start3A_185 = tpu.memref_slice %arg17[%mul3A_178, %dma_start3A_184] : memref<10000x128xf32, #tpu.memory_space<vmem_shared>> -> memref<80x128xf32, #tpu.memory_space<vmem_shared>>
        tpu.enqueue_dma source(%dma_start3A_185 : memref<80x128xf32, #tpu.memory_space<vmem_shared>>) target(%dma_start3A_183 : memref<80x128xf32, #tpu.memory_space<hbm>>) target_semaphore(%run_scoped3A : memref<!tpu.dma_semaphore, #tpu.memory_space<semaphore_mem>>)
        %dma_wait3A_186 = arith.constant 0 : i32
        %dma_wait3A_187 = tpu.memref_slice %arg6[%arg0, %mul3A_180, %dma_wait3A_186] : memref<2x10000x128xf32, #tpu.memory_space<hbm>> -> memref<1x80x128xf32, #tpu.memory_space<hbm>>
        %dma_wait3A_188 = tpu.memref_squeeze %dma_wait3A_187 : memref<1x80x128xf32, #tpu.memory_space<hbm>> -> memref<80x128xf32, #tpu.memory_space<hbm>>
        %dma_wait3A_189 = arith.constant 0 : i32
        %dma_wait3A_190 = tpu.memref_slice %arg17[%mul3A_178, %dma_wait3A_189] : memref<10000x128xf32, #tpu.memory_space<vmem_shared>> -> memref<80x128xf32, #tpu.memory_space<vmem_shared>>
        tpu.wait_dma2 semaphore(%run_scoped3A : memref<!tpu.dma_semaphore, #tpu.memory_space<semaphore_mem>>) src(%dma_wait3A_190 : memref<80x128xf32, #tpu.memory_space<vmem_shared>>) dst(%dma_wait3A_188 : memref<80x128xf32, #tpu.memory_space<hbm>>)
        tpu.yield
      }) : () -> ()
    } else {
    }
    %add3A_142 = arith.constant 48 : i32
    %add3A_143 = arith.addi %arg1, %add3A_142 : i32
    %lt3A_144 = arith.constant 125 : i32
    %lt3A_145 = arith.cmpi slt, %add3A_143, %lt3A_144 : i32
    %convert_element_type3A_146 = arith.extui %lt3A_145 : i1 to i32
    %cond3A_147 = arith.constant 0 : i32
    %cond3A_148 = arith.cmpi ne, %convert_element_type3A_146, %cond3A_147 : i32
    scf.if %cond3A_148 {
      %mul3A_177 = arith.constant 80 : i32
      %mul3A_178 = arith.muli %add3A_143, %mul3A_177 : i32
      %mul3A_179 = arith.constant 80 : i32
      %mul3A_180 = arith.muli %add3A_143, %mul3A_179 : i32
      "tpu.region"() ({
        %run_scoped3A = tpu.sem_alloc : memref<!tpu.dma_semaphore, #tpu.memory_space<semaphore_mem>>
        %dma_start3A_181 = arith.constant 0 : i32
        %dma_start3A_182 = tpu.memref_slice %arg6[%arg0, %mul3A_180, %dma_start3A_181] : memref<2x10000x128xf32, #tpu.memory_space<hbm>> -> memref<1x80x128xf32, #tpu.memory_space<hbm>>
        %dma_start3A_183 = tpu.memref_squeeze %dma_start3A_182 : memref<1x80x128xf32, #tpu.memory_space<hbm>> -> memref<80x128xf32, #tpu.memory_space<hbm>>
        %dma_start3A_184 = arith.constant 0 : i32
        %dma_start3A_185 = tpu.memref_slice %arg17[%mul3A_178, %dma_start3A_184] : memref<10000x128xf32, #tpu.memory_space<vmem_shared>> -> memref<80x128xf32, #tpu.memory_space<vmem_shared>>
        tpu.enqueue_dma source(%dma_start3A_185 : memref<80x128xf32, #tpu.memory_space<vmem_shared>>) target(%dma_start3A_183 : memref<80x128xf32, #tpu.memory_space<hbm>>) target_semaphore(%run_scoped3A : memref<!tpu.dma_semaphore, #tpu.memory_space<semaphore_mem>>)
        %dma_wait3A_186 = arith.constant 0 : i32
        %dma_wait3A_187 = tpu.memref_slice %arg6[%arg0, %mul3A_180, %dma_wait3A_186] : memref<2x10000x128xf32, #tpu.memory_space<hbm>> -> memref<1x80x128xf32, #tpu.memory_space<hbm>>
        %dma_wait3A_188 = tpu.memref_squeeze %dma_wait3A_187 : memref<1x80x128xf32, #tpu.memory_space<hbm>> -> memref<80x128xf32, #tpu.memory_space<hbm>>
        %dma_wait3A_189 = arith.constant 0 : i32
        %dma_wait3A_190 = tpu.memref_slice %arg17[%mul3A_178, %dma_wait3A_189] : memref<10000x128xf32, #tpu.memory_space<vmem_shared>> -> memref<80x128xf32, #tpu.memory_space<vmem_shared>>
        tpu.wait_dma2 semaphore(%run_scoped3A : memref<!tpu.dma_semaphore, #tpu.memory_space<semaphore_mem>>) src(%dma_wait3A_190 : memref<80x128xf32, #tpu.memory_space<vmem_shared>>) dst(%dma_wait3A_188 : memref<80x128xf32, #tpu.memory_space<hbm>>)
        tpu.yield
      }) : () -> ()
    } else {
    }
    %add3A_149 = arith.constant 64 : i32
    %add3A_150 = arith.addi %arg1, %add3A_149 : i32
    %lt3A_151 = arith.constant 125 : i32
    %lt3A_152 = arith.cmpi slt, %add3A_150, %lt3A_151 : i32
    %convert_element_type3A_153 = arith.extui %lt3A_152 : i1 to i32
    %cond3A_154 = arith.constant 0 : i32
    %cond3A_155 = arith.cmpi ne, %convert_element_type3A_153, %cond3A_154 : i32
    scf.if %cond3A_155 {
      %mul3A_177 = arith.constant 80 : i32
      %mul3A_178 = arith.muli %add3A_150, %mul3A_177 : i32
      %mul3A_179 = arith.constant 80 : i32
      %mul3A_180 = arith.muli %add3A_150, %mul3A_179 : i32
      "tpu.region"() ({
        %run_scoped3A = tpu.sem_alloc : memref<!tpu.dma_semaphore, #tpu.memory_space<semaphore_mem>>
        %dma_start3A_181 = arith.constant 0 : i32
        %dma_start3A_182 = tpu.memref_slice %arg6[%arg0, %mul3A_180, %dma_start3A_181] : memref<2x10000x128xf32, #tpu.memory_space<hbm>> -> memref<1x80x128xf32, #tpu.memory_space<hbm>>
        %dma_start3A_183 = tpu.memref_squeeze %dma_start3A_182 : memref<1x80x128xf32, #tpu.memory_space<hbm>> -> memref<80x128xf32, #tpu.memory_space<hbm>>
        %dma_start3A_184 = arith.constant 0 : i32
        %dma_start3A_185 = tpu.memref_slice %arg17[%mul3A_178, %dma_start3A_184] : memref<10000x128xf32, #tpu.memory_space<vmem_shared>> -> memref<80x128xf32, #tpu.memory_space<vmem_shared>>
        tpu.enqueue_dma source(%dma_start3A_185 : memref<80x128xf32, #tpu.memory_space<vmem_shared>>) target(%dma_start3A_183 : memref<80x128xf32, #tpu.memory_space<hbm>>) target_semaphore(%run_scoped3A : memref<!tpu.dma_semaphore, #tpu.memory_space<semaphore_mem>>)
        %dma_wait3A_186 = arith.constant 0 : i32
        %dma_wait3A_187 = tpu.memref_slice %arg6[%arg0, %mul3A_180, %dma_wait3A_186] : memref<2x10000x128xf32, #tpu.memory_space<hbm>> -> memref<1x80x128xf32, #tpu.memory_space<hbm>>
        %dma_wait3A_188 = tpu.memref_squeeze %dma_wait3A_187 : memref<1x80x128xf32, #tpu.memory_space<hbm>> -> memref<80x128xf32, #tpu.memory_space<hbm>>
        %dma_wait3A_189 = arith.constant 0 : i32
        %dma_wait3A_190 = tpu.memref_slice %arg17[%mul3A_178, %dma_wait3A_189] : memref<10000x128xf32, #tpu.memory_space<vmem_shared>> -> memref<80x128xf32, #tpu.memory_space<vmem_shared>>
        tpu.wait_dma2 semaphore(%run_scoped3A : memref<!tpu.dma_semaphore, #tpu.memory_space<semaphore_mem>>) src(%dma_wait3A_190 : memref<80x128xf32, #tpu.memory_space<vmem_shared>>) dst(%dma_wait3A_188 : memref<80x128xf32, #tpu.memory_space<hbm>>)
        tpu.yield
      }) : () -> ()
    } else {
    }
    %add3A_156 = arith.constant 80 : i32
    %add3A_157 = arith.addi %arg1, %add3A_156 : i32
    %lt3A_158 = arith.constant 125 : i32
    %lt3A_159 = arith.cmpi slt, %add3A_157, %lt3A_158 : i32
    %convert_element_type3A_160 = arith.extui %lt3A_159 : i1 to i32
    %cond3A_161 = arith.constant 0 : i32
    %cond3A_162 = arith.cmpi ne, %convert_element_type3A_160, %cond3A_161 : i32
    scf.if %cond3A_162 {
      %mul3A_177 = arith.constant 80 : i32
      %mul3A_178 = arith.muli %add3A_157, %mul3A_177 : i32
      %mul3A_179 = arith.constant 80 : i32
      %mul3A_180 = arith.muli %add3A_157, %mul3A_179 : i32
      "tpu.region"() ({
        %run_scoped3A = tpu.sem_alloc : memref<!tpu.dma_semaphore, #tpu.memory_space<semaphore_mem>>
        %dma_start3A_181 = arith.constant 0 : i32
        %dma_start3A_182 = tpu.memref_slice %arg6[%arg0, %mul3A_180, %dma_start3A_181] : memref<2x10000x128xf32, #tpu.memory_space<hbm>> -> memref<1x80x128xf32, #tpu.memory_space<hbm>>
        %dma_start3A_183 = tpu.memref_squeeze %dma_start3A_182 : memref<1x80x128xf32, #tpu.memory_space<hbm>> -> memref<80x128xf32, #tpu.memory_space<hbm>>
        %dma_start3A_184 = arith.constant 0 : i32
        %dma_start3A_185 = tpu.memref_slice %arg17[%mul3A_178, %dma_start3A_184] : memref<10000x128xf32, #tpu.memory_space<vmem_shared>> -> memref<80x128xf32, #tpu.memory_space<vmem_shared>>
        tpu.enqueue_dma source(%dma_start3A_185 : memref<80x128xf32, #tpu.memory_space<vmem_shared>>) target(%dma_start3A_183 : memref<80x128xf32, #tpu.memory_space<hbm>>) target_semaphore(%run_scoped3A : memref<!tpu.dma_semaphore, #tpu.memory_space<semaphore_mem>>)
        %dma_wait3A_186 = arith.constant 0 : i32
        %dma_wait3A_187 = tpu.memref_slice %arg6[%arg0, %mul3A_180, %dma_wait3A_186] : memref<2x10000x128xf32, #tpu.memory_space<hbm>> -> memref<1x80x128xf32, #tpu.memory_space<hbm>>
        %dma_wait3A_188 = tpu.memref_squeeze %dma_wait3A_187 : memref<1x80x128xf32, #tpu.memory_space<hbm>> -> memref<80x128xf32, #tpu.memory_space<hbm>>
        %dma_wait3A_189 = arith.constant 0 : i32
        %dma_wait3A_190 = tpu.memref_slice %arg17[%mul3A_178, %dma_wait3A_189] : memref<10000x128xf32, #tpu.memory_space<vmem_shared>> -> memref<80x128xf32, #tpu.memory_space<vmem_shared>>
        tpu.wait_dma2 semaphore(%run_scoped3A : memref<!tpu.dma_semaphore, #tpu.memory_space<semaphore_mem>>) src(%dma_wait3A_190 : memref<80x128xf32, #tpu.memory_space<vmem_shared>>) dst(%dma_wait3A_188 : memref<80x128xf32, #tpu.memory_space<hbm>>)
        tpu.yield
      }) : () -> ()
    } else {
    }
    %add3A_163 = arith.constant 96 : i32
    %add3A_164 = arith.addi %arg1, %add3A_163 : i32
    %lt3A_165 = arith.constant 125 : i32
    %lt3A_166 = arith.cmpi slt, %add3A_164, %lt3A_165 : i32
    %convert_element_type3A_167 = arith.extui %lt3A_166 : i1 to i32
    %cond3A_168 = arith.constant 0 : i32
    %cond3A_169 = arith.cmpi ne, %convert_element_type3A_167, %cond3A_168 : i32
    scf.if %cond3A_169 {
      %mul3A_177 = arith.constant 80 : i32
      %mul3A_178 = arith.muli %add3A_164, %mul3A_177 : i32
      %mul3A_179 = arith.constant 80 : i32
      %mul3A_180 = arith.muli %add3A_164, %mul3A_179 : i32
      "tpu.region"() ({
        %run_scoped3A = tpu.sem_alloc : memref<!tpu.dma_semaphore, #tpu.memory_space<semaphore_mem>>
        %dma_start3A_181 = arith.constant 0 : i32
        %dma_start3A_182 = tpu.memref_slice %arg6[%arg0, %mul3A_180, %dma_start3A_181] : memref<2x10000x128xf32, #tpu.memory_space<hbm>> -> memref<1x80x128xf32, #tpu.memory_space<hbm>>
        %dma_start3A_183 = tpu.memref_squeeze %dma_start3A_182 : memref<1x80x128xf32, #tpu.memory_space<hbm>> -> memref<80x128xf32, #tpu.memory_space<hbm>>
        %dma_start3A_184 = arith.constant 0 : i32
        %dma_start3A_185 = tpu.memref_slice %arg17[%mul3A_178, %dma_start3A_184] : memref<10000x128xf32, #tpu.memory_space<vmem_shared>> -> memref<80x128xf32, #tpu.memory_space<vmem_shared>>
        tpu.enqueue_dma source(%dma_start3A_185 : memref<80x128xf32, #tpu.memory_space<vmem_shared>>) target(%dma_start3A_183 : memref<80x128xf32, #tpu.memory_space<hbm>>) target_semaphore(%run_scoped3A : memref<!tpu.dma_semaphore, #tpu.memory_space<semaphore_mem>>)
        %dma_wait3A_186 = arith.constant 0 : i32
        %dma_wait3A_187 = tpu.memref_slice %arg6[%arg0, %mul3A_180, %dma_wait3A_186] : memref<2x10000x128xf32, #tpu.memory_space<hbm>> -> memref<1x80x128xf32, #tpu.memory_space<hbm>>
        %dma_wait3A_188 = tpu.memref_squeeze %dma_wait3A_187 : memref<1x80x128xf32, #tpu.memory_space<hbm>> -> memref<80x128xf32, #tpu.memory_space<hbm>>
        %dma_wait3A_189 = arith.constant 0 : i32
        %dma_wait3A_190 = tpu.memref_slice %arg17[%mul3A_178, %dma_wait3A_189] : memref<10000x128xf32, #tpu.memory_space<vmem_shared>> -> memref<80x128xf32, #tpu.memory_space<vmem_shared>>
        tpu.wait_dma2 semaphore(%run_scoped3A : memref<!tpu.dma_semaphore, #tpu.memory_space<semaphore_mem>>) src(%dma_wait3A_190 : memref<80x128xf32, #tpu.memory_space<vmem_shared>>) dst(%dma_wait3A_188 : memref<80x128xf32, #tpu.memory_space<hbm>>)
        tpu.yield
      }) : () -> ()
    } else {
    }
    %add3A_170 = arith.constant 112 : i32
    %add3A_171 = arith.addi %arg1, %add3A_170 : i32
    %lt3A_172 = arith.constant 125 : i32
    %lt3A_173 = arith.cmpi slt, %add3A_171, %lt3A_172 : i32
    %convert_element_type3A_174 = arith.extui %lt3A_173 : i1 to i32
    %cond3A_175 = arith.constant 0 : i32
    %cond3A_176 = arith.cmpi ne, %convert_element_type3A_174, %cond3A_175 : i32
    scf.if %cond3A_176 {
      %mul3A_177 = arith.constant 80 : i32
      %mul3A_178 = arith.muli %add3A_171, %mul3A_177 : i32
      %mul3A_179 = arith.constant 80 : i32
      %mul3A_180 = arith.muli %add3A_171, %mul3A_179 : i32
      "tpu.region"() ({
        %run_scoped3A = tpu.sem_alloc : memref<!tpu.dma_semaphore, #tpu.memory_space<semaphore_mem>>
        %dma_start3A_181 = arith.constant 0 : i32
        %dma_start3A_182 = tpu.memref_slice %arg6[%arg0, %mul3A_180, %dma_start3A_181] : memref<2x10000x128xf32, #tpu.memory_space<hbm>> -> memref<1x80x128xf32, #tpu.memory_space<hbm>>
        %dma_start3A_183 = tpu.memref_squeeze %dma_start3A_182 : memref<1x80x128xf32, #tpu.memory_space<hbm>> -> memref<80x128xf32, #tpu.memory_space<hbm>>
        %dma_start3A_184 = arith.constant 0 : i32
        %dma_start3A_185 = tpu.memref_slice %arg17[%mul3A_178, %dma_start3A_184] : memref<10000x128xf32, #tpu.memory_space<vmem_shared>> -> memref<80x128xf32, #tpu.memory_space<vmem_shared>>
        tpu.enqueue_dma source(%dma_start3A_185 : memref<80x128xf32, #tpu.memory_space<vmem_shared>>) target(%dma_start3A_183 : memref<80x128xf32, #tpu.memory_space<hbm>>) target_semaphore(%run_scoped3A : memref<!tpu.dma_semaphore, #tpu.memory_space<semaphore_mem>>)
        %dma_wait3A_186 = arith.constant 0 : i32
        %dma_wait3A_187 = tpu.memref_slice %arg6[%arg0, %mul3A_180, %dma_wait3A_186] : memref<2x10000x128xf32, #tpu.memory_space<hbm>> -> memref<1x80x128xf32, #tpu.memory_space<hbm>>
        %dma_wait3A_188 = tpu.memref_squeeze %dma_wait3A_187 : memref<1x80x128xf32, #tpu.memory_space<hbm>> -> memref<80x128xf32, #tpu.memory_space<hbm>>
        %dma_wait3A_189 = arith.constant 0 : i32
        %dma_wait3A_190 = tpu.memref_slice %arg17[%mul3A_178, %dma_wait3A_189] : memref<10000x128xf32, #tpu.memory_space<vmem_shared>> -> memref<80x128xf32, #tpu.memory_space<vmem_shared>>
        tpu.wait_dma2 semaphore(%run_scoped3A : memref<!tpu.dma_semaphore, #tpu.memory_space<semaphore_mem>>) src(%dma_wait3A_190 : memref<80x128xf32, #tpu.memory_space<vmem_shared>>) dst(%dma_wait3A_188 : memref<80x128xf32, #tpu.memory_space<hbm>>)
        tpu.yield
      }) : () -> ()
    } else {
    }
    return
  }
}

#map = affine_map<(d0, d1) -> (0, 0)>
#map1 = affine_map<(d0, d1) -> (0)>
#map2 = affine_map<(d0, d1) -> (0, 0, 0)>
module attributes {stable_mosaic.version = 14 : i64} {
  func.func @agg(%arg0: i32, %arg1: i32, %arg2: memref<10000x128xf32, #tpu.memory_space<hbm>>, %arg3: memref<320000xi32, #tpu.memory_space<hbm>>, %arg4: memref<320000xi32, #tpu.memory_space<hbm>>, %arg5: memref<320000xf32, #tpu.memory_space<hbm>>, %arg6: memref<2x10000x128xf32, #tpu.memory_space<hbm>>, %arg7: memref<80xi32, #tpu.memory_space<vmem>>, %arg8: memref<80xi32, #tpu.memory_space<vmem>>, %arg9: memref<80xi32, #tpu.memory_space<vmem>>, %arg10: memref<80xi32, #tpu.memory_space<vmem>>, %arg11: memref<80xi32, #tpu.memory_space<vmem>>, %arg12: memref<80xi32, #tpu.memory_space<vmem>>, %arg13: memref<80xf32, #tpu.memory_space<vmem>>, %arg14: memref<80xf32, #tpu.memory_space<vmem>>, %arg15: memref<80x128xf32, #tpu.memory_space<vmem>>, %arg16: memref<80x128xf32, #tpu.memory_space<vmem>>, %arg17: memref<10000x128xf32, #tpu.memory_space<vmem_shared>>, %arg18: memref<!tpu.dma_semaphore, #tpu.memory_space<semaphore_mem>>, %arg19: memref<!tpu.dma_semaphore, #tpu.memory_space<semaphore_mem>>, %arg20: memref<!tpu.dma_semaphore, #tpu.memory_space<semaphore_mem>>, %arg21: memref<!tpu.dma_semaphore, #tpu.memory_space<semaphore_mem>>) attributes {dimension_semantics = [#tpu.dimension_semantics<core_parallel>, #tpu.dimension_semantics<subcore_parallel>], iteration_bounds = array<i64: 2, 16>, scalar_prefetch = 0 : i64, scratch_operands = 15 : i64, tpu.core_type = #tpu.core_type<sc_vector_subcore>, window_params = [{transform_indices = #map}, {transform_indices = #map1}, {transform_indices = #map1}, {transform_indices = #map1}, {transform_indices = #map2}]} {
    %mul3A = arith.constant 16 : i32
    %mul3A_0 = arith.muli %arg0, %mul3A : i32
    %add3A = arith.addi %mul3A_0, %arg1 : i32
    %mul3A_1 = arith.constant 10000 : i32
    %mul3A_2 = arith.muli %add3A, %mul3A_1 : i32
    %broadcast_in_dim3A = arith.constant 0.000000e+00 : f32
    %broadcast_in_dim3A_3 = vector.broadcast %broadcast_in_dim3A : f32 to vector<16xf32>
    %scan3A = arith.constant 0 : i32
    %scan3A_4 = arith.constant 0 : i32
    %scan3A_5 = arith.constant 80 : i32
    %scan3A_6 = arith.addi %scan3A_4, %scan3A_5 : i32
    %scan3A_7 = arith.constant 1 : i32
    scf.for %scan3A_177 = %scan3A_4 to %scan3A_6 step %scan3A_7  : i32 {
      %swap3A_178 = arith.index_cast %scan3A_177 : i32 to index
      %swap3A_179 = arith.constant 0 : index
      %swap3A_180 = tpu.vector_load %arg15[%swap3A_178, %swap3A_179] {strides = array<i32>} : memref<80x128xf32, #tpu.memory_space<vmem>>, vector<16xf32>,
      tpu.vector_store %arg15[%swap3A_178, %swap3A_179], %broadcast_in_dim3A_3 {strides = array<i32>} : memref<80x128xf32, #tpu.memory_space<vmem>>, vector<16xf32>,
      %swap3A_181 = arith.index_cast %scan3A_177 : i32 to index
      %swap3A_182 = arith.constant 16 : index
      %swap3A_183 = tpu.vector_load %arg15[%swap3A_181, %swap3A_182] {strides = array<i32>} : memref<80x128xf32, #tpu.memory_space<vmem>>, vector<16xf32>,
      tpu.vector_store %arg15[%swap3A_181, %swap3A_182], %broadcast_in_dim3A_3 {strides = array<i32>} : memref<80x128xf32, #tpu.memory_space<vmem>>, vector<16xf32>,
      %swap3A_184 = arith.index_cast %scan3A_177 : i32 to index
      %swap3A_185 = arith.constant 32 : index
      %swap3A_186 = tpu.vector_load %arg15[%swap3A_184, %swap3A_185] {strides = array<i32>} : memref<80x128xf32, #tpu.memory_space<vmem>>, vector<16xf32>,
      tpu.vector_store %arg15[%swap3A_184, %swap3A_185], %broadcast_in_dim3A_3 {strides = array<i32>} : memref<80x128xf32, #tpu.memory_space<vmem>>, vector<16xf32>,
      %swap3A_187 = arith.index_cast %scan3A_177 : i32 to index
      %swap3A_188 = arith.constant 48 : index
      %swap3A_189 = tpu.vector_load %arg15[%swap3A_187, %swap3A_188] {strides = array<i32>} : memref<80x128xf32, #tpu.memory_space<vmem>>, vector<16xf32>,
      tpu.vector_store %arg15[%swap3A_187, %swap3A_188], %broadcast_in_dim3A_3 {strides = array<i32>} : memref<80x128xf32, #tpu.memory_space<vmem>>, vector<16xf32>,
      %swap3A_190 = arith.index_cast %scan3A_177 : i32 to index
      %swap3A_191 = arith.constant 64 : index
      %swap3A_192 = tpu.vector_load %arg15[%swap3A_190, %swap3A_191] {strides = array<i32>} : memref<80x128xf32, #tpu.memory_space<vmem>>, vector<16xf32>,
      tpu.vector_store %arg15[%swap3A_190, %swap3A_191], %broadcast_in_dim3A_3 {strides = array<i32>} : memref<80x128xf32, #tpu.memory_space<vmem>>, vector<16xf32>,
      %swap3A_193 = arith.index_cast %scan3A_177 : i32 to index
      %swap3A_194 = arith.constant 80 : index
      %swap3A_195 = tpu.vector_load %arg15[%swap3A_193, %swap3A_194] {strides = array<i32>} : memref<80x128xf32, #tpu.memory_space<vmem>>, vector<16xf32>,
      tpu.vector_store %arg15[%swap3A_193, %swap3A_194], %broadcast_in_dim3A_3 {strides = array<i32>} : memref<80x128xf32, #tpu.memory_space<vmem>>, vector<16xf32>,
      %swap3A_196 = arith.index_cast %scan3A_177 : i32 to index
      %swap3A_197 = arith.constant 96 : index
      %swap3A_198 = tpu.vector_load %arg15[%swap3A_196, %swap3A_197] {strides = array<i32>} : memref<80x128xf32, #tpu.memory_space<vmem>>, vector<16xf32>,
      tpu.vector_store %arg15[%swap3A_196, %swap3A_197], %broadcast_in_dim3A_3 {strides = array<i32>} : memref<80x128xf32, #tpu.memory_space<vmem>>, vector<16xf32>,
      %swap3A_199 = arith.index_cast %scan3A_177 : i32 to index
      %swap3A_200 = arith.constant 112 : index
      %swap3A_201 = tpu.vector_load %arg15[%swap3A_199, %swap3A_200] {strides = array<i32>} : memref<80x128xf32, #tpu.memory_space<vmem>>, vector<16xf32>,
      tpu.vector_store %arg15[%swap3A_199, %swap3A_200], %broadcast_in_dim3A_3 {strides = array<i32>} : memref<80x128xf32, #tpu.memory_space<vmem>>, vector<16xf32>,
    }
    %scan3A_8 = arith.constant 80 : i32
    %add3A_9 = arith.constant 0 : i32
    %add3A_10 = arith.addi %arg1, %add3A_9 : i32
    %lt3A = arith.constant 125 : i32
    %lt3A_11 = arith.cmpi slt, %add3A_10, %lt3A : i32
    %convert_element_type3A = arith.extui %lt3A_11 : i1 to i32
    %cond3A = arith.constant 0 : i32
    %cond3A_12 = arith.cmpi ne, %convert_element_type3A, %cond3A : i32
    scf.if %cond3A_12 {
      %mul3A_177 = arith.constant 80 : i32
      %mul3A_178 = arith.muli %add3A_10, %mul3A_177 : i32
      "tpu.region"() ({
        %run_scoped3A = tpu.sem_alloc : memref<!tpu.dma_semaphore, #tpu.memory_space<semaphore_mem>>
        %dma_start3A_179 = arith.constant 0 : i32
        %dma_start3A_180 = arith.constant 0 : i32
        %dma_start3A_181 = tpu.memref_slice %arg15[%dma_start3A_179, %dma_start3A_180] : memref<80x128xf32, #tpu.memory_space<vmem>> -> memref<80x128xf32, #tpu.memory_space<vmem>>
        %dma_start3A_182 = arith.constant 0 : i32
        %dma_start3A_183 = tpu.memref_slice %arg17[%mul3A_178, %dma_start3A_182] : memref<10000x128xf32, #tpu.memory_space<vmem_shared>> -> memref<80x128xf32, #tpu.memory_space<vmem_shared>>
        %dma_start3A_184 = arith.constant 0 : i32
        %dma_start3A_185 = tpu.memref_slice %arg17[%mul3A_178, %dma_start3A_184] : memref<10000x128xf32, #tpu.memory_space<vmem_shared>> -> memref<80x128xf32, #tpu.memory_space<vmem_shared>>
        %dma_start3A_186 = arith.constant 0 : i32
        %dma_start3A_187 = arith.constant 0 : i32
        %dma_start3A_188 = tpu.memref_slice %arg15[%dma_start3A_186, %dma_start3A_187] : memref<80x128xf32, #tpu.memory_space<vmem>> -> memref<80x128xf32, #tpu.memory_space<vmem>>
        tpu.enqueue_dma source(%dma_start3A_188 : memref<80x128xf32, #tpu.memory_space<vmem>>) target(%dma_start3A_185 : memref<80x128xf32, #tpu.memory_space<vmem_shared>>) target_semaphore(%run_scoped3A : memref<!tpu.dma_semaphore, #tpu.memory_space<semaphore_mem>>)
        %dma_wait3A_189 = arith.constant 0 : i32
        %dma_wait3A_190 = arith.constant 0 : i32
        %dma_wait3A_191 = tpu.memref_slice %arg15[%dma_wait3A_189, %dma_wait3A_190] : memref<80x128xf32, #tpu.memory_space<vmem>> -> memref<80x128xf32, #tpu.memory_space<vmem>>
        %dma_wait3A_192 = arith.constant 0 : i32
        %dma_wait3A_193 = tpu.memref_slice %arg17[%mul3A_178, %dma_wait3A_192] : memref<10000x128xf32, #tpu.memory_space<vmem_shared>> -> memref<80x128xf32, #tpu.memory_space<vmem_shared>>
        %dma_wait3A_194 = arith.constant 0 : i32
        %dma_wait3A_195 = tpu.memref_slice %arg17[%mul3A_178, %dma_wait3A_194] : memref<10000x128xf32, #tpu.memory_space<vmem_shared>> -> memref<80x128xf32, #tpu.memory_space<vmem_shared>>
        %dma_wait3A_196 = arith.constant 0 : i32
        %dma_wait3A_197 = arith.constant 0 : i32
        %dma_wait3A_198 = tpu.memref_slice %arg15[%dma_wait3A_196, %dma_wait3A_197] : memref<80x128xf32, #tpu.memory_space<vmem>> -> memref<80x128xf32, #tpu.memory_space<vmem>>
        tpu.wait_dma2 semaphore(%run_scoped3A : memref<!tpu.dma_semaphore, #tpu.memory_space<semaphore_mem>>) src(%dma_wait3A_198 : memref<80x128xf32, #tpu.memory_space<vmem>>) dst(%dma_wait3A_195 : memref<80x128xf32, #tpu.memory_space<vmem_shared>>)
        tpu.yield
      }) : () -> ()
    } else {
    }
    %add3A_13 = arith.constant 16 : i32
    %add3A_14 = arith.addi %arg1, %add3A_13 : i32
    %lt3A_15 = arith.constant 125 : i32
    %lt3A_16 = arith.cmpi slt, %add3A_14, %lt3A_15 : i32
    %convert_element_type3A_17 = arith.extui %lt3A_16 : i1 to i32
    %cond3A_18 = arith.constant 0 : i32
    %cond3A_19 = arith.cmpi ne, %convert_element_type3A_17, %cond3A_18 : i32
    scf.if %cond3A_19 {
      %mul3A_177 = arith.constant 80 : i32
      %mul3A_178 = arith.muli %add3A_14, %mul3A_177 : i32
      "tpu.region"() ({
        %run_scoped3A = tpu.sem_alloc : memref<!tpu.dma_semaphore, #tpu.memory_space<semaphore_mem>>
        %dma_start3A_179 = arith.constant 0 : i32
        %dma_start3A_180 = arith.constant 0 : i32
        %dma_start3A_181 = tpu.memref_slice %arg15[%dma_start3A_179, %dma_start3A_180] : memref<80x128xf32, #tpu.memory_space<vmem>> -> memref<80x128xf32, #tpu.memory_space<vmem>>
        %dma_start3A_182 = arith.constant 0 : i32
        %dma_start3A_183 = tpu.memref_slice %arg17[%mul3A_178, %dma_start3A_182] : memref<10000x128xf32, #tpu.memory_space<vmem_shared>> -> memref<80x128xf32, #tpu.memory_space<vmem_shared>>
        %dma_start3A_184 = arith.constant 0 : i32
        %dma_start3A_185 = tpu.memref_slice %arg17[%mul3A_178, %dma_start3A_184] : memref<10000x128xf32, #tpu.memory_space<vmem_shared>> -> memref<80x128xf32, #tpu.memory_space<vmem_shared>>
        %dma_start3A_186 = arith.constant 0 : i32
        %dma_start3A_187 = arith.constant 0 : i32
        %dma_start3A_188 = tpu.memref_slice %arg15[%dma_start3A_186, %dma_start3A_187] : memref<80x128xf32, #tpu.memory_space<vmem>> -> memref<80x128xf32, #tpu.memory_space<vmem>>
        tpu.enqueue_dma source(%dma_start3A_188 : memref<80x128xf32, #tpu.memory_space<vmem>>) target(%dma_start3A_185 : memref<80x128xf32, #tpu.memory_space<vmem_shared>>) target_semaphore(%run_scoped3A : memref<!tpu.dma_semaphore, #tpu.memory_space<semaphore_mem>>)
        %dma_wait3A_189 = arith.constant 0 : i32
        %dma_wait3A_190 = arith.constant 0 : i32
        %dma_wait3A_191 = tpu.memref_slice %arg15[%dma_wait3A_189, %dma_wait3A_190] : memref<80x128xf32, #tpu.memory_space<vmem>> -> memref<80x128xf32, #tpu.memory_space<vmem>>
        %dma_wait3A_192 = arith.constant 0 : i32
        %dma_wait3A_193 = tpu.memref_slice %arg17[%mul3A_178, %dma_wait3A_192] : memref<10000x128xf32, #tpu.memory_space<vmem_shared>> -> memref<80x128xf32, #tpu.memory_space<vmem_shared>>
        %dma_wait3A_194 = arith.constant 0 : i32
        %dma_wait3A_195 = tpu.memref_slice %arg17[%mul3A_178, %dma_wait3A_194] : memref<10000x128xf32, #tpu.memory_space<vmem_shared>> -> memref<80x128xf32, #tpu.memory_space<vmem_shared>>
        %dma_wait3A_196 = arith.constant 0 : i32
        %dma_wait3A_197 = arith.constant 0 : i32
        %dma_wait3A_198 = tpu.memref_slice %arg15[%dma_wait3A_196, %dma_wait3A_197] : memref<80x128xf32, #tpu.memory_space<vmem>> -> memref<80x128xf32, #tpu.memory_space<vmem>>
        tpu.wait_dma2 semaphore(%run_scoped3A : memref<!tpu.dma_semaphore, #tpu.memory_space<semaphore_mem>>) src(%dma_wait3A_198 : memref<80x128xf32, #tpu.memory_space<vmem>>) dst(%dma_wait3A_195 : memref<80x128xf32, #tpu.memory_space<vmem_shared>>)
        tpu.yield
      }) : () -> ()
    } else {
    }
    %add3A_20 = arith.constant 32 : i32
    %add3A_21 = arith.addi %arg1, %add3A_20 : i32
    %lt3A_22 = arith.constant 125 : i32
    %lt3A_23 = arith.cmpi slt, %add3A_21, %lt3A_22 : i32
    %convert_element_type3A_24 = arith.extui %lt3A_23 : i1 to i32
    %cond3A_25 = arith.constant 0 : i32
    %cond3A_26 = arith.cmpi ne, %convert_element_type3A_24, %cond3A_25 : i32
    scf.if %cond3A_26 {
      %mul3A_177 = arith.constant 80 : i32
      %mul3A_178 = arith.muli %add3A_21, %mul3A_177 : i32
      "tpu.region"() ({
        %run_scoped3A = tpu.sem_alloc : memref<!tpu.dma_semaphore, #tpu.memory_space<semaphore_mem>>
        %dma_start3A_179 = arith.constant 0 : i32
        %dma_start3A_180 = arith.constant 0 : i32
        %dma_start3A_181 = tpu.memref_slice %arg15[%dma_start3A_179, %dma_start3A_180] : memref<80x128xf32, #tpu.memory_space<vmem>> -> memref<80x128xf32, #tpu.memory_space<vmem>>
        %dma_start3A_182 = arith.constant 0 : i32
        %dma_start3A_183 = tpu.memref_slice %arg17[%mul3A_178, %dma_start3A_182] : memref<10000x128xf32, #tpu.memory_space<vmem_shared>> -> memref<80x128xf32, #tpu.memory_space<vmem_shared>>
        %dma_start3A_184 = arith.constant 0 : i32
        %dma_start3A_185 = tpu.memref_slice %arg17[%mul3A_178, %dma_start3A_184] : memref<10000x128xf32, #tpu.memory_space<vmem_shared>> -> memref<80x128xf32, #tpu.memory_space<vmem_shared>>
        %dma_start3A_186 = arith.constant 0 : i32
        %dma_start3A_187 = arith.constant 0 : i32
        %dma_start3A_188 = tpu.memref_slice %arg15[%dma_start3A_186, %dma_start3A_187] : memref<80x128xf32, #tpu.memory_space<vmem>> -> memref<80x128xf32, #tpu.memory_space<vmem>>
        tpu.enqueue_dma source(%dma_start3A_188 : memref<80x128xf32, #tpu.memory_space<vmem>>) target(%dma_start3A_185 : memref<80x128xf32, #tpu.memory_space<vmem_shared>>) target_semaphore(%run_scoped3A : memref<!tpu.dma_semaphore, #tpu.memory_space<semaphore_mem>>)
        %dma_wait3A_189 = arith.constant 0 : i32
        %dma_wait3A_190 = arith.constant 0 : i32
        %dma_wait3A_191 = tpu.memref_slice %arg15[%dma_wait3A_189, %dma_wait3A_190] : memref<80x128xf32, #tpu.memory_space<vmem>> -> memref<80x128xf32, #tpu.memory_space<vmem>>
        %dma_wait3A_192 = arith.constant 0 : i32
        %dma_wait3A_193 = tpu.memref_slice %arg17[%mul3A_178, %dma_wait3A_192] : memref<10000x128xf32, #tpu.memory_space<vmem_shared>> -> memref<80x128xf32, #tpu.memory_space<vmem_shared>>
        %dma_wait3A_194 = arith.constant 0 : i32
        %dma_wait3A_195 = tpu.memref_slice %arg17[%mul3A_178, %dma_wait3A_194] : memref<10000x128xf32, #tpu.memory_space<vmem_shared>> -> memref<80x128xf32, #tpu.memory_space<vmem_shared>>
        %dma_wait3A_196 = arith.constant 0 : i32
        %dma_wait3A_197 = arith.constant 0 : i32
        %dma_wait3A_198 = tpu.memref_slice %arg15[%dma_wait3A_196, %dma_wait3A_197] : memref<80x128xf32, #tpu.memory_space<vmem>> -> memref<80x128xf32, #tpu.memory_space<vmem>>
        tpu.wait_dma2 semaphore(%run_scoped3A : memref<!tpu.dma_semaphore, #tpu.memory_space<semaphore_mem>>) src(%dma_wait3A_198 : memref<80x128xf32, #tpu.memory_space<vmem>>) dst(%dma_wait3A_195 : memref<80x128xf32, #tpu.memory_space<vmem_shared>>)
        tpu.yield
      }) : () -> ()
    } else {
    }
    %add3A_27 = arith.constant 48 : i32
    %add3A_28 = arith.addi %arg1, %add3A_27 : i32
    %lt3A_29 = arith.constant 125 : i32
    %lt3A_30 = arith.cmpi slt, %add3A_28, %lt3A_29 : i32
    %convert_element_type3A_31 = arith.extui %lt3A_30 : i1 to i32
    %cond3A_32 = arith.constant 0 : i32
    %cond3A_33 = arith.cmpi ne, %convert_element_type3A_31, %cond3A_32 : i32
    scf.if %cond3A_33 {
      %mul3A_177 = arith.constant 80 : i32
      %mul3A_178 = arith.muli %add3A_28, %mul3A_177 : i32
      "tpu.region"() ({
        %run_scoped3A = tpu.sem_alloc : memref<!tpu.dma_semaphore, #tpu.memory_space<semaphore_mem>>
        %dma_start3A_179 = arith.constant 0 : i32
        %dma_start3A_180 = arith.constant 0 : i32
        %dma_start3A_181 = tpu.memref_slice %arg15[%dma_start3A_179, %dma_start3A_180] : memref<80x128xf32, #tpu.memory_space<vmem>> -> memref<80x128xf32, #tpu.memory_space<vmem>>
        %dma_start3A_182 = arith.constant 0 : i32
        %dma_start3A_183 = tpu.memref_slice %arg17[%mul3A_178, %dma_start3A_182] : memref<10000x128xf32, #tpu.memory_space<vmem_shared>> -> memref<80x128xf32, #tpu.memory_space<vmem_shared>>
        %dma_start3A_184 = arith.constant 0 : i32
        %dma_start3A_185 = tpu.memref_slice %arg17[%mul3A_178, %dma_start3A_184] : memref<10000x128xf32, #tpu.memory_space<vmem_shared>> -> memref<80x128xf32, #tpu.memory_space<vmem_shared>>
        %dma_start3A_186 = arith.constant 0 : i32
        %dma_start3A_187 = arith.constant 0 : i32
        %dma_start3A_188 = tpu.memref_slice %arg15[%dma_start3A_186, %dma_start3A_187] : memref<80x128xf32, #tpu.memory_space<vmem>> -> memref<80x128xf32, #tpu.memory_space<vmem>>
        tpu.enqueue_dma source(%dma_start3A_188 : memref<80x128xf32, #tpu.memory_space<vmem>>) target(%dma_start3A_185 : memref<80x128xf32, #tpu.memory_space<vmem_shared>>) target_semaphore(%run_scoped3A : memref<!tpu.dma_semaphore, #tpu.memory_space<semaphore_mem>>)
        %dma_wait3A_189 = arith.constant 0 : i32
        %dma_wait3A_190 = arith.constant 0 : i32
        %dma_wait3A_191 = tpu.memref_slice %arg15[%dma_wait3A_189, %dma_wait3A_190] : memref<80x128xf32, #tpu.memory_space<vmem>> -> memref<80x128xf32, #tpu.memory_space<vmem>>
        %dma_wait3A_192 = arith.constant 0 : i32
        %dma_wait3A_193 = tpu.memref_slice %arg17[%mul3A_178, %dma_wait3A_192] : memref<10000x128xf32, #tpu.memory_space<vmem_shared>> -> memref<80x128xf32, #tpu.memory_space<vmem_shared>>
        %dma_wait3A_194 = arith.constant 0 : i32
        %dma_wait3A_195 = tpu.memref_slice %arg17[%mul3A_178, %dma_wait3A_194] : memref<10000x128xf32, #tpu.memory_space<vmem_shared>> -> memref<80x128xf32, #tpu.memory_space<vmem_shared>>
        %dma_wait3A_196 = arith.constant 0 : i32
        %dma_wait3A_197 = arith.constant 0 : i32
        %dma_wait3A_198 = tpu.memref_slice %arg15[%dma_wait3A_196, %dma_wait3A_197] : memref<80x128xf32, #tpu.memory_space<vmem>> -> memref<80x128xf32, #tpu.memory_space<vmem>>
        tpu.wait_dma2 semaphore(%run_scoped3A : memref<!tpu.dma_semaphore, #tpu.memory_space<semaphore_mem>>) src(%dma_wait3A_198 : memref<80x128xf32, #tpu.memory_space<vmem>>) dst(%dma_wait3A_195 : memref<80x128xf32, #tpu.memory_space<vmem_shared>>)
        tpu.yield
      }) : () -> ()
    } else {
    }
    %add3A_34 = arith.constant 64 : i32
    %add3A_35 = arith.addi %arg1, %add3A_34 : i32
    %lt3A_36 = arith.constant 125 : i32
    %lt3A_37 = arith.cmpi slt, %add3A_35, %lt3A_36 : i32
    %convert_element_type3A_38 = arith.extui %lt3A_37 : i1 to i32
    %cond3A_39 = arith.constant 0 : i32
    %cond3A_40 = arith.cmpi ne, %convert_element_type3A_38, %cond3A_39 : i32
    scf.if %cond3A_40 {
      %mul3A_177 = arith.constant 80 : i32
      %mul3A_178 = arith.muli %add3A_35, %mul3A_177 : i32
      "tpu.region"() ({
        %run_scoped3A = tpu.sem_alloc : memref<!tpu.dma_semaphore, #tpu.memory_space<semaphore_mem>>
        %dma_start3A_179 = arith.constant 0 : i32
        %dma_start3A_180 = arith.constant 0 : i32
        %dma_start3A_181 = tpu.memref_slice %arg15[%dma_start3A_179, %dma_start3A_180] : memref<80x128xf32, #tpu.memory_space<vmem>> -> memref<80x128xf32, #tpu.memory_space<vmem>>
        %dma_start3A_182 = arith.constant 0 : i32
        %dma_start3A_183 = tpu.memref_slice %arg17[%mul3A_178, %dma_start3A_182] : memref<10000x128xf32, #tpu.memory_space<vmem_shared>> -> memref<80x128xf32, #tpu.memory_space<vmem_shared>>
        %dma_start3A_184 = arith.constant 0 : i32
        %dma_start3A_185 = tpu.memref_slice %arg17[%mul3A_178, %dma_start3A_184] : memref<10000x128xf32, #tpu.memory_space<vmem_shared>> -> memref<80x128xf32, #tpu.memory_space<vmem_shared>>
        %dma_start3A_186 = arith.constant 0 : i32
        %dma_start3A_187 = arith.constant 0 : i32
        %dma_start3A_188 = tpu.memref_slice %arg15[%dma_start3A_186, %dma_start3A_187] : memref<80x128xf32, #tpu.memory_space<vmem>> -> memref<80x128xf32, #tpu.memory_space<vmem>>
        tpu.enqueue_dma source(%dma_start3A_188 : memref<80x128xf32, #tpu.memory_space<vmem>>) target(%dma_start3A_185 : memref<80x128xf32, #tpu.memory_space<vmem_shared>>) target_semaphore(%run_scoped3A : memref<!tpu.dma_semaphore, #tpu.memory_space<semaphore_mem>>)
        %dma_wait3A_189 = arith.constant 0 : i32
        %dma_wait3A_190 = arith.constant 0 : i32
        %dma_wait3A_191 = tpu.memref_slice %arg15[%dma_wait3A_189, %dma_wait3A_190] : memref<80x128xf32, #tpu.memory_space<vmem>> -> memref<80x128xf32, #tpu.memory_space<vmem>>
        %dma_wait3A_192 = arith.constant 0 : i32
        %dma_wait3A_193 = tpu.memref_slice %arg17[%mul3A_178, %dma_wait3A_192] : memref<10000x128xf32, #tpu.memory_space<vmem_shared>> -> memref<80x128xf32, #tpu.memory_space<vmem_shared>>
        %dma_wait3A_194 = arith.constant 0 : i32
        %dma_wait3A_195 = tpu.memref_slice %arg17[%mul3A_178, %dma_wait3A_194] : memref<10000x128xf32, #tpu.memory_space<vmem_shared>> -> memref<80x128xf32, #tpu.memory_space<vmem_shared>>
        %dma_wait3A_196 = arith.constant 0 : i32
        %dma_wait3A_197 = arith.constant 0 : i32
        %dma_wait3A_198 = tpu.memref_slice %arg15[%dma_wait3A_196, %dma_wait3A_197] : memref<80x128xf32, #tpu.memory_space<vmem>> -> memref<80x128xf32, #tpu.memory_space<vmem>>
        tpu.wait_dma2 semaphore(%run_scoped3A : memref<!tpu.dma_semaphore, #tpu.memory_space<semaphore_mem>>) src(%dma_wait3A_198 : memref<80x128xf32, #tpu.memory_space<vmem>>) dst(%dma_wait3A_195 : memref<80x128xf32, #tpu.memory_space<vmem_shared>>)
        tpu.yield
      }) : () -> ()
    } else {
    }
    %add3A_41 = arith.constant 80 : i32
    %add3A_42 = arith.addi %arg1, %add3A_41 : i32
    %lt3A_43 = arith.constant 125 : i32
    %lt3A_44 = arith.cmpi slt, %add3A_42, %lt3A_43 : i32
    %convert_element_type3A_45 = arith.extui %lt3A_44 : i1 to i32
    %cond3A_46 = arith.constant 0 : i32
    %cond3A_47 = arith.cmpi ne, %convert_element_type3A_45, %cond3A_46 : i32
    scf.if %cond3A_47 {
      %mul3A_177 = arith.constant 80 : i32
      %mul3A_178 = arith.muli %add3A_42, %mul3A_177 : i32
      "tpu.region"() ({
        %run_scoped3A = tpu.sem_alloc : memref<!tpu.dma_semaphore, #tpu.memory_space<semaphore_mem>>
        %dma_start3A_179 = arith.constant 0 : i32
        %dma_start3A_180 = arith.constant 0 : i32
        %dma_start3A_181 = tpu.memref_slice %arg15[%dma_start3A_179, %dma_start3A_180] : memref<80x128xf32, #tpu.memory_space<vmem>> -> memref<80x128xf32, #tpu.memory_space<vmem>>
        %dma_start3A_182 = arith.constant 0 : i32
        %dma_start3A_183 = tpu.memref_slice %arg17[%mul3A_178, %dma_start3A_182] : memref<10000x128xf32, #tpu.memory_space<vmem_shared>> -> memref<80x128xf32, #tpu.memory_space<vmem_shared>>
        %dma_start3A_184 = arith.constant 0 : i32
        %dma_start3A_185 = tpu.memref_slice %arg17[%mul3A_178, %dma_start3A_184] : memref<10000x128xf32, #tpu.memory_space<vmem_shared>> -> memref<80x128xf32, #tpu.memory_space<vmem_shared>>
        %dma_start3A_186 = arith.constant 0 : i32
        %dma_start3A_187 = arith.constant 0 : i32
        %dma_start3A_188 = tpu.memref_slice %arg15[%dma_start3A_186, %dma_start3A_187] : memref<80x128xf32, #tpu.memory_space<vmem>> -> memref<80x128xf32, #tpu.memory_space<vmem>>
        tpu.enqueue_dma source(%dma_start3A_188 : memref<80x128xf32, #tpu.memory_space<vmem>>) target(%dma_start3A_185 : memref<80x128xf32, #tpu.memory_space<vmem_shared>>) target_semaphore(%run_scoped3A : memref<!tpu.dma_semaphore, #tpu.memory_space<semaphore_mem>>)
        %dma_wait3A_189 = arith.constant 0 : i32
        %dma_wait3A_190 = arith.constant 0 : i32
        %dma_wait3A_191 = tpu.memref_slice %arg15[%dma_wait3A_189, %dma_wait3A_190] : memref<80x128xf32, #tpu.memory_space<vmem>> -> memref<80x128xf32, #tpu.memory_space<vmem>>
        %dma_wait3A_192 = arith.constant 0 : i32
        %dma_wait3A_193 = tpu.memref_slice %arg17[%mul3A_178, %dma_wait3A_192] : memref<10000x128xf32, #tpu.memory_space<vmem_shared>> -> memref<80x128xf32, #tpu.memory_space<vmem_shared>>
        %dma_wait3A_194 = arith.constant 0 : i32
        %dma_wait3A_195 = tpu.memref_slice %arg17[%mul3A_178, %dma_wait3A_194] : memref<10000x128xf32, #tpu.memory_space<vmem_shared>> -> memref<80x128xf32, #tpu.memory_space<vmem_shared>>
        %dma_wait3A_196 = arith.constant 0 : i32
        %dma_wait3A_197 = arith.constant 0 : i32
        %dma_wait3A_198 = tpu.memref_slice %arg15[%dma_wait3A_196, %dma_wait3A_197] : memref<80x128xf32, #tpu.memory_space<vmem>> -> memref<80x128xf32, #tpu.memory_space<vmem>>
        tpu.wait_dma2 semaphore(%run_scoped3A : memref<!tpu.dma_semaphore, #tpu.memory_space<semaphore_mem>>) src(%dma_wait3A_198 : memref<80x128xf32, #tpu.memory_space<vmem>>) dst(%dma_wait3A_195 : memref<80x128xf32, #tpu.memory_space<vmem_shared>>)
        tpu.yield
      }) : () -> ()
    } else {
    }
    %add3A_48 = arith.constant 96 : i32
    %add3A_49 = arith.addi %arg1, %add3A_48 : i32
    %lt3A_50 = arith.constant 125 : i32
    %lt3A_51 = arith.cmpi slt, %add3A_49, %lt3A_50 : i32
    %convert_element_type3A_52 = arith.extui %lt3A_51 : i1 to i32
    %cond3A_53 = arith.constant 0 : i32
    %cond3A_54 = arith.cmpi ne, %convert_element_type3A_52, %cond3A_53 : i32
    scf.if %cond3A_54 {
      %mul3A_177 = arith.constant 80 : i32
      %mul3A_178 = arith.muli %add3A_49, %mul3A_177 : i32
      "tpu.region"() ({
        %run_scoped3A = tpu.sem_alloc : memref<!tpu.dma_semaphore, #tpu.memory_space<semaphore_mem>>
        %dma_start3A_179 = arith.constant 0 : i32
        %dma_start3A_180 = arith.constant 0 : i32
        %dma_start3A_181 = tpu.memref_slice %arg15[%dma_start3A_179, %dma_start3A_180] : memref<80x128xf32, #tpu.memory_space<vmem>> -> memref<80x128xf32, #tpu.memory_space<vmem>>
        %dma_start3A_182 = arith.constant 0 : i32
        %dma_start3A_183 = tpu.memref_slice %arg17[%mul3A_178, %dma_start3A_182] : memref<10000x128xf32, #tpu.memory_space<vmem_shared>> -> memref<80x128xf32, #tpu.memory_space<vmem_shared>>
        %dma_start3A_184 = arith.constant 0 : i32
        %dma_start3A_185 = tpu.memref_slice %arg17[%mul3A_178, %dma_start3A_184] : memref<10000x128xf32, #tpu.memory_space<vmem_shared>> -> memref<80x128xf32, #tpu.memory_space<vmem_shared>>
        %dma_start3A_186 = arith.constant 0 : i32
        %dma_start3A_187 = arith.constant 0 : i32
        %dma_start3A_188 = tpu.memref_slice %arg15[%dma_start3A_186, %dma_start3A_187] : memref<80x128xf32, #tpu.memory_space<vmem>> -> memref<80x128xf32, #tpu.memory_space<vmem>>
        tpu.enqueue_dma source(%dma_start3A_188 : memref<80x128xf32, #tpu.memory_space<vmem>>) target(%dma_start3A_185 : memref<80x128xf32, #tpu.memory_space<vmem_shared>>) target_semaphore(%run_scoped3A : memref<!tpu.dma_semaphore, #tpu.memory_space<semaphore_mem>>)
        %dma_wait3A_189 = arith.constant 0 : i32
        %dma_wait3A_190 = arith.constant 0 : i32
        %dma_wait3A_191 = tpu.memref_slice %arg15[%dma_wait3A_189, %dma_wait3A_190] : memref<80x128xf32, #tpu.memory_space<vmem>> -> memref<80x128xf32, #tpu.memory_space<vmem>>
        %dma_wait3A_192 = arith.constant 0 : i32
        %dma_wait3A_193 = tpu.memref_slice %arg17[%mul3A_178, %dma_wait3A_192] : memref<10000x128xf32, #tpu.memory_space<vmem_shared>> -> memref<80x128xf32, #tpu.memory_space<vmem_shared>>
        %dma_wait3A_194 = arith.constant 0 : i32
        %dma_wait3A_195 = tpu.memref_slice %arg17[%mul3A_178, %dma_wait3A_194] : memref<10000x128xf32, #tpu.memory_space<vmem_shared>> -> memref<80x128xf32, #tpu.memory_space<vmem_shared>>
        %dma_wait3A_196 = arith.constant 0 : i32
        %dma_wait3A_197 = arith.constant 0 : i32
        %dma_wait3A_198 = tpu.memref_slice %arg15[%dma_wait3A_196, %dma_wait3A_197] : memref<80x128xf32, #tpu.memory_space<vmem>> -> memref<80x128xf32, #tpu.memory_space<vmem>>
        tpu.wait_dma2 semaphore(%run_scoped3A : memref<!tpu.dma_semaphore, #tpu.memory_space<semaphore_mem>>) src(%dma_wait3A_198 : memref<80x128xf32, #tpu.memory_space<vmem>>) dst(%dma_wait3A_195 : memref<80x128xf32, #tpu.memory_space<vmem_shared>>)
        tpu.yield
      }) : () -> ()
    } else {
    }
    %add3A_55 = arith.constant 112 : i32
    %add3A_56 = arith.addi %arg1, %add3A_55 : i32
    %lt3A_57 = arith.constant 125 : i32
    %lt3A_58 = arith.cmpi slt, %add3A_56, %lt3A_57 : i32
    %convert_element_type3A_59 = arith.extui %lt3A_58 : i1 to i32
    %cond3A_60 = arith.constant 0 : i32
    %cond3A_61 = arith.cmpi ne, %convert_element_type3A_59, %cond3A_60 : i32
    scf.if %cond3A_61 {
      %mul3A_177 = arith.constant 80 : i32
      %mul3A_178 = arith.muli %add3A_56, %mul3A_177 : i32
      "tpu.region"() ({
        %run_scoped3A = tpu.sem_alloc : memref<!tpu.dma_semaphore, #tpu.memory_space<semaphore_mem>>
        %dma_start3A_179 = arith.constant 0 : i32
        %dma_start3A_180 = arith.constant 0 : i32
        %dma_start3A_181 = tpu.memref_slice %arg15[%dma_start3A_179, %dma_start3A_180] : memref<80x128xf32, #tpu.memory_space<vmem>> -> memref<80x128xf32, #tpu.memory_space<vmem>>
        %dma_start3A_182 = arith.constant 0 : i32
        %dma_start3A_183 = tpu.memref_slice %arg17[%mul3A_178, %dma_start3A_182] : memref<10000x128xf32, #tpu.memory_space<vmem_shared>> -> memref<80x128xf32, #tpu.memory_space<vmem_shared>>
        %dma_start3A_184 = arith.constant 0 : i32
        %dma_start3A_185 = tpu.memref_slice %arg17[%mul3A_178, %dma_start3A_184] : memref<10000x128xf32, #tpu.memory_space<vmem_shared>> -> memref<80x128xf32, #tpu.memory_space<vmem_shared>>
        %dma_start3A_186 = arith.constant 0 : i32
        %dma_start3A_187 = arith.constant 0 : i32
        %dma_start3A_188 = tpu.memref_slice %arg15[%dma_start3A_186, %dma_start3A_187] : memref<80x128xf32, #tpu.memory_space<vmem>> -> memref<80x128xf32, #tpu.memory_space<vmem>>
        tpu.enqueue_dma source(%dma_start3A_188 : memref<80x128xf32, #tpu.memory_space<vmem>>) target(%dma_start3A_185 : memref<80x128xf32, #tpu.memory_space<vmem_shared>>) target_semaphore(%run_scoped3A : memref<!tpu.dma_semaphore, #tpu.memory_space<semaphore_mem>>)
        %dma_wait3A_189 = arith.constant 0 : i32
        %dma_wait3A_190 = arith.constant 0 : i32
        %dma_wait3A_191 = tpu.memref_slice %arg15[%dma_wait3A_189, %dma_wait3A_190] : memref<80x128xf32, #tpu.memory_space<vmem>> -> memref<80x128xf32, #tpu.memory_space<vmem>>
        %dma_wait3A_192 = arith.constant 0 : i32
        %dma_wait3A_193 = tpu.memref_slice %arg17[%mul3A_178, %dma_wait3A_192] : memref<10000x128xf32, #tpu.memory_space<vmem_shared>> -> memref<80x128xf32, #tpu.memory_space<vmem_shared>>
        %dma_wait3A_194 = arith.constant 0 : i32
        %dma_wait3A_195 = tpu.memref_slice %arg17[%mul3A_178, %dma_wait3A_194] : memref<10000x128xf32, #tpu.memory_space<vmem_shared>> -> memref<80x128xf32, #tpu.memory_space<vmem_shared>>
        %dma_wait3A_196 = arith.constant 0 : i32
        %dma_wait3A_197 = arith.constant 0 : i32
        %dma_wait3A_198 = tpu.memref_slice %arg15[%dma_wait3A_196, %dma_wait3A_197] : memref<80x128xf32, #tpu.memory_space<vmem>> -> memref<80x128xf32, #tpu.memory_space<vmem>>
        tpu.wait_dma2 semaphore(%run_scoped3A : memref<!tpu.dma_semaphore, #tpu.memory_space<semaphore_mem>>) src(%dma_wait3A_198 : memref<80x128xf32, #tpu.memory_space<vmem>>) dst(%dma_wait3A_195 : memref<80x128xf32, #tpu.memory_space<vmem_shared>>)
        tpu.yield
      }) : () -> ()
    } else {
    }
    %barrier3A = arith.constant 0 : index
    tpu.barrier barrier_id(%barrier3A)
    %add3A_62 = arith.constant 0 : i32
    %add3A_63 = arith.addi %mul3A_2, %add3A_62 : i32
    %dma_start3A = tpu.memref_slice %arg3[%add3A_63] : memref<320000xi32, #tpu.memory_space<hbm>> -> memref<80xi32, #tpu.memory_space<hbm>>
    %dma_start3A_64 = tpu.memref_slice %arg3[%add3A_63] : memref<320000xi32, #tpu.memory_space<hbm>> -> memref<80xi32, #tpu.memory_space<hbm>>
    tpu.enqueue_dma source(%dma_start3A_64 : memref<80xi32, #tpu.memory_space<hbm>>) target(%arg7 : memref<80xi32, #tpu.memory_space<vmem>>) target_semaphore(%arg18 : memref<!tpu.dma_semaphore, #tpu.memory_space<semaphore_mem>>)
    %dma_start3A_65 = tpu.memref_slice %arg4[%add3A_63] : memref<320000xi32, #tpu.memory_space<hbm>> -> memref<80xi32, #tpu.memory_space<hbm>>
    %dma_start3A_66 = tpu.memref_slice %arg4[%add3A_63] : memref<320000xi32, #tpu.memory_space<hbm>> -> memref<80xi32, #tpu.memory_space<hbm>>
    tpu.enqueue_dma source(%dma_start3A_66 : memref<80xi32, #tpu.memory_space<hbm>>) target(%arg9 : memref<80xi32, #tpu.memory_space<vmem>>) target_semaphore(%arg18 : memref<!tpu.dma_semaphore, #tpu.memory_space<semaphore_mem>>)
    %dma_start3A_67 = tpu.memref_slice %arg5[%add3A_63] : memref<320000xf32, #tpu.memory_space<hbm>> -> memref<80xf32, #tpu.memory_space<hbm>>
    %dma_start3A_68 = tpu.memref_slice %arg5[%add3A_63] : memref<320000xf32, #tpu.memory_space<hbm>> -> memref<80xf32, #tpu.memory_space<hbm>>
    tpu.enqueue_dma source(%dma_start3A_68 : memref<80xf32, #tpu.memory_space<hbm>>) target(%arg13 : memref<80xf32, #tpu.memory_space<vmem>>) target_semaphore(%arg18 : memref<!tpu.dma_semaphore, #tpu.memory_space<semaphore_mem>>)
    %add3A_69 = arith.constant 80 : i32
    %add3A_70 = arith.addi %mul3A_2, %add3A_69 : i32
    %dma_start3A_71 = tpu.memref_slice %arg3[%add3A_70] : memref<320000xi32, #tpu.memory_space<hbm>> -> memref<80xi32, #tpu.memory_space<hbm>>
    %dma_start3A_72 = tpu.memref_slice %arg3[%add3A_70] : memref<320000xi32, #tpu.memory_space<hbm>> -> memref<80xi32, #tpu.memory_space<hbm>>
    tpu.enqueue_dma source(%dma_start3A_72 : memref<80xi32, #tpu.memory_space<hbm>>) target(%arg8 : memref<80xi32, #tpu.memory_space<vmem>>) target_semaphore(%arg19 : memref<!tpu.dma_semaphore, #tpu.memory_space<semaphore_mem>>)
    %dma_start3A_73 = tpu.memref_slice %arg4[%add3A_70] : memref<320000xi32, #tpu.memory_space<hbm>> -> memref<80xi32, #tpu.memory_space<hbm>>
    %dma_start3A_74 = tpu.memref_slice %arg4[%add3A_70] : memref<320000xi32, #tpu.memory_space<hbm>> -> memref<80xi32, #tpu.memory_space<hbm>>
    tpu.enqueue_dma source(%dma_start3A_74 : memref<80xi32, #tpu.memory_space<hbm>>) target(%arg10 : memref<80xi32, #tpu.memory_space<vmem>>) target_semaphore(%arg19 : memref<!tpu.dma_semaphore, #tpu.memory_space<semaphore_mem>>)
    %dma_start3A_75 = tpu.memref_slice %arg5[%add3A_70] : memref<320000xf32, #tpu.memory_space<hbm>> -> memref<80xf32, #tpu.memory_space<hbm>>
    %dma_start3A_76 = tpu.memref_slice %arg5[%add3A_70] : memref<320000xf32, #tpu.memory_space<hbm>> -> memref<80xf32, #tpu.memory_space<hbm>>
    tpu.enqueue_dma source(%dma_start3A_76 : memref<80xf32, #tpu.memory_space<hbm>>) target(%arg14 : memref<80xf32, #tpu.memory_space<vmem>>) target_semaphore(%arg19 : memref<!tpu.dma_semaphore, #tpu.memory_space<semaphore_mem>>)
    %scan3A_77 = arith.constant 0 : i32
    %scan3A_78 = arith.constant 0 : i32
    %scan3A_79 = arith.constant 62 : i32
    %scan3A_80 = arith.addi %scan3A_78, %scan3A_79 : i32
    %scan3A_81 = arith.constant 1 : i32
    scf.for %scan3A_177 = %scan3A_78 to %scan3A_80 step %scan3A_81  : i32 {
      %mul3A_178 = arith.constant 2 : i32
      %mul3A_179 = arith.muli %mul3A_178, %scan3A_177 : i32
      %add3A_180 = arith.constant 1 : i32
      %add3A_181 = arith.addi %mul3A_179, %add3A_180 : i32
      %mul3A_182 = arith.constant 80 : i32
      %mul3A_183 = arith.muli %mul3A_179, %mul3A_182 : i32
      %add3A_184 = arith.addi %mul3A_2, %mul3A_183 : i32
      %dma_wait3A_185 = tpu.memref_slice %arg3[%add3A_184] : memref<320000xi32, #tpu.memory_space<hbm>> -> memref<80xi32, #tpu.memory_space<hbm>>
      %dma_wait3A_186 = tpu.memref_slice %arg3[%add3A_184] : memref<320000xi32, #tpu.memory_space<hbm>> -> memref<80xi32, #tpu.memory_space<hbm>>
      tpu.wait_dma2 semaphore(%arg18 : memref<!tpu.dma_semaphore, #tpu.memory_space<semaphore_mem>>) src(%dma_wait3A_186 : memref<80xi32, #tpu.memory_space<hbm>>) dst(%arg7 : memref<80xi32, #tpu.memory_space<vmem>>)
      %dma_wait3A_187 = tpu.memref_slice %arg4[%add3A_184] : memref<320000xi32, #tpu.memory_space<hbm>> -> memref<80xi32, #tpu.memory_space<hbm>>
      %dma_wait3A_188 = tpu.memref_slice %arg4[%add3A_184] : memref<320000xi32, #tpu.memory_space<hbm>> -> memref<80xi32, #tpu.memory_space<hbm>>
      tpu.wait_dma2 semaphore(%arg18 : memref<!tpu.dma_semaphore, #tpu.memory_space<semaphore_mem>>) src(%dma_wait3A_188 : memref<80xi32, #tpu.memory_space<hbm>>) dst(%arg9 : memref<80xi32, #tpu.memory_space<vmem>>)
      %dma_wait3A_189 = tpu.memref_slice %arg5[%add3A_184] : memref<320000xf32, #tpu.memory_space<hbm>> -> memref<80xf32, #tpu.memory_space<hbm>>
      %dma_wait3A_190 = tpu.memref_slice %arg5[%add3A_184] : memref<320000xf32, #tpu.memory_space<hbm>> -> memref<80xf32, #tpu.memory_space<hbm>>
      tpu.wait_dma2 semaphore(%arg18 : memref<!tpu.dma_semaphore, #tpu.memory_space<semaphore_mem>>) src(%dma_wait3A_190 : memref<80xf32, #tpu.memory_space<hbm>>) dst(%arg13 : memref<80xf32, #tpu.memory_space<vmem>>)
      %dma_start3A_191 = arith.constant 0 : i32
      %dma_start3A_192 = arith.constant 0 : i32
      %dma_start3A_193 = tpu.memref_slice %arg2[%dma_start3A_191, %dma_start3A_192] : memref<10000x128xf32, #tpu.memory_space<hbm>> -> memref<10000x128xf32, #tpu.memory_space<hbm>>
      tpu.enqueue_indirect_dma source(%dma_start3A_193 : memref<10000x128xf32, #tpu.memory_space<hbm>>) target(%arg15 : memref<80x128xf32, #tpu.memory_space<vmem>>) offsets(%arg7 : memref<80xi32, #tpu.memory_space<vmem>>) semaphore(%arg20 : memref<!tpu.dma_semaphore, #tpu.memory_space<semaphore_mem>>)
      %mul3A_194 = arith.constant 80 : i32
      %mul3A_195 = arith.muli %add3A_181, %mul3A_194 : i32
      %add3A_196 = arith.addi %mul3A_2, %mul3A_195 : i32
      %dma_wait3A_197 = tpu.memref_slice %arg3[%add3A_196] : memref<320000xi32, #tpu.memory_space<hbm>> -> memref<80xi32, #tpu.memory_space<hbm>>
      %dma_wait3A_198 = tpu.memref_slice %arg3[%add3A_196] : memref<320000xi32, #tpu.memory_space<hbm>> -> memref<80xi32, #tpu.memory_space<hbm>>
      tpu.wait_dma2 semaphore(%arg19 : memref<!tpu.dma_semaphore, #tpu.memory_space<semaphore_mem>>) src(%dma_wait3A_198 : memref<80xi32, #tpu.memory_space<hbm>>) dst(%arg8 : memref<80xi32, #tpu.memory_space<vmem>>)
      %dma_wait3A_199 = tpu.memref_slice %arg4[%add3A_196] : memref<320000xi32, #tpu.memory_space<hbm>> -> memref<80xi32, #tpu.memory_space<hbm>>
      %dma_wait3A_200 = tpu.memref_slice %arg4[%add3A_196] : memref<320000xi32, #tpu.memory_space<hbm>> -> memref<80xi32, #tpu.memory_space<hbm>>
      tpu.wait_dma2 semaphore(%arg19 : memref<!tpu.dma_semaphore, #tpu.memory_space<semaphore_mem>>) src(%dma_wait3A_200 : memref<80xi32, #tpu.memory_space<hbm>>) dst(%arg10 : memref<80xi32, #tpu.memory_space<vmem>>)
      %dma_wait3A_201 = tpu.memref_slice %arg5[%add3A_196] : memref<320000xf32, #tpu.memory_space<hbm>> -> memref<80xf32, #tpu.memory_space<hbm>>
      %dma_wait3A_202 = tpu.memref_slice %arg5[%add3A_196] : memref<320000xf32, #tpu.memory_space<hbm>> -> memref<80xf32, #tpu.memory_space<hbm>>
      tpu.wait_dma2 semaphore(%arg19 : memref<!tpu.dma_semaphore, #tpu.memory_space<semaphore_mem>>) src(%dma_wait3A_202 : memref<80xf32, #tpu.memory_space<hbm>>) dst(%arg14 : memref<80xf32, #tpu.memory_space<vmem>>)
      %dma_start3A_203 = arith.constant 0 : i32
      %dma_start3A_204 = arith.constant 0 : i32
      %dma_start3A_205 = tpu.memref_slice %arg2[%dma_start3A_203, %dma_start3A_204] : memref<10000x128xf32, #tpu.memory_space<hbm>> -> memref<10000x128xf32, #tpu.memory_space<hbm>>
      tpu.enqueue_indirect_dma source(%dma_start3A_205 : memref<10000x128xf32, #tpu.memory_space<hbm>>) target(%arg16 : memref<80x128xf32, #tpu.memory_space<vmem>>) offsets(%arg8 : memref<80xi32, #tpu.memory_space<vmem>>) semaphore(%arg21 : memref<!tpu.dma_semaphore, #tpu.memory_space<semaphore_mem>>)
      %dma_wait3A_206 = arith.constant 0 : i32
      %dma_wait3A_207 = arith.constant 0 : i32
      %dma_wait3A_208 = tpu.memref_slice %arg2[%dma_wait3A_206, %dma_wait3A_207] : memref<10000x128xf32, #tpu.memory_space<hbm>> -> memref<10000x128xf32, #tpu.memory_space<hbm>>
      tpu.wait_indirect_dma semaphore(%arg20 : memref<!tpu.dma_semaphore, #tpu.memory_space<semaphore_mem>>) src(%dma_wait3A_208 : memref<10000x128xf32, #tpu.memory_space<hbm>>) dst(%arg15 : memref<80x128xf32, #tpu.memory_space<vmem>>)
      %scan3A_209 = arith.constant 0 : i32
      %scan3A_210 = arith.constant 0 : i32
      %scan3A_211 = arith.constant 80 : i32
      %scan3A_212 = arith.addi %scan3A_210, %scan3A_211 : i32
      %scan3A_213 = arith.constant 1 : i32
      scf.for %scan3A_278 = %scan3A_210 to %scan3A_212 step %scan3A_213  : i32 {
        %broadcast_in_dim3A_279 = vector.broadcast %scan3A_278 : i32 to vector<16xi32>
        %gather3A = tpu.vector_load_idx %arg13[%broadcast_in_dim3A_279] : memref<80xf32, #tpu.memory_space<vmem>>[vector<16xi32>], vector<16xf32>,
        %get3A_280 = arith.index_cast %scan3A_278 : i32 to index
        %get3A_281 = arith.constant 0 : index
        %get3A_282 = tpu.vector_load %arg15[%get3A_280, %get3A_281] {strides = array<i32>} : memref<80x128xf32, #tpu.memory_space<vmem>>, vector<16xf32>,
        %mul3A_283 = arith.mulf %get3A_282, %gather3A : vector<16xf32>
        %swap3A_284 = arith.index_cast %scan3A_278 : i32 to index
        %swap3A_285 = arith.constant 0 : index
        %swap3A_286 = tpu.vector_load %arg15[%swap3A_284, %swap3A_285] {strides = array<i32>} : memref<80x128xf32, #tpu.memory_space<vmem>>, vector<16xf32>,
        tpu.vector_store %arg15[%swap3A_284, %swap3A_285], %mul3A_283 {strides = array<i32>} : memref<80x128xf32, #tpu.memory_space<vmem>>, vector<16xf32>,
        %get3A_287 = arith.index_cast %scan3A_278 : i32 to index
        %get3A_288 = arith.constant 16 : index
        %get3A_289 = tpu.vector_load %arg15[%get3A_287, %get3A_288] {strides = array<i32>} : memref<80x128xf32, #tpu.memory_space<vmem>>, vector<16xf32>,
        %mul3A_290 = arith.mulf %get3A_289, %gather3A : vector<16xf32>
        %swap3A_291 = arith.index_cast %scan3A_278 : i32 to index
        %swap3A_292 = arith.constant 16 : index
        %swap3A_293 = tpu.vector_load %arg15[%swap3A_291, %swap3A_292] {strides = array<i32>} : memref<80x128xf32, #tpu.memory_space<vmem>>, vector<16xf32>,
        tpu.vector_store %arg15[%swap3A_291, %swap3A_292], %mul3A_290 {strides = array<i32>} : memref<80x128xf32, #tpu.memory_space<vmem>>, vector<16xf32>,
        %get3A_294 = arith.index_cast %scan3A_278 : i32 to index
        %get3A_295 = arith.constant 32 : index
        %get3A_296 = tpu.vector_load %arg15[%get3A_294, %get3A_295] {strides = array<i32>} : memref<80x128xf32, #tpu.memory_space<vmem>>, vector<16xf32>,
        %mul3A_297 = arith.mulf %get3A_296, %gather3A : vector<16xf32>
        %swap3A_298 = arith.index_cast %scan3A_278 : i32 to index
        %swap3A_299 = arith.constant 32 : index
        %swap3A_300 = tpu.vector_load %arg15[%swap3A_298, %swap3A_299] {strides = array<i32>} : memref<80x128xf32, #tpu.memory_space<vmem>>, vector<16xf32>,
        tpu.vector_store %arg15[%swap3A_298, %swap3A_299], %mul3A_297 {strides = array<i32>} : memref<80x128xf32, #tpu.memory_space<vmem>>, vector<16xf32>,
        %get3A_301 = arith.index_cast %scan3A_278 : i32 to index
        %get3A_302 = arith.constant 48 : index
        %get3A_303 = tpu.vector_load %arg15[%get3A_301, %get3A_302] {strides = array<i32>} : memref<80x128xf32, #tpu.memory_space<vmem>>, vector<16xf32>,
        %mul3A_304 = arith.mulf %get3A_303, %gather3A : vector<16xf32>
        %swap3A_305 = arith.index_cast %scan3A_278 : i32 to index
        %swap3A_306 = arith.constant 48 : index
        %swap3A_307 = tpu.vector_load %arg15[%swap3A_305, %swap3A_306] {strides = array<i32>} : memref<80x128xf32, #tpu.memory_space<vmem>>, vector<16xf32>,
        tpu.vector_store %arg15[%swap3A_305, %swap3A_306], %mul3A_304 {strides = array<i32>} : memref<80x128xf32, #tpu.memory_space<vmem>>, vector<16xf32>,
        %get3A_308 = arith.index_cast %scan3A_278 : i32 to index
        %get3A_309 = arith.constant 64 : index
        %get3A_310 = tpu.vector_load %arg15[%get3A_308, %get3A_309] {strides = array<i32>} : memref<80x128xf32, #tpu.memory_space<vmem>>, vector<16xf32>,
        %mul3A_311 = arith.mulf %get3A_310, %gather3A : vector<16xf32>
        %swap3A_312 = arith.index_cast %scan3A_278 : i32 to index
        %swap3A_313 = arith.constant 64 : index
        %swap3A_314 = tpu.vector_load %arg15[%swap3A_312, %swap3A_313] {strides = array<i32>} : memref<80x128xf32, #tpu.memory_space<vmem>>, vector<16xf32>,
        tpu.vector_store %arg15[%swap3A_312, %swap3A_313], %mul3A_311 {strides = array<i32>} : memref<80x128xf32, #tpu.memory_space<vmem>>, vector<16xf32>,
        %get3A_315 = arith.index_cast %scan3A_278 : i32 to index
        %get3A_316 = arith.constant 80 : index
        %get3A_317 = tpu.vector_load %arg15[%get3A_315, %get3A_316] {strides = array<i32>} : memref<80x128xf32, #tpu.memory_space<vmem>>, vector<16xf32>,
        %mul3A_318 = arith.mulf %get3A_317, %gather3A : vector<16xf32>
        %swap3A_319 = arith.index_cast %scan3A_278 : i32 to index
        %swap3A_320 = arith.constant 80 : index
        %swap3A_321 = tpu.vector_load %arg15[%swap3A_319, %swap3A_320] {strides = array<i32>} : memref<80x128xf32, #tpu.memory_space<vmem>>, vector<16xf32>,
        tpu.vector_store %arg15[%swap3A_319, %swap3A_320], %mul3A_318 {strides = array<i32>} : memref<80x128xf32, #tpu.memory_space<vmem>>, vector<16xf32>,
        %get3A_322 = arith.index_cast %scan3A_278 : i32 to index
        %get3A_323 = arith.constant 96 : index
        %get3A_324 = tpu.vector_load %arg15[%get3A_322, %get3A_323] {strides = array<i32>} : memref<80x128xf32, #tpu.memory_space<vmem>>, vector<16xf32>,
        %mul3A_325 = arith.mulf %get3A_324, %gather3A : vector<16xf32>
        %swap3A_326 = arith.index_cast %scan3A_278 : i32 to index
        %swap3A_327 = arith.constant 96 : index
        %swap3A_328 = tpu.vector_load %arg15[%swap3A_326, %swap3A_327] {strides = array<i32>} : memref<80x128xf32, #tpu.memory_space<vmem>>, vector<16xf32>,
        tpu.vector_store %arg15[%swap3A_326, %swap3A_327], %mul3A_325 {strides = array<i32>} : memref<80x128xf32, #tpu.memory_space<vmem>>, vector<16xf32>,
        %get3A_329 = arith.index_cast %scan3A_278 : i32 to index
        %get3A_330 = arith.constant 112 : index
        %get3A_331 = tpu.vector_load %arg15[%get3A_329, %get3A_330] {strides = array<i32>} : memref<80x128xf32, #tpu.memory_space<vmem>>, vector<16xf32>,
        %mul3A_332 = arith.mulf %get3A_331, %gather3A : vector<16xf32>
        %swap3A_333 = arith.index_cast %scan3A_278 : i32 to index
        %swap3A_334 = arith.constant 112 : index
        %swap3A_335 = tpu.vector_load %arg15[%swap3A_333, %swap3A_334] {strides = array<i32>} : memref<80x128xf32, #tpu.memory_space<vmem>>, vector<16xf32>,
        tpu.vector_store %arg15[%swap3A_333, %swap3A_334], %mul3A_332 {strides = array<i32>} : memref<80x128xf32, #tpu.memory_space<vmem>>, vector<16xf32>,
      }
      %scan3A_214 = arith.constant 80 : i32
      %get3A_215 = arith.constant 0 : index
      %get3A_216 = tpu.vector_load %arg9[%get3A_215] {strides = array<i32>} : memref<80xi32, #tpu.memory_space<vmem>>, vector<16xi32>,
      %swap3A_217 = arith.constant 0 : index
      %swap3A_218 = tpu.vector_load %arg11[%swap3A_217] {strides = array<i32>} : memref<80xi32, #tpu.memory_space<vmem>>, vector<16xi32>,
      tpu.vector_store %arg11[%swap3A_217], %get3A_216 {strides = array<i32>} : memref<80xi32, #tpu.memory_space<vmem>>, vector<16xi32>,
      %get3A_219 = arith.constant 16 : index
      %get3A_220 = tpu.vector_load %arg9[%get3A_219] {strides = array<i32>} : memref<80xi32, #tpu.memory_space<vmem>>, vector<16xi32>,
      %swap3A_221 = arith.constant 16 : index
      %swap3A_222 = tpu.vector_load %arg11[%swap3A_221] {strides = array<i32>} : memref<80xi32, #tpu.memory_space<vmem>>, vector<16xi32>,
      tpu.vector_store %arg11[%swap3A_221], %get3A_220 {strides = array<i32>} : memref<80xi32, #tpu.memory_space<vmem>>, vector<16xi32>,
      %get3A_223 = arith.constant 32 : index
      %get3A_224 = tpu.vector_load %arg9[%get3A_223] {strides = array<i32>} : memref<80xi32, #tpu.memory_space<vmem>>, vector<16xi32>,
      %swap3A_225 = arith.constant 32 : index
      %swap3A_226 = tpu.vector_load %arg11[%swap3A_225] {strides = array<i32>} : memref<80xi32, #tpu.memory_space<vmem>>, vector<16xi32>,
      tpu.vector_store %arg11[%swap3A_225], %get3A_224 {strides = array<i32>} : memref<80xi32, #tpu.memory_space<vmem>>, vector<16xi32>,
      %get3A_227 = arith.constant 48 : index
      %get3A_228 = tpu.vector_load %arg9[%get3A_227] {strides = array<i32>} : memref<80xi32, #tpu.memory_space<vmem>>, vector<16xi32>,
      %swap3A_229 = arith.constant 48 : index
      %swap3A_230 = tpu.vector_load %arg11[%swap3A_229] {strides = array<i32>} : memref<80xi32, #tpu.memory_space<vmem>>, vector<16xi32>,
      tpu.vector_store %arg11[%swap3A_229], %get3A_228 {strides = array<i32>} : memref<80xi32, #tpu.memory_space<vmem>>, vector<16xi32>,
      %get3A_231 = arith.constant 64 : index
      %get3A_232 = tpu.vector_load %arg9[%get3A_231] {strides = array<i32>} : memref<80xi32, #tpu.memory_space<vmem>>, vector<16xi32>,
      %swap3A_233 = arith.constant 64 : index
      %swap3A_234 = tpu.vector_load %arg11[%swap3A_233] {strides = array<i32>} : memref<80xi32, #tpu.memory_space<vmem>>, vector<16xi32>,
      tpu.vector_store %arg11[%swap3A_233], %get3A_232 {strides = array<i32>} : memref<80xi32, #tpu.memory_space<vmem>>, vector<16xi32>,
      "tpu.region"() ({
        %run_scoped3A = tpu.sem_alloc : memref<!tpu.dma_semaphore, #tpu.memory_space<semaphore_mem>>
        %dma_start3A_278 = arith.constant 0 : i32
        %dma_start3A_279 = arith.constant 0 : i32
        %dma_start3A_280 = tpu.memref_slice %arg17[%dma_start3A_278, %dma_start3A_279] : memref<10000x128xf32, #tpu.memory_space<vmem_shared>> -> memref<10000x128xf32, #tpu.memory_space<vmem_shared>>
        tpu.enqueue_indirect_dma source(%arg15 : memref<80x128xf32, #tpu.memory_space<vmem>>) target(%dma_start3A_280 : memref<10000x128xf32, #tpu.memory_space<vmem_shared>>) offsets(%arg11 : memref<80xi32, #tpu.memory_space<vmem>>) semaphore(%run_scoped3A : memref<!tpu.dma_semaphore, #tpu.memory_space<semaphore_mem>>) {add = true}
        %dma_wait3A_281 = arith.constant 0 : i32
        %dma_wait3A_282 = arith.constant 0 : i32
        %dma_wait3A_283 = tpu.memref_slice %arg17[%dma_wait3A_281, %dma_wait3A_282] : memref<10000x128xf32, #tpu.memory_space<vmem_shared>> -> memref<10000x128xf32, #tpu.memory_space<vmem_shared>>
        tpu.wait_indirect_dma semaphore(%run_scoped3A : memref<!tpu.dma_semaphore, #tpu.memory_space<semaphore_mem>>) src(%arg15 : memref<80x128xf32, #tpu.memory_space<vmem>>) dst(%dma_wait3A_283 : memref<10000x128xf32, #tpu.memory_space<vmem_shared>>)
        tpu.yield
      }) : () -> ()
      %add3A_235 = arith.constant 2 : i32
      %add3A_236 = arith.addi %mul3A_179, %add3A_235 : i32
      %lt3A_237 = arith.constant 125 : i32
      %lt3A_238 = arith.cmpi slt, %add3A_236, %lt3A_237 : i32
      %convert_element_type3A_239 = arith.extui %lt3A_238 : i1 to i32
      %cond3A_240 = arith.constant 0 : i32
      %cond3A_241 = arith.cmpi ne, %convert_element_type3A_239, %cond3A_240 : i32
      scf.if %cond3A_241 {
        %add3A_278 = arith.constant 2 : i32
        %add3A_279 = arith.addi %mul3A_179, %add3A_278 : i32
        %mul3A_280 = arith.constant 80 : i32
        %mul3A_281 = arith.muli %add3A_279, %mul3A_280 : i32
        %add3A_282 = arith.addi %mul3A_2, %mul3A_281 : i32
        %dma_start3A_283 = tpu.memref_slice %arg3[%add3A_282] : memref<320000xi32, #tpu.memory_space<hbm>> -> memref<80xi32, #tpu.memory_space<hbm>>
        %dma_start3A_284 = tpu.memref_slice %arg3[%add3A_282] : memref<320000xi32, #tpu.memory_space<hbm>> -> memref<80xi32, #tpu.memory_space<hbm>>
        tpu.enqueue_dma source(%dma_start3A_284 : memref<80xi32, #tpu.memory_space<hbm>>) target(%arg7 : memref<80xi32, #tpu.memory_space<vmem>>) target_semaphore(%arg18 : memref<!tpu.dma_semaphore, #tpu.memory_space<semaphore_mem>>)
        %dma_start3A_285 = tpu.memref_slice %arg4[%add3A_282] : memref<320000xi32, #tpu.memory_space<hbm>> -> memref<80xi32, #tpu.memory_space<hbm>>
        %dma_start3A_286 = tpu.memref_slice %arg4[%add3A_282] : memref<320000xi32, #tpu.memory_space<hbm>> -> memref<80xi32, #tpu.memory_space<hbm>>
        tpu.enqueue_dma source(%dma_start3A_286 : memref<80xi32, #tpu.memory_space<hbm>>) target(%arg9 : memref<80xi32, #tpu.memory_space<vmem>>) target_semaphore(%arg18 : memref<!tpu.dma_semaphore, #tpu.memory_space<semaphore_mem>>)
        %dma_start3A_287 = tpu.memref_slice %arg5[%add3A_282] : memref<320000xf32, #tpu.memory_space<hbm>> -> memref<80xf32, #tpu.memory_space<hbm>>
        %dma_start3A_288 = tpu.memref_slice %arg5[%add3A_282] : memref<320000xf32, #tpu.memory_space<hbm>> -> memref<80xf32, #tpu.memory_space<hbm>>
        tpu.enqueue_dma source(%dma_start3A_288 : memref<80xf32, #tpu.memory_space<hbm>>) target(%arg13 : memref<80xf32, #tpu.memory_space<vmem>>) target_semaphore(%arg18 : memref<!tpu.dma_semaphore, #tpu.memory_space<semaphore_mem>>)
      } else {
      }
      %dma_wait3A_242 = arith.constant 0 : i32
      %dma_wait3A_243 = arith.constant 0 : i32
      %dma_wait3A_244 = tpu.memref_slice %arg2[%dma_wait3A_242, %dma_wait3A_243] : memref<10000x128xf32, #tpu.memory_space<hbm>> -> memref<10000x128xf32, #tpu.memory_space<hbm>>
      tpu.wait_indirect_dma semaphore(%arg21 : memref<!tpu.dma_semaphore, #tpu.memory_space<semaphore_mem>>) src(%dma_wait3A_244 : memref<10000x128xf32, #tpu.memory_space<hbm>>) dst(%arg16 : memref<80x128xf32, #tpu.memory_space<vmem>>)
      %scan3A_245 = arith.constant 0 : i32
      %scan3A_246 = arith.constant 0 : i32
      %scan3A_247 = arith.constant 80 : i32
      %scan3A_248 = arith.addi %scan3A_246, %scan3A_247 : i32
      %scan3A_249 = arith.constant 1 : i32
      scf.for %scan3A_278 = %scan3A_246 to %scan3A_248 step %scan3A_249  : i32 {
        %broadcast_in_dim3A_279 = vector.broadcast %scan3A_278 : i32 to vector<16xi32>
        %gather3A = tpu.vector_load_idx %arg14[%broadcast_in_dim3A_279] : memref<80xf32, #tpu.memory_space<vmem>>[vector<16xi32>], vector<16xf32>,
        %get3A_280 = arith.index_cast %scan3A_278 : i32 to index
        %get3A_281 = arith.constant 0 : index
        %get3A_282 = tpu.vector_load %arg16[%get3A_280, %get3A_281] {strides = array<i32>} : memref<80x128xf32, #tpu.memory_space<vmem>>, vector<16xf32>,
        %mul3A_283 = arith.mulf %get3A_282, %gather3A : vector<16xf32>
        %swap3A_284 = arith.index_cast %scan3A_278 : i32 to index
        %swap3A_285 = arith.constant 0 : index
        %swap3A_286 = tpu.vector_load %arg16[%swap3A_284, %swap3A_285] {strides = array<i32>} : memref<80x128xf32, #tpu.memory_space<vmem>>, vector<16xf32>,
        tpu.vector_store %arg16[%swap3A_284, %swap3A_285], %mul3A_283 {strides = array<i32>} : memref<80x128xf32, #tpu.memory_space<vmem>>, vector<16xf32>,
        %get3A_287 = arith.index_cast %scan3A_278 : i32 to index
        %get3A_288 = arith.constant 16 : index
        %get3A_289 = tpu.vector_load %arg16[%get3A_287, %get3A_288] {strides = array<i32>} : memref<80x128xf32, #tpu.memory_space<vmem>>, vector<16xf32>,
        %mul3A_290 = arith.mulf %get3A_289, %gather3A : vector<16xf32>
        %swap3A_291 = arith.index_cast %scan3A_278 : i32 to index
        %swap3A_292 = arith.constant 16 : index
        %swap3A_293 = tpu.vector_load %arg16[%swap3A_291, %swap3A_292] {strides = array<i32>} : memref<80x128xf32, #tpu.memory_space<vmem>>, vector<16xf32>,
        tpu.vector_store %arg16[%swap3A_291, %swap3A_292], %mul3A_290 {strides = array<i32>} : memref<80x128xf32, #tpu.memory_space<vmem>>, vector<16xf32>,
        %get3A_294 = arith.index_cast %scan3A_278 : i32 to index
        %get3A_295 = arith.constant 32 : index
        %get3A_296 = tpu.vector_load %arg16[%get3A_294, %get3A_295] {strides = array<i32>} : memref<80x128xf32, #tpu.memory_space<vmem>>, vector<16xf32>,
        %mul3A_297 = arith.mulf %get3A_296, %gather3A : vector<16xf32>
        %swap3A_298 = arith.index_cast %scan3A_278 : i32 to index
        %swap3A_299 = arith.constant 32 : index
        %swap3A_300 = tpu.vector_load %arg16[%swap3A_298, %swap3A_299] {strides = array<i32>} : memref<80x128xf32, #tpu.memory_space<vmem>>, vector<16xf32>,
        tpu.vector_store %arg16[%swap3A_298, %swap3A_299], %mul3A_297 {strides = array<i32>} : memref<80x128xf32, #tpu.memory_space<vmem>>, vector<16xf32>,
        %get3A_301 = arith.index_cast %scan3A_278 : i32 to index
        %get3A_302 = arith.constant 48 : index
        %get3A_303 = tpu.vector_load %arg16[%get3A_301, %get3A_302] {strides = array<i32>} : memref<80x128xf32, #tpu.memory_space<vmem>>, vector<16xf32>,
        %mul3A_304 = arith.mulf %get3A_303, %gather3A : vector<16xf32>
        %swap3A_305 = arith.index_cast %scan3A_278 : i32 to index
        %swap3A_306 = arith.constant 48 : index
        %swap3A_307 = tpu.vector_load %arg16[%swap3A_305, %swap3A_306] {strides = array<i32>} : memref<80x128xf32, #tpu.memory_space<vmem>>, vector<16xf32>,
        tpu.vector_store %arg16[%swap3A_305, %swap3A_306], %mul3A_304 {strides = array<i32>} : memref<80x128xf32, #tpu.memory_space<vmem>>, vector<16xf32>,
        %get3A_308 = arith.index_cast %scan3A_278 : i32 to index
        %get3A_309 = arith.constant 64 : index
        %get3A_310 = tpu.vector_load %arg16[%get3A_308, %get3A_309] {strides = array<i32>} : memref<80x128xf32, #tpu.memory_space<vmem>>, vector<16xf32>,
        %mul3A_311 = arith.mulf %get3A_310, %gather3A : vector<16xf32>
        %swap3A_312 = arith.index_cast %scan3A_278 : i32 to index
        %swap3A_313 = arith.constant 64 : index
        %swap3A_314 = tpu.vector_load %arg16[%swap3A_312, %swap3A_313] {strides = array<i32>} : memref<80x128xf32, #tpu.memory_space<vmem>>, vector<16xf32>,
        tpu.vector_store %arg16[%swap3A_312, %swap3A_313], %mul3A_311 {strides = array<i32>} : memref<80x128xf32, #tpu.memory_space<vmem>>, vector<16xf32>,
        %get3A_315 = arith.index_cast %scan3A_278 : i32 to index
        %get3A_316 = arith.constant 80 : index
        %get3A_317 = tpu.vector_load %arg16[%get3A_315, %get3A_316] {strides = array<i32>} : memref<80x128xf32, #tpu.memory_space<vmem>>, vector<16xf32>,
        %mul3A_318 = arith.mulf %get3A_317, %gather3A : vector<16xf32>
        %swap3A_319 = arith.index_cast %scan3A_278 : i32 to index
        %swap3A_320 = arith.constant 80 : index
        %swap3A_321 = tpu.vector_load %arg16[%swap3A_319, %swap3A_320] {strides = array<i32>} : memref<80x128xf32, #tpu.memory_space<vmem>>, vector<16xf32>,
        tpu.vector_store %arg16[%swap3A_319, %swap3A_320], %mul3A_318 {strides = array<i32>} : memref<80x128xf32, #tpu.memory_space<vmem>>, vector<16xf32>,
        %get3A_322 = arith.index_cast %scan3A_278 : i32 to index
        %get3A_323 = arith.constant 96 : index
        %get3A_324 = tpu.vector_load %arg16[%get3A_322, %get3A_323] {strides = array<i32>} : memref<80x128xf32, #tpu.memory_space<vmem>>, vector<16xf32>,
        %mul3A_325 = arith.mulf %get3A_324, %gather3A : vector<16xf32>
        %swap3A_326 = arith.index_cast %scan3A_278 : i32 to index
        %swap3A_327 = arith.constant 96 : index
        %swap3A_328 = tpu.vector_load %arg16[%swap3A_326, %swap3A_327] {strides = array<i32>} : memref<80x128xf32, #tpu.memory_space<vmem>>, vector<16xf32>,
        tpu.vector_store %arg16[%swap3A_326, %swap3A_327], %mul3A_325 {strides = array<i32>} : memref<80x128xf32, #tpu.memory_space<vmem>>, vector<16xf32>,
        %get3A_329 = arith.index_cast %scan3A_278 : i32 to index
        %get3A_330 = arith.constant 112 : index
        %get3A_331 = tpu.vector_load %arg16[%get3A_329, %get3A_330] {strides = array<i32>} : memref<80x128xf32, #tpu.memory_space<vmem>>, vector<16xf32>,
        %mul3A_332 = arith.mulf %get3A_331, %gather3A : vector<16xf32>
        %swap3A_333 = arith.index_cast %scan3A_278 : i32 to index
        %swap3A_334 = arith.constant 112 : index
        %swap3A_335 = tpu.vector_load %arg16[%swap3A_333, %swap3A_334] {strides = array<i32>} : memref<80x128xf32, #tpu.memory_space<vmem>>, vector<16xf32>,
        tpu.vector_store %arg16[%swap3A_333, %swap3A_334], %mul3A_332 {strides = array<i32>} : memref<80x128xf32, #tpu.memory_space<vmem>>, vector<16xf32>,
      }
      %scan3A_250 = arith.constant 80 : i32
      %get3A_251 = arith.constant 0 : index
      %get3A_252 = tpu.vector_load %arg10[%get3A_251] {strides = array<i32>} : memref<80xi32, #tpu.memory_space<vmem>>, vector<16xi32>,
      %swap3A_253 = arith.constant 0 : index
      %swap3A_254 = tpu.vector_load %arg12[%swap3A_253] {strides = array<i32>} : memref<80xi32, #tpu.memory_space<vmem>>, vector<16xi32>,
      tpu.vector_store %arg12[%swap3A_253], %get3A_252 {strides = array<i32>} : memref<80xi32, #tpu.memory_space<vmem>>, vector<16xi32>,
      %get3A_255 = arith.constant 16 : index
      %get3A_256 = tpu.vector_load %arg10[%get3A_255] {strides = array<i32>} : memref<80xi32, #tpu.memory_space<vmem>>, vector<16xi32>,
      %swap3A_257 = arith.constant 16 : index
      %swap3A_258 = tpu.vector_load %arg12[%swap3A_257] {strides = array<i32>} : memref<80xi32, #tpu.memory_space<vmem>>, vector<16xi32>,
      tpu.vector_store %arg12[%swap3A_257], %get3A_256 {strides = array<i32>} : memref<80xi32, #tpu.memory_space<vmem>>, vector<16xi32>,
      %get3A_259 = arith.constant 32 : index
      %get3A_260 = tpu.vector_load %arg10[%get3A_259] {strides = array<i32>} : memref<80xi32, #tpu.memory_space<vmem>>, vector<16xi32>,
      %swap3A_261 = arith.constant 32 : index
      %swap3A_262 = tpu.vector_load %arg12[%swap3A_261] {strides = array<i32>} : memref<80xi32, #tpu.memory_space<vmem>>, vector<16xi32>,
      tpu.vector_store %arg12[%swap3A_261], %get3A_260 {strides = array<i32>} : memref<80xi32, #tpu.memory_space<vmem>>, vector<16xi32>,
      %get3A_263 = arith.constant 48 : index
      %get3A_264 = tpu.vector_load %arg10[%get3A_263] {strides = array<i32>} : memref<80xi32, #tpu.memory_space<vmem>>, vector<16xi32>,
      %swap3A_265 = arith.constant 48 : index
      %swap3A_266 = tpu.vector_load %arg12[%swap3A_265] {strides = array<i32>} : memref<80xi32, #tpu.memory_space<vmem>>, vector<16xi32>,
      tpu.vector_store %arg12[%swap3A_265], %get3A_264 {strides = array<i32>} : memref<80xi32, #tpu.memory_space<vmem>>, vector<16xi32>,
      %get3A_267 = arith.constant 64 : index
      %get3A_268 = tpu.vector_load %arg10[%get3A_267] {strides = array<i32>} : memref<80xi32, #tpu.memory_space<vmem>>, vector<16xi32>,
      %swap3A_269 = arith.constant 64 : index
      %swap3A_270 = tpu.vector_load %arg12[%swap3A_269] {strides = array<i32>} : memref<80xi32, #tpu.memory_space<vmem>>, vector<16xi32>,
      tpu.vector_store %arg12[%swap3A_269], %get3A_268 {strides = array<i32>} : memref<80xi32, #tpu.memory_space<vmem>>, vector<16xi32>,
      "tpu.region"() ({
        %run_scoped3A = tpu.sem_alloc : memref<!tpu.dma_semaphore, #tpu.memory_space<semaphore_mem>>
        %dma_start3A_278 = arith.constant 0 : i32
        %dma_start3A_279 = arith.constant 0 : i32
        %dma_start3A_280 = tpu.memref_slice %arg17[%dma_start3A_278, %dma_start3A_279] : memref<10000x128xf32, #tpu.memory_space<vmem_shared>> -> memref<10000x128xf32, #tpu.memory_space<vmem_shared>>
        tpu.enqueue_indirect_dma source(%arg16 : memref<80x128xf32, #tpu.memory_space<vmem>>) target(%dma_start3A_280 : memref<10000x128xf32, #tpu.memory_space<vmem_shared>>) offsets(%arg12 : memref<80xi32, #tpu.memory_space<vmem>>) semaphore(%run_scoped3A : memref<!tpu.dma_semaphore, #tpu.memory_space<semaphore_mem>>) {add = true}
        %dma_wait3A_281 = arith.constant 0 : i32
        %dma_wait3A_282 = arith.constant 0 : i32
        %dma_wait3A_283 = tpu.memref_slice %arg17[%dma_wait3A_281, %dma_wait3A_282] : memref<10000x128xf32, #tpu.memory_space<vmem_shared>> -> memref<10000x128xf32, #tpu.memory_space<vmem_shared>>
        tpu.wait_indirect_dma semaphore(%run_scoped3A : memref<!tpu.dma_semaphore, #tpu.memory_space<semaphore_mem>>) src(%arg16 : memref<80x128xf32, #tpu.memory_space<vmem>>) dst(%dma_wait3A_283 : memref<10000x128xf32, #tpu.memory_space<vmem_shared>>)
        tpu.yield
      }) : () -> ()
      %add3A_271 = arith.constant 2 : i32
      %add3A_272 = arith.addi %add3A_181, %add3A_271 : i32
      %lt3A_273 = arith.constant 125 : i32
      %lt3A_274 = arith.cmpi slt, %add3A_272, %lt3A_273 : i32
      %convert_element_type3A_275 = arith.extui %lt3A_274 : i1 to i32
      %cond3A_276 = arith.constant 0 : i32
      %cond3A_277 = arith.cmpi ne, %convert_element_type3A_275, %cond3A_276 : i32
      scf.if %cond3A_277 {
        %add3A_278 = arith.constant 2 : i32
        %add3A_279 = arith.addi %add3A_181, %add3A_278 : i32
        %mul3A_280 = arith.constant 80 : i32
        %mul3A_281 = arith.muli %add3A_279, %mul3A_280 : i32
        %add3A_282 = arith.addi %mul3A_2, %mul3A_281 : i32
        %dma_start3A_283 = tpu.memref_slice %arg3[%add3A_282] : memref<320000xi32, #tpu.memory_space<hbm>> -> memref<80xi32, #tpu.memory_space<hbm>>
        %dma_start3A_284 = tpu.memref_slice %arg3[%add3A_282] : memref<320000xi32, #tpu.memory_space<hbm>> -> memref<80xi32, #tpu.memory_space<hbm>>
        tpu.enqueue_dma source(%dma_start3A_284 : memref<80xi32, #tpu.memory_space<hbm>>) target(%arg8 : memref<80xi32, #tpu.memory_space<vmem>>) target_semaphore(%arg19 : memref<!tpu.dma_semaphore, #tpu.memory_space<semaphore_mem>>)
        %dma_start3A_285 = tpu.memref_slice %arg4[%add3A_282] : memref<320000xi32, #tpu.memory_space<hbm>> -> memref<80xi32, #tpu.memory_space<hbm>>
        %dma_start3A_286 = tpu.memref_slice %arg4[%add3A_282] : memref<320000xi32, #tpu.memory_space<hbm>> -> memref<80xi32, #tpu.memory_space<hbm>>
        tpu.enqueue_dma source(%dma_start3A_286 : memref<80xi32, #tpu.memory_space<hbm>>) target(%arg10 : memref<80xi32, #tpu.memory_space<vmem>>) target_semaphore(%arg19 : memref<!tpu.dma_semaphore, #tpu.memory_space<semaphore_mem>>)
        %dma_start3A_287 = tpu.memref_slice %arg5[%add3A_282] : memref<320000xf32, #tpu.memory_space<hbm>> -> memref<80xf32, #tpu.memory_space<hbm>>
        %dma_start3A_288 = tpu.memref_slice %arg5[%add3A_282] : memref<320000xf32, #tpu.memory_space<hbm>> -> memref<80xf32, #tpu.memory_space<hbm>>
        tpu.enqueue_dma source(%dma_start3A_288 : memref<80xf32, #tpu.memory_space<hbm>>) target(%arg14 : memref<80xf32, #tpu.memory_space<vmem>>) target_semaphore(%arg19 : memref<!tpu.dma_semaphore, #tpu.memory_space<semaphore_mem>>)
      } else {
      }
    }
    %scan3A_82 = arith.constant 62 : i32
    %add3A_83 = arith.constant 9920 : i32
    %add3A_84 = arith.addi %mul3A_2, %add3A_83 : i32
    %dma_wait3A = tpu.memref_slice %arg3[%add3A_84] : memref<320000xi32, #tpu.memory_space<hbm>> -> memref<80xi32, #tpu.memory_space<hbm>>
    %dma_wait3A_85 = tpu.memref_slice %arg3[%add3A_84] : memref<320000xi32, #tpu.memory_space<hbm>> -> memref<80xi32, #tpu.memory_space<hbm>>
    tpu.wait_dma2 semaphore(%arg18 : memref<!tpu.dma_semaphore, #tpu.memory_space<semaphore_mem>>) src(%dma_wait3A_85 : memref<80xi32, #tpu.memory_space<hbm>>) dst(%arg7 : memref<80xi32, #tpu.memory_space<vmem>>)
    %dma_wait3A_86 = tpu.memref_slice %arg4[%add3A_84] : memref<320000xi32, #tpu.memory_space<hbm>> -> memref<80xi32, #tpu.memory_space<hbm>>
    %dma_wait3A_87 = tpu.memref_slice %arg4[%add3A_84] : memref<320000xi32, #tpu.memory_space<hbm>> -> memref<80xi32, #tpu.memory_space<hbm>>
    tpu.wait_dma2 semaphore(%arg18 : memref<!tpu.dma_semaphore, #tpu.memory_space<semaphore_mem>>) src(%dma_wait3A_87 : memref<80xi32, #tpu.memory_space<hbm>>) dst(%arg9 : memref<80xi32, #tpu.memory_space<vmem>>)
    %dma_wait3A_88 = tpu.memref_slice %arg5[%add3A_84] : memref<320000xf32, #tpu.memory_space<hbm>> -> memref<80xf32, #tpu.memory_space<hbm>>
    %dma_wait3A_89 = tpu.memref_slice %arg5[%add3A_84] : memref<320000xf32, #tpu.memory_space<hbm>> -> memref<80xf32, #tpu.memory_space<hbm>>
    tpu.wait_dma2 semaphore(%arg18 : memref<!tpu.dma_semaphore, #tpu.memory_space<semaphore_mem>>) src(%dma_wait3A_89 : memref<80xf32, #tpu.memory_space<hbm>>) dst(%arg13 : memref<80xf32, #tpu.memory_space<vmem>>)
    %dma_start3A_90 = arith.constant 0 : i32
    %dma_start3A_91 = arith.constant 0 : i32
    %dma_start3A_92 = tpu.memref_slice %arg2[%dma_start3A_90, %dma_start3A_91] : memref<10000x128xf32, #tpu.memory_space<hbm>> -> memref<10000x128xf32, #tpu.memory_space<hbm>>
    tpu.enqueue_indirect_dma source(%dma_start3A_92 : memref<10000x128xf32, #tpu.memory_space<hbm>>) target(%arg15 : memref<80x128xf32, #tpu.memory_space<vmem>>) offsets(%arg7 : memref<80xi32, #tpu.memory_space<vmem>>) semaphore(%arg20 : memref<!tpu.dma_semaphore, #tpu.memory_space<semaphore_mem>>)
    %dma_wait3A_93 = arith.constant 0 : i32
    %dma_wait3A_94 = arith.constant 0 : i32
    %dma_wait3A_95 = tpu.memref_slice %arg2[%dma_wait3A_93, %dma_wait3A_94] : memref<10000x128xf32, #tpu.memory_space<hbm>> -> memref<10000x128xf32, #tpu.memory_space<hbm>>
    tpu.wait_indirect_dma semaphore(%arg20 : memref<!tpu.dma_semaphore, #tpu.memory_space<semaphore_mem>>) src(%dma_wait3A_95 : memref<10000x128xf32, #tpu.memory_space<hbm>>) dst(%arg15 : memref<80x128xf32, #tpu.memory_space<vmem>>)
    %scan3A_96 = arith.constant 0 : i32
    %scan3A_97 = arith.constant 0 : i32
    %scan3A_98 = arith.constant 80 : i32
    %scan3A_99 = arith.addi %scan3A_97, %scan3A_98 : i32
    %scan3A_100 = arith.constant 1 : i32
    scf.for %scan3A_177 = %scan3A_97 to %scan3A_99 step %scan3A_100  : i32 {
      %broadcast_in_dim3A_178 = vector.broadcast %scan3A_177 : i32 to vector<16xi32>
      %gather3A = tpu.vector_load_idx %arg13[%broadcast_in_dim3A_178] : memref<80xf32, #tpu.memory_space<vmem>>[vector<16xi32>], vector<16xf32>,
      %get3A_179 = arith.index_cast %scan3A_177 : i32 to index
      %get3A_180 = arith.constant 0 : index
      %get3A_181 = tpu.vector_load %arg15[%get3A_179, %get3A_180] {strides = array<i32>} : memref<80x128xf32, #tpu.memory_space<vmem>>, vector<16xf32>,
      %mul3A_182 = arith.mulf %get3A_181, %gather3A : vector<16xf32>
      %swap3A_183 = arith.index_cast %scan3A_177 : i32 to index
      %swap3A_184 = arith.constant 0 : index
      %swap3A_185 = tpu.vector_load %arg15[%swap3A_183, %swap3A_184] {strides = array<i32>} : memref<80x128xf32, #tpu.memory_space<vmem>>, vector<16xf32>,
      tpu.vector_store %arg15[%swap3A_183, %swap3A_184], %mul3A_182 {strides = array<i32>} : memref<80x128xf32, #tpu.memory_space<vmem>>, vector<16xf32>,
      %get3A_186 = arith.index_cast %scan3A_177 : i32 to index
      %get3A_187 = arith.constant 16 : index
      %get3A_188 = tpu.vector_load %arg15[%get3A_186, %get3A_187] {strides = array<i32>} : memref<80x128xf32, #tpu.memory_space<vmem>>, vector<16xf32>,
      %mul3A_189 = arith.mulf %get3A_188, %gather3A : vector<16xf32>
      %swap3A_190 = arith.index_cast %scan3A_177 : i32 to index
      %swap3A_191 = arith.constant 16 : index
      %swap3A_192 = tpu.vector_load %arg15[%swap3A_190, %swap3A_191] {strides = array<i32>} : memref<80x128xf32, #tpu.memory_space<vmem>>, vector<16xf32>,
      tpu.vector_store %arg15[%swap3A_190, %swap3A_191], %mul3A_189 {strides = array<i32>} : memref<80x128xf32, #tpu.memory_space<vmem>>, vector<16xf32>,
      %get3A_193 = arith.index_cast %scan3A_177 : i32 to index
      %get3A_194 = arith.constant 32 : index
      %get3A_195 = tpu.vector_load %arg15[%get3A_193, %get3A_194] {strides = array<i32>} : memref<80x128xf32, #tpu.memory_space<vmem>>, vector<16xf32>,
      %mul3A_196 = arith.mulf %get3A_195, %gather3A : vector<16xf32>
      %swap3A_197 = arith.index_cast %scan3A_177 : i32 to index
      %swap3A_198 = arith.constant 32 : index
      %swap3A_199 = tpu.vector_load %arg15[%swap3A_197, %swap3A_198] {strides = array<i32>} : memref<80x128xf32, #tpu.memory_space<vmem>>, vector<16xf32>,
      tpu.vector_store %arg15[%swap3A_197, %swap3A_198], %mul3A_196 {strides = array<i32>} : memref<80x128xf32, #tpu.memory_space<vmem>>, vector<16xf32>,
      %get3A_200 = arith.index_cast %scan3A_177 : i32 to index
      %get3A_201 = arith.constant 48 : index
      %get3A_202 = tpu.vector_load %arg15[%get3A_200, %get3A_201] {strides = array<i32>} : memref<80x128xf32, #tpu.memory_space<vmem>>, vector<16xf32>,
      %mul3A_203 = arith.mulf %get3A_202, %gather3A : vector<16xf32>
      %swap3A_204 = arith.index_cast %scan3A_177 : i32 to index
      %swap3A_205 = arith.constant 48 : index
      %swap3A_206 = tpu.vector_load %arg15[%swap3A_204, %swap3A_205] {strides = array<i32>} : memref<80x128xf32, #tpu.memory_space<vmem>>, vector<16xf32>,
      tpu.vector_store %arg15[%swap3A_204, %swap3A_205], %mul3A_203 {strides = array<i32>} : memref<80x128xf32, #tpu.memory_space<vmem>>, vector<16xf32>,
      %get3A_207 = arith.index_cast %scan3A_177 : i32 to index
      %get3A_208 = arith.constant 64 : index
      %get3A_209 = tpu.vector_load %arg15[%get3A_207, %get3A_208] {strides = array<i32>} : memref<80x128xf32, #tpu.memory_space<vmem>>, vector<16xf32>,
      %mul3A_210 = arith.mulf %get3A_209, %gather3A : vector<16xf32>
      %swap3A_211 = arith.index_cast %scan3A_177 : i32 to index
      %swap3A_212 = arith.constant 64 : index
      %swap3A_213 = tpu.vector_load %arg15[%swap3A_211, %swap3A_212] {strides = array<i32>} : memref<80x128xf32, #tpu.memory_space<vmem>>, vector<16xf32>,
      tpu.vector_store %arg15[%swap3A_211, %swap3A_212], %mul3A_210 {strides = array<i32>} : memref<80x128xf32, #tpu.memory_space<vmem>>, vector<16xf32>,
      %get3A_214 = arith.index_cast %scan3A_177 : i32 to index
      %get3A_215 = arith.constant 80 : index
      %get3A_216 = tpu.vector_load %arg15[%get3A_214, %get3A_215] {strides = array<i32>} : memref<80x128xf32, #tpu.memory_space<vmem>>, vector<16xf32>,
      %mul3A_217 = arith.mulf %get3A_216, %gather3A : vector<16xf32>
      %swap3A_218 = arith.index_cast %scan3A_177 : i32 to index
      %swap3A_219 = arith.constant 80 : index
      %swap3A_220 = tpu.vector_load %arg15[%swap3A_218, %swap3A_219] {strides = array<i32>} : memref<80x128xf32, #tpu.memory_space<vmem>>, vector<16xf32>,
      tpu.vector_store %arg15[%swap3A_218, %swap3A_219], %mul3A_217 {strides = array<i32>} : memref<80x128xf32, #tpu.memory_space<vmem>>, vector<16xf32>,
      %get3A_221 = arith.index_cast %scan3A_177 : i32 to index
      %get3A_222 = arith.constant 96 : index
      %get3A_223 = tpu.vector_load %arg15[%get3A_221, %get3A_222] {strides = array<i32>} : memref<80x128xf32, #tpu.memory_space<vmem>>, vector<16xf32>,
      %mul3A_224 = arith.mulf %get3A_223, %gather3A : vector<16xf32>
      %swap3A_225 = arith.index_cast %scan3A_177 : i32 to index
      %swap3A_226 = arith.constant 96 : index
      %swap3A_227 = tpu.vector_load %arg15[%swap3A_225, %swap3A_226] {strides = array<i32>} : memref<80x128xf32, #tpu.memory_space<vmem>>, vector<16xf32>,
      tpu.vector_store %arg15[%swap3A_225, %swap3A_226], %mul3A_224 {strides = array<i32>} : memref<80x128xf32, #tpu.memory_space<vmem>>, vector<16xf32>,
      %get3A_228 = arith.index_cast %scan3A_177 : i32 to index
      %get3A_229 = arith.constant 112 : index
      %get3A_230 = tpu.vector_load %arg15[%get3A_228, %get3A_229] {strides = array<i32>} : memref<80x128xf32, #tpu.memory_space<vmem>>, vector<16xf32>,
      %mul3A_231 = arith.mulf %get3A_230, %gather3A : vector<16xf32>
      %swap3A_232 = arith.index_cast %scan3A_177 : i32 to index
      %swap3A_233 = arith.constant 112 : index
      %swap3A_234 = tpu.vector_load %arg15[%swap3A_232, %swap3A_233] {strides = array<i32>} : memref<80x128xf32, #tpu.memory_space<vmem>>, vector<16xf32>,
      tpu.vector_store %arg15[%swap3A_232, %swap3A_233], %mul3A_231 {strides = array<i32>} : memref<80x128xf32, #tpu.memory_space<vmem>>, vector<16xf32>,
    }
    %scan3A_101 = arith.constant 80 : i32
    %get3A = arith.constant 0 : index
    %get3A_102 = tpu.vector_load %arg9[%get3A] {strides = array<i32>} : memref<80xi32, #tpu.memory_space<vmem>>, vector<16xi32>,
    %swap3A = arith.constant 0 : index
    %swap3A_103 = tpu.vector_load %arg11[%swap3A] {strides = array<i32>} : memref<80xi32, #tpu.memory_space<vmem>>, vector<16xi32>,
    tpu.vector_store %arg11[%swap3A], %get3A_102 {strides = array<i32>} : memref<80xi32, #tpu.memory_space<vmem>>, vector<16xi32>,
    %get3A_104 = arith.constant 16 : index
    %get3A_105 = tpu.vector_load %arg9[%get3A_104] {strides = array<i32>} : memref<80xi32, #tpu.memory_space<vmem>>, vector<16xi32>,
    %swap3A_106 = arith.constant 16 : index
    %swap3A_107 = tpu.vector_load %arg11[%swap3A_106] {strides = array<i32>} : memref<80xi32, #tpu.memory_space<vmem>>, vector<16xi32>,
    tpu.vector_store %arg11[%swap3A_106], %get3A_105 {strides = array<i32>} : memref<80xi32, #tpu.memory_space<vmem>>, vector<16xi32>,
    %get3A_108 = arith.constant 32 : index
    %get3A_109 = tpu.vector_load %arg9[%get3A_108] {strides = array<i32>} : memref<80xi32, #tpu.memory_space<vmem>>, vector<16xi32>,
    %swap3A_110 = arith.constant 32 : index
    %swap3A_111 = tpu.vector_load %arg11[%swap3A_110] {strides = array<i32>} : memref<80xi32, #tpu.memory_space<vmem>>, vector<16xi32>,
    tpu.vector_store %arg11[%swap3A_110], %get3A_109 {strides = array<i32>} : memref<80xi32, #tpu.memory_space<vmem>>, vector<16xi32>,
    %get3A_112 = arith.constant 48 : index
    %get3A_113 = tpu.vector_load %arg9[%get3A_112] {strides = array<i32>} : memref<80xi32, #tpu.memory_space<vmem>>, vector<16xi32>,
    %swap3A_114 = arith.constant 48 : index
    %swap3A_115 = tpu.vector_load %arg11[%swap3A_114] {strides = array<i32>} : memref<80xi32, #tpu.memory_space<vmem>>, vector<16xi32>,
    tpu.vector_store %arg11[%swap3A_114], %get3A_113 {strides = array<i32>} : memref<80xi32, #tpu.memory_space<vmem>>, vector<16xi32>,
    %get3A_116 = arith.constant 64 : index
    %get3A_117 = tpu.vector_load %arg9[%get3A_116] {strides = array<i32>} : memref<80xi32, #tpu.memory_space<vmem>>, vector<16xi32>,
    %swap3A_118 = arith.constant 64 : index
    %swap3A_119 = tpu.vector_load %arg11[%swap3A_118] {strides = array<i32>} : memref<80xi32, #tpu.memory_space<vmem>>, vector<16xi32>,
    tpu.vector_store %arg11[%swap3A_118], %get3A_117 {strides = array<i32>} : memref<80xi32, #tpu.memory_space<vmem>>, vector<16xi32>,
    "tpu.region"() ({
      %run_scoped3A = tpu.sem_alloc : memref<!tpu.dma_semaphore, #tpu.memory_space<semaphore_mem>>
      %dma_start3A_177 = arith.constant 0 : i32
      %dma_start3A_178 = arith.constant 0 : i32
      %dma_start3A_179 = tpu.memref_slice %arg17[%dma_start3A_177, %dma_start3A_178] : memref<10000x128xf32, #tpu.memory_space<vmem_shared>> -> memref<10000x128xf32, #tpu.memory_space<vmem_shared>>
      tpu.enqueue_indirect_dma source(%arg15 : memref<80x128xf32, #tpu.memory_space<vmem>>) target(%dma_start3A_179 : memref<10000x128xf32, #tpu.memory_space<vmem_shared>>) offsets(%arg11 : memref<80xi32, #tpu.memory_space<vmem>>) semaphore(%run_scoped3A : memref<!tpu.dma_semaphore, #tpu.memory_space<semaphore_mem>>) {add = true}
      %dma_wait3A_180 = arith.constant 0 : i32
      %dma_wait3A_181 = arith.constant 0 : i32
      %dma_wait3A_182 = tpu.memref_slice %arg17[%dma_wait3A_180, %dma_wait3A_181] : memref<10000x128xf32, #tpu.memory_space<vmem_shared>> -> memref<10000x128xf32, #tpu.memory_space<vmem_shared>>
      tpu.wait_indirect_dma semaphore(%run_scoped3A : memref<!tpu.dma_semaphore, #tpu.memory_space<semaphore_mem>>) src(%arg15 : memref<80x128xf32, #tpu.memory_space<vmem>>) dst(%dma_wait3A_182 : memref<10000x128xf32, #tpu.memory_space<vmem_shared>>)
      tpu.yield
    }) : () -> ()
    %barrier3A_120 = arith.constant 0 : index
    tpu.barrier barrier_id(%barrier3A_120)
    %add3A_121 = arith.constant 0 : i32
    %add3A_122 = arith.addi %arg1, %add3A_121 : i32
    %lt3A_123 = arith.constant 125 : i32
    %lt3A_124 = arith.cmpi slt, %add3A_122, %lt3A_123 : i32
    %convert_element_type3A_125 = arith.extui %lt3A_124 : i1 to i32
    %cond3A_126 = arith.constant 0 : i32
    %cond3A_127 = arith.cmpi ne, %convert_element_type3A_125, %cond3A_126 : i32
    scf.if %cond3A_127 {
      %mul3A_177 = arith.constant 80 : i32
      %mul3A_178 = arith.muli %add3A_122, %mul3A_177 : i32
      %mul3A_179 = arith.constant 80 : i32
      %mul3A_180 = arith.muli %add3A_122, %mul3A_179 : i32
      "tpu.region"() ({
        %run_scoped3A = tpu.sem_alloc : memref<!tpu.dma_semaphore, #tpu.memory_space<semaphore_mem>>
        %dma_start3A_181 = arith.constant 0 : i32
        %dma_start3A_182 = tpu.memref_slice %arg6[%arg0, %mul3A_180, %dma_start3A_181] : memref<2x10000x128xf32, #tpu.memory_space<hbm>> -> memref<1x80x128xf32, #tpu.memory_space<hbm>>
        %dma_start3A_183 = tpu.memref_squeeze %dma_start3A_182 : memref<1x80x128xf32, #tpu.memory_space<hbm>> -> memref<80x128xf32, #tpu.memory_space<hbm>>
        %dma_start3A_184 = arith.constant 0 : i32
        %dma_start3A_185 = tpu.memref_slice %arg17[%mul3A_178, %dma_start3A_184] : memref<10000x128xf32, #tpu.memory_space<vmem_shared>> -> memref<80x128xf32, #tpu.memory_space<vmem_shared>>
        tpu.enqueue_dma source(%dma_start3A_185 : memref<80x128xf32, #tpu.memory_space<vmem_shared>>) target(%dma_start3A_183 : memref<80x128xf32, #tpu.memory_space<hbm>>) target_semaphore(%run_scoped3A : memref<!tpu.dma_semaphore, #tpu.memory_space<semaphore_mem>>)
        %dma_wait3A_186 = arith.constant 0 : i32
        %dma_wait3A_187 = tpu.memref_slice %arg6[%arg0, %mul3A_180, %dma_wait3A_186] : memref<2x10000x128xf32, #tpu.memory_space<hbm>> -> memref<1x80x128xf32, #tpu.memory_space<hbm>>
        %dma_wait3A_188 = tpu.memref_squeeze %dma_wait3A_187 : memref<1x80x128xf32, #tpu.memory_space<hbm>> -> memref<80x128xf32, #tpu.memory_space<hbm>>
        %dma_wait3A_189 = arith.constant 0 : i32
        %dma_wait3A_190 = tpu.memref_slice %arg17[%mul3A_178, %dma_wait3A_189] : memref<10000x128xf32, #tpu.memory_space<vmem_shared>> -> memref<80x128xf32, #tpu.memory_space<vmem_shared>>
        tpu.wait_dma2 semaphore(%run_scoped3A : memref<!tpu.dma_semaphore, #tpu.memory_space<semaphore_mem>>) src(%dma_wait3A_190 : memref<80x128xf32, #tpu.memory_space<vmem_shared>>) dst(%dma_wait3A_188 : memref<80x128xf32, #tpu.memory_space<hbm>>)
        tpu.yield
      }) : () -> ()
    } else {
    }
    %add3A_128 = arith.constant 16 : i32
    %add3A_129 = arith.addi %arg1, %add3A_128 : i32
    %lt3A_130 = arith.constant 125 : i32
    %lt3A_131 = arith.cmpi slt, %add3A_129, %lt3A_130 : i32
    %convert_element_type3A_132 = arith.extui %lt3A_131 : i1 to i32
    %cond3A_133 = arith.constant 0 : i32
    %cond3A_134 = arith.cmpi ne, %convert_element_type3A_132, %cond3A_133 : i32
    scf.if %cond3A_134 {
      %mul3A_177 = arith.constant 80 : i32
      %mul3A_178 = arith.muli %add3A_129, %mul3A_177 : i32
      %mul3A_179 = arith.constant 80 : i32
      %mul3A_180 = arith.muli %add3A_129, %mul3A_179 : i32
      "tpu.region"() ({
        %run_scoped3A = tpu.sem_alloc : memref<!tpu.dma_semaphore, #tpu.memory_space<semaphore_mem>>
        %dma_start3A_181 = arith.constant 0 : i32
        %dma_start3A_182 = tpu.memref_slice %arg6[%arg0, %mul3A_180, %dma_start3A_181] : memref<2x10000x128xf32, #tpu.memory_space<hbm>> -> memref<1x80x128xf32, #tpu.memory_space<hbm>>
        %dma_start3A_183 = tpu.memref_squeeze %dma_start3A_182 : memref<1x80x128xf32, #tpu.memory_space<hbm>> -> memref<80x128xf32, #tpu.memory_space<hbm>>
        %dma_start3A_184 = arith.constant 0 : i32
        %dma_start3A_185 = tpu.memref_slice %arg17[%mul3A_178, %dma_start3A_184] : memref<10000x128xf32, #tpu.memory_space<vmem_shared>> -> memref<80x128xf32, #tpu.memory_space<vmem_shared>>
        tpu.enqueue_dma source(%dma_start3A_185 : memref<80x128xf32, #tpu.memory_space<vmem_shared>>) target(%dma_start3A_183 : memref<80x128xf32, #tpu.memory_space<hbm>>) target_semaphore(%run_scoped3A : memref<!tpu.dma_semaphore, #tpu.memory_space<semaphore_mem>>)
        %dma_wait3A_186 = arith.constant 0 : i32
        %dma_wait3A_187 = tpu.memref_slice %arg6[%arg0, %mul3A_180, %dma_wait3A_186] : memref<2x10000x128xf32, #tpu.memory_space<hbm>> -> memref<1x80x128xf32, #tpu.memory_space<hbm>>
        %dma_wait3A_188 = tpu.memref_squeeze %dma_wait3A_187 : memref<1x80x128xf32, #tpu.memory_space<hbm>> -> memref<80x128xf32, #tpu.memory_space<hbm>>
        %dma_wait3A_189 = arith.constant 0 : i32
        %dma_wait3A_190 = tpu.memref_slice %arg17[%mul3A_178, %dma_wait3A_189] : memref<10000x128xf32, #tpu.memory_space<vmem_shared>> -> memref<80x128xf32, #tpu.memory_space<vmem_shared>>
        tpu.wait_dma2 semaphore(%run_scoped3A : memref<!tpu.dma_semaphore, #tpu.memory_space<semaphore_mem>>) src(%dma_wait3A_190 : memref<80x128xf32, #tpu.memory_space<vmem_shared>>) dst(%dma_wait3A_188 : memref<80x128xf32, #tpu.memory_space<hbm>>)
        tpu.yield
      }) : () -> ()
    } else {
    }
    %add3A_135 = arith.constant 32 : i32
    %add3A_136 = arith.addi %arg1, %add3A_135 : i32
    %lt3A_137 = arith.constant 125 : i32
    %lt3A_138 = arith.cmpi slt, %add3A_136, %lt3A_137 : i32
    %convert_element_type3A_139 = arith.extui %lt3A_138 : i1 to i32
    %cond3A_140 = arith.constant 0 : i32
    %cond3A_141 = arith.cmpi ne, %convert_element_type3A_139, %cond3A_140 : i32
    scf.if %cond3A_141 {
      %mul3A_177 = arith.constant 80 : i32
      %mul3A_178 = arith.muli %add3A_136, %mul3A_177 : i32
      %mul3A_179 = arith.constant 80 : i32
      %mul3A_180 = arith.muli %add3A_136, %mul3A_179 : i32
      "tpu.region"() ({
        %run_scoped3A = tpu.sem_alloc : memref<!tpu.dma_semaphore, #tpu.memory_space<semaphore_mem>>
        %dma_start3A_181 = arith.constant 0 : i32
        %dma_start3A_182 = tpu.memref_slice %arg6[%arg0, %mul3A_180, %dma_start3A_181] : memref<2x10000x128xf32, #tpu.memory_space<hbm>> -> memref<1x80x128xf32, #tpu.memory_space<hbm>>
        %dma_start3A_183 = tpu.memref_squeeze %dma_start3A_182 : memref<1x80x128xf32, #tpu.memory_space<hbm>> -> memref<80x128xf32, #tpu.memory_space<hbm>>
        %dma_start3A_184 = arith.constant 0 : i32
        %dma_start3A_185 = tpu.memref_slice %arg17[%mul3A_178, %dma_start3A_184] : memref<10000x128xf32, #tpu.memory_space<vmem_shared>> -> memref<80x128xf32, #tpu.memory_space<vmem_shared>>
        tpu.enqueue_dma source(%dma_start3A_185 : memref<80x128xf32, #tpu.memory_space<vmem_shared>>) target(%dma_start3A_183 : memref<80x128xf32, #tpu.memory_space<hbm>>) target_semaphore(%run_scoped3A : memref<!tpu.dma_semaphore, #tpu.memory_space<semaphore_mem>>)
        %dma_wait3A_186 = arith.constant 0 : i32
        %dma_wait3A_187 = tpu.memref_slice %arg6[%arg0, %mul3A_180, %dma_wait3A_186] : memref<2x10000x128xf32, #tpu.memory_space<hbm>> -> memref<1x80x128xf32, #tpu.memory_space<hbm>>
        %dma_wait3A_188 = tpu.memref_squeeze %dma_wait3A_187 : memref<1x80x128xf32, #tpu.memory_space<hbm>> -> memref<80x128xf32, #tpu.memory_space<hbm>>
        %dma_wait3A_189 = arith.constant 0 : i32
        %dma_wait3A_190 = tpu.memref_slice %arg17[%mul3A_178, %dma_wait3A_189] : memref<10000x128xf32, #tpu.memory_space<vmem_shared>> -> memref<80x128xf32, #tpu.memory_space<vmem_shared>>
        tpu.wait_dma2 semaphore(%run_scoped3A : memref<!tpu.dma_semaphore, #tpu.memory_space<semaphore_mem>>) src(%dma_wait3A_190 : memref<80x128xf32, #tpu.memory_space<vmem_shared>>) dst(%dma_wait3A_188 : memref<80x128xf32, #tpu.memory_space<hbm>>)
        tpu.yield
      }) : () -> ()
    } else {
    }
    %add3A_142 = arith.constant 48 : i32
    %add3A_143 = arith.addi %arg1, %add3A_142 : i32
    %lt3A_144 = arith.constant 125 : i32
    %lt3A_145 = arith.cmpi slt, %add3A_143, %lt3A_144 : i32
    %convert_element_type3A_146 = arith.extui %lt3A_145 : i1 to i32
    %cond3A_147 = arith.constant 0 : i32
    %cond3A_148 = arith.cmpi ne, %convert_element_type3A_146, %cond3A_147 : i32
    scf.if %cond3A_148 {
      %mul3A_177 = arith.constant 80 : i32
      %mul3A_178 = arith.muli %add3A_143, %mul3A_177 : i32
      %mul3A_179 = arith.constant 80 : i32
      %mul3A_180 = arith.muli %add3A_143, %mul3A_179 : i32
      "tpu.region"() ({
        %run_scoped3A = tpu.sem_alloc : memref<!tpu.dma_semaphore, #tpu.memory_space<semaphore_mem>>
        %dma_start3A_181 = arith.constant 0 : i32
        %dma_start3A_182 = tpu.memref_slice %arg6[%arg0, %mul3A_180, %dma_start3A_181] : memref<2x10000x128xf32, #tpu.memory_space<hbm>> -> memref<1x80x128xf32, #tpu.memory_space<hbm>>
        %dma_start3A_183 = tpu.memref_squeeze %dma_start3A_182 : memref<1x80x128xf32, #tpu.memory_space<hbm>> -> memref<80x128xf32, #tpu.memory_space<hbm>>
        %dma_start3A_184 = arith.constant 0 : i32
        %dma_start3A_185 = tpu.memref_slice %arg17[%mul3A_178, %dma_start3A_184] : memref<10000x128xf32, #tpu.memory_space<vmem_shared>> -> memref<80x128xf32, #tpu.memory_space<vmem_shared>>
        tpu.enqueue_dma source(%dma_start3A_185 : memref<80x128xf32, #tpu.memory_space<vmem_shared>>) target(%dma_start3A_183 : memref<80x128xf32, #tpu.memory_space<hbm>>) target_semaphore(%run_scoped3A : memref<!tpu.dma_semaphore, #tpu.memory_space<semaphore_mem>>)
        %dma_wait3A_186 = arith.constant 0 : i32
        %dma_wait3A_187 = tpu.memref_slice %arg6[%arg0, %mul3A_180, %dma_wait3A_186] : memref<2x10000x128xf32, #tpu.memory_space<hbm>> -> memref<1x80x128xf32, #tpu.memory_space<hbm>>
        %dma_wait3A_188 = tpu.memref_squeeze %dma_wait3A_187 : memref<1x80x128xf32, #tpu.memory_space<hbm>> -> memref<80x128xf32, #tpu.memory_space<hbm>>
        %dma_wait3A_189 = arith.constant 0 : i32
        %dma_wait3A_190 = tpu.memref_slice %arg17[%mul3A_178, %dma_wait3A_189] : memref<10000x128xf32, #tpu.memory_space<vmem_shared>> -> memref<80x128xf32, #tpu.memory_space<vmem_shared>>
        tpu.wait_dma2 semaphore(%run_scoped3A : memref<!tpu.dma_semaphore, #tpu.memory_space<semaphore_mem>>) src(%dma_wait3A_190 : memref<80x128xf32, #tpu.memory_space<vmem_shared>>) dst(%dma_wait3A_188 : memref<80x128xf32, #tpu.memory_space<hbm>>)
        tpu.yield
      }) : () -> ()
    } else {
    }
    %add3A_149 = arith.constant 64 : i32
    %add3A_150 = arith.addi %arg1, %add3A_149 : i32
    %lt3A_151 = arith.constant 125 : i32
    %lt3A_152 = arith.cmpi slt, %add3A_150, %lt3A_151 : i32
    %convert_element_type3A_153 = arith.extui %lt3A_152 : i1 to i32
    %cond3A_154 = arith.constant 0 : i32
    %cond3A_155 = arith.cmpi ne, %convert_element_type3A_153, %cond3A_154 : i32
    scf.if %cond3A_155 {
      %mul3A_177 = arith.constant 80 : i32
      %mul3A_178 = arith.muli %add3A_150, %mul3A_177 : i32
      %mul3A_179 = arith.constant 80 : i32
      %mul3A_180 = arith.muli %add3A_150, %mul3A_179 : i32
      "tpu.region"() ({
        %run_scoped3A = tpu.sem_alloc : memref<!tpu.dma_semaphore, #tpu.memory_space<semaphore_mem>>
        %dma_start3A_181 = arith.constant 0 : i32
        %dma_start3A_182 = tpu.memref_slice %arg6[%arg0, %mul3A_180, %dma_start3A_181] : memref<2x10000x128xf32, #tpu.memory_space<hbm>> -> memref<1x80x128xf32, #tpu.memory_space<hbm>>
        %dma_start3A_183 = tpu.memref_squeeze %dma_start3A_182 : memref<1x80x128xf32, #tpu.memory_space<hbm>> -> memref<80x128xf32, #tpu.memory_space<hbm>>
        %dma_start3A_184 = arith.constant 0 : i32
        %dma_start3A_185 = tpu.memref_slice %arg17[%mul3A_178, %dma_start3A_184] : memref<10000x128xf32, #tpu.memory_space<vmem_shared>> -> memref<80x128xf32, #tpu.memory_space<vmem_shared>>
        tpu.enqueue_dma source(%dma_start3A_185 : memref<80x128xf32, #tpu.memory_space<vmem_shared>>) target(%dma_start3A_183 : memref<80x128xf32, #tpu.memory_space<hbm>>) target_semaphore(%run_scoped3A : memref<!tpu.dma_semaphore, #tpu.memory_space<semaphore_mem>>)
        %dma_wait3A_186 = arith.constant 0 : i32
        %dma_wait3A_187 = tpu.memref_slice %arg6[%arg0, %mul3A_180, %dma_wait3A_186] : memref<2x10000x128xf32, #tpu.memory_space<hbm>> -> memref<1x80x128xf32, #tpu.memory_space<hbm>>
        %dma_wait3A_188 = tpu.memref_squeeze %dma_wait3A_187 : memref<1x80x128xf32, #tpu.memory_space<hbm>> -> memref<80x128xf32, #tpu.memory_space<hbm>>
        %dma_wait3A_189 = arith.constant 0 : i32
        %dma_wait3A_190 = tpu.memref_slice %arg17[%mul3A_178, %dma_wait3A_189] : memref<10000x128xf32, #tpu.memory_space<vmem_shared>> -> memref<80x128xf32, #tpu.memory_space<vmem_shared>>
        tpu.wait_dma2 semaphore(%run_scoped3A : memref<!tpu.dma_semaphore, #tpu.memory_space<semaphore_mem>>) src(%dma_wait3A_190 : memref<80x128xf32, #tpu.memory_space<vmem_shared>>) dst(%dma_wait3A_188 : memref<80x128xf32, #tpu.memory_space<hbm>>)
        tpu.yield
      }) : () -> ()
    } else {
    }
    %add3A_156 = arith.constant 80 : i32
    %add3A_157 = arith.addi %arg1, %add3A_156 : i32
    %lt3A_158 = arith.constant 125 : i32
    %lt3A_159 = arith.cmpi slt, %add3A_157, %lt3A_158 : i32
    %convert_element_type3A_160 = arith.extui %lt3A_159 : i1 to i32
    %cond3A_161 = arith.constant 0 : i32
    %cond3A_162 = arith.cmpi ne, %convert_element_type3A_160, %cond3A_161 : i32
    scf.if %cond3A_162 {
      %mul3A_177 = arith.constant 80 : i32
      %mul3A_178 = arith.muli %add3A_157, %mul3A_177 : i32
      %mul3A_179 = arith.constant 80 : i32
      %mul3A_180 = arith.muli %add3A_157, %mul3A_179 : i32
      "tpu.region"() ({
        %run_scoped3A = tpu.sem_alloc : memref<!tpu.dma_semaphore, #tpu.memory_space<semaphore_mem>>
        %dma_start3A_181 = arith.constant 0 : i32
        %dma_start3A_182 = tpu.memref_slice %arg6[%arg0, %mul3A_180, %dma_start3A_181] : memref<2x10000x128xf32, #tpu.memory_space<hbm>> -> memref<1x80x128xf32, #tpu.memory_space<hbm>>
        %dma_start3A_183 = tpu.memref_squeeze %dma_start3A_182 : memref<1x80x128xf32, #tpu.memory_space<hbm>> -> memref<80x128xf32, #tpu.memory_space<hbm>>
        %dma_start3A_184 = arith.constant 0 : i32
        %dma_start3A_185 = tpu.memref_slice %arg17[%mul3A_178, %dma_start3A_184] : memref<10000x128xf32, #tpu.memory_space<vmem_shared>> -> memref<80x128xf32, #tpu.memory_space<vmem_shared>>
        tpu.enqueue_dma source(%dma_start3A_185 : memref<80x128xf32, #tpu.memory_space<vmem_shared>>) target(%dma_start3A_183 : memref<80x128xf32, #tpu.memory_space<hbm>>) target_semaphore(%run_scoped3A : memref<!tpu.dma_semaphore, #tpu.memory_space<semaphore_mem>>)
        %dma_wait3A_186 = arith.constant 0 : i32
        %dma_wait3A_187 = tpu.memref_slice %arg6[%arg0, %mul3A_180, %dma_wait3A_186] : memref<2x10000x128xf32, #tpu.memory_space<hbm>> -> memref<1x80x128xf32, #tpu.memory_space<hbm>>
        %dma_wait3A_188 = tpu.memref_squeeze %dma_wait3A_187 : memref<1x80x128xf32, #tpu.memory_space<hbm>> -> memref<80x128xf32, #tpu.memory_space<hbm>>
        %dma_wait3A_189 = arith.constant 0 : i32
        %dma_wait3A_190 = tpu.memref_slice %arg17[%mul3A_178, %dma_wait3A_189] : memref<10000x128xf32, #tpu.memory_space<vmem_shared>> -> memref<80x128xf32, #tpu.memory_space<vmem_shared>>
        tpu.wait_dma2 semaphore(%run_scoped3A : memref<!tpu.dma_semaphore, #tpu.memory_space<semaphore_mem>>) src(%dma_wait3A_190 : memref<80x128xf32, #tpu.memory_space<vmem_shared>>) dst(%dma_wait3A_188 : memref<80x128xf32, #tpu.memory_space<hbm>>)
        tpu.yield
      }) : () -> ()
    } else {
    }
    %add3A_163 = arith.constant 96 : i32
    %add3A_164 = arith.addi %arg1, %add3A_163 : i32
    %lt3A_165 = arith.constant 125 : i32
    %lt3A_166 = arith.cmpi slt, %add3A_164, %lt3A_165 : i32
    %convert_element_type3A_167 = arith.extui %lt3A_166 : i1 to i32
    %cond3A_168 = arith.constant 0 : i32
    %cond3A_169 = arith.cmpi ne, %convert_element_type3A_167, %cond3A_168 : i32
    scf.if %cond3A_169 {
      %mul3A_177 = arith.constant 80 : i32
      %mul3A_178 = arith.muli %add3A_164, %mul3A_177 : i32
      %mul3A_179 = arith.constant 80 : i32
      %mul3A_180 = arith.muli %add3A_164, %mul3A_179 : i32
      "tpu.region"() ({
        %run_scoped3A = tpu.sem_alloc : memref<!tpu.dma_semaphore, #tpu.memory_space<semaphore_mem>>
        %dma_start3A_181 = arith.constant 0 : i32
        %dma_start3A_182 = tpu.memref_slice %arg6[%arg0, %mul3A_180, %dma_start3A_181] : memref<2x10000x128xf32, #tpu.memory_space<hbm>> -> memref<1x80x128xf32, #tpu.memory_space<hbm>>
        %dma_start3A_183 = tpu.memref_squeeze %dma_start3A_182 : memref<1x80x128xf32, #tpu.memory_space<hbm>> -> memref<80x128xf32, #tpu.memory_space<hbm>>
        %dma_start3A_184 = arith.constant 0 : i32
        %dma_start3A_185 = tpu.memref_slice %arg17[%mul3A_178, %dma_start3A_184] : memref<10000x128xf32, #tpu.memory_space<vmem_shared>> -> memref<80x128xf32, #tpu.memory_space<vmem_shared>>
        tpu.enqueue_dma source(%dma_start3A_185 : memref<80x128xf32, #tpu.memory_space<vmem_shared>>) target(%dma_start3A_183 : memref<80x128xf32, #tpu.memory_space<hbm>>) target_semaphore(%run_scoped3A : memref<!tpu.dma_semaphore, #tpu.memory_space<semaphore_mem>>)
        %dma_wait3A_186 = arith.constant 0 : i32
        %dma_wait3A_187 = tpu.memref_slice %arg6[%arg0, %mul3A_180, %dma_wait3A_186] : memref<2x10000x128xf32, #tpu.memory_space<hbm>> -> memref<1x80x128xf32, #tpu.memory_space<hbm>>
        %dma_wait3A_188 = tpu.memref_squeeze %dma_wait3A_187 : memref<1x80x128xf32, #tpu.memory_space<hbm>> -> memref<80x128xf32, #tpu.memory_space<hbm>>
        %dma_wait3A_189 = arith.constant 0 : i32
        %dma_wait3A_190 = tpu.memref_slice %arg17[%mul3A_178, %dma_wait3A_189] : memref<10000x128xf32, #tpu.memory_space<vmem_shared>> -> memref<80x128xf32, #tpu.memory_space<vmem_shared>>
        tpu.wait_dma2 semaphore(%run_scoped3A : memref<!tpu.dma_semaphore, #tpu.memory_space<semaphore_mem>>) src(%dma_wait3A_190 : memref<80x128xf32, #tpu.memory_space<vmem_shared>>) dst(%dma_wait3A_188 : memref<80x128xf32, #tpu.memory_space<hbm>>)
        tpu.yield
      }) : () -> ()
    } else {
    }
    %add3A_170 = arith.constant 112 : i32
    %add3A_171 = arith.addi %arg1, %add3A_170 : i32
    %lt3A_172 = arith.constant 125 : i32
    %lt3A_173 = arith.cmpi slt, %add3A_171, %lt3A_172 : i32
    %convert_element_type3A_174 = arith.extui %lt3A_173 : i1 to i32
    %cond3A_175 = arith.constant 0 : i32
    %cond3A_176 = arith.cmpi ne, %convert_element_type3A_174, %cond3A_175 : i32
    scf.if %cond3A_176 {
      %mul3A_177 = arith.constant 80 : i32
      %mul3A_178 = arith.muli %add3A_171, %mul3A_177 : i32
      %mul3A_179 = arith.constant 80 : i32
      %mul3A_180 = arith.muli %add3A_171, %mul3A_179 : i32
      "tpu.region"() ({
        %run_scoped3A = tpu.sem_alloc : memref<!tpu.dma_semaphore, #tpu.memory_space<semaphore_mem>>
        %dma_start3A_181 = arith.constant 0 : i32
        %dma_start3A_182 = tpu.memref_slice %arg6[%arg0, %mul3A_180, %dma_start3A_181] : memref<2x10000x128xf32, #tpu.memory_space<hbm>> -> memref<1x80x128xf32, #tpu.memory_space<hbm>>
        %dma_start3A_183 = tpu.memref_squeeze %dma_start3A_182 : memref<1x80x128xf32, #tpu.memory_space<hbm>> -> memref<80x128xf32, #tpu.memory_space<hbm>>
        %dma_start3A_184 = arith.constant 0 : i32
        %dma_start3A_185 = tpu.memref_slice %arg17[%mul3A_178, %dma_start3A_184] : memref<10000x128xf32, #tpu.memory_space<vmem_shared>> -> memref<80x128xf32, #tpu.memory_space<vmem_shared>>
        tpu.enqueue_dma source(%dma_start3A_185 : memref<80x128xf32, #tpu.memory_space<vmem_shared>>) target(%dma_start3A_183 : memref<80x128xf32, #tpu.memory_space<hbm>>) target_semaphore(%run_scoped3A : memref<!tpu.dma_semaphore, #tpu.memory_space<semaphore_mem>>)
        %dma_wait3A_186 = arith.constant 0 : i32
        %dma_wait3A_187 = tpu.memref_slice %arg6[%arg0, %mul3A_180, %dma_wait3A_186] : memref<2x10000x128xf32, #tpu.memory_space<hbm>> -> memref<1x80x128xf32, #tpu.memory_space<hbm>>
        %dma_wait3A_188 = tpu.memref_squeeze %dma_wait3A_187 : memref<1x80x128xf32, #tpu.memory_space<hbm>> -> memref<80x128xf32, #tpu.memory_space<hbm>>
        %dma_wait3A_189 = arith.constant 0 : i32
        %dma_wait3A_190 = tpu.memref_slice %arg17[%mul3A_178, %dma_wait3A_189] : memref<10000x128xf32, #tpu.memory_space<vmem_shared>> -> memref<80x128xf32, #tpu.memory_space<vmem_shared>>
        tpu.wait_dma2 semaphore(%run_scoped3A : memref<!tpu.dma_semaphore, #tpu.memory_space<semaphore_mem>>) src(%dma_wait3A_190 : memref<80x128xf32, #tpu.memory_space<vmem_shared>>) dst(%dma_wait3A_188 : memref<80x128xf32, #tpu.memory_space<hbm>>)
        tpu.yield
      }) : () -> ()
    } else {
    }
    return
  }
}

#map = affine_map<(d0, d1) -> (0)>
#map1 = affine_map<(d0, d1) -> (0, 0, 0)>
module attributes {stable_mosaic.version = 14 : i64} {
  func.func @deg(%arg0: i32, %arg1: i32, %arg2: memref<320000xi32, #tpu.memory_space<hbm>>, %arg3: memref<320000xf32, #tpu.memory_space<hbm>>, %arg4: memref<2x10000x16xf32, #tpu.memory_space<hbm>>, %arg5: memref<80xi32, #tpu.memory_space<vmem>>, %arg6: memref<80xi32, #tpu.memory_space<vmem>>, %arg7: memref<80xi32, #tpu.memory_space<vmem>>, %arg8: memref<80xi32, #tpu.memory_space<vmem>>, %arg9: memref<80xf32, #tpu.memory_space<vmem>>, %arg10: memref<80xf32, #tpu.memory_space<vmem>>, %arg11: memref<80x16xf32, #tpu.memory_space<vmem>>, %arg12: memref<80x16xf32, #tpu.memory_space<vmem>>, %arg13: memref<10000x16xf32, #tpu.memory_space<vmem_shared>>, %arg14: memref<!tpu.dma_semaphore, #tpu.memory_space<semaphore_mem>>, %arg15: memref<!tpu.dma_semaphore, #tpu.memory_space<semaphore_mem>>) attributes {dimension_semantics = [#tpu.dimension_semantics<core_parallel>, #tpu.dimension_semantics<subcore_parallel>], iteration_bounds = array<i64: 2, 16>, scalar_prefetch = 0 : i64, scratch_operands = 11 : i64, tpu.core_type = #tpu.core_type<sc_vector_subcore>, window_params = [{transform_indices = #map}, {transform_indices = #map}, {transform_indices = #map1}]} {
    %mul3A = arith.constant 16 : i32
    %mul3A_0 = arith.muli %arg0, %mul3A : i32
    %add3A = arith.addi %mul3A_0, %arg1 : i32
    %mul3A_1 = arith.constant 10000 : i32
    %mul3A_2 = arith.muli %add3A, %mul3A_1 : i32
    %broadcast_in_dim3A = arith.constant 0.000000e+00 : f32
    %broadcast_in_dim3A_3 = vector.broadcast %broadcast_in_dim3A : f32 to vector<16xf32>
    %scan3A = arith.constant 0 : i32
    %scan3A_4 = arith.constant 0 : i32
    %scan3A_5 = arith.constant 80 : i32
    %scan3A_6 = arith.addi %scan3A_4, %scan3A_5 : i32
    %scan3A_7 = arith.constant 1 : i32
    scf.for %scan3A_165 = %scan3A_4 to %scan3A_6 step %scan3A_7  : i32 {
      %swap3A_166 = arith.index_cast %scan3A_165 : i32 to index
      %swap3A_167 = arith.constant 0 : index
      %swap3A_168 = tpu.vector_load %arg11[%swap3A_166, %swap3A_167] {strides = array<i32>} : memref<80x16xf32, #tpu.memory_space<vmem>>, vector<16xf32>,
      tpu.vector_store %arg11[%swap3A_166, %swap3A_167], %broadcast_in_dim3A_3 {strides = array<i32>} : memref<80x16xf32, #tpu.memory_space<vmem>>, vector<16xf32>,
    }
    %scan3A_8 = arith.constant 80 : i32
    %add3A_9 = arith.constant 0 : i32
    %add3A_10 = arith.addi %arg1, %add3A_9 : i32
    %lt3A = arith.constant 125 : i32
    %lt3A_11 = arith.cmpi slt, %add3A_10, %lt3A : i32
    %convert_element_type3A = arith.extui %lt3A_11 : i1 to i32
    %cond3A = arith.constant 0 : i32
    %cond3A_12 = arith.cmpi ne, %convert_element_type3A, %cond3A : i32
    scf.if %cond3A_12 {
      %mul3A_165 = arith.constant 80 : i32
      %mul3A_166 = arith.muli %add3A_10, %mul3A_165 : i32
      "tpu.region"() ({
        %run_scoped3A = tpu.sem_alloc : memref<!tpu.dma_semaphore, #tpu.memory_space<semaphore_mem>>
        %dma_start3A_167 = arith.constant 0 : i32
        %dma_start3A_168 = arith.constant 0 : i32
        %dma_start3A_169 = tpu.memref_slice %arg11[%dma_start3A_167, %dma_start3A_168] : memref<80x16xf32, #tpu.memory_space<vmem>> -> memref<80x16xf32, #tpu.memory_space<vmem>>
        %dma_start3A_170 = arith.constant 0 : i32
        %dma_start3A_171 = tpu.memref_slice %arg13[%mul3A_166, %dma_start3A_170] : memref<10000x16xf32, #tpu.memory_space<vmem_shared>> -> memref<80x16xf32, #tpu.memory_space<vmem_shared>>
        %dma_start3A_172 = arith.constant 0 : i32
        %dma_start3A_173 = tpu.memref_slice %arg13[%mul3A_166, %dma_start3A_172] : memref<10000x16xf32, #tpu.memory_space<vmem_shared>> -> memref<80x16xf32, #tpu.memory_space<vmem_shared>>
        %dma_start3A_174 = arith.constant 0 : i32
        %dma_start3A_175 = arith.constant 0 : i32
        %dma_start3A_176 = tpu.memref_slice %arg11[%dma_start3A_174, %dma_start3A_175] : memref<80x16xf32, #tpu.memory_space<vmem>> -> memref<80x16xf32, #tpu.memory_space<vmem>>
        tpu.enqueue_dma source(%dma_start3A_176 : memref<80x16xf32, #tpu.memory_space<vmem>>) target(%dma_start3A_173 : memref<80x16xf32, #tpu.memory_space<vmem_shared>>) target_semaphore(%run_scoped3A : memref<!tpu.dma_semaphore, #tpu.memory_space<semaphore_mem>>)
        %dma_wait3A_177 = arith.constant 0 : i32
        %dma_wait3A_178 = arith.constant 0 : i32
        %dma_wait3A_179 = tpu.memref_slice %arg11[%dma_wait3A_177, %dma_wait3A_178] : memref<80x16xf32, #tpu.memory_space<vmem>> -> memref<80x16xf32, #tpu.memory_space<vmem>>
        %dma_wait3A_180 = arith.constant 0 : i32
        %dma_wait3A_181 = tpu.memref_slice %arg13[%mul3A_166, %dma_wait3A_180] : memref<10000x16xf32, #tpu.memory_space<vmem_shared>> -> memref<80x16xf32, #tpu.memory_space<vmem_shared>>
        %dma_wait3A_182 = arith.constant 0 : i32
        %dma_wait3A_183 = tpu.memref_slice %arg13[%mul3A_166, %dma_wait3A_182] : memref<10000x16xf32, #tpu.memory_space<vmem_shared>> -> memref<80x16xf32, #tpu.memory_space<vmem_shared>>
        %dma_wait3A_184 = arith.constant 0 : i32
        %dma_wait3A_185 = arith.constant 0 : i32
        %dma_wait3A_186 = tpu.memref_slice %arg11[%dma_wait3A_184, %dma_wait3A_185] : memref<80x16xf32, #tpu.memory_space<vmem>> -> memref<80x16xf32, #tpu.memory_space<vmem>>
        tpu.wait_dma2 semaphore(%run_scoped3A : memref<!tpu.dma_semaphore, #tpu.memory_space<semaphore_mem>>) src(%dma_wait3A_186 : memref<80x16xf32, #tpu.memory_space<vmem>>) dst(%dma_wait3A_183 : memref<80x16xf32, #tpu.memory_space<vmem_shared>>)
        tpu.yield
      }) : () -> ()
    } else {
    }
    %add3A_13 = arith.constant 16 : i32
    %add3A_14 = arith.addi %arg1, %add3A_13 : i32
    %lt3A_15 = arith.constant 125 : i32
    %lt3A_16 = arith.cmpi slt, %add3A_14, %lt3A_15 : i32
    %convert_element_type3A_17 = arith.extui %lt3A_16 : i1 to i32
    %cond3A_18 = arith.constant 0 : i32
    %cond3A_19 = arith.cmpi ne, %convert_element_type3A_17, %cond3A_18 : i32
    scf.if %cond3A_19 {
      %mul3A_165 = arith.constant 80 : i32
      %mul3A_166 = arith.muli %add3A_14, %mul3A_165 : i32
      "tpu.region"() ({
        %run_scoped3A = tpu.sem_alloc : memref<!tpu.dma_semaphore, #tpu.memory_space<semaphore_mem>>
        %dma_start3A_167 = arith.constant 0 : i32
        %dma_start3A_168 = arith.constant 0 : i32
        %dma_start3A_169 = tpu.memref_slice %arg11[%dma_start3A_167, %dma_start3A_168] : memref<80x16xf32, #tpu.memory_space<vmem>> -> memref<80x16xf32, #tpu.memory_space<vmem>>
        %dma_start3A_170 = arith.constant 0 : i32
        %dma_start3A_171 = tpu.memref_slice %arg13[%mul3A_166, %dma_start3A_170] : memref<10000x16xf32, #tpu.memory_space<vmem_shared>> -> memref<80x16xf32, #tpu.memory_space<vmem_shared>>
        %dma_start3A_172 = arith.constant 0 : i32
        %dma_start3A_173 = tpu.memref_slice %arg13[%mul3A_166, %dma_start3A_172] : memref<10000x16xf32, #tpu.memory_space<vmem_shared>> -> memref<80x16xf32, #tpu.memory_space<vmem_shared>>
        %dma_start3A_174 = arith.constant 0 : i32
        %dma_start3A_175 = arith.constant 0 : i32
        %dma_start3A_176 = tpu.memref_slice %arg11[%dma_start3A_174, %dma_start3A_175] : memref<80x16xf32, #tpu.memory_space<vmem>> -> memref<80x16xf32, #tpu.memory_space<vmem>>
        tpu.enqueue_dma source(%dma_start3A_176 : memref<80x16xf32, #tpu.memory_space<vmem>>) target(%dma_start3A_173 : memref<80x16xf32, #tpu.memory_space<vmem_shared>>) target_semaphore(%run_scoped3A : memref<!tpu.dma_semaphore, #tpu.memory_space<semaphore_mem>>)
        %dma_wait3A_177 = arith.constant 0 : i32
        %dma_wait3A_178 = arith.constant 0 : i32
        %dma_wait3A_179 = tpu.memref_slice %arg11[%dma_wait3A_177, %dma_wait3A_178] : memref<80x16xf32, #tpu.memory_space<vmem>> -> memref<80x16xf32, #tpu.memory_space<vmem>>
        %dma_wait3A_180 = arith.constant 0 : i32
        %dma_wait3A_181 = tpu.memref_slice %arg13[%mul3A_166, %dma_wait3A_180] : memref<10000x16xf32, #tpu.memory_space<vmem_shared>> -> memref<80x16xf32, #tpu.memory_space<vmem_shared>>
        %dma_wait3A_182 = arith.constant 0 : i32
        %dma_wait3A_183 = tpu.memref_slice %arg13[%mul3A_166, %dma_wait3A_182] : memref<10000x16xf32, #tpu.memory_space<vmem_shared>> -> memref<80x16xf32, #tpu.memory_space<vmem_shared>>
        %dma_wait3A_184 = arith.constant 0 : i32
        %dma_wait3A_185 = arith.constant 0 : i32
        %dma_wait3A_186 = tpu.memref_slice %arg11[%dma_wait3A_184, %dma_wait3A_185] : memref<80x16xf32, #tpu.memory_space<vmem>> -> memref<80x16xf32, #tpu.memory_space<vmem>>
        tpu.wait_dma2 semaphore(%run_scoped3A : memref<!tpu.dma_semaphore, #tpu.memory_space<semaphore_mem>>) src(%dma_wait3A_186 : memref<80x16xf32, #tpu.memory_space<vmem>>) dst(%dma_wait3A_183 : memref<80x16xf32, #tpu.memory_space<vmem_shared>>)
        tpu.yield
      }) : () -> ()
    } else {
    }
    %add3A_20 = arith.constant 32 : i32
    %add3A_21 = arith.addi %arg1, %add3A_20 : i32
    %lt3A_22 = arith.constant 125 : i32
    %lt3A_23 = arith.cmpi slt, %add3A_21, %lt3A_22 : i32
    %convert_element_type3A_24 = arith.extui %lt3A_23 : i1 to i32
    %cond3A_25 = arith.constant 0 : i32
    %cond3A_26 = arith.cmpi ne, %convert_element_type3A_24, %cond3A_25 : i32
    scf.if %cond3A_26 {
      %mul3A_165 = arith.constant 80 : i32
      %mul3A_166 = arith.muli %add3A_21, %mul3A_165 : i32
      "tpu.region"() ({
        %run_scoped3A = tpu.sem_alloc : memref<!tpu.dma_semaphore, #tpu.memory_space<semaphore_mem>>
        %dma_start3A_167 = arith.constant 0 : i32
        %dma_start3A_168 = arith.constant 0 : i32
        %dma_start3A_169 = tpu.memref_slice %arg11[%dma_start3A_167, %dma_start3A_168] : memref<80x16xf32, #tpu.memory_space<vmem>> -> memref<80x16xf32, #tpu.memory_space<vmem>>
        %dma_start3A_170 = arith.constant 0 : i32
        %dma_start3A_171 = tpu.memref_slice %arg13[%mul3A_166, %dma_start3A_170] : memref<10000x16xf32, #tpu.memory_space<vmem_shared>> -> memref<80x16xf32, #tpu.memory_space<vmem_shared>>
        %dma_start3A_172 = arith.constant 0 : i32
        %dma_start3A_173 = tpu.memref_slice %arg13[%mul3A_166, %dma_start3A_172] : memref<10000x16xf32, #tpu.memory_space<vmem_shared>> -> memref<80x16xf32, #tpu.memory_space<vmem_shared>>
        %dma_start3A_174 = arith.constant 0 : i32
        %dma_start3A_175 = arith.constant 0 : i32
        %dma_start3A_176 = tpu.memref_slice %arg11[%dma_start3A_174, %dma_start3A_175] : memref<80x16xf32, #tpu.memory_space<vmem>> -> memref<80x16xf32, #tpu.memory_space<vmem>>
        tpu.enqueue_dma source(%dma_start3A_176 : memref<80x16xf32, #tpu.memory_space<vmem>>) target(%dma_start3A_173 : memref<80x16xf32, #tpu.memory_space<vmem_shared>>) target_semaphore(%run_scoped3A : memref<!tpu.dma_semaphore, #tpu.memory_space<semaphore_mem>>)
        %dma_wait3A_177 = arith.constant 0 : i32
        %dma_wait3A_178 = arith.constant 0 : i32
        %dma_wait3A_179 = tpu.memref_slice %arg11[%dma_wait3A_177, %dma_wait3A_178] : memref<80x16xf32, #tpu.memory_space<vmem>> -> memref<80x16xf32, #tpu.memory_space<vmem>>
        %dma_wait3A_180 = arith.constant 0 : i32
        %dma_wait3A_181 = tpu.memref_slice %arg13[%mul3A_166, %dma_wait3A_180] : memref<10000x16xf32, #tpu.memory_space<vmem_shared>> -> memref<80x16xf32, #tpu.memory_space<vmem_shared>>
        %dma_wait3A_182 = arith.constant 0 : i32
        %dma_wait3A_183 = tpu.memref_slice %arg13[%mul3A_166, %dma_wait3A_182] : memref<10000x16xf32, #tpu.memory_space<vmem_shared>> -> memref<80x16xf32, #tpu.memory_space<vmem_shared>>
        %dma_wait3A_184 = arith.constant 0 : i32
        %dma_wait3A_185 = arith.constant 0 : i32
        %dma_wait3A_186 = tpu.memref_slice %arg11[%dma_wait3A_184, %dma_wait3A_185] : memref<80x16xf32, #tpu.memory_space<vmem>> -> memref<80x16xf32, #tpu.memory_space<vmem>>
        tpu.wait_dma2 semaphore(%run_scoped3A : memref<!tpu.dma_semaphore, #tpu.memory_space<semaphore_mem>>) src(%dma_wait3A_186 : memref<80x16xf32, #tpu.memory_space<vmem>>) dst(%dma_wait3A_183 : memref<80x16xf32, #tpu.memory_space<vmem_shared>>)
        tpu.yield
      }) : () -> ()
    } else {
    }
    %add3A_27 = arith.constant 48 : i32
    %add3A_28 = arith.addi %arg1, %add3A_27 : i32
    %lt3A_29 = arith.constant 125 : i32
    %lt3A_30 = arith.cmpi slt, %add3A_28, %lt3A_29 : i32
    %convert_element_type3A_31 = arith.extui %lt3A_30 : i1 to i32
    %cond3A_32 = arith.constant 0 : i32
    %cond3A_33 = arith.cmpi ne, %convert_element_type3A_31, %cond3A_32 : i32
    scf.if %cond3A_33 {
      %mul3A_165 = arith.constant 80 : i32
      %mul3A_166 = arith.muli %add3A_28, %mul3A_165 : i32
      "tpu.region"() ({
        %run_scoped3A = tpu.sem_alloc : memref<!tpu.dma_semaphore, #tpu.memory_space<semaphore_mem>>
        %dma_start3A_167 = arith.constant 0 : i32
        %dma_start3A_168 = arith.constant 0 : i32
        %dma_start3A_169 = tpu.memref_slice %arg11[%dma_start3A_167, %dma_start3A_168] : memref<80x16xf32, #tpu.memory_space<vmem>> -> memref<80x16xf32, #tpu.memory_space<vmem>>
        %dma_start3A_170 = arith.constant 0 : i32
        %dma_start3A_171 = tpu.memref_slice %arg13[%mul3A_166, %dma_start3A_170] : memref<10000x16xf32, #tpu.memory_space<vmem_shared>> -> memref<80x16xf32, #tpu.memory_space<vmem_shared>>
        %dma_start3A_172 = arith.constant 0 : i32
        %dma_start3A_173 = tpu.memref_slice %arg13[%mul3A_166, %dma_start3A_172] : memref<10000x16xf32, #tpu.memory_space<vmem_shared>> -> memref<80x16xf32, #tpu.memory_space<vmem_shared>>
        %dma_start3A_174 = arith.constant 0 : i32
        %dma_start3A_175 = arith.constant 0 : i32
        %dma_start3A_176 = tpu.memref_slice %arg11[%dma_start3A_174, %dma_start3A_175] : memref<80x16xf32, #tpu.memory_space<vmem>> -> memref<80x16xf32, #tpu.memory_space<vmem>>
        tpu.enqueue_dma source(%dma_start3A_176 : memref<80x16xf32, #tpu.memory_space<vmem>>) target(%dma_start3A_173 : memref<80x16xf32, #tpu.memory_space<vmem_shared>>) target_semaphore(%run_scoped3A : memref<!tpu.dma_semaphore, #tpu.memory_space<semaphore_mem>>)
        %dma_wait3A_177 = arith.constant 0 : i32
        %dma_wait3A_178 = arith.constant 0 : i32
        %dma_wait3A_179 = tpu.memref_slice %arg11[%dma_wait3A_177, %dma_wait3A_178] : memref<80x16xf32, #tpu.memory_space<vmem>> -> memref<80x16xf32, #tpu.memory_space<vmem>>
        %dma_wait3A_180 = arith.constant 0 : i32
        %dma_wait3A_181 = tpu.memref_slice %arg13[%mul3A_166, %dma_wait3A_180] : memref<10000x16xf32, #tpu.memory_space<vmem_shared>> -> memref<80x16xf32, #tpu.memory_space<vmem_shared>>
        %dma_wait3A_182 = arith.constant 0 : i32
        %dma_wait3A_183 = tpu.memref_slice %arg13[%mul3A_166, %dma_wait3A_182] : memref<10000x16xf32, #tpu.memory_space<vmem_shared>> -> memref<80x16xf32, #tpu.memory_space<vmem_shared>>
        %dma_wait3A_184 = arith.constant 0 : i32
        %dma_wait3A_185 = arith.constant 0 : i32
        %dma_wait3A_186 = tpu.memref_slice %arg11[%dma_wait3A_184, %dma_wait3A_185] : memref<80x16xf32, #tpu.memory_space<vmem>> -> memref<80x16xf32, #tpu.memory_space<vmem>>
        tpu.wait_dma2 semaphore(%run_scoped3A : memref<!tpu.dma_semaphore, #tpu.memory_space<semaphore_mem>>) src(%dma_wait3A_186 : memref<80x16xf32, #tpu.memory_space<vmem>>) dst(%dma_wait3A_183 : memref<80x16xf32, #tpu.memory_space<vmem_shared>>)
        tpu.yield
      }) : () -> ()
    } else {
    }
    %add3A_34 = arith.constant 64 : i32
    %add3A_35 = arith.addi %arg1, %add3A_34 : i32
    %lt3A_36 = arith.constant 125 : i32
    %lt3A_37 = arith.cmpi slt, %add3A_35, %lt3A_36 : i32
    %convert_element_type3A_38 = arith.extui %lt3A_37 : i1 to i32
    %cond3A_39 = arith.constant 0 : i32
    %cond3A_40 = arith.cmpi ne, %convert_element_type3A_38, %cond3A_39 : i32
    scf.if %cond3A_40 {
      %mul3A_165 = arith.constant 80 : i32
      %mul3A_166 = arith.muli %add3A_35, %mul3A_165 : i32
      "tpu.region"() ({
        %run_scoped3A = tpu.sem_alloc : memref<!tpu.dma_semaphore, #tpu.memory_space<semaphore_mem>>
        %dma_start3A_167 = arith.constant 0 : i32
        %dma_start3A_168 = arith.constant 0 : i32
        %dma_start3A_169 = tpu.memref_slice %arg11[%dma_start3A_167, %dma_start3A_168] : memref<80x16xf32, #tpu.memory_space<vmem>> -> memref<80x16xf32, #tpu.memory_space<vmem>>
        %dma_start3A_170 = arith.constant 0 : i32
        %dma_start3A_171 = tpu.memref_slice %arg13[%mul3A_166, %dma_start3A_170] : memref<10000x16xf32, #tpu.memory_space<vmem_shared>> -> memref<80x16xf32, #tpu.memory_space<vmem_shared>>
        %dma_start3A_172 = arith.constant 0 : i32
        %dma_start3A_173 = tpu.memref_slice %arg13[%mul3A_166, %dma_start3A_172] : memref<10000x16xf32, #tpu.memory_space<vmem_shared>> -> memref<80x16xf32, #tpu.memory_space<vmem_shared>>
        %dma_start3A_174 = arith.constant 0 : i32
        %dma_start3A_175 = arith.constant 0 : i32
        %dma_start3A_176 = tpu.memref_slice %arg11[%dma_start3A_174, %dma_start3A_175] : memref<80x16xf32, #tpu.memory_space<vmem>> -> memref<80x16xf32, #tpu.memory_space<vmem>>
        tpu.enqueue_dma source(%dma_start3A_176 : memref<80x16xf32, #tpu.memory_space<vmem>>) target(%dma_start3A_173 : memref<80x16xf32, #tpu.memory_space<vmem_shared>>) target_semaphore(%run_scoped3A : memref<!tpu.dma_semaphore, #tpu.memory_space<semaphore_mem>>)
        %dma_wait3A_177 = arith.constant 0 : i32
        %dma_wait3A_178 = arith.constant 0 : i32
        %dma_wait3A_179 = tpu.memref_slice %arg11[%dma_wait3A_177, %dma_wait3A_178] : memref<80x16xf32, #tpu.memory_space<vmem>> -> memref<80x16xf32, #tpu.memory_space<vmem>>
        %dma_wait3A_180 = arith.constant 0 : i32
        %dma_wait3A_181 = tpu.memref_slice %arg13[%mul3A_166, %dma_wait3A_180] : memref<10000x16xf32, #tpu.memory_space<vmem_shared>> -> memref<80x16xf32, #tpu.memory_space<vmem_shared>>
        %dma_wait3A_182 = arith.constant 0 : i32
        %dma_wait3A_183 = tpu.memref_slice %arg13[%mul3A_166, %dma_wait3A_182] : memref<10000x16xf32, #tpu.memory_space<vmem_shared>> -> memref<80x16xf32, #tpu.memory_space<vmem_shared>>
        %dma_wait3A_184 = arith.constant 0 : i32
        %dma_wait3A_185 = arith.constant 0 : i32
        %dma_wait3A_186 = tpu.memref_slice %arg11[%dma_wait3A_184, %dma_wait3A_185] : memref<80x16xf32, #tpu.memory_space<vmem>> -> memref<80x16xf32, #tpu.memory_space<vmem>>
        tpu.wait_dma2 semaphore(%run_scoped3A : memref<!tpu.dma_semaphore, #tpu.memory_space<semaphore_mem>>) src(%dma_wait3A_186 : memref<80x16xf32, #tpu.memory_space<vmem>>) dst(%dma_wait3A_183 : memref<80x16xf32, #tpu.memory_space<vmem_shared>>)
        tpu.yield
      }) : () -> ()
    } else {
    }
    %add3A_41 = arith.constant 80 : i32
    %add3A_42 = arith.addi %arg1, %add3A_41 : i32
    %lt3A_43 = arith.constant 125 : i32
    %lt3A_44 = arith.cmpi slt, %add3A_42, %lt3A_43 : i32
    %convert_element_type3A_45 = arith.extui %lt3A_44 : i1 to i32
    %cond3A_46 = arith.constant 0 : i32
    %cond3A_47 = arith.cmpi ne, %convert_element_type3A_45, %cond3A_46 : i32
    scf.if %cond3A_47 {
      %mul3A_165 = arith.constant 80 : i32
      %mul3A_166 = arith.muli %add3A_42, %mul3A_165 : i32
      "tpu.region"() ({
        %run_scoped3A = tpu.sem_alloc : memref<!tpu.dma_semaphore, #tpu.memory_space<semaphore_mem>>
        %dma_start3A_167 = arith.constant 0 : i32
        %dma_start3A_168 = arith.constant 0 : i32
        %dma_start3A_169 = tpu.memref_slice %arg11[%dma_start3A_167, %dma_start3A_168] : memref<80x16xf32, #tpu.memory_space<vmem>> -> memref<80x16xf32, #tpu.memory_space<vmem>>
        %dma_start3A_170 = arith.constant 0 : i32
        %dma_start3A_171 = tpu.memref_slice %arg13[%mul3A_166, %dma_start3A_170] : memref<10000x16xf32, #tpu.memory_space<vmem_shared>> -> memref<80x16xf32, #tpu.memory_space<vmem_shared>>
        %dma_start3A_172 = arith.constant 0 : i32
        %dma_start3A_173 = tpu.memref_slice %arg13[%mul3A_166, %dma_start3A_172] : memref<10000x16xf32, #tpu.memory_space<vmem_shared>> -> memref<80x16xf32, #tpu.memory_space<vmem_shared>>
        %dma_start3A_174 = arith.constant 0 : i32
        %dma_start3A_175 = arith.constant 0 : i32
        %dma_start3A_176 = tpu.memref_slice %arg11[%dma_start3A_174, %dma_start3A_175] : memref<80x16xf32, #tpu.memory_space<vmem>> -> memref<80x16xf32, #tpu.memory_space<vmem>>
        tpu.enqueue_dma source(%dma_start3A_176 : memref<80x16xf32, #tpu.memory_space<vmem>>) target(%dma_start3A_173 : memref<80x16xf32, #tpu.memory_space<vmem_shared>>) target_semaphore(%run_scoped3A : memref<!tpu.dma_semaphore, #tpu.memory_space<semaphore_mem>>)
        %dma_wait3A_177 = arith.constant 0 : i32
        %dma_wait3A_178 = arith.constant 0 : i32
        %dma_wait3A_179 = tpu.memref_slice %arg11[%dma_wait3A_177, %dma_wait3A_178] : memref<80x16xf32, #tpu.memory_space<vmem>> -> memref<80x16xf32, #tpu.memory_space<vmem>>
        %dma_wait3A_180 = arith.constant 0 : i32
        %dma_wait3A_181 = tpu.memref_slice %arg13[%mul3A_166, %dma_wait3A_180] : memref<10000x16xf32, #tpu.memory_space<vmem_shared>> -> memref<80x16xf32, #tpu.memory_space<vmem_shared>>
        %dma_wait3A_182 = arith.constant 0 : i32
        %dma_wait3A_183 = tpu.memref_slice %arg13[%mul3A_166, %dma_wait3A_182] : memref<10000x16xf32, #tpu.memory_space<vmem_shared>> -> memref<80x16xf32, #tpu.memory_space<vmem_shared>>
        %dma_wait3A_184 = arith.constant 0 : i32
        %dma_wait3A_185 = arith.constant 0 : i32
        %dma_wait3A_186 = tpu.memref_slice %arg11[%dma_wait3A_184, %dma_wait3A_185] : memref<80x16xf32, #tpu.memory_space<vmem>> -> memref<80x16xf32, #tpu.memory_space<vmem>>
        tpu.wait_dma2 semaphore(%run_scoped3A : memref<!tpu.dma_semaphore, #tpu.memory_space<semaphore_mem>>) src(%dma_wait3A_186 : memref<80x16xf32, #tpu.memory_space<vmem>>) dst(%dma_wait3A_183 : memref<80x16xf32, #tpu.memory_space<vmem_shared>>)
        tpu.yield
      }) : () -> ()
    } else {
    }
    %add3A_48 = arith.constant 96 : i32
    %add3A_49 = arith.addi %arg1, %add3A_48 : i32
    %lt3A_50 = arith.constant 125 : i32
    %lt3A_51 = arith.cmpi slt, %add3A_49, %lt3A_50 : i32
    %convert_element_type3A_52 = arith.extui %lt3A_51 : i1 to i32
    %cond3A_53 = arith.constant 0 : i32
    %cond3A_54 = arith.cmpi ne, %convert_element_type3A_52, %cond3A_53 : i32
    scf.if %cond3A_54 {
      %mul3A_165 = arith.constant 80 : i32
      %mul3A_166 = arith.muli %add3A_49, %mul3A_165 : i32
      "tpu.region"() ({
        %run_scoped3A = tpu.sem_alloc : memref<!tpu.dma_semaphore, #tpu.memory_space<semaphore_mem>>
        %dma_start3A_167 = arith.constant 0 : i32
        %dma_start3A_168 = arith.constant 0 : i32
        %dma_start3A_169 = tpu.memref_slice %arg11[%dma_start3A_167, %dma_start3A_168] : memref<80x16xf32, #tpu.memory_space<vmem>> -> memref<80x16xf32, #tpu.memory_space<vmem>>
        %dma_start3A_170 = arith.constant 0 : i32
        %dma_start3A_171 = tpu.memref_slice %arg13[%mul3A_166, %dma_start3A_170] : memref<10000x16xf32, #tpu.memory_space<vmem_shared>> -> memref<80x16xf32, #tpu.memory_space<vmem_shared>>
        %dma_start3A_172 = arith.constant 0 : i32
        %dma_start3A_173 = tpu.memref_slice %arg13[%mul3A_166, %dma_start3A_172] : memref<10000x16xf32, #tpu.memory_space<vmem_shared>> -> memref<80x16xf32, #tpu.memory_space<vmem_shared>>
        %dma_start3A_174 = arith.constant 0 : i32
        %dma_start3A_175 = arith.constant 0 : i32
        %dma_start3A_176 = tpu.memref_slice %arg11[%dma_start3A_174, %dma_start3A_175] : memref<80x16xf32, #tpu.memory_space<vmem>> -> memref<80x16xf32, #tpu.memory_space<vmem>>
        tpu.enqueue_dma source(%dma_start3A_176 : memref<80x16xf32, #tpu.memory_space<vmem>>) target(%dma_start3A_173 : memref<80x16xf32, #tpu.memory_space<vmem_shared>>) target_semaphore(%run_scoped3A : memref<!tpu.dma_semaphore, #tpu.memory_space<semaphore_mem>>)
        %dma_wait3A_177 = arith.constant 0 : i32
        %dma_wait3A_178 = arith.constant 0 : i32
        %dma_wait3A_179 = tpu.memref_slice %arg11[%dma_wait3A_177, %dma_wait3A_178] : memref<80x16xf32, #tpu.memory_space<vmem>> -> memref<80x16xf32, #tpu.memory_space<vmem>>
        %dma_wait3A_180 = arith.constant 0 : i32
        %dma_wait3A_181 = tpu.memref_slice %arg13[%mul3A_166, %dma_wait3A_180] : memref<10000x16xf32, #tpu.memory_space<vmem_shared>> -> memref<80x16xf32, #tpu.memory_space<vmem_shared>>
        %dma_wait3A_182 = arith.constant 0 : i32
        %dma_wait3A_183 = tpu.memref_slice %arg13[%mul3A_166, %dma_wait3A_182] : memref<10000x16xf32, #tpu.memory_space<vmem_shared>> -> memref<80x16xf32, #tpu.memory_space<vmem_shared>>
        %dma_wait3A_184 = arith.constant 0 : i32
        %dma_wait3A_185 = arith.constant 0 : i32
        %dma_wait3A_186 = tpu.memref_slice %arg11[%dma_wait3A_184, %dma_wait3A_185] : memref<80x16xf32, #tpu.memory_space<vmem>> -> memref<80x16xf32, #tpu.memory_space<vmem>>
        tpu.wait_dma2 semaphore(%run_scoped3A : memref<!tpu.dma_semaphore, #tpu.memory_space<semaphore_mem>>) src(%dma_wait3A_186 : memref<80x16xf32, #tpu.memory_space<vmem>>) dst(%dma_wait3A_183 : memref<80x16xf32, #tpu.memory_space<vmem_shared>>)
        tpu.yield
      }) : () -> ()
    } else {
    }
    %add3A_55 = arith.constant 112 : i32
    %add3A_56 = arith.addi %arg1, %add3A_55 : i32
    %lt3A_57 = arith.constant 125 : i32
    %lt3A_58 = arith.cmpi slt, %add3A_56, %lt3A_57 : i32
    %convert_element_type3A_59 = arith.extui %lt3A_58 : i1 to i32
    %cond3A_60 = arith.constant 0 : i32
    %cond3A_61 = arith.cmpi ne, %convert_element_type3A_59, %cond3A_60 : i32
    scf.if %cond3A_61 {
      %mul3A_165 = arith.constant 80 : i32
      %mul3A_166 = arith.muli %add3A_56, %mul3A_165 : i32
      "tpu.region"() ({
        %run_scoped3A = tpu.sem_alloc : memref<!tpu.dma_semaphore, #tpu.memory_space<semaphore_mem>>
        %dma_start3A_167 = arith.constant 0 : i32
        %dma_start3A_168 = arith.constant 0 : i32
        %dma_start3A_169 = tpu.memref_slice %arg11[%dma_start3A_167, %dma_start3A_168] : memref<80x16xf32, #tpu.memory_space<vmem>> -> memref<80x16xf32, #tpu.memory_space<vmem>>
        %dma_start3A_170 = arith.constant 0 : i32
        %dma_start3A_171 = tpu.memref_slice %arg13[%mul3A_166, %dma_start3A_170] : memref<10000x16xf32, #tpu.memory_space<vmem_shared>> -> memref<80x16xf32, #tpu.memory_space<vmem_shared>>
        %dma_start3A_172 = arith.constant 0 : i32
        %dma_start3A_173 = tpu.memref_slice %arg13[%mul3A_166, %dma_start3A_172] : memref<10000x16xf32, #tpu.memory_space<vmem_shared>> -> memref<80x16xf32, #tpu.memory_space<vmem_shared>>
        %dma_start3A_174 = arith.constant 0 : i32
        %dma_start3A_175 = arith.constant 0 : i32
        %dma_start3A_176 = tpu.memref_slice %arg11[%dma_start3A_174, %dma_start3A_175] : memref<80x16xf32, #tpu.memory_space<vmem>> -> memref<80x16xf32, #tpu.memory_space<vmem>>
        tpu.enqueue_dma source(%dma_start3A_176 : memref<80x16xf32, #tpu.memory_space<vmem>>) target(%dma_start3A_173 : memref<80x16xf32, #tpu.memory_space<vmem_shared>>) target_semaphore(%run_scoped3A : memref<!tpu.dma_semaphore, #tpu.memory_space<semaphore_mem>>)
        %dma_wait3A_177 = arith.constant 0 : i32
        %dma_wait3A_178 = arith.constant 0 : i32
        %dma_wait3A_179 = tpu.memref_slice %arg11[%dma_wait3A_177, %dma_wait3A_178] : memref<80x16xf32, #tpu.memory_space<vmem>> -> memref<80x16xf32, #tpu.memory_space<vmem>>
        %dma_wait3A_180 = arith.constant 0 : i32
        %dma_wait3A_181 = tpu.memref_slice %arg13[%mul3A_166, %dma_wait3A_180] : memref<10000x16xf32, #tpu.memory_space<vmem_shared>> -> memref<80x16xf32, #tpu.memory_space<vmem_shared>>
        %dma_wait3A_182 = arith.constant 0 : i32
        %dma_wait3A_183 = tpu.memref_slice %arg13[%mul3A_166, %dma_wait3A_182] : memref<10000x16xf32, #tpu.memory_space<vmem_shared>> -> memref<80x16xf32, #tpu.memory_space<vmem_shared>>
        %dma_wait3A_184 = arith.constant 0 : i32
        %dma_wait3A_185 = arith.constant 0 : i32
        %dma_wait3A_186 = tpu.memref_slice %arg11[%dma_wait3A_184, %dma_wait3A_185] : memref<80x16xf32, #tpu.memory_space<vmem>> -> memref<80x16xf32, #tpu.memory_space<vmem>>
        tpu.wait_dma2 semaphore(%run_scoped3A : memref<!tpu.dma_semaphore, #tpu.memory_space<semaphore_mem>>) src(%dma_wait3A_186 : memref<80x16xf32, #tpu.memory_space<vmem>>) dst(%dma_wait3A_183 : memref<80x16xf32, #tpu.memory_space<vmem_shared>>)
        tpu.yield
      }) : () -> ()
    } else {
    }
    %barrier3A = arith.constant 0 : index
    tpu.barrier barrier_id(%barrier3A)
    %add3A_62 = arith.constant 0 : i32
    %add3A_63 = arith.addi %mul3A_2, %add3A_62 : i32
    %dma_start3A = tpu.memref_slice %arg2[%add3A_63] : memref<320000xi32, #tpu.memory_space<hbm>> -> memref<80xi32, #tpu.memory_space<hbm>>
    %dma_start3A_64 = tpu.memref_slice %arg2[%add3A_63] : memref<320000xi32, #tpu.memory_space<hbm>> -> memref<80xi32, #tpu.memory_space<hbm>>
    tpu.enqueue_dma source(%dma_start3A_64 : memref<80xi32, #tpu.memory_space<hbm>>) target(%arg5 : memref<80xi32, #tpu.memory_space<vmem>>) target_semaphore(%arg14 : memref<!tpu.dma_semaphore, #tpu.memory_space<semaphore_mem>>)
    %dma_start3A_65 = tpu.memref_slice %arg3[%add3A_63] : memref<320000xf32, #tpu.memory_space<hbm>> -> memref<80xf32, #tpu.memory_space<hbm>>
    %dma_start3A_66 = tpu.memref_slice %arg3[%add3A_63] : memref<320000xf32, #tpu.memory_space<hbm>> -> memref<80xf32, #tpu.memory_space<hbm>>
    tpu.enqueue_dma source(%dma_start3A_66 : memref<80xf32, #tpu.memory_space<hbm>>) target(%arg9 : memref<80xf32, #tpu.memory_space<vmem>>) target_semaphore(%arg14 : memref<!tpu.dma_semaphore, #tpu.memory_space<semaphore_mem>>)
    %add3A_67 = arith.constant 80 : i32
    %add3A_68 = arith.addi %mul3A_2, %add3A_67 : i32
    %dma_start3A_69 = tpu.memref_slice %arg2[%add3A_68] : memref<320000xi32, #tpu.memory_space<hbm>> -> memref<80xi32, #tpu.memory_space<hbm>>
    %dma_start3A_70 = tpu.memref_slice %arg2[%add3A_68] : memref<320000xi32, #tpu.memory_space<hbm>> -> memref<80xi32, #tpu.memory_space<hbm>>
    tpu.enqueue_dma source(%dma_start3A_70 : memref<80xi32, #tpu.memory_space<hbm>>) target(%arg6 : memref<80xi32, #tpu.memory_space<vmem>>) target_semaphore(%arg15 : memref<!tpu.dma_semaphore, #tpu.memory_space<semaphore_mem>>)
    %dma_start3A_71 = tpu.memref_slice %arg3[%add3A_68] : memref<320000xf32, #tpu.memory_space<hbm>> -> memref<80xf32, #tpu.memory_space<hbm>>
    %dma_start3A_72 = tpu.memref_slice %arg3[%add3A_68] : memref<320000xf32, #tpu.memory_space<hbm>> -> memref<80xf32, #tpu.memory_space<hbm>>
    tpu.enqueue_dma source(%dma_start3A_72 : memref<80xf32, #tpu.memory_space<hbm>>) target(%arg10 : memref<80xf32, #tpu.memory_space<vmem>>) target_semaphore(%arg15 : memref<!tpu.dma_semaphore, #tpu.memory_space<semaphore_mem>>)
    %scan3A_73 = arith.constant 0 : i32
    %scan3A_74 = arith.constant 0 : i32
    %scan3A_75 = arith.constant 62 : i32
    %scan3A_76 = arith.addi %scan3A_74, %scan3A_75 : i32
    %scan3A_77 = arith.constant 1 : i32
    scf.for %scan3A_165 = %scan3A_74 to %scan3A_76 step %scan3A_77  : i32 {
      %mul3A_166 = arith.constant 2 : i32
      %mul3A_167 = arith.muli %mul3A_166, %scan3A_165 : i32
      %add3A_168 = arith.constant 1 : i32
      %add3A_169 = arith.addi %mul3A_167, %add3A_168 : i32
      %mul3A_170 = arith.constant 80 : i32
      %mul3A_171 = arith.muli %mul3A_167, %mul3A_170 : i32
      %add3A_172 = arith.addi %mul3A_2, %mul3A_171 : i32
      %dma_wait3A_173 = tpu.memref_slice %arg2[%add3A_172] : memref<320000xi32, #tpu.memory_space<hbm>> -> memref<80xi32, #tpu.memory_space<hbm>>
      %dma_wait3A_174 = tpu.memref_slice %arg2[%add3A_172] : memref<320000xi32, #tpu.memory_space<hbm>> -> memref<80xi32, #tpu.memory_space<hbm>>
      tpu.wait_dma2 semaphore(%arg14 : memref<!tpu.dma_semaphore, #tpu.memory_space<semaphore_mem>>) src(%dma_wait3A_174 : memref<80xi32, #tpu.memory_space<hbm>>) dst(%arg5 : memref<80xi32, #tpu.memory_space<vmem>>)
      %dma_wait3A_175 = tpu.memref_slice %arg3[%add3A_172] : memref<320000xf32, #tpu.memory_space<hbm>> -> memref<80xf32, #tpu.memory_space<hbm>>
      %dma_wait3A_176 = tpu.memref_slice %arg3[%add3A_172] : memref<320000xf32, #tpu.memory_space<hbm>> -> memref<80xf32, #tpu.memory_space<hbm>>
      tpu.wait_dma2 semaphore(%arg14 : memref<!tpu.dma_semaphore, #tpu.memory_space<semaphore_mem>>) src(%dma_wait3A_176 : memref<80xf32, #tpu.memory_space<hbm>>) dst(%arg9 : memref<80xf32, #tpu.memory_space<vmem>>)
      %scan3A_177 = arith.constant 0 : i32
      %scan3A_178 = arith.constant 0 : i32
      %scan3A_179 = arith.constant 80 : i32
      %scan3A_180 = arith.addi %scan3A_178, %scan3A_179 : i32
      %scan3A_181 = arith.constant 1 : i32
      scf.for %scan3A_250 = %scan3A_178 to %scan3A_180 step %scan3A_181  : i32 {
        %broadcast_in_dim3A_251 = vector.broadcast %scan3A_250 : i32 to vector<16xi32>
        %gather3A = tpu.vector_load_idx %arg9[%broadcast_in_dim3A_251] : memref<80xf32, #tpu.memory_space<vmem>>[vector<16xi32>], vector<16xf32>,
        %swap3A_252 = arith.index_cast %scan3A_250 : i32 to index
        %swap3A_253 = arith.constant 0 : index
        %swap3A_254 = tpu.vector_load %arg11[%swap3A_252, %swap3A_253] {strides = array<i32>} : memref<80x16xf32, #tpu.memory_space<vmem>>, vector<16xf32>,
        tpu.vector_store %arg11[%swap3A_252, %swap3A_253], %gather3A {strides = array<i32>} : memref<80x16xf32, #tpu.memory_space<vmem>>, vector<16xf32>,
      }
      %scan3A_182 = arith.constant 80 : i32
      %get3A_183 = arith.constant 0 : index
      %get3A_184 = tpu.vector_load %arg5[%get3A_183] {strides = array<i32>} : memref<80xi32, #tpu.memory_space<vmem>>, vector<16xi32>,
      %swap3A_185 = arith.constant 0 : index
      %swap3A_186 = tpu.vector_load %arg7[%swap3A_185] {strides = array<i32>} : memref<80xi32, #tpu.memory_space<vmem>>, vector<16xi32>,
      tpu.vector_store %arg7[%swap3A_185], %get3A_184 {strides = array<i32>} : memref<80xi32, #tpu.memory_space<vmem>>, vector<16xi32>,
      %get3A_187 = arith.constant 16 : index
      %get3A_188 = tpu.vector_load %arg5[%get3A_187] {strides = array<i32>} : memref<80xi32, #tpu.memory_space<vmem>>, vector<16xi32>,
      %swap3A_189 = arith.constant 16 : index
      %swap3A_190 = tpu.vector_load %arg7[%swap3A_189] {strides = array<i32>} : memref<80xi32, #tpu.memory_space<vmem>>, vector<16xi32>,
      tpu.vector_store %arg7[%swap3A_189], %get3A_188 {strides = array<i32>} : memref<80xi32, #tpu.memory_space<vmem>>, vector<16xi32>,
      %get3A_191 = arith.constant 32 : index
      %get3A_192 = tpu.vector_load %arg5[%get3A_191] {strides = array<i32>} : memref<80xi32, #tpu.memory_space<vmem>>, vector<16xi32>,
      %swap3A_193 = arith.constant 32 : index
      %swap3A_194 = tpu.vector_load %arg7[%swap3A_193] {strides = array<i32>} : memref<80xi32, #tpu.memory_space<vmem>>, vector<16xi32>,
      tpu.vector_store %arg7[%swap3A_193], %get3A_192 {strides = array<i32>} : memref<80xi32, #tpu.memory_space<vmem>>, vector<16xi32>,
      %get3A_195 = arith.constant 48 : index
      %get3A_196 = tpu.vector_load %arg5[%get3A_195] {strides = array<i32>} : memref<80xi32, #tpu.memory_space<vmem>>, vector<16xi32>,
      %swap3A_197 = arith.constant 48 : index
      %swap3A_198 = tpu.vector_load %arg7[%swap3A_197] {strides = array<i32>} : memref<80xi32, #tpu.memory_space<vmem>>, vector<16xi32>,
      tpu.vector_store %arg7[%swap3A_197], %get3A_196 {strides = array<i32>} : memref<80xi32, #tpu.memory_space<vmem>>, vector<16xi32>,
      %get3A_199 = arith.constant 64 : index
      %get3A_200 = tpu.vector_load %arg5[%get3A_199] {strides = array<i32>} : memref<80xi32, #tpu.memory_space<vmem>>, vector<16xi32>,
      %swap3A_201 = arith.constant 64 : index
      %swap3A_202 = tpu.vector_load %arg7[%swap3A_201] {strides = array<i32>} : memref<80xi32, #tpu.memory_space<vmem>>, vector<16xi32>,
      tpu.vector_store %arg7[%swap3A_201], %get3A_200 {strides = array<i32>} : memref<80xi32, #tpu.memory_space<vmem>>, vector<16xi32>,
      "tpu.region"() ({
        %run_scoped3A = tpu.sem_alloc : memref<!tpu.dma_semaphore, #tpu.memory_space<semaphore_mem>>
        %dma_start3A_250 = arith.constant 0 : i32
        %dma_start3A_251 = arith.constant 0 : i32
        %dma_start3A_252 = tpu.memref_slice %arg13[%dma_start3A_250, %dma_start3A_251] : memref<10000x16xf32, #tpu.memory_space<vmem_shared>> -> memref<10000x16xf32, #tpu.memory_space<vmem_shared>>
        tpu.enqueue_indirect_dma source(%arg11 : memref<80x16xf32, #tpu.memory_space<vmem>>) target(%dma_start3A_252 : memref<10000x16xf32, #tpu.memory_space<vmem_shared>>) offsets(%arg7 : memref<80xi32, #tpu.memory_space<vmem>>) semaphore(%run_scoped3A : memref<!tpu.dma_semaphore, #tpu.memory_space<semaphore_mem>>) {add = true}
        %dma_wait3A_253 = arith.constant 0 : i32
        %dma_wait3A_254 = arith.constant 0 : i32
        %dma_wait3A_255 = tpu.memref_slice %arg13[%dma_wait3A_253, %dma_wait3A_254] : memref<10000x16xf32, #tpu.memory_space<vmem_shared>> -> memref<10000x16xf32, #tpu.memory_space<vmem_shared>>
        tpu.wait_indirect_dma semaphore(%run_scoped3A : memref<!tpu.dma_semaphore, #tpu.memory_space<semaphore_mem>>) src(%arg11 : memref<80x16xf32, #tpu.memory_space<vmem>>) dst(%dma_wait3A_255 : memref<10000x16xf32, #tpu.memory_space<vmem_shared>>)
        tpu.yield
      }) : () -> ()
      %add3A_203 = arith.constant 2 : i32
      %add3A_204 = arith.addi %mul3A_167, %add3A_203 : i32
      %lt3A_205 = arith.constant 125 : i32
      %lt3A_206 = arith.cmpi slt, %add3A_204, %lt3A_205 : i32
      %convert_element_type3A_207 = arith.extui %lt3A_206 : i1 to i32
      %cond3A_208 = arith.constant 0 : i32
      %cond3A_209 = arith.cmpi ne, %convert_element_type3A_207, %cond3A_208 : i32
      scf.if %cond3A_209 {
        %add3A_250 = arith.constant 2 : i32
        %add3A_251 = arith.addi %mul3A_167, %add3A_250 : i32
        %mul3A_252 = arith.constant 80 : i32
        %mul3A_253 = arith.muli %add3A_251, %mul3A_252 : i32
        %add3A_254 = arith.addi %mul3A_2, %mul3A_253 : i32
        %dma_start3A_255 = tpu.memref_slice %arg2[%add3A_254] : memref<320000xi32, #tpu.memory_space<hbm>> -> memref<80xi32, #tpu.memory_space<hbm>>
        %dma_start3A_256 = tpu.memref_slice %arg2[%add3A_254] : memref<320000xi32, #tpu.memory_space<hbm>> -> memref<80xi32, #tpu.memory_space<hbm>>
        tpu.enqueue_dma source(%dma_start3A_256 : memref<80xi32, #tpu.memory_space<hbm>>) target(%arg5 : memref<80xi32, #tpu.memory_space<vmem>>) target_semaphore(%arg14 : memref<!tpu.dma_semaphore, #tpu.memory_space<semaphore_mem>>)
        %dma_start3A_257 = tpu.memref_slice %arg3[%add3A_254] : memref<320000xf32, #tpu.memory_space<hbm>> -> memref<80xf32, #tpu.memory_space<hbm>>
        %dma_start3A_258 = tpu.memref_slice %arg3[%add3A_254] : memref<320000xf32, #tpu.memory_space<hbm>> -> memref<80xf32, #tpu.memory_space<hbm>>
        tpu.enqueue_dma source(%dma_start3A_258 : memref<80xf32, #tpu.memory_space<hbm>>) target(%arg9 : memref<80xf32, #tpu.memory_space<vmem>>) target_semaphore(%arg14 : memref<!tpu.dma_semaphore, #tpu.memory_space<semaphore_mem>>)
      } else {
      }
      %mul3A_210 = arith.constant 80 : i32
      %mul3A_211 = arith.muli %add3A_169, %mul3A_210 : i32
      %add3A_212 = arith.addi %mul3A_2, %mul3A_211 : i32
      %dma_wait3A_213 = tpu.memref_slice %arg2[%add3A_212] : memref<320000xi32, #tpu.memory_space<hbm>> -> memref<80xi32, #tpu.memory_space<hbm>>
      %dma_wait3A_214 = tpu.memref_slice %arg2[%add3A_212] : memref<320000xi32, #tpu.memory_space<hbm>> -> memref<80xi32, #tpu.memory_space<hbm>>
      tpu.wait_dma2 semaphore(%arg15 : memref<!tpu.dma_semaphore, #tpu.memory_space<semaphore_mem>>) src(%dma_wait3A_214 : memref<80xi32, #tpu.memory_space<hbm>>) dst(%arg6 : memref<80xi32, #tpu.memory_space<vmem>>)
      %dma_wait3A_215 = tpu.memref_slice %arg3[%add3A_212] : memref<320000xf32, #tpu.memory_space<hbm>> -> memref<80xf32, #tpu.memory_space<hbm>>
      %dma_wait3A_216 = tpu.memref_slice %arg3[%add3A_212] : memref<320000xf32, #tpu.memory_space<hbm>> -> memref<80xf32, #tpu.memory_space<hbm>>
      tpu.wait_dma2 semaphore(%arg15 : memref<!tpu.dma_semaphore, #tpu.memory_space<semaphore_mem>>) src(%dma_wait3A_216 : memref<80xf32, #tpu.memory_space<hbm>>) dst(%arg10 : memref<80xf32, #tpu.memory_space<vmem>>)
      %scan3A_217 = arith.constant 0 : i32
      %scan3A_218 = arith.constant 0 : i32
      %scan3A_219 = arith.constant 80 : i32
      %scan3A_220 = arith.addi %scan3A_218, %scan3A_219 : i32
      %scan3A_221 = arith.constant 1 : i32
      scf.for %scan3A_250 = %scan3A_218 to %scan3A_220 step %scan3A_221  : i32 {
        %broadcast_in_dim3A_251 = vector.broadcast %scan3A_250 : i32 to vector<16xi32>
        %gather3A = tpu.vector_load_idx %arg10[%broadcast_in_dim3A_251] : memref<80xf32, #tpu.memory_space<vmem>>[vector<16xi32>], vector<16xf32>,
        %swap3A_252 = arith.index_cast %scan3A_250 : i32 to index
        %swap3A_253 = arith.constant 0 : index
        %swap3A_254 = tpu.vector_load %arg12[%swap3A_252, %swap3A_253] {strides = array<i32>} : memref<80x16xf32, #tpu.memory_space<vmem>>, vector<16xf32>,
        tpu.vector_store %arg12[%swap3A_252, %swap3A_253], %gather3A {strides = array<i32>} : memref<80x16xf32, #tpu.memory_space<vmem>>, vector<16xf32>,
      }
      %scan3A_222 = arith.constant 80 : i32
      %get3A_223 = arith.constant 0 : index
      %get3A_224 = tpu.vector_load %arg6[%get3A_223] {strides = array<i32>} : memref<80xi32, #tpu.memory_space<vmem>>, vector<16xi32>,
      %swap3A_225 = arith.constant 0 : index
      %swap3A_226 = tpu.vector_load %arg8[%swap3A_225] {strides = array<i32>} : memref<80xi32, #tpu.memory_space<vmem>>, vector<16xi32>,
      tpu.vector_store %arg8[%swap3A_225], %get3A_224 {strides = array<i32>} : memref<80xi32, #tpu.memory_space<vmem>>, vector<16xi32>,
      %get3A_227 = arith.constant 16 : index
      %get3A_228 = tpu.vector_load %arg6[%get3A_227] {strides = array<i32>} : memref<80xi32, #tpu.memory_space<vmem>>, vector<16xi32>,
      %swap3A_229 = arith.constant 16 : index
      %swap3A_230 = tpu.vector_load %arg8[%swap3A_229] {strides = array<i32>} : memref<80xi32, #tpu.memory_space<vmem>>, vector<16xi32>,
      tpu.vector_store %arg8[%swap3A_229], %get3A_228 {strides = array<i32>} : memref<80xi32, #tpu.memory_space<vmem>>, vector<16xi32>,
      %get3A_231 = arith.constant 32 : index
      %get3A_232 = tpu.vector_load %arg6[%get3A_231] {strides = array<i32>} : memref<80xi32, #tpu.memory_space<vmem>>, vector<16xi32>,
      %swap3A_233 = arith.constant 32 : index
      %swap3A_234 = tpu.vector_load %arg8[%swap3A_233] {strides = array<i32>} : memref<80xi32, #tpu.memory_space<vmem>>, vector<16xi32>,
      tpu.vector_store %arg8[%swap3A_233], %get3A_232 {strides = array<i32>} : memref<80xi32, #tpu.memory_space<vmem>>, vector<16xi32>,
      %get3A_235 = arith.constant 48 : index
      %get3A_236 = tpu.vector_load %arg6[%get3A_235] {strides = array<i32>} : memref<80xi32, #tpu.memory_space<vmem>>, vector<16xi32>,
      %swap3A_237 = arith.constant 48 : index
      %swap3A_238 = tpu.vector_load %arg8[%swap3A_237] {strides = array<i32>} : memref<80xi32, #tpu.memory_space<vmem>>, vector<16xi32>,
      tpu.vector_store %arg8[%swap3A_237], %get3A_236 {strides = array<i32>} : memref<80xi32, #tpu.memory_space<vmem>>, vector<16xi32>,
      %get3A_239 = arith.constant 64 : index
      %get3A_240 = tpu.vector_load %arg6[%get3A_239] {strides = array<i32>} : memref<80xi32, #tpu.memory_space<vmem>>, vector<16xi32>,
      %swap3A_241 = arith.constant 64 : index
      %swap3A_242 = tpu.vector_load %arg8[%swap3A_241] {strides = array<i32>} : memref<80xi32, #tpu.memory_space<vmem>>, vector<16xi32>,
      tpu.vector_store %arg8[%swap3A_241], %get3A_240 {strides = array<i32>} : memref<80xi32, #tpu.memory_space<vmem>>, vector<16xi32>,
      "tpu.region"() ({
        %run_scoped3A = tpu.sem_alloc : memref<!tpu.dma_semaphore, #tpu.memory_space<semaphore_mem>>
        %dma_start3A_250 = arith.constant 0 : i32
        %dma_start3A_251 = arith.constant 0 : i32
        %dma_start3A_252 = tpu.memref_slice %arg13[%dma_start3A_250, %dma_start3A_251] : memref<10000x16xf32, #tpu.memory_space<vmem_shared>> -> memref<10000x16xf32, #tpu.memory_space<vmem_shared>>
        tpu.enqueue_indirect_dma source(%arg12 : memref<80x16xf32, #tpu.memory_space<vmem>>) target(%dma_start3A_252 : memref<10000x16xf32, #tpu.memory_space<vmem_shared>>) offsets(%arg8 : memref<80xi32, #tpu.memory_space<vmem>>) semaphore(%run_scoped3A : memref<!tpu.dma_semaphore, #tpu.memory_space<semaphore_mem>>) {add = true}
        %dma_wait3A_253 = arith.constant 0 : i32
        %dma_wait3A_254 = arith.constant 0 : i32
        %dma_wait3A_255 = tpu.memref_slice %arg13[%dma_wait3A_253, %dma_wait3A_254] : memref<10000x16xf32, #tpu.memory_space<vmem_shared>> -> memref<10000x16xf32, #tpu.memory_space<vmem_shared>>
        tpu.wait_indirect_dma semaphore(%run_scoped3A : memref<!tpu.dma_semaphore, #tpu.memory_space<semaphore_mem>>) src(%arg12 : memref<80x16xf32, #tpu.memory_space<vmem>>) dst(%dma_wait3A_255 : memref<10000x16xf32, #tpu.memory_space<vmem_shared>>)
        tpu.yield
      }) : () -> ()
      %add3A_243 = arith.constant 2 : i32
      %add3A_244 = arith.addi %add3A_169, %add3A_243 : i32
      %lt3A_245 = arith.constant 125 : i32
      %lt3A_246 = arith.cmpi slt, %add3A_244, %lt3A_245 : i32
      %convert_element_type3A_247 = arith.extui %lt3A_246 : i1 to i32
      %cond3A_248 = arith.constant 0 : i32
      %cond3A_249 = arith.cmpi ne, %convert_element_type3A_247, %cond3A_248 : i32
      scf.if %cond3A_249 {
        %add3A_250 = arith.constant 2 : i32
        %add3A_251 = arith.addi %add3A_169, %add3A_250 : i32
        %mul3A_252 = arith.constant 80 : i32
        %mul3A_253 = arith.muli %add3A_251, %mul3A_252 : i32
        %add3A_254 = arith.addi %mul3A_2, %mul3A_253 : i32
        %dma_start3A_255 = tpu.memref_slice %arg2[%add3A_254] : memref<320000xi32, #tpu.memory_space<hbm>> -> memref<80xi32, #tpu.memory_space<hbm>>
        %dma_start3A_256 = tpu.memref_slice %arg2[%add3A_254] : memref<320000xi32, #tpu.memory_space<hbm>> -> memref<80xi32, #tpu.memory_space<hbm>>
        tpu.enqueue_dma source(%dma_start3A_256 : memref<80xi32, #tpu.memory_space<hbm>>) target(%arg6 : memref<80xi32, #tpu.memory_space<vmem>>) target_semaphore(%arg15 : memref<!tpu.dma_semaphore, #tpu.memory_space<semaphore_mem>>)
        %dma_start3A_257 = tpu.memref_slice %arg3[%add3A_254] : memref<320000xf32, #tpu.memory_space<hbm>> -> memref<80xf32, #tpu.memory_space<hbm>>
        %dma_start3A_258 = tpu.memref_slice %arg3[%add3A_254] : memref<320000xf32, #tpu.memory_space<hbm>> -> memref<80xf32, #tpu.memory_space<hbm>>
        tpu.enqueue_dma source(%dma_start3A_258 : memref<80xf32, #tpu.memory_space<hbm>>) target(%arg10 : memref<80xf32, #tpu.memory_space<vmem>>) target_semaphore(%arg15 : memref<!tpu.dma_semaphore, #tpu.memory_space<semaphore_mem>>)
      } else {
      }
    }
    %scan3A_78 = arith.constant 62 : i32
    %add3A_79 = arith.constant 9920 : i32
    %add3A_80 = arith.addi %mul3A_2, %add3A_79 : i32
    %dma_wait3A = tpu.memref_slice %arg2[%add3A_80] : memref<320000xi32, #tpu.memory_space<hbm>> -> memref<80xi32, #tpu.memory_space<hbm>>
    %dma_wait3A_81 = tpu.memref_slice %arg2[%add3A_80] : memref<320000xi32, #tpu.memory_space<hbm>> -> memref<80xi32, #tpu.memory_space<hbm>>
    tpu.wait_dma2 semaphore(%arg14 : memref<!tpu.dma_semaphore, #tpu.memory_space<semaphore_mem>>) src(%dma_wait3A_81 : memref<80xi32, #tpu.memory_space<hbm>>) dst(%arg5 : memref<80xi32, #tpu.memory_space<vmem>>)
    %dma_wait3A_82 = tpu.memref_slice %arg3[%add3A_80] : memref<320000xf32, #tpu.memory_space<hbm>> -> memref<80xf32, #tpu.memory_space<hbm>>
    %dma_wait3A_83 = tpu.memref_slice %arg3[%add3A_80] : memref<320000xf32, #tpu.memory_space<hbm>> -> memref<80xf32, #tpu.memory_space<hbm>>
    tpu.wait_dma2 semaphore(%arg14 : memref<!tpu.dma_semaphore, #tpu.memory_space<semaphore_mem>>) src(%dma_wait3A_83 : memref<80xf32, #tpu.memory_space<hbm>>) dst(%arg9 : memref<80xf32, #tpu.memory_space<vmem>>)
    %scan3A_84 = arith.constant 0 : i32
    %scan3A_85 = arith.constant 0 : i32
    %scan3A_86 = arith.constant 80 : i32
    %scan3A_87 = arith.addi %scan3A_85, %scan3A_86 : i32
    %scan3A_88 = arith.constant 1 : i32
    scf.for %scan3A_165 = %scan3A_85 to %scan3A_87 step %scan3A_88  : i32 {
      %broadcast_in_dim3A_166 = vector.broadcast %scan3A_165 : i32 to vector<16xi32>
      %gather3A = tpu.vector_load_idx %arg9[%broadcast_in_dim3A_166] : memref<80xf32, #tpu.memory_space<vmem>>[vector<16xi32>], vector<16xf32>,
      %swap3A_167 = arith.index_cast %scan3A_165 : i32 to index
      %swap3A_168 = arith.constant 0 : index
      %swap3A_169 = tpu.vector_load %arg11[%swap3A_167, %swap3A_168] {strides = array<i32>} : memref<80x16xf32, #tpu.memory_space<vmem>>, vector<16xf32>,
      tpu.vector_store %arg11[%swap3A_167, %swap3A_168], %gather3A {strides = array<i32>} : memref<80x16xf32, #tpu.memory_space<vmem>>, vector<16xf32>,
    }
    %scan3A_89 = arith.constant 80 : i32
    %get3A = arith.constant 0 : index
    %get3A_90 = tpu.vector_load %arg5[%get3A] {strides = array<i32>} : memref<80xi32, #tpu.memory_space<vmem>>, vector<16xi32>,
    %swap3A = arith.constant 0 : index
    %swap3A_91 = tpu.vector_load %arg7[%swap3A] {strides = array<i32>} : memref<80xi32, #tpu.memory_space<vmem>>, vector<16xi32>,
    tpu.vector_store %arg7[%swap3A], %get3A_90 {strides = array<i32>} : memref<80xi32, #tpu.memory_space<vmem>>, vector<16xi32>,
    %get3A_92 = arith.constant 16 : index
    %get3A_93 = tpu.vector_load %arg5[%get3A_92] {strides = array<i32>} : memref<80xi32, #tpu.memory_space<vmem>>, vector<16xi32>,
    %swap3A_94 = arith.constant 16 : index
    %swap3A_95 = tpu.vector_load %arg7[%swap3A_94] {strides = array<i32>} : memref<80xi32, #tpu.memory_space<vmem>>, vector<16xi32>,
    tpu.vector_store %arg7[%swap3A_94], %get3A_93 {strides = array<i32>} : memref<80xi32, #tpu.memory_space<vmem>>, vector<16xi32>,
    %get3A_96 = arith.constant 32 : index
    %get3A_97 = tpu.vector_load %arg5[%get3A_96] {strides = array<i32>} : memref<80xi32, #tpu.memory_space<vmem>>, vector<16xi32>,
    %swap3A_98 = arith.constant 32 : index
    %swap3A_99 = tpu.vector_load %arg7[%swap3A_98] {strides = array<i32>} : memref<80xi32, #tpu.memory_space<vmem>>, vector<16xi32>,
    tpu.vector_store %arg7[%swap3A_98], %get3A_97 {strides = array<i32>} : memref<80xi32, #tpu.memory_space<vmem>>, vector<16xi32>,
    %get3A_100 = arith.constant 48 : index
    %get3A_101 = tpu.vector_load %arg5[%get3A_100] {strides = array<i32>} : memref<80xi32, #tpu.memory_space<vmem>>, vector<16xi32>,
    %swap3A_102 = arith.constant 48 : index
    %swap3A_103 = tpu.vector_load %arg7[%swap3A_102] {strides = array<i32>} : memref<80xi32, #tpu.memory_space<vmem>>, vector<16xi32>,
    tpu.vector_store %arg7[%swap3A_102], %get3A_101 {strides = array<i32>} : memref<80xi32, #tpu.memory_space<vmem>>, vector<16xi32>,
    %get3A_104 = arith.constant 64 : index
    %get3A_105 = tpu.vector_load %arg5[%get3A_104] {strides = array<i32>} : memref<80xi32, #tpu.memory_space<vmem>>, vector<16xi32>,
    %swap3A_106 = arith.constant 64 : index
    %swap3A_107 = tpu.vector_load %arg7[%swap3A_106] {strides = array<i32>} : memref<80xi32, #tpu.memory_space<vmem>>, vector<16xi32>,
    tpu.vector_store %arg7[%swap3A_106], %get3A_105 {strides = array<i32>} : memref<80xi32, #tpu.memory_space<vmem>>, vector<16xi32>,
    "tpu.region"() ({
      %run_scoped3A = tpu.sem_alloc : memref<!tpu.dma_semaphore, #tpu.memory_space<semaphore_mem>>
      %dma_start3A_165 = arith.constant 0 : i32
      %dma_start3A_166 = arith.constant 0 : i32
      %dma_start3A_167 = tpu.memref_slice %arg13[%dma_start3A_165, %dma_start3A_166] : memref<10000x16xf32, #tpu.memory_space<vmem_shared>> -> memref<10000x16xf32, #tpu.memory_space<vmem_shared>>
      tpu.enqueue_indirect_dma source(%arg11 : memref<80x16xf32, #tpu.memory_space<vmem>>) target(%dma_start3A_167 : memref<10000x16xf32, #tpu.memory_space<vmem_shared>>) offsets(%arg7 : memref<80xi32, #tpu.memory_space<vmem>>) semaphore(%run_scoped3A : memref<!tpu.dma_semaphore, #tpu.memory_space<semaphore_mem>>) {add = true}
      %dma_wait3A_168 = arith.constant 0 : i32
      %dma_wait3A_169 = arith.constant 0 : i32
      %dma_wait3A_170 = tpu.memref_slice %arg13[%dma_wait3A_168, %dma_wait3A_169] : memref<10000x16xf32, #tpu.memory_space<vmem_shared>> -> memref<10000x16xf32, #tpu.memory_space<vmem_shared>>
      tpu.wait_indirect_dma semaphore(%run_scoped3A : memref<!tpu.dma_semaphore, #tpu.memory_space<semaphore_mem>>) src(%arg11 : memref<80x16xf32, #tpu.memory_space<vmem>>) dst(%dma_wait3A_170 : memref<10000x16xf32, #tpu.memory_space<vmem_shared>>)
      tpu.yield
    }) : () -> ()
    %barrier3A_108 = arith.constant 0 : index
    tpu.barrier barrier_id(%barrier3A_108)
    %add3A_109 = arith.constant 0 : i32
    %add3A_110 = arith.addi %arg1, %add3A_109 : i32
    %lt3A_111 = arith.constant 125 : i32
    %lt3A_112 = arith.cmpi slt, %add3A_110, %lt3A_111 : i32
    %convert_element_type3A_113 = arith.extui %lt3A_112 : i1 to i32
    %cond3A_114 = arith.constant 0 : i32
    %cond3A_115 = arith.cmpi ne, %convert_element_type3A_113, %cond3A_114 : i32
    scf.if %cond3A_115 {
      %mul3A_165 = arith.constant 80 : i32
      %mul3A_166 = arith.muli %add3A_110, %mul3A_165 : i32
      %mul3A_167 = arith.constant 80 : i32
      %mul3A_168 = arith.muli %add3A_110, %mul3A_167 : i32
      "tpu.region"() ({
        %run_scoped3A = tpu.sem_alloc : memref<!tpu.dma_semaphore, #tpu.memory_space<semaphore_mem>>
        %dma_start3A_169 = arith.constant 0 : i32
        %dma_start3A_170 = tpu.memref_slice %arg4[%arg0, %mul3A_168, %dma_start3A_169] : memref<2x10000x16xf32, #tpu.memory_space<hbm>> -> memref<1x80x16xf32, #tpu.memory_space<hbm>>
        %dma_start3A_171 = tpu.memref_squeeze %dma_start3A_170 : memref<1x80x16xf32, #tpu.memory_space<hbm>> -> memref<80x16xf32, #tpu.memory_space<hbm>>
        %dma_start3A_172 = arith.constant 0 : i32
        %dma_start3A_173 = tpu.memref_slice %arg13[%mul3A_166, %dma_start3A_172] : memref<10000x16xf32, #tpu.memory_space<vmem_shared>> -> memref<80x16xf32, #tpu.memory_space<vmem_shared>>
        tpu.enqueue_dma source(%dma_start3A_173 : memref<80x16xf32, #tpu.memory_space<vmem_shared>>) target(%dma_start3A_171 : memref<80x16xf32, #tpu.memory_space<hbm>>) target_semaphore(%run_scoped3A : memref<!tpu.dma_semaphore, #tpu.memory_space<semaphore_mem>>)
        %dma_wait3A_174 = arith.constant 0 : i32
        %dma_wait3A_175 = tpu.memref_slice %arg4[%arg0, %mul3A_168, %dma_wait3A_174] : memref<2x10000x16xf32, #tpu.memory_space<hbm>> -> memref<1x80x16xf32, #tpu.memory_space<hbm>>
        %dma_wait3A_176 = tpu.memref_squeeze %dma_wait3A_175 : memref<1x80x16xf32, #tpu.memory_space<hbm>> -> memref<80x16xf32, #tpu.memory_space<hbm>>
        %dma_wait3A_177 = arith.constant 0 : i32
        %dma_wait3A_178 = tpu.memref_slice %arg13[%mul3A_166, %dma_wait3A_177] : memref<10000x16xf32, #tpu.memory_space<vmem_shared>> -> memref<80x16xf32, #tpu.memory_space<vmem_shared>>
        tpu.wait_dma2 semaphore(%run_scoped3A : memref<!tpu.dma_semaphore, #tpu.memory_space<semaphore_mem>>) src(%dma_wait3A_178 : memref<80x16xf32, #tpu.memory_space<vmem_shared>>) dst(%dma_wait3A_176 : memref<80x16xf32, #tpu.memory_space<hbm>>)
        tpu.yield
      }) : () -> ()
    } else {
    }
    %add3A_116 = arith.constant 16 : i32
    %add3A_117 = arith.addi %arg1, %add3A_116 : i32
    %lt3A_118 = arith.constant 125 : i32
    %lt3A_119 = arith.cmpi slt, %add3A_117, %lt3A_118 : i32
    %convert_element_type3A_120 = arith.extui %lt3A_119 : i1 to i32
    %cond3A_121 = arith.constant 0 : i32
    %cond3A_122 = arith.cmpi ne, %convert_element_type3A_120, %cond3A_121 : i32
    scf.if %cond3A_122 {
      %mul3A_165 = arith.constant 80 : i32
      %mul3A_166 = arith.muli %add3A_117, %mul3A_165 : i32
      %mul3A_167 = arith.constant 80 : i32
      %mul3A_168 = arith.muli %add3A_117, %mul3A_167 : i32
      "tpu.region"() ({
        %run_scoped3A = tpu.sem_alloc : memref<!tpu.dma_semaphore, #tpu.memory_space<semaphore_mem>>
        %dma_start3A_169 = arith.constant 0 : i32
        %dma_start3A_170 = tpu.memref_slice %arg4[%arg0, %mul3A_168, %dma_start3A_169] : memref<2x10000x16xf32, #tpu.memory_space<hbm>> -> memref<1x80x16xf32, #tpu.memory_space<hbm>>
        %dma_start3A_171 = tpu.memref_squeeze %dma_start3A_170 : memref<1x80x16xf32, #tpu.memory_space<hbm>> -> memref<80x16xf32, #tpu.memory_space<hbm>>
        %dma_start3A_172 = arith.constant 0 : i32
        %dma_start3A_173 = tpu.memref_slice %arg13[%mul3A_166, %dma_start3A_172] : memref<10000x16xf32, #tpu.memory_space<vmem_shared>> -> memref<80x16xf32, #tpu.memory_space<vmem_shared>>
        tpu.enqueue_dma source(%dma_start3A_173 : memref<80x16xf32, #tpu.memory_space<vmem_shared>>) target(%dma_start3A_171 : memref<80x16xf32, #tpu.memory_space<hbm>>) target_semaphore(%run_scoped3A : memref<!tpu.dma_semaphore, #tpu.memory_space<semaphore_mem>>)
        %dma_wait3A_174 = arith.constant 0 : i32
        %dma_wait3A_175 = tpu.memref_slice %arg4[%arg0, %mul3A_168, %dma_wait3A_174] : memref<2x10000x16xf32, #tpu.memory_space<hbm>> -> memref<1x80x16xf32, #tpu.memory_space<hbm>>
        %dma_wait3A_176 = tpu.memref_squeeze %dma_wait3A_175 : memref<1x80x16xf32, #tpu.memory_space<hbm>> -> memref<80x16xf32, #tpu.memory_space<hbm>>
        %dma_wait3A_177 = arith.constant 0 : i32
        %dma_wait3A_178 = tpu.memref_slice %arg13[%mul3A_166, %dma_wait3A_177] : memref<10000x16xf32, #tpu.memory_space<vmem_shared>> -> memref<80x16xf32, #tpu.memory_space<vmem_shared>>
        tpu.wait_dma2 semaphore(%run_scoped3A : memref<!tpu.dma_semaphore, #tpu.memory_space<semaphore_mem>>) src(%dma_wait3A_178 : memref<80x16xf32, #tpu.memory_space<vmem_shared>>) dst(%dma_wait3A_176 : memref<80x16xf32, #tpu.memory_space<hbm>>)
        tpu.yield
      }) : () -> ()
    } else {
    }
    %add3A_123 = arith.constant 32 : i32
    %add3A_124 = arith.addi %arg1, %add3A_123 : i32
    %lt3A_125 = arith.constant 125 : i32
    %lt3A_126 = arith.cmpi slt, %add3A_124, %lt3A_125 : i32
    %convert_element_type3A_127 = arith.extui %lt3A_126 : i1 to i32
    %cond3A_128 = arith.constant 0 : i32
    %cond3A_129 = arith.cmpi ne, %convert_element_type3A_127, %cond3A_128 : i32
    scf.if %cond3A_129 {
      %mul3A_165 = arith.constant 80 : i32
      %mul3A_166 = arith.muli %add3A_124, %mul3A_165 : i32
      %mul3A_167 = arith.constant 80 : i32
      %mul3A_168 = arith.muli %add3A_124, %mul3A_167 : i32
      "tpu.region"() ({
        %run_scoped3A = tpu.sem_alloc : memref<!tpu.dma_semaphore, #tpu.memory_space<semaphore_mem>>
        %dma_start3A_169 = arith.constant 0 : i32
        %dma_start3A_170 = tpu.memref_slice %arg4[%arg0, %mul3A_168, %dma_start3A_169] : memref<2x10000x16xf32, #tpu.memory_space<hbm>> -> memref<1x80x16xf32, #tpu.memory_space<hbm>>
        %dma_start3A_171 = tpu.memref_squeeze %dma_start3A_170 : memref<1x80x16xf32, #tpu.memory_space<hbm>> -> memref<80x16xf32, #tpu.memory_space<hbm>>
        %dma_start3A_172 = arith.constant 0 : i32
        %dma_start3A_173 = tpu.memref_slice %arg13[%mul3A_166, %dma_start3A_172] : memref<10000x16xf32, #tpu.memory_space<vmem_shared>> -> memref<80x16xf32, #tpu.memory_space<vmem_shared>>
        tpu.enqueue_dma source(%dma_start3A_173 : memref<80x16xf32, #tpu.memory_space<vmem_shared>>) target(%dma_start3A_171 : memref<80x16xf32, #tpu.memory_space<hbm>>) target_semaphore(%run_scoped3A : memref<!tpu.dma_semaphore, #tpu.memory_space<semaphore_mem>>)
        %dma_wait3A_174 = arith.constant 0 : i32
        %dma_wait3A_175 = tpu.memref_slice %arg4[%arg0, %mul3A_168, %dma_wait3A_174] : memref<2x10000x16xf32, #tpu.memory_space<hbm>> -> memref<1x80x16xf32, #tpu.memory_space<hbm>>
        %dma_wait3A_176 = tpu.memref_squeeze %dma_wait3A_175 : memref<1x80x16xf32, #tpu.memory_space<hbm>> -> memref<80x16xf32, #tpu.memory_space<hbm>>
        %dma_wait3A_177 = arith.constant 0 : i32
        %dma_wait3A_178 = tpu.memref_slice %arg13[%mul3A_166, %dma_wait3A_177] : memref<10000x16xf32, #tpu.memory_space<vmem_shared>> -> memref<80x16xf32, #tpu.memory_space<vmem_shared>>
        tpu.wait_dma2 semaphore(%run_scoped3A : memref<!tpu.dma_semaphore, #tpu.memory_space<semaphore_mem>>) src(%dma_wait3A_178 : memref<80x16xf32, #tpu.memory_space<vmem_shared>>) dst(%dma_wait3A_176 : memref<80x16xf32, #tpu.memory_space<hbm>>)
        tpu.yield
      }) : () -> ()
    } else {
    }
    %add3A_130 = arith.constant 48 : i32
    %add3A_131 = arith.addi %arg1, %add3A_130 : i32
    %lt3A_132 = arith.constant 125 : i32
    %lt3A_133 = arith.cmpi slt, %add3A_131, %lt3A_132 : i32
    %convert_element_type3A_134 = arith.extui %lt3A_133 : i1 to i32
    %cond3A_135 = arith.constant 0 : i32
    %cond3A_136 = arith.cmpi ne, %convert_element_type3A_134, %cond3A_135 : i32
    scf.if %cond3A_136 {
      %mul3A_165 = arith.constant 80 : i32
      %mul3A_166 = arith.muli %add3A_131, %mul3A_165 : i32
      %mul3A_167 = arith.constant 80 : i32
      %mul3A_168 = arith.muli %add3A_131, %mul3A_167 : i32
      "tpu.region"() ({
        %run_scoped3A = tpu.sem_alloc : memref<!tpu.dma_semaphore, #tpu.memory_space<semaphore_mem>>
        %dma_start3A_169 = arith.constant 0 : i32
        %dma_start3A_170 = tpu.memref_slice %arg4[%arg0, %mul3A_168, %dma_start3A_169] : memref<2x10000x16xf32, #tpu.memory_space<hbm>> -> memref<1x80x16xf32, #tpu.memory_space<hbm>>
        %dma_start3A_171 = tpu.memref_squeeze %dma_start3A_170 : memref<1x80x16xf32, #tpu.memory_space<hbm>> -> memref<80x16xf32, #tpu.memory_space<hbm>>
        %dma_start3A_172 = arith.constant 0 : i32
        %dma_start3A_173 = tpu.memref_slice %arg13[%mul3A_166, %dma_start3A_172] : memref<10000x16xf32, #tpu.memory_space<vmem_shared>> -> memref<80x16xf32, #tpu.memory_space<vmem_shared>>
        tpu.enqueue_dma source(%dma_start3A_173 : memref<80x16xf32, #tpu.memory_space<vmem_shared>>) target(%dma_start3A_171 : memref<80x16xf32, #tpu.memory_space<hbm>>) target_semaphore(%run_scoped3A : memref<!tpu.dma_semaphore, #tpu.memory_space<semaphore_mem>>)
        %dma_wait3A_174 = arith.constant 0 : i32
        %dma_wait3A_175 = tpu.memref_slice %arg4[%arg0, %mul3A_168, %dma_wait3A_174] : memref<2x10000x16xf32, #tpu.memory_space<hbm>> -> memref<1x80x16xf32, #tpu.memory_space<hbm>>
        %dma_wait3A_176 = tpu.memref_squeeze %dma_wait3A_175 : memref<1x80x16xf32, #tpu.memory_space<hbm>> -> memref<80x16xf32, #tpu.memory_space<hbm>>
        %dma_wait3A_177 = arith.constant 0 : i32
        %dma_wait3A_178 = tpu.memref_slice %arg13[%mul3A_166, %dma_wait3A_177] : memref<10000x16xf32, #tpu.memory_space<vmem_shared>> -> memref<80x16xf32, #tpu.memory_space<vmem_shared>>
        tpu.wait_dma2 semaphore(%run_scoped3A : memref<!tpu.dma_semaphore, #tpu.memory_space<semaphore_mem>>) src(%dma_wait3A_178 : memref<80x16xf32, #tpu.memory_space<vmem_shared>>) dst(%dma_wait3A_176 : memref<80x16xf32, #tpu.memory_space<hbm>>)
        tpu.yield
      }) : () -> ()
    } else {
    }
    %add3A_137 = arith.constant 64 : i32
    %add3A_138 = arith.addi %arg1, %add3A_137 : i32
    %lt3A_139 = arith.constant 125 : i32
    %lt3A_140 = arith.cmpi slt, %add3A_138, %lt3A_139 : i32
    %convert_element_type3A_141 = arith.extui %lt3A_140 : i1 to i32
    %cond3A_142 = arith.constant 0 : i32
    %cond3A_143 = arith.cmpi ne, %convert_element_type3A_141, %cond3A_142 : i32
    scf.if %cond3A_143 {
      %mul3A_165 = arith.constant 80 : i32
      %mul3A_166 = arith.muli %add3A_138, %mul3A_165 : i32
      %mul3A_167 = arith.constant 80 : i32
      %mul3A_168 = arith.muli %add3A_138, %mul3A_167 : i32
      "tpu.region"() ({
        %run_scoped3A = tpu.sem_alloc : memref<!tpu.dma_semaphore, #tpu.memory_space<semaphore_mem>>
        %dma_start3A_169 = arith.constant 0 : i32
        %dma_start3A_170 = tpu.memref_slice %arg4[%arg0, %mul3A_168, %dma_start3A_169] : memref<2x10000x16xf32, #tpu.memory_space<hbm>> -> memref<1x80x16xf32, #tpu.memory_space<hbm>>
        %dma_start3A_171 = tpu.memref_squeeze %dma_start3A_170 : memref<1x80x16xf32, #tpu.memory_space<hbm>> -> memref<80x16xf32, #tpu.memory_space<hbm>>
        %dma_start3A_172 = arith.constant 0 : i32
        %dma_start3A_173 = tpu.memref_slice %arg13[%mul3A_166, %dma_start3A_172] : memref<10000x16xf32, #tpu.memory_space<vmem_shared>> -> memref<80x16xf32, #tpu.memory_space<vmem_shared>>
        tpu.enqueue_dma source(%dma_start3A_173 : memref<80x16xf32, #tpu.memory_space<vmem_shared>>) target(%dma_start3A_171 : memref<80x16xf32, #tpu.memory_space<hbm>>) target_semaphore(%run_scoped3A : memref<!tpu.dma_semaphore, #tpu.memory_space<semaphore_mem>>)
        %dma_wait3A_174 = arith.constant 0 : i32
        %dma_wait3A_175 = tpu.memref_slice %arg4[%arg0, %mul3A_168, %dma_wait3A_174] : memref<2x10000x16xf32, #tpu.memory_space<hbm>> -> memref<1x80x16xf32, #tpu.memory_space<hbm>>
        %dma_wait3A_176 = tpu.memref_squeeze %dma_wait3A_175 : memref<1x80x16xf32, #tpu.memory_space<hbm>> -> memref<80x16xf32, #tpu.memory_space<hbm>>
        %dma_wait3A_177 = arith.constant 0 : i32
        %dma_wait3A_178 = tpu.memref_slice %arg13[%mul3A_166, %dma_wait3A_177] : memref<10000x16xf32, #tpu.memory_space<vmem_shared>> -> memref<80x16xf32, #tpu.memory_space<vmem_shared>>
        tpu.wait_dma2 semaphore(%run_scoped3A : memref<!tpu.dma_semaphore, #tpu.memory_space<semaphore_mem>>) src(%dma_wait3A_178 : memref<80x16xf32, #tpu.memory_space<vmem_shared>>) dst(%dma_wait3A_176 : memref<80x16xf32, #tpu.memory_space<hbm>>)
        tpu.yield
      }) : () -> ()
    } else {
    }
    %add3A_144 = arith.constant 80 : i32
    %add3A_145 = arith.addi %arg1, %add3A_144 : i32
    %lt3A_146 = arith.constant 125 : i32
    %lt3A_147 = arith.cmpi slt, %add3A_145, %lt3A_146 : i32
    %convert_element_type3A_148 = arith.extui %lt3A_147 : i1 to i32
    %cond3A_149 = arith.constant 0 : i32
    %cond3A_150 = arith.cmpi ne, %convert_element_type3A_148, %cond3A_149 : i32
    scf.if %cond3A_150 {
      %mul3A_165 = arith.constant 80 : i32
      %mul3A_166 = arith.muli %add3A_145, %mul3A_165 : i32
      %mul3A_167 = arith.constant 80 : i32
      %mul3A_168 = arith.muli %add3A_145, %mul3A_167 : i32
      "tpu.region"() ({
        %run_scoped3A = tpu.sem_alloc : memref<!tpu.dma_semaphore, #tpu.memory_space<semaphore_mem>>
        %dma_start3A_169 = arith.constant 0 : i32
        %dma_start3A_170 = tpu.memref_slice %arg4[%arg0, %mul3A_168, %dma_start3A_169] : memref<2x10000x16xf32, #tpu.memory_space<hbm>> -> memref<1x80x16xf32, #tpu.memory_space<hbm>>
        %dma_start3A_171 = tpu.memref_squeeze %dma_start3A_170 : memref<1x80x16xf32, #tpu.memory_space<hbm>> -> memref<80x16xf32, #tpu.memory_space<hbm>>
        %dma_start3A_172 = arith.constant 0 : i32
        %dma_start3A_173 = tpu.memref_slice %arg13[%mul3A_166, %dma_start3A_172] : memref<10000x16xf32, #tpu.memory_space<vmem_shared>> -> memref<80x16xf32, #tpu.memory_space<vmem_shared>>
        tpu.enqueue_dma source(%dma_start3A_173 : memref<80x16xf32, #tpu.memory_space<vmem_shared>>) target(%dma_start3A_171 : memref<80x16xf32, #tpu.memory_space<hbm>>) target_semaphore(%run_scoped3A : memref<!tpu.dma_semaphore, #tpu.memory_space<semaphore_mem>>)
        %dma_wait3A_174 = arith.constant 0 : i32
        %dma_wait3A_175 = tpu.memref_slice %arg4[%arg0, %mul3A_168, %dma_wait3A_174] : memref<2x10000x16xf32, #tpu.memory_space<hbm>> -> memref<1x80x16xf32, #tpu.memory_space<hbm>>
        %dma_wait3A_176 = tpu.memref_squeeze %dma_wait3A_175 : memref<1x80x16xf32, #tpu.memory_space<hbm>> -> memref<80x16xf32, #tpu.memory_space<hbm>>
        %dma_wait3A_177 = arith.constant 0 : i32
        %dma_wait3A_178 = tpu.memref_slice %arg13[%mul3A_166, %dma_wait3A_177] : memref<10000x16xf32, #tpu.memory_space<vmem_shared>> -> memref<80x16xf32, #tpu.memory_space<vmem_shared>>
        tpu.wait_dma2 semaphore(%run_scoped3A : memref<!tpu.dma_semaphore, #tpu.memory_space<semaphore_mem>>) src(%dma_wait3A_178 : memref<80x16xf32, #tpu.memory_space<vmem_shared>>) dst(%dma_wait3A_176 : memref<80x16xf32, #tpu.memory_space<hbm>>)
        tpu.yield
      }) : () -> ()
    } else {
    }
    %add3A_151 = arith.constant 96 : i32
    %add3A_152 = arith.addi %arg1, %add3A_151 : i32
    %lt3A_153 = arith.constant 125 : i32
    %lt3A_154 = arith.cmpi slt, %add3A_152, %lt3A_153 : i32
    %convert_element_type3A_155 = arith.extui %lt3A_154 : i1 to i32
    %cond3A_156 = arith.constant 0 : i32
    %cond3A_157 = arith.cmpi ne, %convert_element_type3A_155, %cond3A_156 : i32
    scf.if %cond3A_157 {
      %mul3A_165 = arith.constant 80 : i32
      %mul3A_166 = arith.muli %add3A_152, %mul3A_165 : i32
      %mul3A_167 = arith.constant 80 : i32
      %mul3A_168 = arith.muli %add3A_152, %mul3A_167 : i32
      "tpu.region"() ({
        %run_scoped3A = tpu.sem_alloc : memref<!tpu.dma_semaphore, #tpu.memory_space<semaphore_mem>>
        %dma_start3A_169 = arith.constant 0 : i32
        %dma_start3A_170 = tpu.memref_slice %arg4[%arg0, %mul3A_168, %dma_start3A_169] : memref<2x10000x16xf32, #tpu.memory_space<hbm>> -> memref<1x80x16xf32, #tpu.memory_space<hbm>>
        %dma_start3A_171 = tpu.memref_squeeze %dma_start3A_170 : memref<1x80x16xf32, #tpu.memory_space<hbm>> -> memref<80x16xf32, #tpu.memory_space<hbm>>
        %dma_start3A_172 = arith.constant 0 : i32
        %dma_start3A_173 = tpu.memref_slice %arg13[%mul3A_166, %dma_start3A_172] : memref<10000x16xf32, #tpu.memory_space<vmem_shared>> -> memref<80x16xf32, #tpu.memory_space<vmem_shared>>
        tpu.enqueue_dma source(%dma_start3A_173 : memref<80x16xf32, #tpu.memory_space<vmem_shared>>) target(%dma_start3A_171 : memref<80x16xf32, #tpu.memory_space<hbm>>) target_semaphore(%run_scoped3A : memref<!tpu.dma_semaphore, #tpu.memory_space<semaphore_mem>>)
        %dma_wait3A_174 = arith.constant 0 : i32
        %dma_wait3A_175 = tpu.memref_slice %arg4[%arg0, %mul3A_168, %dma_wait3A_174] : memref<2x10000x16xf32, #tpu.memory_space<hbm>> -> memref<1x80x16xf32, #tpu.memory_space<hbm>>
        %dma_wait3A_176 = tpu.memref_squeeze %dma_wait3A_175 : memref<1x80x16xf32, #tpu.memory_space<hbm>> -> memref<80x16xf32, #tpu.memory_space<hbm>>
        %dma_wait3A_177 = arith.constant 0 : i32
        %dma_wait3A_178 = tpu.memref_slice %arg13[%mul3A_166, %dma_wait3A_177] : memref<10000x16xf32, #tpu.memory_space<vmem_shared>> -> memref<80x16xf32, #tpu.memory_space<vmem_shared>>
        tpu.wait_dma2 semaphore(%run_scoped3A : memref<!tpu.dma_semaphore, #tpu.memory_space<semaphore_mem>>) src(%dma_wait3A_178 : memref<80x16xf32, #tpu.memory_space<vmem_shared>>) dst(%dma_wait3A_176 : memref<80x16xf32, #tpu.memory_space<hbm>>)
        tpu.yield
      }) : () -> ()
    } else {
    }
    %add3A_158 = arith.constant 112 : i32
    %add3A_159 = arith.addi %arg1, %add3A_158 : i32
    %lt3A_160 = arith.constant 125 : i32
    %lt3A_161 = arith.cmpi slt, %add3A_159, %lt3A_160 : i32
    %convert_element_type3A_162 = arith.extui %lt3A_161 : i1 to i32
    %cond3A_163 = arith.constant 0 : i32
    %cond3A_164 = arith.cmpi ne, %convert_element_type3A_162, %cond3A_163 : i32
    scf.if %cond3A_164 {
      %mul3A_165 = arith.constant 80 : i32
      %mul3A_166 = arith.muli %add3A_159, %mul3A_165 : i32
      %mul3A_167 = arith.constant 80 : i32
      %mul3A_168 = arith.muli %add3A_159, %mul3A_167 : i32
      "tpu.region"() ({
        %run_scoped3A = tpu.sem_alloc : memref<!tpu.dma_semaphore, #tpu.memory_space<semaphore_mem>>
        %dma_start3A_169 = arith.constant 0 : i32
        %dma_start3A_170 = tpu.memref_slice %arg4[%arg0, %mul3A_168, %dma_start3A_169] : memref<2x10000x16xf32, #tpu.memory_space<hbm>> -> memref<1x80x16xf32, #tpu.memory_space<hbm>>
        %dma_start3A_171 = tpu.memref_squeeze %dma_start3A_170 : memref<1x80x16xf32, #tpu.memory_space<hbm>> -> memref<80x16xf32, #tpu.memory_space<hbm>>
        %dma_start3A_172 = arith.constant 0 : i32
        %dma_start3A_173 = tpu.memref_slice %arg13[%mul3A_166, %dma_start3A_172] : memref<10000x16xf32, #tpu.memory_space<vmem_shared>> -> memref<80x16xf32, #tpu.memory_space<vmem_shared>>
        tpu.enqueue_dma source(%dma_start3A_173 : memref<80x16xf32, #tpu.memory_space<vmem_shared>>) target(%dma_start3A_171 : memref<80x16xf32, #tpu.memory_space<hbm>>) target_semaphore(%run_scoped3A : memref<!tpu.dma_semaphore, #tpu.memory_space<semaphore_mem>>)
        %dma_wait3A_174 = arith.constant 0 : i32
        %dma_wait3A_175 = tpu.memref_slice %arg4[%arg0, %mul3A_168, %dma_wait3A_174] : memref<2x10000x16xf32, #tpu.memory_space<hbm>> -> memref<1x80x16xf32, #tpu.memory_space<hbm>>
        %dma_wait3A_176 = tpu.memref_squeeze %dma_wait3A_175 : memref<1x80x16xf32, #tpu.memory_space<hbm>> -> memref<80x16xf32, #tpu.memory_space<hbm>>
        %dma_wait3A_177 = arith.constant 0 : i32
        %dma_wait3A_178 = tpu.memref_slice %arg13[%mul3A_166, %dma_wait3A_177] : memref<10000x16xf32, #tpu.memory_space<vmem_shared>> -> memref<80x16xf32, #tpu.memory_space<vmem_shared>>
        tpu.wait_dma2 semaphore(%run_scoped3A : memref<!tpu.dma_semaphore, #tpu.memory_space<semaphore_mem>>) src(%dma_wait3A_178 : memref<80x16xf32, #tpu.memory_space<vmem_shared>>) dst(%dma_wait3A_176 : memref<80x16xf32, #tpu.memory_space<hbm>>)
        tpu.yield
      }) : () -> ()
    } else {
    }
    return
  }
}

module attributes {stable_mosaic.version = 14 : i64} {
  func.func @body(%arg0: i32, %arg1: memref<400x128xf32, #tpu.memory_space<vmem>>, %arg2: memref<128x128xf32, #tpu.memory_space<vmem>>, %arg3: memref<2x400x16xf32, #tpu.memory_space<vmem>>, %arg4: memref<400x128xf32, #tpu.memory_space<vmem>>) attributes {dimension_semantics = [#tpu.dimension_semantics<arbitrary>], iteration_bounds = array<i64: 25>, scalar_prefetch = 0 : i64, scratch_operands = 0 : i64, tpu.core_type = #tpu.core_type<tc>, window_params = [{transform_indices = @transform_0, window_bounds = array<i64: 400, 128>}, {pipeline_mode = #tpu.pipeline_mode<synchronous>, transform_indices = @transform_1, window_bounds = array<i64: 128, 128>}, {transform_indices = @transform_2, window_bounds = array<i64: 2, 400, 16>}, {transform_indices = @transform_3, window_bounds = array<i64: 400, 128>}]} {
    %get3A = arith.constant 0 : index
    %get3A_0 = arith.constant 0 : index
    %get3A_1 = arith.constant 0 : index
    %get3A_2 = vector.load %arg3[%get3A, %get3A_0, %get3A_1] : memref<2x400x16xf32, #tpu.memory_space<vmem>>, vector<1x400x16xf32>
    %get3A_3 = vector.shape_cast %get3A_2 : vector<1x400x16xf32> to vector<400x16xf32>
    %get3A_4 = arith.constant 1 : index
    %get3A_5 = arith.constant 0 : index
    %get3A_6 = arith.constant 0 : index
    %get3A_7 = vector.load %arg3[%get3A_4, %get3A_5, %get3A_6] : memref<2x400x16xf32, #tpu.memory_space<vmem>>, vector<1x400x16xf32>
    %get3A_8 = vector.shape_cast %get3A_7 : vector<1x400x16xf32> to vector<400x16xf32>
    %add3A = arith.addf %get3A_3, %get3A_8 : vector<400x16xf32>
    %slice3A = vector.extract_strided_slice %add3A {offsets = [0, 0], sizes = [400, 1], strides = [1, 1]} : vector<400x16xf32> to vector<400x1xf32>
    %add3A_9 = arith.constant 1.000000e+00 : f32
    %add3A_10 = vector.broadcast %add3A_9 : f32 to vector<400x1xf32>
    %add3A_11 = arith.addf %slice3A, %add3A_10 : vector<400x1xf32>
    %rsqrt3A = math.rsqrt %add3A_11 : vector<400x1xf32>
    %get3A_12 = arith.constant 0 : index
    %get3A_13 = arith.constant 0 : index
    %get3A_14 = vector.load %arg1[%get3A_12, %get3A_13] : memref<400x128xf32, #tpu.memory_space<vmem>>, vector<400x128xf32>
    %get3A_15 = arith.constant 0 : index
    %get3A_16 = arith.constant 0 : index
    %get3A_17 = vector.load %arg2[%get3A_15, %get3A_16] : memref<128x128xf32, #tpu.memory_space<vmem>>, vector<128x128xf32>
    %dot_general3A = arith.constant dense<0.000000e+00> : vector<400x128xf32>
    %dot_general3A_18 = tpu.matmul %get3A_14, %get3A_17, %dot_general3A {dimension_numbers = #tpu.dot_dimension_numbers<[1], [0], [0], [1], [0, 0, 1, 1], [], []>, transpose_lhs_hint = false} : vector<400x128xf32>, vector<128x128xf32>, vector<400x128xf32> -> vector<400x128xf32>
    %mul3A = vector.broadcast %rsqrt3A : vector<400x1xf32> to vector<400x128xf32>
    %mul3A_19 = arith.mulf %dot_general3A_18, %mul3A : vector<400x128xf32>
    %swap3A = arith.constant 0 : index
    %swap3A_20 = arith.constant 0 : index
    %swap3A_21 = vector.load %arg4[%swap3A, %swap3A_20] : memref<400x128xf32, #tpu.memory_space<vmem>>, vector<400x128xf32>
    tpu.vector_store %arg4[%swap3A, %swap3A_20], %mul3A_19 {strides = array<i32>} : memref<400x128xf32, #tpu.memory_space<vmem>>, vector<400x128xf32>,
    return
  }
  func.func @transform_0(%arg0: i32) -> (i32, i32) {
    %c0_i32 = arith.constant 0 : i32
    %c0_i32_0 = arith.constant 0 : i32
    return %arg0, %c0_i32 : i32, i32
  }
  func.func @transform_1(%arg0: i32) -> (i32, i32) {
    %c0_i32 = arith.constant 0 : i32
    %c0_i32_0 = arith.constant 0 : i32
    %c0_i32_1 = arith.constant 0 : i32
    return %c0_i32, %c0_i32_0 : i32, i32
  }
  func.func @transform_2(%arg0: i32) -> (i32, i32, i32) {
    %c0_i32 = arith.constant 0 : i32
    %c0_i32_0 = arith.constant 0 : i32
    %c0_i32_1 = arith.constant 0 : i32
    return %c0_i32, %arg0, %c0_i32_0 : i32, i32, i32
  }
  func.func @transform_3(%arg0: i32) -> (i32, i32) {
    %c0_i32 = arith.constant 0 : i32
    %c0_i32_0 = arith.constant 0 : i32
    return %arg0, %c0_i32 : i32, i32
  }
}

module attributes {stable_mosaic.version = 14 : i64} {
  func.func @body(%arg0: i32, %arg1: memref<2x400x128xf32, #tpu.memory_space<vmem>>, %arg2: memref<400x128xf32, #tpu.memory_space<vmem>>, %arg3: memref<2x400x16xf32, #tpu.memory_space<vmem>>, %arg4: memref<1x128xf32, #tpu.memory_space<vmem>>, %arg5: memref<128x128xf32, #tpu.memory_space<vmem>>, %arg6: memref<400x128xf32, #tpu.memory_space<vmem>>) attributes {dimension_semantics = [#tpu.dimension_semantics<arbitrary>], iteration_bounds = array<i64: 25>, scalar_prefetch = 0 : i64, scratch_operands = 0 : i64, tpu.core_type = #tpu.core_type<tc>, window_params = [{transform_indices = @transform_0, window_bounds = array<i64: 2, 400, 128>}, {transform_indices = @transform_1, window_bounds = array<i64: 400, 128>}, {transform_indices = @transform_2, window_bounds = array<i64: 2, 400, 16>}, {pipeline_mode = #tpu.pipeline_mode<synchronous>, transform_indices = @transform_3, window_bounds = array<i64: 1, 128>}, {pipeline_mode = #tpu.pipeline_mode<synchronous>, transform_indices = @transform_4, window_bounds = array<i64: 128, 128>}, {transform_indices = @transform_5, window_bounds = array<i64: 400, 128>}]} {
    %get3A = arith.constant 0 : index
    %get3A_0 = arith.constant 0 : index
    %get3A_1 = arith.constant 0 : index
    %get3A_2 = vector.load %arg3[%get3A, %get3A_0, %get3A_1] : memref<2x400x16xf32, #tpu.memory_space<vmem>>, vector<1x400x16xf32>
    %get3A_3 = vector.shape_cast %get3A_2 : vector<1x400x16xf32> to vector<400x16xf32>
    %get3A_4 = arith.constant 1 : index
    %get3A_5 = arith.constant 0 : index
    %get3A_6 = arith.constant 0 : index
    %get3A_7 = vector.load %arg3[%get3A_4, %get3A_5, %get3A_6] : memref<2x400x16xf32, #tpu.memory_space<vmem>>, vector<1x400x16xf32>
    %get3A_8 = vector.shape_cast %get3A_7 : vector<1x400x16xf32> to vector<400x16xf32>
    %add3A = arith.addf %get3A_3, %get3A_8 : vector<400x16xf32>
    %slice3A = vector.extract_strided_slice %add3A {offsets = [0, 0], sizes = [400, 1], strides = [1, 1]} : vector<400x16xf32> to vector<400x1xf32>
    %add3A_9 = arith.constant 1.000000e+00 : f32
    %add3A_10 = vector.broadcast %add3A_9 : f32 to vector<400x1xf32>
    %add3A_11 = arith.addf %slice3A, %add3A_10 : vector<400x1xf32>
    %rsqrt3A = math.rsqrt %add3A_11 : vector<400x1xf32>
    %get3A_12 = arith.constant 0 : index
    %get3A_13 = arith.constant 0 : index
    %get3A_14 = arith.constant 0 : index
    %get3A_15 = vector.load %arg1[%get3A_12, %get3A_13, %get3A_14] : memref<2x400x128xf32, #tpu.memory_space<vmem>>, vector<1x400x128xf32>
    %get3A_16 = vector.shape_cast %get3A_15 : vector<1x400x128xf32> to vector<400x128xf32>
    %get3A_17 = arith.constant 1 : index
    %get3A_18 = arith.constant 0 : index
    %get3A_19 = arith.constant 0 : index
    %get3A_20 = vector.load %arg1[%get3A_17, %get3A_18, %get3A_19] : memref<2x400x128xf32, #tpu.memory_space<vmem>>, vector<1x400x128xf32>
    %get3A_21 = vector.shape_cast %get3A_20 : vector<1x400x128xf32> to vector<400x128xf32>
    %add3A_22 = arith.addf %get3A_16, %get3A_21 : vector<400x128xf32>
    %get3A_23 = arith.constant 0 : index
    %get3A_24 = arith.constant 0 : index
    %get3A_25 = vector.load %arg2[%get3A_23, %get3A_24] : memref<400x128xf32, #tpu.memory_space<vmem>>, vector<400x128xf32>
    %add3A_26 = arith.addf %add3A_22, %get3A_25 : vector<400x128xf32>
    %mul3A = vector.broadcast %rsqrt3A : vector<400x1xf32> to vector<400x128xf32>
    %mul3A_27 = arith.mulf %mul3A, %add3A_26 : vector<400x128xf32>
    %get3A_28 = arith.constant 0 : index
    %get3A_29 = arith.constant 0 : index
    %get3A_30 = vector.load %arg4[%get3A_28, %get3A_29] : memref<1x128xf32, #tpu.memory_space<vmem>>, vector<1x128xf32>
    %add3A_31 = vector.broadcast %get3A_30 : vector<1x128xf32> to vector<400x128xf32>
    %add3A_32 = arith.addf %mul3A_27, %add3A_31 : vector<400x128xf32>
    %max3A = arith.constant 0.000000e+00 : f32
    %max3A_33 = vector.broadcast %max3A : f32 to vector<400x128xf32>
    %max3A_34 = arith.maximumf %add3A_32, %max3A_33 : vector<400x128xf32>
    %get3A_35 = arith.constant 0 : index
    %get3A_36 = arith.constant 0 : index
    %get3A_37 = vector.load %arg5[%get3A_35, %get3A_36] : memref<128x128xf32, #tpu.memory_space<vmem>>, vector<128x128xf32>
    %dot_general3A = arith.constant dense<0.000000e+00> : vector<400x128xf32>
    %dot_general3A_38 = tpu.matmul %max3A_34, %get3A_37, %dot_general3A {dimension_numbers = #tpu.dot_dimension_numbers<[1], [0], [0], [1], [0, 0, 1, 1], [], []>, transpose_lhs_hint = false} : vector<400x128xf32>, vector<128x128xf32>, vector<400x128xf32> -> vector<400x128xf32>
    %mul3A_39 = vector.broadcast %rsqrt3A : vector<400x1xf32> to vector<400x128xf32>
    %mul3A_40 = arith.mulf %dot_general3A_38, %mul3A_39 : vector<400x128xf32>
    %swap3A = arith.constant 0 : index
    %swap3A_41 = arith.constant 0 : index
    %swap3A_42 = vector.load %arg6[%swap3A, %swap3A_41] : memref<400x128xf32, #tpu.memory_space<vmem>>, vector<400x128xf32>
    tpu.vector_store %arg6[%swap3A, %swap3A_41], %mul3A_40 {strides = array<i32>} : memref<400x128xf32, #tpu.memory_space<vmem>>, vector<400x128xf32>,
    return
  }
  func.func @transform_0(%arg0: i32) -> (i32, i32, i32) {
    %c0_i32 = arith.constant 0 : i32
    %c0_i32_0 = arith.constant 0 : i32
    %c0_i32_1 = arith.constant 0 : i32
    return %c0_i32, %arg0, %c0_i32_0 : i32, i32, i32
  }
  func.func @transform_1(%arg0: i32) -> (i32, i32) {
    %c0_i32 = arith.constant 0 : i32
    %c0_i32_0 = arith.constant 0 : i32
    return %arg0, %c0_i32 : i32, i32
  }
  func.func @transform_2(%arg0: i32) -> (i32, i32, i32) {
    %c0_i32 = arith.constant 0 : i32
    %c0_i32_0 = arith.constant 0 : i32
    %c0_i32_1 = arith.constant 0 : i32
    return %c0_i32, %arg0, %c0_i32_0 : i32, i32, i32
  }
  func.func @transform_3(%arg0: i32) -> (i32, i32) {
    %c0_i32 = arith.constant 0 : i32
    %c0_i32_0 = arith.constant 0 : i32
    %c0_i32_1 = arith.constant 0 : i32
    return %c0_i32, %c0_i32_0 : i32, i32
  }
  func.func @transform_4(%arg0: i32) -> (i32, i32) {
    %c0_i32 = arith.constant 0 : i32
    %c0_i32_0 = arith.constant 0 : i32
    %c0_i32_1 = arith.constant 0 : i32
    return %c0_i32, %c0_i32_0 : i32, i32
  }
  func.func @transform_5(%arg0: i32) -> (i32, i32) {
    %c0_i32 = arith.constant 0 : i32
    %c0_i32_0 = arith.constant 0 : i32
    return %arg0, %c0_i32 : i32, i32
  }
}

module attributes {stable_mosaic.version = 14 : i64} {
  func.func @body(%arg0: i32, %arg1: memref<2x400x128xf32, #tpu.memory_space<vmem>>, %arg2: memref<400x128xf32, #tpu.memory_space<vmem>>, %arg3: memref<2x400x16xf32, #tpu.memory_space<vmem>>, %arg4: memref<1x128xf32, #tpu.memory_space<vmem>>, %arg5: memref<400x64xf32, #tpu.memory_space<vmem>>) attributes {dimension_semantics = [#tpu.dimension_semantics<arbitrary>], iteration_bounds = array<i64: 25>, scalar_prefetch = 0 : i64, scratch_operands = 0 : i64, tpu.core_type = #tpu.core_type<tc>, window_params = [{transform_indices = @transform_0, window_bounds = array<i64: 2, 400, 128>}, {transform_indices = @transform_1, window_bounds = array<i64: 400, 128>}, {transform_indices = @transform_2, window_bounds = array<i64: 2, 400, 16>}, {pipeline_mode = #tpu.pipeline_mode<synchronous>, transform_indices = @transform_3, window_bounds = array<i64: 1, 128>}, {transform_indices = @transform_4, window_bounds = array<i64: 400, 64>}]} {
    %get3A = arith.constant 0 : index
    %get3A_0 = arith.constant 0 : index
    %get3A_1 = arith.constant 0 : index
    %get3A_2 = vector.load %arg3[%get3A, %get3A_0, %get3A_1] : memref<2x400x16xf32, #tpu.memory_space<vmem>>, vector<1x400x16xf32>
    %get3A_3 = vector.shape_cast %get3A_2 : vector<1x400x16xf32> to vector<400x16xf32>
    %get3A_4 = arith.constant 1 : index
    %get3A_5 = arith.constant 0 : index
    %get3A_6 = arith.constant 0 : index
    %get3A_7 = vector.load %arg3[%get3A_4, %get3A_5, %get3A_6] : memref<2x400x16xf32, #tpu.memory_space<vmem>>, vector<1x400x16xf32>
    %get3A_8 = vector.shape_cast %get3A_7 : vector<1x400x16xf32> to vector<400x16xf32>
    %add3A = arith.addf %get3A_3, %get3A_8 : vector<400x16xf32>
    %slice3A = vector.extract_strided_slice %add3A {offsets = [0, 0], sizes = [400, 1], strides = [1, 1]} : vector<400x16xf32> to vector<400x1xf32>
    %add3A_9 = arith.constant 1.000000e+00 : f32
    %add3A_10 = vector.broadcast %add3A_9 : f32 to vector<400x1xf32>
    %add3A_11 = arith.addf %slice3A, %add3A_10 : vector<400x1xf32>
    %rsqrt3A = math.rsqrt %add3A_11 : vector<400x1xf32>
    %get3A_12 = arith.constant 0 : index
    %get3A_13 = arith.constant 0 : index
    %get3A_14 = arith.constant 0 : index
    %get3A_15 = vector.load %arg1[%get3A_12, %get3A_13, %get3A_14] : memref<2x400x128xf32, #tpu.memory_space<vmem>>, vector<1x400x128xf32>
    %get3A_16 = vector.shape_cast %get3A_15 : vector<1x400x128xf32> to vector<400x128xf32>
    %get3A_17 = arith.constant 1 : index
    %get3A_18 = arith.constant 0 : index
    %get3A_19 = arith.constant 0 : index
    %get3A_20 = vector.load %arg1[%get3A_17, %get3A_18, %get3A_19] : memref<2x400x128xf32, #tpu.memory_space<vmem>>, vector<1x400x128xf32>
    %get3A_21 = vector.shape_cast %get3A_20 : vector<1x400x128xf32> to vector<400x128xf32>
    %add3A_22 = arith.addf %get3A_16, %get3A_21 : vector<400x128xf32>
    %get3A_23 = arith.constant 0 : index
    %get3A_24 = arith.constant 0 : index
    %get3A_25 = vector.load %arg2[%get3A_23, %get3A_24] : memref<400x128xf32, #tpu.memory_space<vmem>>, vector<400x128xf32>
    %add3A_26 = arith.addf %add3A_22, %get3A_25 : vector<400x128xf32>
    %mul3A = vector.broadcast %rsqrt3A : vector<400x1xf32> to vector<400x128xf32>
    %mul3A_27 = arith.mulf %mul3A, %add3A_26 : vector<400x128xf32>
    %get3A_28 = arith.constant 0 : index
    %get3A_29 = arith.constant 0 : index
    %get3A_30 = vector.load %arg4[%get3A_28, %get3A_29] : memref<1x128xf32, #tpu.memory_space<vmem>>, vector<1x128xf32>
    %add3A_31 = vector.broadcast %get3A_30 : vector<1x128xf32> to vector<400x128xf32>
    %add3A_32 = arith.addf %mul3A_27, %add3A_31 : vector<400x128xf32>
    %slice3A_33 = vector.extract_strided_slice %add3A_32 {offsets = [0, 0], sizes = [400, 64], strides = [1, 1]} : vector<400x128xf32> to vector<400x64xf32>
    %reduce_max3A = arith.constant dense<0xFF800000> : vector<400xf32>
    %reduce_max3A_34 = vector.multi_reduction <maximumf>, %slice3A_33, %reduce_max3A [1] : vector<400x64xf32> to vector<400xf32>
    %broadcast_in_dim3A = vector.shape_cast %reduce_max3A_34 : vector<400xf32> to vector<400x1xf32>
    %sub3A = vector.broadcast %broadcast_in_dim3A : vector<400x1xf32> to vector<400x64xf32>
    %sub3A_35 = arith.subf %slice3A_33, %sub3A : vector<400x64xf32>
    %exp3A = math.exp %sub3A_35 : vector<400x64xf32>
    %reduce_sum3A = arith.constant dense<0.000000e+00> : vector<400xf32>
    %reduce_sum3A_36 = vector.multi_reduction <add>, %exp3A, %reduce_sum3A [1] : vector<400x64xf32> to vector<400xf32>
    %broadcast_in_dim3A_37 = vector.shape_cast %reduce_sum3A_36 : vector<400xf32> to vector<400x1xf32>
    %log3A = math.log %broadcast_in_dim3A_37 : vector<400x1xf32>
    %sub3A_38 = vector.broadcast %broadcast_in_dim3A : vector<400x1xf32> to vector<400x64xf32>
    %sub3A_39 = arith.subf %slice3A_33, %sub3A_38 : vector<400x64xf32>
    %sub3A_40 = vector.broadcast %log3A : vector<400x1xf32> to vector<400x64xf32>
    %sub3A_41 = arith.subf %sub3A_39, %sub3A_40 : vector<400x64xf32>
    %swap3A = arith.constant 0 : index
    %swap3A_42 = arith.constant 0 : index
    %swap3A_43 = vector.load %arg5[%swap3A, %swap3A_42] : memref<400x64xf32, #tpu.memory_space<vmem>>, vector<400x64xf32>
    tpu.vector_store %arg5[%swap3A, %swap3A_42], %sub3A_41 {strides = array<i32>} : memref<400x64xf32, #tpu.memory_space<vmem>>, vector<400x64xf32>,
    return
  }
  func.func @transform_0(%arg0: i32) -> (i32, i32, i32) {
    %c0_i32 = arith.constant 0 : i32
    %c0_i32_0 = arith.constant 0 : i32
    %c0_i32_1 = arith.constant 0 : i32
    return %c0_i32, %arg0, %c0_i32_0 : i32, i32, i32
  }
  func.func @transform_1(%arg0: i32) -> (i32, i32) {
    %c0_i32 = arith.constant 0 : i32
    %c0_i32_0 = arith.constant 0 : i32
    return %arg0, %c0_i32 : i32, i32
  }
  func.func @transform_2(%arg0: i32) -> (i32, i32, i32) {
    %c0_i32 = arith.constant 0 : i32
    %c0_i32_0 = arith.constant 0 : i32
    %c0_i32_1 = arith.constant 0 : i32
    return %c0_i32, %arg0, %c0_i32_0 : i32, i32, i32
  }
  func.func @transform_3(%arg0: i32) -> (i32, i32) {
    %c0_i32 = arith.constant 0 : i32
    %c0_i32_0 = arith.constant 0 : i32
    %c0_i32_1 = arith.constant 0 : i32
    return %c0_i32, %c0_i32_0 : i32, i32
  }
  func.func @transform_4(%arg0: i32) -> (i32, i32) {
    %c0_i32 = arith.constant 0 : i32
    %c0_i32_0 = arith.constant 0 : i32
    return %arg0, %c0_i32 : i32, i32
  }
}

</mosaic_0001>

<sc_bundles>
// kernel: kernel.11.cloned.1.call-start
scs
__scs_entry_jumppad:
0x0: {  	(pc) =	sbr.rel $0x88, $3  }
0x1: {  	(tag) =	ssettag $0x0;
	lr =	simm.s32 $0x1  }
0x2: {  	[smem:$0x3F9A] =	sst lr;
	_ =	strace $0xD0000000  }
0x3: {  	_ = 	snop  }
0x4: {  	_ = 	snop  }
0x5: {  	_ = 	snop  }
0x6: {  	_ = 	snop  }
0x7: {  	_ = 	snop  }
__scs_overlays_trampoline_lowered:
0x8: {  	[smem:$0x3FA9] =	sst s0  }
0x9: {  	[smem:$0x3FAA] =	sst s1  }
0xa: {  	[smem:$0x3FAB] =	sst s2  }
0xb: {  	[smem:$0x3FAC] =	sst s3  }
0xc: {  	[smem:$0x3FAD] =	sst s4  }
0xd: {  	[smem:$0x3FAE] =	sst s5  }
0xe: {  	[smem:$0x3FAF] =	sst s6  }
0xf: {  	[smem:$0x3FB0] =	sst s7  }
0x10: {  	[smem:$0x3FB1] =	sst s8  }
0x11: {  	[smem:$0x3FB2] =	sst s9;
	s0 =	simm.s32 @!p0 $0x0  }
0x12: {  	s1 =	sld [smem:$0x3F98];
	s0 =	simm.s32 @p0 $0x1  }
0x13: {  	[smem:$0x3FB3] =	sst s0;
	s0 =	simm.s32 @!p1 $0x0  }
0x14: {  	s2 =	sld [smem:$0x3F97];
	s0 =	simm.s32 @p1 $0x1  }
0x15: {  	[smem:$0x3FB4] =	sst s0;
	s0 =	simm.s32 @!p2 $0x0  }
0x16: {  	s3 =	sld [smem:$0x3FDB];
	s0 =	simm.s32 @p2 $0x1  }
0x17: {  	s4 =	simm.s32 $0x1BF5;
	[smem:$0x3FB6] =	sst s0  }
0x18: {  	s0 =	sld [smem:$0x3F99];
	_ =	swait.ge [sflag:s4], $0x0  }
0x19: {  	s7 =	sld [smem:$0x3F9A]  }
0x1a: {  	s8 =	sadd.s32 $0xFFFFE003, lr  }
0x1b: {  	s9 =	sadd.s32 $0xFFFFFEF7, lr;
	s5 =	simm.s32 $0xFFFFFFFF;
	p2 =	slt.u32 s8, $0xFFFFF086  }
0x1c: {  	p1 =	slt.u32 s9, $0xF7A;
	s5 =	simm.s32 @!p2 $0x0  }
0x1d: {  	s5 =	simm.s32 @p1 $0x1;
	p0 =	seq.s32 s7, s2  }
0x1e: {  	s7 =	smul.u32 @!p0 $0xF7A, s2;
	p2 =	seq.s32 @!p0 s5, $0x0  }
0x1f: {  	s9 =	smul.u32 $0xF7A, s1;
	s8 =	simm.s32 @!p0 $0x1BF5;
	p2 =	por !p2, p0  }
0x20: {  	[sflag:s8] =	ssyncset.s32 @!p0 $0xFFFFF086;
	s6 =	sadd.s32 @!p0 s3, s7;
	s7 =	simm.s32 @!p0 $0x108  }
0x21: {  	s3 =	sadd.s32 s3, s9;
	s6 =	sadd.s32 @!p0 $0x88, s6;
	s7 =	simm.s32 @p2 $0x1082  }
0x22: {  	[simem:s7], [sflag:s8] =	dma.local @!p0 [hbm:s6], $0xF7A  }
0x23: {  	s9 =	sor.u32 $0xD0000000, s2;
	s6 =	simm.s32 $0x108;
	_ =	swait.ge @!p0 [sflag:s8], $0x0  }
0x24: {  	s3 =	sadd.s32 $0x88, s3;
	s6 =	simm.s32 @!p1 $0x1082;
	[sflag:s4] =	ssyncset.s32 $0xFFFFF086  }
0x25: {  	[simem:s6], [sflag:s4] =	dma.local [hbm:s3], $0xF7A  }
0x26: {  	[smem:$0x3F9A] =	sst s1;
	(tag) =	ssettag s2;
	_ =	strace s9  }
0x27: {  	s1 =	sld [smem:$0x3FAA]  }
0x28: {  	s2 =	sld [smem:$0x3FAB]  }
0x29: {  	s4 =	sld [smem:$0x3FAD]  }
0x2a: {  	p0 =	seq.s32 s5, $0x0;
	s5 =	sld [smem:$0x3FAE]  }
0x2b: {  	s6 =	sld [smem:$0x3FAF]  }
0x2c: {  	s7 =	sld [smem:$0x3FB0]  }
0x2d: {  	s3 =	simm.s32 $0x108;
	s8 =	sld [smem:$0x3FB1]  }
0x2e: {  	s3 =	simm.s32 @!p0 $0x1082;
	s9 =	sld [smem:$0x3FB2]  }
0x2f: {  	lr =	sadd.s32 s0, s3;
	s0 =	sld [smem:$0x3FA9]  }
0x30: {  	s3 =	sld [smem:$0x3FAC]  }
0x31: {  	[smem:$0x3FB5] =	sst s10  }
0x32: {  	s10 =	sld [smem:$0x3FB3];
	_ =	sdelay $0x3  }
0x33: {  	p0 =	seq.s32 s10, $0x1;
	s10 =	sld [smem:$0x3FB5];
	_ =	sdelay $0x3  }
0x34: {  	[smem:$0x3FB5] =	sst s10  }
0x35: {  	s10 =	sld [smem:$0x3FB4];
	_ =	sdelay $0x3  }
0x36: {  	p1 =	seq.s32 s10, $0x1;
	s10 =	sld [smem:$0x3FB5];
	_ =	sdelay $0x3  }
0x37: {  	[smem:$0x3FB5] =	sst s10  }
0x38: {  	s10 =	sld [smem:$0x3FB6]  }
0x39: {  	_ = 	snop;
	(pc) =	sbr.ind lr, $3  }
0x3a: {  	_ = 	snop  }
0x3b: {  	_ = 	snop  }
0x3c: {  	p2 =	seq.s32 s10, $0x1;
	s10 =	sld [smem:$0x3FB5]  }
0x3d: {  	_ =	shalt  }
0x3e: {  	_ =	shalt  }
0x3f: {  	_ =	shalt  }
0x40: {  	_ =	shalt  }
0x41: {  	_ =	shalt  }
0x42: {  	_ =	shalt  }
0x43: {  	_ =	shalt  }
0x44: {  	_ =	shalt  }
0x45: {  	_ =	shalt  }
0x46: {  	_ =	shalt  }
0x47: {  	_ =	shalt  }
0x48: {  	_ =	shalt  }
0x49: {  	_ =	shalt  }
0x4a: {  	_ =	shalt  }
0x4b: {  	_ =	shalt  }
0x4c: {  	_ =	shalt  }
0x4d: {  	_ =	shalt  }
0x4e: {  	_ =	shalt  }
0x4f: {  	_ =	shalt  }
0x50: {  	_ =	shalt  }
0x51: {  	_ =	shalt  }
0x52: {  	_ =	shalt  }
0x53: {  	_ =	shalt  }
0x54: {  	_ =	shalt  }
0x55: {  	_ =	shalt  }
0x56: {  	_ =	shalt  }
0x57: {  	_ =	shalt  }
0x58: {  	_ =	shalt  }
0x59: {  	_ =	shalt  }
0x5a: {  	_ =	shalt  }
0x5b: {  	_ =	shalt  }
0x5c: {  	_ =	shalt  }
0x5d: {  	_ =	shalt  }
0x5e: {  	_ =	shalt  }
0x5f: {  	_ =	shalt  }
0x60: {  	_ =	shalt  }
0x61: {  	_ =	shalt  }
0x62: {  	_ =	shalt  }
0x63: {  	_ =	shalt  }
0x64: {  	_ =	shalt  }
0x65: {  	_ =	shalt  }
0x66: {  	_ =	shalt  }
0x67: {  	_ =	shalt  }
0x68: {  	_ =	shalt  }
0x69: {  	_ =	shalt  }
0x6a: {  	_ =	shalt  }
0x6b: {  	_ =	shalt  }
0x6c: {  	_ =	shalt  }
0x6d: {  	_ =	shalt  }
0x6e: {  	_ =	shalt  }
0x6f: {  	_ =	shalt  }
0x70: {  	_ =	shalt  }
0x71: {  	_ =	shalt  }
0x72: {  	_ =	shalt  }
0x73: {  	_ =	shalt  }
0x74: {  	_ =	shalt  }
0x75: {  	_ =	shalt  }
0x76: {  	_ =	shalt  }
0x77: {  	_ =	shalt  }
0x78: {  	_ =	shalt  }
0x79: {  	_ =	shalt  }
0x7a: {  	_ =	shalt  }
0x7b: {  	_ =	shalt  }
0x7c: {  	_ =	shalt  }
0x7d: {  	_ =	shalt  }
0x7e: {  	_ =	shalt  }
0x7f: {  	_ =	shalt  }
0x80: {  	_ =	shalt  }
0x81: {  	_ =	shalt  }
0x82: {  	_ =	shalt  }
0x83: {  	_ =	shalt  }
0x84: {  	_ =	shalt  }
0x85: {  	_ =	shalt  }
0x86: {  	_ =	shalt  }
0x87: {  	_ =	shalt  }
.Lfunc_end0:
.L_simem_size_0:
called_computation.1_lowered:
.L_overlay_start_0:
0x88: {  	s2 =	sld [smem:$0x3FD9]  }
0x89: {  	s3 =	sld [smem:$0x3FFE];
	_ =	sdelay $0x1  }
0x8a: {  	s1 =	srdreg.scid  }
0x8b: {  	s0 =	sand.u32 $0x1, s1  }
0x8c: {  	s17 =	sshll.u32 s0, $0xA;
	s2 =	sadd.s32 s3, s2  }
0x8d: {  	s2 =	sadd.s32 s2, s17  }
0x8e: {  	[smem:$0x3FC1] =	sst s2  }
0x8f: {  	_ = 	snop  }
0x90: {  	s2 =	sld [smem:$0x3FC7]  }
0x91: {  	s18 =	sld [smem:$0x3FD0];
	(tm) =	ssettm $0x1  }
0x92: {  	s4 =	sld [smem:$0x3FFB];
	_ =	sdelay $0x3  }
0x93: {  	_ =	strace s4  }
0x94: {  	s4 =	sld [smem:$0x3FFC];
	_ =	sdelay $0x3  }
0x95: {  	_ =	strace s4  }
0x96: {  	s4 =	sld [smem:$0x3FFD];
	_ =	sdelay $0x3  }
0x97: {  	_ =	strace s4  }
0x98: {  	_ =	strace $0x8FFFFFFF  }
0x99: {  	s19 =	sld [smem:$0x3FDB];
	_ =	sdelay $0x1  }
0x9a: {  	s5 =	simm.s32 $_scs_section_size  }
0x9b: {  	s6 =	simm.s32 $_size__tile_overlayer_lowered;
	s7 =	simm.s32 $_tile_overlayer_lowered  }
0x9c: {  	s22 =	simm.s32 $0x1BFF;
	s21 =	sshll.u32 s7, $0x1;
	s4 =	sadd.s32 s5, s19  }
0x9d: {  	s8 =	simm.s32 $0x0;
	s20 =	sshll.u32 s6, $0x1;
	s6 =	sadd.s32 s21, s4  }
0x9e: {  	[timem:s8], [sflag:s22] =	dma.local [hbm:s6], s20  }
0x9f: {  	_ =	swait.ge [sflag:s22], s20  }
0xa0: {  	s5 =	ssub.s32 $0x0, s20;
	[sflag:s22] =	ssyncset.done $0x0  }
0xa1: {  	[sflag:s22] =	ssyncadd.s32 s5;
	_ =	sdelay $0x1  }
0xa2: {  	s23 =	simm.s32 $0x1B8B  }
0xa3: {  	_ =	swait.ge [sflag:s23], $0x1  }
0xa4: {  	[sflag:s23] =	ssyncset.done $0x0  }
0xa5: {  	s25 =	simm.s32 $0x1B8E;
	s24 =	sld [smem:$0x3FFE];
	[sflag:s23] =	ssyncadd.s32 $0xFFFFFFFF  }
0xa6: {  	s26 =	simm.s32 $execute0_lowered;
	[smem:$0x3FD2] =	sst s25  }
0xa7: {  	s6 =	sshll.u32 s26, $0x1;
	_ =	strace $0x80000049;
	[dreg:$0x1] =	wrdreg $0xFFFFFFFF  }
0xa8: {  	s28 =	simm.s32 $_size_execute0_lowered;
	s4 =	sadd.s32 s4, s6;
	[dreg:$0x0] =	wrdreg $0x0  }
0xa9: {  	s6 =	sshll.u32 s28, $0x1;
	[dreg:$0x2] =	wrdreg s4  }
0xaa: {  	[dreg:$0x3] =	wrdreg s6  }
0xab: {  	[dreg:$0x4] =	wrdreg $0xC0  }
0xac: {  	_ =	task [dreg:s8], $0x5FFFF  }
0xad: {  	[dreg:$0x1] =	wrdreg $0xFFFFFFFF  }
0xae: {  	[dreg:$0x0] =	wrdreg $0x60  }
0xaf: {  	[dreg:$0x2] =	wrdreg s24  }
0xb0: {  	[dreg:$0x3] =	wrdreg s18  }
0xb1: {  	[dreg:$0x4] =	wrdreg s2  }
0xb2: {  	[dreg:$0x5] =	wrdreg $0x54000  }
0xb3: {  	[dreg:$0x6] =	wrdreg $0x9  }
0xb4: {  	_ =	task.clear_ibuf [dreg:s8], $0x7FFFF;
	_ =	strace $0x90000049  }
0xb5: {  	s29 =	simm.s32 $0x9;
	_ =	strace $0x8000004B  }
0xb6: {  	_ =	swait.ge [sflag:s29], $0x1  }
0xb7: {  	[sflag:s29] =	ssyncadd.s32 $0xFFFFFFFF  }
0xb8: {  	_ =	strace $0x9000004B  }
0xb9: {  	_ =	sfence  }
0xba: {  	s30 =	sld [smem:$0x0];
	_ =	sdelay $0x2  }
0xbb: {  	s31 =	sshll.u32 s1, $0xD;
	s1 =	sshrl.u32 s1, $0x2  }
0xbc: {  	s3 =	sand.u32 $0x4000, s31;
	s1 =	sadd.s32 s1, s30  }
0xbd: {  	s0 =	sor.u32 s3, s0;
	s1 =	sshll.u32 s1, $0x11  }
0xbe: {  	s0 =	sor.u32 s1, s0  }
0xbf: {  	s0 =	sadd.s32 $0x8F2B, s0  }
0xc0: {  	[sflag:s0] =	ssyncadd.remote.s32 $0x1  }
0xc1: {  	_ =	sfence.sel $0xFFFF  }
0xc2: {  	[dreg:$0x0] =	wrdreg $0xFFFFFFFF;
	(pc) =	sbr.abs _section_cstart, $3  }
0xc3: {  	[dreg:$0x1] =	wrdreg $0xFFFFFFFF  }
0xc4: {  	_ =	task.clear_ibuf [dreg:s8], $0x2FFFF;
	_ =	strace $0x9FFFFFFF  }
0xc5: {  	(tm) =	ssettm $0x7FFFFFFF  }
tec
execute0_lowered:
.L_overlay_start_1:
0x0: {  	(tag) =	ssettag $0x1  }
0x1: {  	s0 =	srdreg.scid;
	s24 =	stileid.u32  }
0x2: {  	s2 =	rddreg [dreg:$0x0];
	s6 =	sand.u32 $0x1, s0;
	s9 =	smul.u32 $0x2800, s24  }
0x3: {  	s1 =	rddreg [dreg:$0x1];
	s8 =	sor.u32 $0x10, s24;
	s7 =	smul.u32 $0x138800, s6  }
0x4: {  	s3 =	rddreg [dreg:$0x2];
	s10 =	sor.u32 $0x20, s24;
	s11 =	smul.u32 $0x2800, s8  }
0x5: {  	s4 =	rddreg [dreg:$0x3];
	s13 =	sor.u32 $0x30, s24;
	s14 =	smul.u32 $0x2800, s10  }
0x6: {  	s5 =	simm.s32 $0x0;
	s16 =	sor.u32 $0x40, s24;
	s15 =	smul.u32 $0x2800, s13  }
0x7: {  	s28 =	simm.s32 $0x3;
	s18 =	sor.u32 $0x50, s24;
	s19 =	smul.u32 $0x2800, s16  }
0x8: {  	s29 =	simm.s32 $0x200;
	s21 =	sor.u32 $0x70, s24;
	s20 =	smul.u32 $0x2800, s18  }
0x9: {  	s30 =	simm.s32 $0x4;
	[smem:$0x7FF] =	sst s5;
	s23 =	smul.u32 $0x2800, s21  }
0xa: {  	s12 =	sadd.s32 $0x81A00, s2;
	p0 =	sgt.u32 s24, $0xC;
	s8 =	smul.u32 $0xA000, s8  }
0xb: {  	s0 =	sshll.u32 s6, $0x4;
	s6 =	ssub.s32 $0x2, s6;
	s10 =	smul.u32 $0xA000, s10  }
0xc: {  	s18 =	smul.u32 $0xA000, s18;
	s0 =	sor.u32 s24, s0;
	s17 =	sshrl.u32 s6, $0x1  }
0xd: {  	_ =	strace $0x8000004A;
	s0 =	smul.u32 $0x2710, s0;
	s6 =	ssub.s32 s6, s17  }
0xe: {  	s17 =	sor.u32 $0x60, s24;
	s9 =	sadd.s32 s9, s7;
	s11 =	sadd.s32 s7, s11  }
0xf: {  	s14 =	sadd.s32 s7, s14;
	s15 =	sadd.s32 s7, s15;
	s19 =	sadd.s32 s7, s19  }
0x10: {  	s20 =	sadd.s32 s7, s20;
	s22 =	smul.u32 $0x2800, s17;
	s9 =	sshrl.u32 s9, $0x3  }
0x11: {  	s11 =	sshrl.u32 s11, $0x3;
	s14 =	sshrl.u32 s14, $0x3;
	s25 =	sshrl.u32 s15, $0x3  }
0x12: {  	s26 =	sshrl.u32 s19, $0x3;
	s20 =	sshrl.u32 s20, $0x3;
	s9 =	sadd.s32 s12, s9  }
0x13: {  	s11 =	sadd.s32 s12, s11;
	s15 =	sadd.s32 s12, s25;
	[dreg:$0x5] =	wrdreg s9  }
0x14: {  	s19 =	sadd.s32 s12, s26;
	s31 =	sadd.s32 $0xA0, s0;
	[dreg:$0x6] =	wrdreg s11  }
0x15: {  	s22 =	sadd.s32 s7, s22;
	s7 =	sadd.s32 s7, s23;
	[dreg:$0x8] =	wrdreg s15  }
0x16: {  	s23 =	smul.u32 $0xA000, s24;
	s9 =	sadd.s32 s12, s14;
	[dreg:$0x9] =	wrdreg s19  }
0x17: {  	s14 =	sadd.s32 $0x5A800, s2;
	s11 =	smul.u32 $0xA000, s13;
	s15 =	sadd.s32 $0x2800, s2  }
0x18: {  	s13 =	sshrl.u32 s8, $0x2;
	s8 =	sshrl.u32 s18, $0x2;
	s24 =	simm.s32 $0x50  }
0x19: {  	[dreg:$0x7] =	wrdreg s9;
	s25 =	sshrl.u32 s22, $0x3;
	s7 =	sshrl.u32 s7, $0x3  }
0x1a: {  	s9 =	sadd.s32 s12, s20;
	s22 =	sadd.s32 s13, s4;
	s13 =	sshrl.u32 s0, $0x3  }
0x1b: {  	[dreg:$0xa] =	wrdreg s9;
	s26 =	sadd.s32 s12, s25;
	s7 =	sadd.s32 s12, s7  }
0x1c: {  	s9 =	sshrl.u32 s23, $0x2;
	s12 =	smul.u32 $0xA000, s16;
	s16 =	sshrl.u32 s10, $0x2  }
0x1d: {  	s23 =	smul.u32 $0xA000, s17;
	s25 =	sshrl.u32 s11, $0x2;
	[dreg:$0xe] =	wrdreg s22  }
0x1e: {  	s17 =	sadd.s32 s15, s13;
	s18 =	sadd.s32 $0xA, s13;
	[dreg:$0xb] =	wrdreg s26  }
0x1f: {  	[dreg:$0xc] =	wrdreg s7;
	s20 =	sadd.s32 s9, s4;
	s19 =	sadd.s32 s16, s4  }
0x20: {  	s26 =	smul.u32 $0xA000, s21;
	s21 =	sadd.s32 s25, s4;
	[dreg:$0x16] =	wrdreg s17  }
0x21: {  	s16 =	sadd.s32 s1, s13;
	s25 =	sadd.s32 s3, s18;
	[dreg:$0xf] =	wrdreg s19  }
0x22: {  	s7 =	simm.s32 $0x5;
	s9 =	simm.s32 $0x300;
	[dreg:$0x15] =	wrdreg s16  }
0x23: {  	s2 =	sshrl.u32 s12, $0x2;
	s10 =	sshrl.u32 s23, $0x2;
	[dreg:$0x1a] =	wrdreg s25  }
0x24: {  	s19 =	sadd.s32 s1, s18;
	s23 =	sadd.s32 s15, s18;
	[dreg:$0xd] =	wrdreg s20  }
0x25: {  	s25 =	simm.s32 $0x2;
	s16 =	simm.s32 $0x0;
	[dreg:$0x10] =	wrdreg s21  }
0x26: {  	s2 =	sadd.s32 s2, s4;
	s11 =	sshrl.u32 s26, $0x2;
	[dreg:$0x18] =	wrdreg s19  }
0x27: {  	[dreg:$0x19] =	wrdreg s23;
	s26 =	smax.u32 s6, $0x1;
	s6 =	simm.s32 $0x400  }
0x28: {  	[dreg:$0x11] =	wrdreg s2;
	s2 =	sadd.s32 s8, s4;
	s12 =	sadd.s32 s11, s4  }
0x29: {  	[dreg:$0x1b] =	wrdreg s26;
	s8 =	simm.s32 $0x100;
	s11 =	simm.s32 $0x180  }
0x2a: {  	s26 =	simm.s32 $0x2C00;
	[dreg:$0x12] =	wrdreg s2;
	s2 =	sadd.s32 s10, s4  }
0x2b: {  	[dreg:$0x14] =	wrdreg s12;
	s10 =	simm.s32 $0x80;
	s12 =	simm.s32 $0x380  }
0x2c: {  	[dreg:$0x13] =	wrdreg s2;
	s2 =	sadd.s32 s3, s13;
	s13 =	simm.s32 $0x1  }
0x2d: {  	v0 =	vimm.f32 $0.0e+00;
	[dreg:$0x17] =	wrdreg s2;
	s2 =	sadd.s32 $0xF0, s0;
	s0 =	simm.s32 $0x280  }
.LBB2_1:
0x2e: {  	s17 =	simm.s32 $0x0;
	s18 =	simm.s32 $0x200  }
.LBB2_2:
0x2f: {  	p1 =	sne.s32 s18, $0x9E00;
	[tilespmem:s17+$0x470] =	vst v0  }
0x30: {  	[tilespmem:s17+$0x400] =	vst v0  }
0x31: {  	[tilespmem:s17+$0x410] =	vst v0  }
.Ltmp0:
0x32: {  	[tilespmem:s17+$0x420] =	vst v0;
	(pc) =	sbr.rel @p1 .LBB2_2-.Ltmp0, $4  }
0x33: {  	[tilespmem:s17+$0x430] =	vst v0  }
0x34: {  	[tilespmem:s17+$0x440] =	vst v0  }
0x35: {  	[tilespmem:s17+$0x450] =	vst v0  }
0x36: {  	[tilespmem:s17+$0x460] =	vst v0;
	s17 =	sshra.s32 s18, $0x2;
	s18 =	sadd.s32 $0x200, s18  }
0x37: {  	[tilespmem:s17+$0x470] =	vst v0  }
0x38: {  	[tilespmem:s17+$0x400] =	vst v0  }
0x39: {  	[tilespmem:s17+$0x410] =	vst v0  }
0x3a: {  	[tilespmem:s17+$0x420] =	vst v0  }
0x3b: {  	[tilespmem:s17+$0x430] =	vst v0  }
0x3c: {  	[tilespmem:s17+$0x440] =	vst v0  }
0x3d: {  	[tilespmem:s17+$0x450] =	vst v0  }
0x3e: {  	[tilespmem:s17+$0x460] =	vst v0  }
0x3f: {  	[spmem:s20] =	stream.linear.scatter [tilespmem:s6], [sflag:$0x5], $0x2800, $0x38;
	[tilespmem:$0x18C80] =	vst v63  }
0x40: {  	_ =	swait.ge [sflag:s7], $0x2800  }
0x41: {  	[sflag:s7] =	ssyncset.done $0x0  }
0x42: {  	[sflag:s7] =	ssyncadd.s32 $0xFFFFD800  }
0x43: {  	[spmem:s22] =	stream.linear.scatter [tilespmem:s6], [sflag:$0x5], $0x2800, $0x38;
	[tilespmem:$0x18C80] =	vst v63  }
0x44: {  	_ =	swait.ge [sflag:s7], $0x2800  }
0x45: {  	[sflag:s7] =	ssyncset.done $0x0  }
0x46: {  	s19 =	rddreg [dreg:$0xf];
	[sflag:s7] =	ssyncadd.s32 $0xFFFFD800  }
0x47: {  	[spmem:s19] =	stream.linear.scatter [tilespmem:s6], [sflag:$0x5], $0x2800, $0x38;
	[tilespmem:$0x18C80] =	vst v63  }
0x48: {  	_ =	swait.ge [sflag:s7], $0x2800  }
0x49: {  	[sflag:s7] =	ssyncset.done $0x0  }
0x4a: {  	[sflag:s7] =	ssyncadd.s32 $0xFFFFD800  }
0x4b: {  	[spmem:s21] =	stream.linear.scatter [tilespmem:s6], [sflag:$0x5], $0x2800, $0x38;
	[tilespmem:$0x18C80] =	vst v63  }
0x4c: {  	_ =	swait.ge [sflag:s7], $0x2800  }
0x4d: {  	[sflag:s7] =	ssyncset.done $0x0  }
0x4e: {  	s20 =	rddreg [dreg:$0x11];
	[sflag:s7] =	ssyncadd.s32 $0xFFFFD800  }
0x4f: {  	[spmem:s20] =	stream.linear.scatter [tilespmem:s6], [sflag:$0x5], $0x2800, $0x38;
	[tilespmem:$0x18C80] =	vst v63  }
0x50: {  	_ =	swait.ge [sflag:s7], $0x2800  }
0x51: {  	[sflag:s7] =	ssyncset.done $0x0  }
0x52: {  	s21 =	rddreg [dreg:$0x12];
	[sflag:s7] =	ssyncadd.s32 $0xFFFFD800  }
0x53: {  	[spmem:s21] =	stream.linear.scatter [tilespmem:s6], [sflag:$0x5], $0x2800, $0x38;
	[tilespmem:$0x18C80] =	vst v63  }
0x54: {  	_ =	swait.ge [sflag:s7], $0x2800  }
0x55: {  	[sflag:s7] =	ssyncset.done $0x0  }
0x56: {  	s22 =	rddreg [dreg:$0x13];
	[sflag:s7] =	ssyncadd.s32 $0xFFFFD800  }
0x57: {  	[spmem:s22] =	stream.linear.scatter [tilespmem:s6], [sflag:$0x5], $0x2800, $0x38;
	[tilespmem:$0x18C80] =	vst v63  }
0x58: {  	_ =	swait.ge [sflag:s7], $0x2800  }
0x59: {  	[sflag:s7] =	ssyncset.done $0x0  }
0x5a: {  	s17 =	simm.s32 @!p0 $0x400;
	s18 =	rddreg [dreg:$0x14];
	[sflag:s7] =	ssyncadd.s32 $0xFFFFD800  }
0x5b: {  	[spmem:s18] =	stream.linear.scatter @!p0 [tilespmem:s17], [sflag:$0x5], $0x2800, $0x38;
	[tilespmem:$0x18C80] =	vst v63  }
0x5c: {  	s17 =	simm.s32 @!p0 $0x5  }
0x5d: {  	_ =	swait.ge @!p0 [sflag:s17], $0x2800  }
0x5e: {  	[sflag:s17] =	ssyncset.done @!p0 $0x0  }
0x5f: {  	[sflag:s17] =	ssyncadd.s32 @!p0 $0xFFFFD800  }
0x60: {  	[bflag:$0x0] =	sbarrier.arrive $0xFFFF  }
0x61: {  	s17 =	simm.s32 $0x0;
	s23 =	rddreg [dreg:$0x15]  }
0x62: {  	[tilespmem:s17], [sflag:$0x1] =	stream.linear.gather [hbm4b:s23+s17], $0x50, $0x38;
	[tilespmem:$0x18C80] =	vst v63  }
0x63: {  	s19 =	rddreg [dreg:$0x16]  }
0x64: {  	[tilespmem:s8], [sflag:$0x1] =	stream.linear.gather [hbm4b:s19+s17], $0x50, $0x38;
	[tilespmem:$0x18C80] =	vst v63  }
0x65: {  	s20 =	rddreg [dreg:$0x17]  }
0x66: {  	[tilespmem:s9], [sflag:$0x1] =	stream.linear.gather [hbm4b:s20+s17], $0x50, $0x38;
	[tilespmem:$0x18C80] =	vst v63  }
0x67: {  	s21 =	rddreg [dreg:$0x18]  }
0x68: {  	[tilespmem:s10], [sflag:$0x2] =	stream.linear.gather [hbm4b:s21+s17], $0x50, $0x38;
	[tilespmem:$0x18C80] =	vst v63  }
0x69: {  	s22 =	rddreg [dreg:$0x19]  }
0x6a: {  	[tilespmem:s11], [sflag:$0x2] =	stream.linear.gather [hbm4b:s22+s17], $0x50, $0x38;
	[tilespmem:$0x18C80] =	vst v63  }
0x6b: {  	s18 =	simm.s32 $0x0;
	s23 =	rddreg [dreg:$0x1a]  }
0x6c: {  	[tilespmem:s12], [sflag:$0x2] =	stream.linear.gather [hbm4b:s23+s17], $0x50, $0x38;
	[tilespmem:$0x18C80] =	vst v63  }
.LBB2_4:
0x6d: {  	_ =	swait.ge [sflag:s13], $0x50  }
0x6e: {  	[sflag:s13] =	ssyncset.done $0x0  }
0x6f: {  	[sflag:s13] =	ssyncadd.s32 $0xFFFFFFB0  }
0x70: {  	_ =	swait.ge [sflag:s13], $0x50  }
0x71: {  	[sflag:s13] =	ssyncset.done $0x0  }
0x72: {  	[sflag:s13] =	ssyncadd.s32 $0xFFFFFFB0  }
0x73: {  	_ =	swait.ge [sflag:s13], $0x50  }
0x74: {  	[sflag:s13] =	ssyncset.done $0x0  }
0x75: {  	[sflag:s13] =	ssyncadd.s32 $0xFFFFFFB0  }
0x76: {  	[tilespmem:s6], [sflag:$0x3] =	stream.indirect.gather [hbm4b:s14+s24], $0x80, s17, s24, $0xb8;
	[tilespmem:$0x18C80] =	vst v63  }
0x77: {  	_ =	swait.ge [sflag:s25], $0x50  }
0x78: {  	[sflag:s25] =	ssyncset.done $0x0  }
0x79: {  	[sflag:s25] =	ssyncadd.s32 $0xFFFFFFB0  }
0x7a: {  	_ =	swait.ge [sflag:s25], $0x50  }
0x7b: {  	[sflag:s25] =	ssyncset.done $0x0  }
0x7c: {  	[sflag:s25] =	ssyncadd.s32 $0xFFFFFFB0  }
0x7d: {  	_ =	swait.ge [sflag:s25], $0x50  }
0x7e: {  	[sflag:s25] =	ssyncset.done $0x0  }
0x7f: {  	[sflag:s25] =	ssyncadd.s32 $0xFFFFFFB0  }
0x80: {  	[tilespmem:s26], [sflag:$0x4] =	stream.indirect.gather [hbm4b:s14+s24], $0x80, s10, s24, $0xb8;
	[tilespmem:$0x18C80] =	vst v63  }
0x81: {  	_ =	swait.ge [sflag:s28], $0x2800  }
0x82: {  	v1 =	vmov s17;
	[sflag:s28] =	ssyncset.done $0x0  }
0x83: {  	s19 =	simm.s32 $0x440;
	[sflag:s28] =	ssyncadd.s32 $0xFFFFD800  }
0x84: {  	v5 =	vld [tilespmem:s19+$0x30]  }
0x85: {  	v8 =	vld [tilespmem:s19+$0x10]  }
0x86: {  	v6 =	vld [tilespmem:s19+$0xFFFFFFC0]  }
0x87: {  	v2 =	vld.idx.msk [tilespmem:v1+s9+$0x0], $0xffff  }
0x88: {  	v10 =	vld [tilespmem:s19+$0xFFFFFFE0]  }
0x89: {  	v1 =	vld [tilespmem:s19+$0xFFFFFFF0]  }
0x8a: {  	v3 =	vld [tilespmem:s19+$0x20]  }
0x8b: {  	v4 =	vld [tilespmem:s19+$0xFFFFFFD0]  }
0x8c: {  	v9 =	vmul.f32 v5, v2;
	v5 =	vld [tilespmem:s19+$0x0]  }
0x8d: {  	v7 =	vmul.f32 v6, v2  }
0x8e: {  	s20 =	simm.s32 $0x1;
	s21 =	simm.s32 $0x440;
	v6 =	vmul.f32 v10, v2;
	v8 =	vmul.f32 v8, v2  }
.LBB2_5:
0x8f: {  	p1 =	sne.s32 s20, $0x4F  }
0x90: {  	v4 =	vmul.f32 v4, v2;
	v3 =	vmul.f32 v3, v2;
	[tilespmem:s19+$0x30] =	vst v9;
	s21 =	sadd.s32 $0x80, s21;
	s22 =	smov.u32 s20;
	s20 =	sadd.s32 $0x1, s20  }
0x91: {  	[tilespmem:s19+$0xFFFFFFC0] =	vst v7;
	v7 =	vmul.f32 v1, v2;
	v2 =	vmul.f32 v5, v2  }
0x92: {  	[tilespmem:s19+$0x10] =	vst v8  }
0x93: {  	v5 =	vmov s22;
	[tilespmem:s19+$0xFFFFFFE0] =	vst v6  }
0x94: {  	v1 =	vld [tilespmem:s21+$0xFFFFFFF0];
	[tilespmem:s19+$0xFFFFFFF0] =	vst v7  }
0x95: {  	v6 =	vld [tilespmem:s21+$0x30];
	[tilespmem:s19+$0x0] =	vst v2  }
0x96: {  	v8 =	vld [tilespmem:s21+$0x10];
	[tilespmem:s19+$0x20] =	vst v3  }
0x97: {  	v7 =	vld [tilespmem:s21+$0xFFFFFFC0];
	[tilespmem:s19+$0xFFFFFFD0] =	vst v4;
	s19 =	smov.u32 s21  }
0x98: {  	v2 =	vld.idx.msk [tilespmem:v5+s9+$0x0], $0xffff  }
0x99: {  	v10 =	vld [tilespmem:s21+$0xFFFFFFE0]  }
0x9a: {  	v3 =	vld [tilespmem:s21+$0x20]  }
.Ltmp1:
0x9b: {  	v4 =	vld [tilespmem:s21+$0xFFFFFFD0];
	(pc) =	sbr.rel @p1 .LBB2_5-.Ltmp1, $3  }
0x9c: {  	v5 =	vld [tilespmem:s21+$0x0];
	_ =	sdelay $0x1  }
0x9d: {  	v7 =	vmul.f32 v7, v2;
	v9 =	vmul.f32 v6, v2  }
0x9e: {  	v8 =	vmul.f32 v8, v2;
	v6 =	vmul.f32 v10, v2  }
0x9f: {  	[tilespmem:s19+$0x30] =	vst v9  }
0xa0: {  	[tilespmem:s19+$0xFFFFFFC0] =	vst v7  }
0xa1: {  	v1 =	vmul.f32 v1, v2;
	[tilespmem:s19+$0x10] =	vst v8  }
0xa2: {  	v3 =	vmul.f32 v3, v2;
	[tilespmem:s19+$0xFFFFFFE0] =	vst v6  }
0xa3: {  	v5 =	vmul.f32 v5, v2;
	[tilespmem:s19+$0xFFFFFFF0] =	vst v1  }
0xa4: {  	v1 =	vmul.f32 v4, v2;
	[tilespmem:s19+$0x20] =	vst v3  }
0xa5: {  	[tilespmem:s19+$0x0] =	vst v5  }
0xa6: {  	[tilespmem:s19+$0xFFFFFFD0] =	vst v1  }
0xa7: {  	v1 =	vld [tilespmem:$0x100]  }
0xa8: {  	v2 =	vld [tilespmem:$0x110]  }
0xa9: {  	v3 =	vld [tilespmem:$0x120]  }
0xaa: {  	v4 =	vld [tilespmem:$0x130]  }
0xab: {  	v5 =	vld [tilespmem:$0x140]  }
0xac: {  	[tilespmem:$0x200] =	vst v1  }
0xad: {  	[tilespmem:$0x210] =	vst v2  }
0xae: {  	[tilespmem:$0x220] =	vst v3  }
0xaf: {  	[tilespmem:$0x230] =	vst v4  }
0xb0: {  	s19 =	smul.u32 $0xA0, s18;
	[tilespmem:$0x240] =	vst v5  }
0xb1: {  	[spmem:s4] =	stream.indirect.scatter.add.f32 [tilespmem:s6], [sflag:$0x5], $0x80, s29, s24, $0xb8;
	[tilespmem:$0x18C80] =	vst v63  }
0xb2: {  	s20 =	sadd.s32 s19, s31;
	_ =	swait.ge [sflag:s7], $0x2800  }
0xb3: {  	s20 =	sshrl.u32 s20, $0x3;
	[sflag:s7] =	ssyncset.done $0x0  }
0xb4: {  	s22 =	simm.s32 $0x0;
	s21 =	sadd.s32 s1, s20;
	[sflag:s7] =	ssyncadd.s32 $0xFFFFD800  }
0xb5: {  	[tilespmem:s22], [sflag:$0x1] =	stream.linear.gather [hbm4b:s21+s22], $0x50, $0x38;
	[tilespmem:$0x18C80] =	vst v63  }
0xb6: {  	s23 =	sadd.s32 s15, s20  }
0xb7: {  	[tilespmem:s8], [sflag:$0x1] =	stream.linear.gather [hbm4b:s23+s22], $0x50, $0x38;
	[tilespmem:$0x18C80] =	vst v63  }
0xb8: {  	s20 =	sadd.s32 s3, s20  }
0xb9: {  	[tilespmem:s9], [sflag:$0x1] =	stream.linear.gather [hbm4b:s20+s22], $0x50, $0x38;
	[tilespmem:$0x18C80] =	vst v63  }
0xba: {  	_ =	swait.ge [sflag:s30], $0x2800  }
0xbb: {  	v1 =	vmov s22;
	[sflag:s30] =	ssyncset.done $0x0  }
0xbc: {  	s20 =	simm.s32 $0x2C40;
	[sflag:s30] =	ssyncadd.s32 $0xFFFFD800  }
0xbd: {  	v5 =	vld [tilespmem:s20+$0x30]  }
0xbe: {  	v8 =	vld [tilespmem:s20+$0x10]  }
0xbf: {  	v6 =	vld [tilespmem:s20+$0xFFFFFFC0]  }
0xc0: {  	v2 =	vld.idx.msk [tilespmem:v1+s12+$0x0], $0xffff  }
0xc1: {  	v10 =	vld [tilespmem:s20+$0xFFFFFFE0]  }
0xc2: {  	v1 =	vld [tilespmem:s20+$0xFFFFFFF0]  }
0xc3: {  	v3 =	vld [tilespmem:s20+$0x20]  }
0xc4: {  	v4 =	vld [tilespmem:s20+$0xFFFFFFD0]  }
0xc5: {  	v9 =	vmul.f32 v5, v2;
	v5 =	vld [tilespmem:s20+$0x0]  }
0xc6: {  	v7 =	vmul.f32 v6, v2  }
0xc7: {  	s21 =	simm.s32 $0x1;
	s22 =	simm.s32 $0x2C40;
	v6 =	vmul.f32 v10, v2;
	v8 =	vmul.f32 v8, v2  }
.LBB2_7:
0xc8: {  	p1 =	sne.s32 s21, $0x4F  }
0xc9: {  	v4 =	vmul.f32 v4, v2;
	v3 =	vmul.f32 v3, v2;
	[tilespmem:s20+$0x30] =	vst v9;
	s22 =	sadd.s32 $0x80, s22;
	s23 =	smov.u32 s21;
	s21 =	sadd.s32 $0x1, s21  }
0xca: {  	[tilespmem:s20+$0xFFFFFFC0] =	vst v7;
	v7 =	vmul.f32 v1, v2;
	v2 =	vmul.f32 v5, v2  }
0xcb: {  	[tilespmem:s20+$0x10] =	vst v8  }
0xcc: {  	v5 =	vmov s23;
	[tilespmem:s20+$0xFFFFFFE0] =	vst v6  }
0xcd: {  	v1 =	vld [tilespmem:s22+$0xFFFFFFF0];
	[tilespmem:s20+$0xFFFFFFF0] =	vst v7  }
0xce: {  	v6 =	vld [tilespmem:s22+$0x30];
	[tilespmem:s20+$0x0] =	vst v2  }
0xcf: {  	v8 =	vld [tilespmem:s22+$0x10];
	[tilespmem:s20+$0x20] =	vst v3  }
0xd0: {  	v7 =	vld [tilespmem:s22+$0xFFFFFFC0];
	[tilespmem:s20+$0xFFFFFFD0] =	vst v4;
	s20 =	smov.u32 s22  }
0xd1: {  	v2 =	vld.idx.msk [tilespmem:v5+s12+$0x0], $0xffff  }
0xd2: {  	v10 =	vld [tilespmem:s22+$0xFFFFFFE0]  }
0xd3: {  	v3 =	vld [tilespmem:s22+$0x20]  }
.Ltmp2:
0xd4: {  	v4 =	vld [tilespmem:s22+$0xFFFFFFD0];
	(pc) =	sbr.rel @p1 .LBB2_7-.Ltmp2, $3  }
0xd5: {  	v5 =	vld [tilespmem:s22+$0x0];
	_ =	sdelay $0x1  }
0xd6: {  	v7 =	vmul.f32 v7, v2;
	v9 =	vmul.f32 v6, v2  }
0xd7: {  	v8 =	vmul.f32 v8, v2;
	v6 =	vmul.f32 v10, v2  }
0xd8: {  	[tilespmem:s20+$0x30] =	vst v9  }
0xd9: {  	[tilespmem:s20+$0xFFFFFFC0] =	vst v7  }
0xda: {  	v1 =	vmul.f32 v1, v2;
	[tilespmem:s20+$0x10] =	vst v8  }
0xdb: {  	v3 =	vmul.f32 v3, v2;
	[tilespmem:s20+$0xFFFFFFE0] =	vst v6  }
0xdc: {  	v5 =	vmul.f32 v5, v2;
	[tilespmem:s20+$0xFFFFFFF0] =	vst v1  }
0xdd: {  	v1 =	vmul.f32 v4, v2;
	[tilespmem:s20+$0x20] =	vst v3  }
0xde: {  	[tilespmem:s20+$0x0] =	vst v5  }
0xdf: {  	[tilespmem:s20+$0xFFFFFFD0] =	vst v1  }
0xe0: {  	v1 =	vld [tilespmem:$0x180]  }
0xe1: {  	v2 =	vld [tilespmem:$0x190]  }
0xe2: {  	v3 =	vld [tilespmem:$0x1A0]  }
0xe3: {  	v63 =	vld [tilespmem:$0x1B0]  }
0xe4: {  	v5 =	vld [tilespmem:$0x1C0]  }
0xe5: {  	[tilespmem:$0x280] =	vst v1  }
0xe6: {  	[tilespmem:$0x290] =	vst v2  }
0xe7: {  	[tilespmem:$0x2A0] =	vst v3  }
0xe8: {  	p1 =	seq.s32 s18, $0x3D;
	[tilespmem:$0x2B0] =	vst v63  }
.Ltmp3:
0xe9: {  	[tilespmem:$0x2C0] =	vst v5;
	(pc) =	sbr.rel @p1 .LBB2_10-.Ltmp3, $4  }
0xea: {  	[spmem:s4] =	stream.indirect.scatter.add.f32 [tilespmem:s26], [sflag:$0x5], $0x80, s0, s24, $0xb8;
	[tilespmem:$0x18C80] =	vst v63  }
0xeb: {  	_ =	swait.ge [sflag:s7], $0x2800  }
0xec: {  	[sflag:s7] =	ssyncset.done $0x0  }
0xed: {  	[sflag:s7] =	ssyncadd.s32 $0xFFFFD800  }
0xee: {  	s19 =	sadd.s32 s19, s2  }
0xef: {  	s19 =	sshrl.u32 s19, $0x3  }
0xf0: {  	s20 =	sadd.s32 s1, s19  }
0xf1: {  	[tilespmem:s10], [sflag:$0x2] =	stream.linear.gather [hbm4b:s20+s5], $0x50, $0x38;
	[tilespmem:$0x18C80] =	vst v63  }
.Ltmp4:
0xf2: {  	_ = 	snop;
	(pc) =	sbr.rel .LBB2_4-.Ltmp4, $4  }
0xf3: {  	s23 =	sadd.s32 s15, s19  }
0xf4: {  	[tilespmem:s11], [sflag:$0x2] =	stream.linear.gather [hbm4b:s23+s5], $0x50, $0x38;
	[tilespmem:$0x18C80] =	vst v63  }
0xf5: {  	s18 =	sadd.s32 $0x1, s18;
	s19 =	sadd.s32 s3, s19  }
0xf6: {  	[tilespmem:s12], [sflag:$0x2] =	stream.linear.gather [hbm4b:s19+s5], $0x50, $0x38;
	[tilespmem:$0x18C80] =	vst v63  }
.LBB2_10:
0xf7: {  	_ =	swait.ge [sflag:s13], $0x50  }
0xf8: {  	[sflag:s13] =	ssyncset.done $0x0  }
0xf9: {  	[sflag:s13] =	ssyncadd.s32 $0xFFFFFFB0  }
0xfa: {  	_ =	swait.ge [sflag:s13], $0x50  }
0xfb: {  	[sflag:s13] =	ssyncset.done $0x0  }
0xfc: {  	[sflag:s13] =	ssyncadd.s32 $0xFFFFFFB0  }
0xfd: {  	_ =	swait.ge [sflag:s13], $0x50  }
0xfe: {  	[sflag:s13] =	ssyncset.done $0x0  }
0xff: {  	s17 =	simm.s32 $0x0;
	[sflag:s13] =	ssyncadd.s32 $0xFFFFFFB0  }
0x100: {  	[tilespmem:s6], [sflag:$0x3] =	stream.indirect.gather [hbm4b:s14+s24], $0x80, s17, s24, $0xb8;
	[tilespmem:$0x18C80] =	vst v63  }
0x101: {  	_ =	swait.ge [sflag:s28], $0x2800  }
0x102: {  	v1 =	vmov s17;
	[sflag:s28] =	ssyncset.done $0x0  }
0x103: {  	s17 =	simm.s32 $0x440;
	[sflag:s28] =	ssyncadd.s32 $0xFFFFD800  }
0x104: {  	v5 =	vld [tilespmem:s17+$0x30]  }
0x105: {  	v8 =	vld [tilespmem:s17+$0x10]  }
0x106: {  	v6 =	vld [tilespmem:s17+$0xFFFFFFC0]  }
0x107: {  	v2 =	vld.idx.msk [tilespmem:v1+s9+$0x0], $0xffff  }
0x108: {  	v10 =	vld [tilespmem:s17+$0xFFFFFFE0]  }
0x109: {  	v1 =	vld [tilespmem:s17+$0xFFFFFFF0]  }
0x10a: {  	v3 =	vld [tilespmem:s17+$0x20]  }
0x10b: {  	v4 =	vld [tilespmem:s17+$0xFFFFFFD0]  }
0x10c: {  	v9 =	vmul.f32 v5, v2;
	v5 =	vld [tilespmem:s17+$0x0]  }
0x10d: {  	v7 =	vmul.f32 v6, v2  }
0x10e: {  	s18 =	simm.s32 $0x1;
	s19 =	simm.s32 $0x440;
	v6 =	vmul.f32 v10, v2;
	v8 =	vmul.f32 v8, v2  }
.LBB2_11:
0x10f: {  	p1 =	sne.s32 s18, $0x4F  }
0x110: {  	v4 =	vmul.f32 v4, v2;
	v3 =	vmul.f32 v3, v2;
	[tilespmem:s17+$0x30] =	vst v9;
	s19 =	sadd.s32 $0x80, s19;
	s20 =	smov.u32 s18;
	s18 =	sadd.s32 $0x1, s18  }
0x111: {  	[tilespmem:s17+$0xFFFFFFC0] =	vst v7;
	v7 =	vmul.f32 v1, v2;
	v2 =	vmul.f32 v5, v2  }
0x112: {  	[tilespmem:s17+$0x10] =	vst v8  }
0x113: {  	v5 =	vmov s20;
	[tilespmem:s17+$0xFFFFFFE0] =	vst v6  }
0x114: {  	v1 =	vld [tilespmem:s19+$0xFFFFFFF0];
	[tilespmem:s17+$0xFFFFFFF0] =	vst v7  }
0x115: {  	v6 =	vld [tilespmem:s19+$0x30];
	[tilespmem:s17+$0x0] =	vst v2  }
0x116: {  	v8 =	vld [tilespmem:s19+$0x10];
	[tilespmem:s17+$0x20] =	vst v3  }
0x117: {  	v7 =	vld [tilespmem:s19+$0xFFFFFFC0];
	[tilespmem:s17+$0xFFFFFFD0] =	vst v4;
	s17 =	smov.u32 s19  }
0x118: {  	v2 =	vld.idx.msk [tilespmem:v5+s9+$0x0], $0xffff  }
0x119: {  	v10 =	vld [tilespmem:s19+$0xFFFFFFE0]  }
0x11a: {  	v3 =	vld [tilespmem:s19+$0x20]  }
.Ltmp5:
0x11b: {  	v4 =	vld [tilespmem:s19+$0xFFFFFFD0];
	(pc) =	sbr.rel @p1 .LBB2_11-.Ltmp5, $3  }
0x11c: {  	v5 =	vld [tilespmem:s19+$0x0];
	_ =	sdelay $0x1  }
0x11d: {  	v7 =	vmul.f32 v7, v2;
	v9 =	vmul.f32 v6, v2  }
0x11e: {  	v8 =	vmul.f32 v8, v2;
	v6 =	vmul.f32 v10, v2  }
0x11f: {  	[tilespmem:s17+$0x30] =	vst v9  }
0x120: {  	[tilespmem:s17+$0xFFFFFFC0] =	vst v7  }
0x121: {  	v1 =	vmul.f32 v1, v2;
	[tilespmem:s17+$0x10] =	vst v8  }
0x122: {  	v3 =	vmul.f32 v3, v2;
	[tilespmem:s17+$0xFFFFFFE0] =	vst v6  }
0x123: {  	v5 =	vmul.f32 v5, v2;
	[tilespmem:s17+$0xFFFFFFF0] =	vst v1  }
0x124: {  	v1 =	vmul.f32 v4, v2;
	[tilespmem:s17+$0x20] =	vst v3  }
0x125: {  	[tilespmem:s17+$0x0] =	vst v5  }
0x126: {  	[tilespmem:s17+$0xFFFFFFD0] =	vst v1  }
0x127: {  	v1 =	vld [tilespmem:$0x100]  }
0x128: {  	v2 =	vld [tilespmem:$0x110]  }
0x129: {  	v3 =	vld [tilespmem:$0x120]  }
0x12a: {  	v63 =	vld [tilespmem:$0x130]  }
0x12b: {  	v5 =	vld [tilespmem:$0x140]  }
0x12c: {  	[tilespmem:$0x200] =	vst v1  }
0x12d: {  	[tilespmem:$0x210] =	vst v2  }
0x12e: {  	[tilespmem:$0x220] =	vst v3  }
0x12f: {  	[tilespmem:$0x230] =	vst v63  }
0x130: {  	[tilespmem:$0x240] =	vst v5  }
0x131: {  	[spmem:s4] =	stream.indirect.scatter.add.f32 [tilespmem:s6], [sflag:$0x5], $0x80, s29, s24, $0xb8;
	[tilespmem:$0x18C80] =	vst v63  }
0x132: {  	_ =	swait.ge [sflag:s7], $0x2800  }
0x133: {  	[sflag:s7] =	ssyncset.done $0x0  }
0x134: {  	[sflag:s7] =	ssyncadd.s32 $0xFFFFD800  }
0x135: {  	s20 =	stileid.u32;
	[bflag:$0x0] =	sbarrier.arrive $0xFFFF  }
0x136: {  	s17 =	sshll.u32 s20, $0x6;
	s20 =	rddreg [dreg:$0xd]  }
0x137: {  	s17 =	sor.u32 $0x1C05, s17;
	s19 =	rddreg [dreg:$0x5];
	s18 =	sshrl.u32 s20, $0x3  }
0x138: {  	[hbm:s19], [sflag:s17] =	dma.local [spmem:s18], $0x500  }
0x139: {  	_ =	swait.ge [sflag:s7], $0x500  }
0x13a: {  	[sflag:s7] =	ssyncset.done $0x0;
	s22 =	rddreg [dreg:$0xe]  }
0x13b: {  	s23 =	rddreg [dreg:$0x6];
	[sflag:s7] =	ssyncadd.s32 $0xFFFFFB00;
	s21 =	sshrl.u32 s22, $0x3  }
0x13c: {  	[hbm:s23], [sflag:s17] =	dma.local [spmem:s21], $0x500  }
0x13d: {  	_ =	swait.ge [sflag:s7], $0x500  }
0x13e: {  	[sflag:s7] =	ssyncset.done $0x0;
	s21 =	rddreg [dreg:$0xf]  }
0x13f: {  	s23 =	rddreg [dreg:$0x7];
	[sflag:s7] =	ssyncadd.s32 $0xFFFFFB00;
	s18 =	sshrl.u32 s21, $0x3  }
0x140: {  	[hbm:s23], [sflag:s17] =	dma.local [spmem:s18], $0x500  }
0x141: {  	_ =	swait.ge [sflag:s7], $0x500  }
0x142: {  	[sflag:s7] =	ssyncset.done $0x0;
	s21 =	rddreg [dreg:$0x10]  }
0x143: {  	s23 =	rddreg [dreg:$0x8];
	[sflag:s7] =	ssyncadd.s32 $0xFFFFFB00;
	s19 =	sshrl.u32 s21, $0x3  }
0x144: {  	[hbm:s23], [sflag:s17] =	dma.local [spmem:s19], $0x500  }
0x145: {  	_ =	swait.ge [sflag:s7], $0x500  }
0x146: {  	[sflag:s7] =	ssyncset.done $0x0;
	s19 =	rddreg [dreg:$0x11]  }
0x147: {  	s23 =	rddreg [dreg:$0x9];
	[sflag:s7] =	ssyncadd.s32 $0xFFFFFB00;
	s18 =	sshrl.u32 s19, $0x3  }
0x148: {  	[hbm:s23], [sflag:s17] =	dma.local [spmem:s18], $0x500  }
0x149: {  	_ =	swait.ge [sflag:s7], $0x500  }
0x14a: {  	[sflag:s7] =	ssyncset.done $0x0;
	s19 =	rddreg [dreg:$0x12]  }
0x14b: {  	s23 =	rddreg [dreg:$0xa];
	[sflag:s7] =	ssyncadd.s32 $0xFFFFFB00;
	s18 =	sshrl.u32 s19, $0x3  }
0x14c: {  	[hbm:s23], [sflag:s17] =	dma.local [spmem:s18], $0x500  }
0x14d: {  	_ =	swait.ge [sflag:s7], $0x500  }
0x14e: {  	[sflag:s7] =	ssyncset.done $0x0;
	s19 =	rddreg [dreg:$0x13]  }
0x14f: {  	s23 =	rddreg [dreg:$0xb];
	[sflag:s7] =	ssyncadd.s32 $0xFFFFFB00;
	s18 =	sshrl.u32 s19, $0x3  }
0x150: {  	[hbm:s23], [sflag:s17] =	dma.local [spmem:s18], $0x500  }
0x151: {  	_ =	swait.ge [sflag:s7], $0x500  }
0x152: {  	[sflag:s7] =	ssyncset.done $0x0;
	s18 =	rddreg [dreg:$0x14]  }
0x153: {  	s19 =	rddreg [dreg:$0xc];
	[sflag:s7] =	ssyncadd.s32 $0xFFFFFB00;
	s18 =	sshrl.u32 @!p0 s18, $0x3  }
0x154: {  	[hbm:s19], [sflag:s17] =	dma.local @!p0 [spmem:s18], $0x500  }
0x155: {  	s17 =	simm.s32 @!p0 $0x5  }
0x156: {  	_ =	swait.ge @!p0 [sflag:s17], $0x500  }
0x157: {  	s16 =	sadd.s32 $0x1, s16;
	s23 =	rddreg [dreg:$0x1b]  }
0x158: {  	p1 =	sne.s32 s16, s23  }
.Ltmp6:
0x159: {  	_ = 	snop;
	(pc) =	sbr.rel @p1 .LBB2_1-.Ltmp6, $3  }
0x15a: {  	_ =	sdelay $0x1  }
0x15b: {  	[sflag:s17] =	ssyncset.done @!p0 $0x0  }
0x15c: {  	[sflag:s17] =	ssyncadd.s32 @!p0 $0xFFFFFB00  }
0x15d: {  	_ =	sfence.sel $0x180000  }
0x15e: {  	[bflag:$0x0] =	sbarrier.arrive $0xFFFF  }
0x15f: {  	_ =	strace $0x9000004A  }
0x160: {  	s0 =	stileid.u32;
	[bflag:$0x2] =	sbarrier.arrive $0xFFFF  }
0x161: {  	p0 =	sne.s32 s0, $0x0;
	s0 =	rddreg [dreg:$0x4]  }
0x162: {  	s0 =	sadd.s32 @!p0 $0x100000, s0  }
0x163: {  	[sflag:s0] =	ssyncadd.tile.s32 @!p0 $0x1;
	_ =	shalt  }
.Lfunc_end2:
_tile_overlayer_lowered:
.L_overlay_start_2:
0x164: {  	(tag) =	ssettag $0x2  }
0x165: {  	s0 =	rddreg [dreg:$0x0];
	s2 =	stileid.u32  }
0x166: {  	s1 =	rddreg [dreg:$0x1];
	p0 =	sne.s32 s2, $0x0  }
0x167: {  	s3 =	rddreg [dreg:$0x2];
	[bflag:$0x3] =	sbarrier.arrive $0xFFFF;
	s2 =	simm.s32 @!p0 $0x1C05  }
0x168: {  	[timem:s3], [sflag:s2] =	dma.local @!p0 [hbm:s0], s1  }
0x169: {  	s0 =	simm.s32 @!p0 $0x5  }
0x16a: {  	_ =	swait.ge @!p0 [sflag:s0], s1  }
0x16b: {  	s1 =	ssub.s32 @!p0 $0x0, s1;
	[sflag:s0] =	ssyncset.done @!p0 $0x0  }
0x16c: {  	[sflag:s0] =	ssyncadd.s32 @!p0 s1  }
0x16d: {  	[bflag:$0x3] =	sbarrier.arrive $0xFFFF  }
0x16e: {  	_ =	shalt  }

// kernel: kernel.14.cloned.1.call-start
scs
__scs_entry_jumppad:
0x0: {  	(pc) =	sbr.rel $0x88, $3  }
0x1: {  	(tag) =	ssettag $0x0;
	lr =	simm.s32 $0x1  }
0x2: {  	[smem:$0x3F9A] =	sst lr;
	_ =	strace $0xD0000000  }
0x3: {  	_ = 	snop  }
0x4: {  	_ = 	snop  }
0x5: {  	_ = 	snop  }
0x6: {  	_ = 	snop  }
0x7: {  	_ = 	snop  }
__scs_overlays_trampoline_lowered:
0x8: {  	[smem:$0x3FA9] =	sst s0  }
0x9: {  	[smem:$0x3FAA] =	sst s1  }
0xa: {  	[smem:$0x3FAB] =	sst s2  }
0xb: {  	[smem:$0x3FAC] =	sst s3  }
0xc: {  	[smem:$0x3FAD] =	sst s4  }
0xd: {  	[smem:$0x3FAE] =	sst s5  }
0xe: {  	[smem:$0x3FAF] =	sst s6  }
0xf: {  	[smem:$0x3FB0] =	sst s7  }
0x10: {  	[smem:$0x3FB1] =	sst s8  }
0x11: {  	[smem:$0x3FB2] =	sst s9;
	s0 =	simm.s32 @!p0 $0x0  }
0x12: {  	s1 =	sld [smem:$0x3F98];
	s0 =	simm.s32 @p0 $0x1  }
0x13: {  	[smem:$0x3FB3] =	sst s0;
	s0 =	simm.s32 @!p1 $0x0  }
0x14: {  	s2 =	sld [smem:$0x3F97];
	s0 =	simm.s32 @p1 $0x1  }
0x15: {  	[smem:$0x3FB4] =	sst s0;
	s0 =	simm.s32 @!p2 $0x0  }
0x16: {  	s3 =	sld [smem:$0x3FDB];
	s0 =	simm.s32 @p2 $0x1  }
0x17: {  	s4 =	simm.s32 $0x1BF5;
	[smem:$0x3FB6] =	sst s0  }
0x18: {  	s0 =	sld [smem:$0x3F99];
	_ =	swait.ge [sflag:s4], $0x0  }
0x19: {  	s7 =	sld [smem:$0x3F9A]  }
0x1a: {  	s8 =	sadd.s32 $0xFFFFE003, lr  }
0x1b: {  	s9 =	sadd.s32 $0xFFFFFEF7, lr;
	s5 =	simm.s32 $0xFFFFFFFF;
	p2 =	slt.u32 s8, $0xFFFFF086  }
0x1c: {  	p1 =	slt.u32 s9, $0xF7A;
	s5 =	simm.s32 @!p2 $0x0  }
0x1d: {  	s5 =	simm.s32 @p1 $0x1;
	p0 =	seq.s32 s7, s2  }
0x1e: {  	s7 =	smul.u32 @!p0 $0xF7A, s2;
	p2 =	seq.s32 @!p0 s5, $0x0  }
0x1f: {  	s9 =	smul.u32 $0xF7A, s1;
	s8 =	simm.s32 @!p0 $0x1BF5;
	p2 =	por !p2, p0  }
0x20: {  	[sflag:s8] =	ssyncset.s32 @!p0 $0xFFFFF086;
	s6 =	sadd.s32 @!p0 s3, s7;
	s7 =	simm.s32 @!p0 $0x108  }
0x21: {  	s3 =	sadd.s32 s3, s9;
	s6 =	sadd.s32 @!p0 $0x88, s6;
	s7 =	simm.s32 @p2 $0x1082  }
0x22: {  	[simem:s7], [sflag:s8] =	dma.local @!p0 [hbm:s6], $0xF7A  }
0x23: {  	s9 =	sor.u32 $0xD0000000, s2;
	s6 =	simm.s32 $0x108;
	_ =	swait.ge @!p0 [sflag:s8], $0x0  }
0x24: {  	s3 =	sadd.s32 $0x88, s3;
	s6 =	simm.s32 @!p1 $0x1082;
	[sflag:s4] =	ssyncset.s32 $0xFFFFF086  }
0x25: {  	[simem:s6], [sflag:s4] =	dma.local [hbm:s3], $0xF7A  }
0x26: {  	[smem:$0x3F9A] =	sst s1;
	(tag) =	ssettag s2;
	_ =	strace s9  }
0x27: {  	s1 =	sld [smem:$0x3FAA]  }
0x28: {  	s2 =	sld [smem:$0x3FAB]  }
0x29: {  	s4 =	sld [smem:$0x3FAD]  }
0x2a: {  	p0 =	seq.s32 s5, $0x0;
	s5 =	sld [smem:$0x3FAE]  }
0x2b: {  	s6 =	sld [smem:$0x3FAF]  }
0x2c: {  	s7 =	sld [smem:$0x3FB0]  }
0x2d: {  	s3 =	simm.s32 $0x108;
	s8 =	sld [smem:$0x3FB1]  }
0x2e: {  	s3 =	simm.s32 @!p0 $0x1082;
	s9 =	sld [smem:$0x3FB2]  }
0x2f: {  	lr =	sadd.s32 s0, s3;
	s0 =	sld [smem:$0x3FA9]  }
0x30: {  	s3 =	sld [smem:$0x3FAC]  }
0x31: {  	[smem:$0x3FB5] =	sst s10  }
0x32: {  	s10 =	sld [smem:$0x3FB3];
	_ =	sdelay $0x3  }
0x33: {  	p0 =	seq.s32 s10, $0x1;
	s10 =	sld [smem:$0x3FB5];
	_ =	sdelay $0x3  }
0x34: {  	[smem:$0x3FB5] =	sst s10  }
0x35: {  	s10 =	sld [smem:$0x3FB4];
	_ =	sdelay $0x3  }
0x36: {  	p1 =	seq.s32 s10, $0x1;
	s10 =	sld [smem:$0x3FB5];
	_ =	sdelay $0x3  }
0x37: {  	[smem:$0x3FB5] =	sst s10  }
0x38: {  	s10 =	sld [smem:$0x3FB6]  }
0x39: {  	_ = 	snop;
	(pc) =	sbr.ind lr, $3  }
0x3a: {  	_ = 	snop  }
0x3b: {  	_ = 	snop  }
0x3c: {  	p2 =	seq.s32 s10, $0x1;
	s10 =	sld [smem:$0x3FB5]  }
0x3d: {  	_ =	shalt  }
0x3e: {  	_ =	shalt  }
0x3f: {  	_ =	shalt  }
0x40: {  	_ =	shalt  }
0x41: {  	_ =	shalt  }
0x42: {  	_ =	shalt  }
0x43: {  	_ =	shalt  }
0x44: {  	_ =	shalt  }
0x45: {  	_ =	shalt  }
0x46: {  	_ =	shalt  }
0x47: {  	_ =	shalt  }
0x48: {  	_ =	shalt  }
0x49: {  	_ =	shalt  }
0x4a: {  	_ =	shalt  }
0x4b: {  	_ =	shalt  }
0x4c: {  	_ =	shalt  }
0x4d: {  	_ =	shalt  }
0x4e: {  	_ =	shalt  }
0x4f: {  	_ =	shalt  }
0x50: {  	_ =	shalt  }
0x51: {  	_ =	shalt  }
0x52: {  	_ =	shalt  }
0x53: {  	_ =	shalt  }
0x54: {  	_ =	shalt  }
0x55: {  	_ =	shalt  }
0x56: {  	_ =	shalt  }
0x57: {  	_ =	shalt  }
0x58: {  	_ =	shalt  }
0x59: {  	_ =	shalt  }
0x5a: {  	_ =	shalt  }
0x5b: {  	_ =	shalt  }
0x5c: {  	_ =	shalt  }
0x5d: {  	_ =	shalt  }
0x5e: {  	_ =	shalt  }
0x5f: {  	_ =	shalt  }
0x60: {  	_ =	shalt  }
0x61: {  	_ =	shalt  }
0x62: {  	_ =	shalt  }
0x63: {  	_ =	shalt  }
0x64: {  	_ =	shalt  }
0x65: {  	_ =	shalt  }
0x66: {  	_ =	shalt  }
0x67: {  	_ =	shalt  }
0x68: {  	_ =	shalt  }
0x69: {  	_ =	shalt  }
0x6a: {  	_ =	shalt  }
0x6b: {  	_ =	shalt  }
0x6c: {  	_ =	shalt  }
0x6d: {  	_ =	shalt  }
0x6e: {  	_ =	shalt  }
0x6f: {  	_ =	shalt  }
0x70: {  	_ =	shalt  }
0x71: {  	_ =	shalt  }
0x72: {  	_ =	shalt  }
0x73: {  	_ =	shalt  }
0x74: {  	_ =	shalt  }
0x75: {  	_ =	shalt  }
0x76: {  	_ =	shalt  }
0x77: {  	_ =	shalt  }
0x78: {  	_ =	shalt  }
0x79: {  	_ =	shalt  }
0x7a: {  	_ =	shalt  }
0x7b: {  	_ =	shalt  }
0x7c: {  	_ =	shalt  }
0x7d: {  	_ =	shalt  }
0x7e: {  	_ =	shalt  }
0x7f: {  	_ =	shalt  }
0x80: {  	_ =	shalt  }
0x81: {  	_ =	shalt  }
0x82: {  	_ =	shalt  }
0x83: {  	_ =	shalt  }
0x84: {  	_ =	shalt  }
0x85: {  	_ =	shalt  }
0x86: {  	_ =	shalt  }
0x87: {  	_ =	shalt  }
.Lfunc_end0:
.L_simem_size_0:
called_computation.2_lowered:
.L_overlay_start_0:
0x88: {  	s2 =	sld [smem:$0x3FD9]  }
0x89: {  	s3 =	sld [smem:$0x3FFE];
	_ =	sdelay $0x1  }
0x8a: {  	s1 =	srdreg.scid  }
0x8b: {  	s0 =	sand.u32 $0x1, s1  }
0x8c: {  	s17 =	sshll.u32 s0, $0xA;
	s2 =	sadd.s32 s3, s2  }
0x8d: {  	s2 =	sadd.s32 s2, s17  }
0x8e: {  	[smem:$0x3FC1] =	sst s2  }
0x8f: {  	_ = 	snop  }
0x90: {  	s2 =	sld [smem:$0x3FC7]  }
0x91: {  	s18 =	sld [smem:$0x3FD0];
	(tm) =	ssettm $0x1  }
0x92: {  	s4 =	sld [smem:$0x3FFB];
	_ =	sdelay $0x3  }
0x93: {  	_ =	strace s4  }
0x94: {  	s4 =	sld [smem:$0x3FFC];
	_ =	sdelay $0x3  }
0x95: {  	_ =	strace s4  }
0x96: {  	s4 =	sld [smem:$0x3FFD];
	_ =	sdelay $0x3  }
0x97: {  	_ =	strace s4  }
0x98: {  	_ =	strace $0x8FFFFFFF  }
0x99: {  	s19 =	sld [smem:$0x3FDB];
	_ =	sdelay $0x1  }
0x9a: {  	s5 =	simm.s32 $_scs_section_size  }
0x9b: {  	s6 =	simm.s32 $_size__tile_overlayer_lowered;
	s7 =	simm.s32 $_tile_overlayer_lowered  }
0x9c: {  	s22 =	simm.s32 $0x1BFF;
	s21 =	sshll.u32 s7, $0x1;
	s4 =	sadd.s32 s5, s19  }
0x9d: {  	s8 =	simm.s32 $0x0;
	s20 =	sshll.u32 s6, $0x1;
	s6 =	sadd.s32 s21, s4  }
0x9e: {  	[timem:s8], [sflag:s22] =	dma.local [hbm:s6], s20  }
0x9f: {  	_ =	swait.ge [sflag:s22], s20  }
0xa0: {  	s5 =	ssub.s32 $0x0, s20;
	[sflag:s22] =	ssyncset.done $0x0  }
0xa1: {  	[sflag:s22] =	ssyncadd.s32 s5;
	_ =	sdelay $0x1  }
0xa2: {  	s23 =	simm.s32 $0x1B8B  }
0xa3: {  	_ =	swait.ge [sflag:s23], $0x1  }
0xa4: {  	[sflag:s23] =	ssyncset.done $0x0  }
0xa5: {  	s25 =	simm.s32 $0x1B8E;
	s24 =	sld [smem:$0x3FFE];
	[sflag:s23] =	ssyncadd.s32 $0xFFFFFFFF  }
0xa6: {  	s26 =	simm.s32 $execute0_lowered;
	[smem:$0x3FD2] =	sst s25  }
0xa7: {  	s6 =	sshll.u32 s26, $0x1;
	_ =	strace $0x8000004C;
	[dreg:$0x1] =	wrdreg $0xFFFFFFFF  }
0xa8: {  	s28 =	simm.s32 $_size_execute0_lowered;
	s4 =	sadd.s32 s4, s6;
	[dreg:$0x0] =	wrdreg $0x0  }
0xa9: {  	s6 =	sshll.u32 s28, $0x1;
	[dreg:$0x2] =	wrdreg s4  }
0xaa: {  	[dreg:$0x3] =	wrdreg s6  }
0xab: {  	[dreg:$0x4] =	wrdreg $0xC0  }
0xac: {  	_ =	task [dreg:s8], $0x5FFFF  }
0xad: {  	[dreg:$0x1] =	wrdreg $0xFFFFFFFF  }
0xae: {  	[dreg:$0x0] =	wrdreg $0x60  }
0xaf: {  	[dreg:$0x2] =	wrdreg s24  }
0xb0: {  	[dreg:$0x3] =	wrdreg s18  }
0xb1: {  	[dreg:$0x4] =	wrdreg s2  }
0xb2: {  	[dreg:$0x5] =	wrdreg $0x54000  }
0xb3: {  	[dreg:$0x6] =	wrdreg $0x9  }
0xb4: {  	_ =	task.clear_ibuf [dreg:s8], $0x7FFFF;
	_ =	strace $0x9000004C  }
0xb5: {  	s29 =	simm.s32 $0x9;
	_ =	strace $0x8000004E  }
0xb6: {  	_ =	swait.ge [sflag:s29], $0x1  }
0xb7: {  	[sflag:s29] =	ssyncadd.s32 $0xFFFFFFFF  }
0xb8: {  	_ =	strace $0x9000004E  }
0xb9: {  	_ =	sfence  }
0xba: {  	s30 =	sld [smem:$0x0];
	_ =	sdelay $0x2  }
0xbb: {  	s31 =	sshll.u32 s1, $0xD;
	s1 =	sshrl.u32 s1, $0x2  }
0xbc: {  	s3 =	sand.u32 $0x4000, s31;
	s1 =	sadd.s32 s1, s30  }
0xbd: {  	s0 =	sor.u32 s3, s0;
	s1 =	sshll.u32 s1, $0x11  }
0xbe: {  	s0 =	sor.u32 s1, s0  }
0xbf: {  	s0 =	sadd.s32 $0x8F2B, s0  }
0xc0: {  	[sflag:s0] =	ssyncadd.remote.s32 $0x1  }
0xc1: {  	_ =	sfence.sel $0xFFFF  }
0xc2: {  	[dreg:$0x0] =	wrdreg $0xFFFFFFFF;
	(pc) =	sbr.abs _section_cstart, $3  }
0xc3: {  	[dreg:$0x1] =	wrdreg $0xFFFFFFFF  }
0xc4: {  	_ =	task.clear_ibuf [dreg:s8], $0x2FFFF;
	_ =	strace $0x9FFFFFFF  }
0xc5: {  	(tm) =	ssettm $0x7FFFFFFF  }
tec
execute0_lowered:
.L_overlay_start_1:
0x0: {  	(tag) =	ssettag $0x1  }
0x1: {  	s0 =	srdreg.scid;
	s24 =	stileid.u32  }
0x2: {  	s2 =	rddreg [dreg:$0x0];
	s6 =	sand.u32 $0x1, s0;
	s9 =	smul.u32 $0x2800, s24  }
0x3: {  	s1 =	rddreg [dreg:$0x1];
	s8 =	sor.u32 $0x10, s24;
	s7 =	smul.u32 $0x138800, s6  }
0x4: {  	s3 =	rddreg [dreg:$0x2];
	s10 =	sor.u32 $0x20, s24;
	s11 =	smul.u32 $0x2800, s8  }
0x5: {  	s4 =	rddreg [dreg:$0x3];
	s13 =	sor.u32 $0x30, s24;
	s14 =	smul.u32 $0x2800, s10  }
0x6: {  	s5 =	simm.s32 $0x0;
	s16 =	sor.u32 $0x40, s24;
	s15 =	smul.u32 $0x2800, s13  }
0x7: {  	s28 =	simm.s32 $0x3;
	s18 =	sor.u32 $0x50, s24;
	s19 =	smul.u32 $0x2800, s16  }
0x8: {  	s29 =	simm.s32 $0x200;
	s21 =	sor.u32 $0x70, s24;
	s20 =	smul.u32 $0x2800, s18  }
0x9: {  	s30 =	simm.s32 $0x4;
	[smem:$0x7FF] =	sst s5;
	s23 =	smul.u32 $0x2800, s21  }
0xa: {  	s12 =	sadd.s32 $0x81A00, s2;
	p0 =	sgt.u32 s24, $0xC;
	s8 =	smul.u32 $0xA000, s8  }
0xb: {  	s0 =	sshll.u32 s6, $0x4;
	s6 =	ssub.s32 $0x2, s6;
	s10 =	smul.u32 $0xA000, s10  }
0xc: {  	s18 =	smul.u32 $0xA000, s18;
	s0 =	sor.u32 s24, s0;
	s17 =	sshrl.u32 s6, $0x1  }
0xd: {  	_ =	strace $0x8000004D;
	s0 =	smul.u32 $0x2710, s0;
	s6 =	ssub.s32 s6, s17  }
0xe: {  	s17 =	sor.u32 $0x60, s24;
	s9 =	sadd.s32 s9, s7;
	s11 =	sadd.s32 s7, s11  }
0xf: {  	s14 =	sadd.s32 s7, s14;
	s15 =	sadd.s32 s7, s15;
	s19 =	sadd.s32 s7, s19  }
0x10: {  	s20 =	sadd.s32 s7, s20;
	s22 =	smul.u32 $0x2800, s17;
	s9 =	sshrl.u32 s9, $0x3  }
0x11: {  	s11 =	sshrl.u32 s11, $0x3;
	s14 =	sshrl.u32 s14, $0x3;
	s25 =	sshrl.u32 s15, $0x3  }
0x12: {  	s26 =	sshrl.u32 s19, $0x3;
	s20 =	sshrl.u32 s20, $0x3;
	s9 =	sadd.s32 s12, s9  }
0x13: {  	s11 =	sadd.s32 s12, s11;
	s15 =	sadd.s32 s12, s25;
	[dreg:$0x5] =	wrdreg s9  }
0x14: {  	s19 =	sadd.s32 s12, s26;
	s31 =	sadd.s32 $0xA0, s0;
	[dreg:$0x6] =	wrdreg s11  }
0x15: {  	s22 =	sadd.s32 s7, s22;
	s7 =	sadd.s32 s7, s23;
	[dreg:$0x8] =	wrdreg s15  }
0x16: {  	s23 =	smul.u32 $0xA000, s24;
	s9 =	sadd.s32 s12, s14;
	[dreg:$0x9] =	wrdreg s19  }
0x17: {  	s14 =	sadd.s32 $0x5A800, s2;
	s11 =	smul.u32 $0xA000, s13;
	s15 =	sadd.s32 $0x2800, s2  }
0x18: {  	s13 =	sshrl.u32 s8, $0x2;
	s8 =	sshrl.u32 s18, $0x2;
	s24 =	simm.s32 $0x50  }
0x19: {  	[dreg:$0x7] =	wrdreg s9;
	s25 =	sshrl.u32 s22, $0x3;
	s7 =	sshrl.u32 s7, $0x3  }
0x1a: {  	s9 =	sadd.s32 s12, s20;
	s22 =	sadd.s32 s13, s4;
	s13 =	sshrl.u32 s0, $0x3  }
0x1b: {  	[dreg:$0xa] =	wrdreg s9;
	s26 =	sadd.s32 s12, s25;
	s7 =	sadd.s32 s12, s7  }
0x1c: {  	s9 =	sshrl.u32 s23, $0x2;
	s12 =	smul.u32 $0xA000, s16;
	s16 =	sshrl.u32 s10, $0x2  }
0x1d: {  	s23 =	smul.u32 $0xA000, s17;
	s25 =	sshrl.u32 s11, $0x2;
	[dreg:$0xe] =	wrdreg s22  }
0x1e: {  	s17 =	sadd.s32 s15, s13;
	s18 =	sadd.s32 $0xA, s13;
	[dreg:$0xb] =	wrdreg s26  }
0x1f: {  	[dreg:$0xc] =	wrdreg s7;
	s20 =	sadd.s32 s9, s4;
	s19 =	sadd.s32 s16, s4  }
0x20: {  	s26 =	smul.u32 $0xA000, s21;
	s21 =	sadd.s32 s25, s4;
	[dreg:$0x16] =	wrdreg s17  }
0x21: {  	s16 =	sadd.s32 s1, s13;
	s25 =	sadd.s32 s3, s18;
	[dreg:$0xf] =	wrdreg s19  }
0x22: {  	s7 =	simm.s32 $0x5;
	s9 =	simm.s32 $0x300;
	[dreg:$0x15] =	wrdreg s16  }
0x23: {  	s2 =	sshrl.u32 s12, $0x2;
	s10 =	sshrl.u32 s23, $0x2;
	[dreg:$0x1a] =	wrdreg s25  }
0x24: {  	s19 =	sadd.s32 s1, s18;
	s23 =	sadd.s32 s15, s18;
	[dreg:$0xd] =	wrdreg s20  }
0x25: {  	s25 =	simm.s32 $0x2;
	s16 =	simm.s32 $0x0;
	[dreg:$0x10] =	wrdreg s21  }
0x26: {  	s2 =	sadd.s32 s2, s4;
	s11 =	sshrl.u32 s26, $0x2;
	[dreg:$0x18] =	wrdreg s19  }
0x27: {  	[dreg:$0x19] =	wrdreg s23;
	s26 =	smax.u32 s6, $0x1;
	s6 =	simm.s32 $0x400  }
0x28: {  	[dreg:$0x11] =	wrdreg s2;
	s2 =	sadd.s32 s8, s4;
	s12 =	sadd.s32 s11, s4  }
0x29: {  	[dreg:$0x1b] =	wrdreg s26;
	s8 =	simm.s32 $0x100;
	s11 =	simm.s32 $0x180  }
0x2a: {  	s26 =	simm.s32 $0x2C00;
	[dreg:$0x12] =	wrdreg s2;
	s2 =	sadd.s32 s10, s4  }
0x2b: {  	[dreg:$0x14] =	wrdreg s12;
	s10 =	simm.s32 $0x80;
	s12 =	simm.s32 $0x380  }
0x2c: {  	[dreg:$0x13] =	wrdreg s2;
	s2 =	sadd.s32 s3, s13;
	s13 =	simm.s32 $0x1  }
0x2d: {  	v0 =	vimm.f32 $0.0e+00;
	[dreg:$0x17] =	wrdreg s2;
	s2 =	sadd.s32 $0xF0, s0;
	s0 =	simm.s32 $0x280  }
.LBB2_1:
0x2e: {  	s17 =	simm.s32 $0x0;
	s18 =	simm.s32 $0x200  }
.LBB2_2:
0x2f: {  	p1 =	sne.s32 s18, $0x9E00;
	[tilespmem:s17+$0x470] =	vst v0  }
0x30: {  	[tilespmem:s17+$0x400] =	vst v0  }
0x31: {  	[tilespmem:s17+$0x410] =	vst v0  }
.Ltmp0:
0x32: {  	[tilespmem:s17+$0x420] =	vst v0;
	(pc) =	sbr.rel @p1 .LBB2_2-.Ltmp0, $4  }
0x33: {  	[tilespmem:s17+$0x430] =	vst v0  }
0x34: {  	[tilespmem:s17+$0x440] =	vst v0  }
0x35: {  	[tilespmem:s17+$0x450] =	vst v0  }
0x36: {  	[tilespmem:s17+$0x460] =	vst v0;
	s17 =	sshra.s32 s18, $0x2;
	s18 =	sadd.s32 $0x200, s18  }
0x37: {  	[tilespmem:s17+$0x470] =	vst v0  }
0x38: {  	[tilespmem:s17+$0x400] =	vst v0  }
0x39: {  	[tilespmem:s17+$0x410] =	vst v0  }
0x3a: {  	[tilespmem:s17+$0x420] =	vst v0  }
0x3b: {  	[tilespmem:s17+$0x430] =	vst v0  }
0x3c: {  	[tilespmem:s17+$0x440] =	vst v0  }
0x3d: {  	[tilespmem:s17+$0x450] =	vst v0  }
0x3e: {  	[tilespmem:s17+$0x460] =	vst v0  }
0x3f: {  	[spmem:s20] =	stream.linear.scatter [tilespmem:s6], [sflag:$0x5], $0x2800, $0x38;
	[tilespmem:$0x18C80] =	vst v63  }
0x40: {  	_ =	swait.ge [sflag:s7], $0x2800  }
0x41: {  	[sflag:s7] =	ssyncset.done $0x0  }
0x42: {  	[sflag:s7] =	ssyncadd.s32 $0xFFFFD800  }
0x43: {  	[spmem:s22] =	stream.linear.scatter [tilespmem:s6], [sflag:$0x5], $0x2800, $0x38;
	[tilespmem:$0x18C80] =	vst v63  }
0x44: {  	_ =	swait.ge [sflag:s7], $0x2800  }
0x45: {  	[sflag:s7] =	ssyncset.done $0x0  }
0x46: {  	s19 =	rddreg [dreg:$0xf];
	[sflag:s7] =	ssyncadd.s32 $0xFFFFD800  }
0x47: {  	[spmem:s19] =	stream.linear.scatter [tilespmem:s6], [sflag:$0x5], $0x2800, $0x38;
	[tilespmem:$0x18C80] =	vst v63  }
0x48: {  	_ =	swait.ge [sflag:s7], $0x2800  }
0x49: {  	[sflag:s7] =	ssyncset.done $0x0  }
0x4a: {  	[sflag:s7] =	ssyncadd.s32 $0xFFFFD800  }
0x4b: {  	[spmem:s21] =	stream.linear.scatter [tilespmem:s6], [sflag:$0x5], $0x2800, $0x38;
	[tilespmem:$0x18C80] =	vst v63  }
0x4c: {  	_ =	swait.ge [sflag:s7], $0x2800  }
0x4d: {  	[sflag:s7] =	ssyncset.done $0x0  }
0x4e: {  	s20 =	rddreg [dreg:$0x11];
	[sflag:s7] =	ssyncadd.s32 $0xFFFFD800  }
0x4f: {  	[spmem:s20] =	stream.linear.scatter [tilespmem:s6], [sflag:$0x5], $0x2800, $0x38;
	[tilespmem:$0x18C80] =	vst v63  }
0x50: {  	_ =	swait.ge [sflag:s7], $0x2800  }
0x51: {  	[sflag:s7] =	ssyncset.done $0x0  }
0x52: {  	s21 =	rddreg [dreg:$0x12];
	[sflag:s7] =	ssyncadd.s32 $0xFFFFD800  }
0x53: {  	[spmem:s21] =	stream.linear.scatter [tilespmem:s6], [sflag:$0x5], $0x2800, $0x38;
	[tilespmem:$0x18C80] =	vst v63  }
0x54: {  	_ =	swait.ge [sflag:s7], $0x2800  }
0x55: {  	[sflag:s7] =	ssyncset.done $0x0  }
0x56: {  	s22 =	rddreg [dreg:$0x13];
	[sflag:s7] =	ssyncadd.s32 $0xFFFFD800  }
0x57: {  	[spmem:s22] =	stream.linear.scatter [tilespmem:s6], [sflag:$0x5], $0x2800, $0x38;
	[tilespmem:$0x18C80] =	vst v63  }
0x58: {  	_ =	swait.ge [sflag:s7], $0x2800  }
0x59: {  	[sflag:s7] =	ssyncset.done $0x0  }
0x5a: {  	s17 =	simm.s32 @!p0 $0x400;
	s18 =	rddreg [dreg:$0x14];
	[sflag:s7] =	ssyncadd.s32 $0xFFFFD800  }
0x5b: {  	[spmem:s18] =	stream.linear.scatter @!p0 [tilespmem:s17], [sflag:$0x5], $0x2800, $0x38;
	[tilespmem:$0x18C80] =	vst v63  }
0x5c: {  	s17 =	simm.s32 @!p0 $0x5  }
0x5d: {  	_ =	swait.ge @!p0 [sflag:s17], $0x2800  }
0x5e: {  	[sflag:s17] =	ssyncset.done @!p0 $0x0  }
0x5f: {  	[sflag:s17] =	ssyncadd.s32 @!p0 $0xFFFFD800  }
0x60: {  	[bflag:$0x0] =	sbarrier.arrive $0xFFFF  }
0x61: {  	s17 =	simm.s32 $0x0;
	s23 =	rddreg [dreg:$0x15]  }
0x62: {  	[tilespmem:s17], [sflag:$0x1] =	stream.linear.gather [hbm4b:s23+s17], $0x50, $0x38;
	[tilespmem:$0x18C80] =	vst v63  }
0x63: {  	s19 =	rddreg [dreg:$0x16]  }
0x64: {  	[tilespmem:s8], [sflag:$0x1] =	stream.linear.gather [hbm4b:s19+s17], $0x50, $0x38;
	[tilespmem:$0x18C80] =	vst v63  }
0x65: {  	s20 =	rddreg [dreg:$0x17]  }
0x66: {  	[tilespmem:s9], [sflag:$0x1] =	stream.linear.gather [hbm4b:s20+s17], $0x50, $0x38;
	[tilespmem:$0x18C80] =	vst v63  }
0x67: {  	s21 =	rddreg [dreg:$0x18]  }
0x68: {  	[tilespmem:s10], [sflag:$0x2] =	stream.linear.gather [hbm4b:s21+s17], $0x50, $0x38;
	[tilespmem:$0x18C80] =	vst v63  }
0x69: {  	s22 =	rddreg [dreg:$0x19]  }
0x6a: {  	[tilespmem:s11], [sflag:$0x2] =	stream.linear.gather [hbm4b:s22+s17], $0x50, $0x38;
	[tilespmem:$0x18C80] =	vst v63  }
0x6b: {  	s18 =	simm.s32 $0x0;
	s23 =	rddreg [dreg:$0x1a]  }
0x6c: {  	[tilespmem:s12], [sflag:$0x2] =	stream.linear.gather [hbm4b:s23+s17], $0x50, $0x38;
	[tilespmem:$0x18C80] =	vst v63  }
.LBB2_4:
0x6d: {  	_ =	swait.ge [sflag:s13], $0x50  }
0x6e: {  	[sflag:s13] =	ssyncset.done $0x0  }
0x6f: {  	[sflag:s13] =	ssyncadd.s32 $0xFFFFFFB0  }
0x70: {  	_ =	swait.ge [sflag:s13], $0x50  }
0x71: {  	[sflag:s13] =	ssyncset.done $0x0  }
0x72: {  	[sflag:s13] =	ssyncadd.s32 $0xFFFFFFB0  }
0x73: {  	_ =	swait.ge [sflag:s13], $0x50  }
0x74: {  	[sflag:s13] =	ssyncset.done $0x0  }
0x75: {  	[sflag:s13] =	ssyncadd.s32 $0xFFFFFFB0  }
0x76: {  	[tilespmem:s6], [sflag:$0x3] =	stream.indirect.gather [hbm4b:s14+s24], $0x80, s17, s24, $0xb8;
	[tilespmem:$0x18C80] =	vst v63  }
0x77: {  	_ =	swait.ge [sflag:s25], $0x50  }
0x78: {  	[sflag:s25] =	ssyncset.done $0x0  }
0x79: {  	[sflag:s25] =	ssyncadd.s32 $0xFFFFFFB0  }
0x7a: {  	_ =	swait.ge [sflag:s25], $0x50  }
0x7b: {  	[sflag:s25] =	ssyncset.done $0x0  }
0x7c: {  	[sflag:s25] =	ssyncadd.s32 $0xFFFFFFB0  }
0x7d: {  	_ =	swait.ge [sflag:s25], $0x50  }
0x7e: {  	[sflag:s25] =	ssyncset.done $0x0  }
0x7f: {  	[sflag:s25] =	ssyncadd.s32 $0xFFFFFFB0  }
0x80: {  	[tilespmem:s26], [sflag:$0x4] =	stream.indirect.gather [hbm4b:s14+s24], $0x80, s10, s24, $0xb8;
	[tilespmem:$0x18C80] =	vst v63  }
0x81: {  	_ =	swait.ge [sflag:s28], $0x2800  }
0x82: {  	v1 =	vmov s17;
	[sflag:s28] =	ssyncset.done $0x0  }
0x83: {  	s19 =	simm.s32 $0x440;
	[sflag:s28] =	ssyncadd.s32 $0xFFFFD800  }
0x84: {  	v5 =	vld [tilespmem:s19+$0x30]  }
0x85: {  	v8 =	vld [tilespmem:s19+$0x10]  }
0x86: {  	v6 =	vld [tilespmem:s19+$0xFFFFFFC0]  }
0x87: {  	v2 =	vld.idx.msk [tilespmem:v1+s9+$0x0], $0xffff  }
0x88: {  	v10 =	vld [tilespmem:s19+$0xFFFFFFE0]  }
0x89: {  	v1 =	vld [tilespmem:s19+$0xFFFFFFF0]  }
0x8a: {  	v3 =	vld [tilespmem:s19+$0x20]  }
0x8b: {  	v4 =	vld [tilespmem:s19+$0xFFFFFFD0]  }
0x8c: {  	v9 =	vmul.f32 v5, v2;
	v5 =	vld [tilespmem:s19+$0x0]  }
0x8d: {  	v7 =	vmul.f32 v6, v2  }
0x8e: {  	s20 =	simm.s32 $0x1;
	s21 =	simm.s32 $0x440;
	v6 =	vmul.f32 v10, v2;
	v8 =	vmul.f32 v8, v2  }
.LBB2_5:
0x8f: {  	p1 =	sne.s32 s20, $0x4F  }
0x90: {  	v4 =	vmul.f32 v4, v2;
	v3 =	vmul.f32 v3, v2;
	[tilespmem:s19+$0x30] =	vst v9;
	s21 =	sadd.s32 $0x80, s21;
	s22 =	smov.u32 s20;
	s20 =	sadd.s32 $0x1, s20  }
0x91: {  	[tilespmem:s19+$0xFFFFFFC0] =	vst v7;
	v7 =	vmul.f32 v1, v2;
	v2 =	vmul.f32 v5, v2  }
0x92: {  	[tilespmem:s19+$0x10] =	vst v8  }
0x93: {  	v5 =	vmov s22;
	[tilespmem:s19+$0xFFFFFFE0] =	vst v6  }
0x94: {  	v1 =	vld [tilespmem:s21+$0xFFFFFFF0];
	[tilespmem:s19+$0xFFFFFFF0] =	vst v7  }
0x95: {  	v6 =	vld [tilespmem:s21+$0x30];
	[tilespmem:s19+$0x0] =	vst v2  }
0x96: {  	v8 =	vld [tilespmem:s21+$0x10];
	[tilespmem:s19+$0x20] =	vst v3  }
0x97: {  	v7 =	vld [tilespmem:s21+$0xFFFFFFC0];
	[tilespmem:s19+$0xFFFFFFD0] =	vst v4;
	s19 =	smov.u32 s21  }
0x98: {  	v2 =	vld.idx.msk [tilespmem:v5+s9+$0x0], $0xffff  }
0x99: {  	v10 =	vld [tilespmem:s21+$0xFFFFFFE0]  }
0x9a: {  	v3 =	vld [tilespmem:s21+$0x20]  }
.Ltmp1:
0x9b: {  	v4 =	vld [tilespmem:s21+$0xFFFFFFD0];
	(pc) =	sbr.rel @p1 .LBB2_5-.Ltmp1, $3  }
0x9c: {  	v5 =	vld [tilespmem:s21+$0x0];
	_ =	sdelay $0x1  }
0x9d: {  	v7 =	vmul.f32 v7, v2;
	v9 =	vmul.f32 v6, v2  }
0x9e: {  	v8 =	vmul.f32 v8, v2;
	v6 =	vmul.f32 v10, v2  }
0x9f: {  	[tilespmem:s19+$0x30] =	vst v9  }
0xa0: {  	[tilespmem:s19+$0xFFFFFFC0] =	vst v7  }
0xa1: {  	v1 =	vmul.f32 v1, v2;
	[tilespmem:s19+$0x10] =	vst v8  }
0xa2: {  	v3 =	vmul.f32 v3, v2;
	[tilespmem:s19+$0xFFFFFFE0] =	vst v6  }
0xa3: {  	v5 =	vmul.f32 v5, v2;
	[tilespmem:s19+$0xFFFFFFF0] =	vst v1  }
0xa4: {  	v1 =	vmul.f32 v4, v2;
	[tilespmem:s19+$0x20] =	vst v3  }
0xa5: {  	[tilespmem:s19+$0x0] =	vst v5  }
0xa6: {  	[tilespmem:s19+$0xFFFFFFD0] =	vst v1  }
0xa7: {  	v1 =	vld [tilespmem:$0x100]  }
0xa8: {  	v2 =	vld [tilespmem:$0x110]  }
0xa9: {  	v3 =	vld [tilespmem:$0x120]  }
0xaa: {  	v4 =	vld [tilespmem:$0x130]  }
0xab: {  	v5 =	vld [tilespmem:$0x140]  }
0xac: {  	[tilespmem:$0x200] =	vst v1  }
0xad: {  	[tilespmem:$0x210] =	vst v2  }
0xae: {  	[tilespmem:$0x220] =	vst v3  }
0xaf: {  	[tilespmem:$0x230] =	vst v4  }
0xb0: {  	s19 =	smul.u32 $0xA0, s18;
	[tilespmem:$0x240] =	vst v5  }
0xb1: {  	[spmem:s4] =	stream.indirect.scatter.add.f32 [tilespmem:s6], [sflag:$0x5], $0x80, s29, s24, $0xb8;
	[tilespmem:$0x18C80] =	vst v63  }
0xb2: {  	s20 =	sadd.s32 s19, s31;
	_ =	swait.ge [sflag:s7], $0x2800  }
0xb3: {  	s20 =	sshrl.u32 s20, $0x3;
	[sflag:s7] =	ssyncset.done $0x0  }
0xb4: {  	s22 =	simm.s32 $0x0;
	s21 =	sadd.s32 s1, s20;
	[sflag:s7] =	ssyncadd.s32 $0xFFFFD800  }
0xb5: {  	[tilespmem:s22], [sflag:$0x1] =	stream.linear.gather [hbm4b:s21+s22], $0x50, $0x38;
	[tilespmem:$0x18C80] =	vst v63  }
0xb6: {  	s23 =	sadd.s32 s15, s20  }
0xb7: {  	[tilespmem:s8], [sflag:$0x1] =	stream.linear.gather [hbm4b:s23+s22], $0x50, $0x38;
	[tilespmem:$0x18C80] =	vst v63  }
0xb8: {  	s20 =	sadd.s32 s3, s20  }
0xb9: {  	[tilespmem:s9], [sflag:$0x1] =	stream.linear.gather [hbm4b:s20+s22], $0x50, $0x38;
	[tilespmem:$0x18C80] =	vst v63  }
0xba: {  	_ =	swait.ge [sflag:s30], $0x2800  }
0xbb: {  	v1 =	vmov s22;
	[sflag:s30] =	ssyncset.done $0x0  }
0xbc: {  	s20 =	simm.s32 $0x2C40;
	[sflag:s30] =	ssyncadd.s32 $0xFFFFD800  }
0xbd: {  	v5 =	vld [tilespmem:s20+$0x30]  }
0xbe: {  	v8 =	vld [tilespmem:s20+$0x10]  }
0xbf: {  	v6 =	vld [tilespmem:s20+$0xFFFFFFC0]  }
0xc0: {  	v2 =	vld.idx.msk [tilespmem:v1+s12+$0x0], $0xffff  }
0xc1: {  	v10 =	vld [tilespmem:s20+$0xFFFFFFE0]  }
0xc2: {  	v1 =	vld [tilespmem:s20+$0xFFFFFFF0]  }
0xc3: {  	v3 =	vld [tilespmem:s20+$0x20]  }
0xc4: {  	v4 =	vld [tilespmem:s20+$0xFFFFFFD0]  }
0xc5: {  	v9 =	vmul.f32 v5, v2;
	v5 =	vld [tilespmem:s20+$0x0]  }
0xc6: {  	v7 =	vmul.f32 v6, v2  }
0xc7: {  	s21 =	simm.s32 $0x1;
	s22 =	simm.s32 $0x2C40;
	v6 =	vmul.f32 v10, v2;
	v8 =	vmul.f32 v8, v2  }
.LBB2_7:
0xc8: {  	p1 =	sne.s32 s21, $0x4F  }
0xc9: {  	v4 =	vmul.f32 v4, v2;
	v3 =	vmul.f32 v3, v2;
	[tilespmem:s20+$0x30] =	vst v9;
	s22 =	sadd.s32 $0x80, s22;
	s23 =	smov.u32 s21;
	s21 =	sadd.s32 $0x1, s21  }
0xca: {  	[tilespmem:s20+$0xFFFFFFC0] =	vst v7;
	v7 =	vmul.f32 v1, v2;
	v2 =	vmul.f32 v5, v2  }
0xcb: {  	[tilespmem:s20+$0x10] =	vst v8  }
0xcc: {  	v5 =	vmov s23;
	[tilespmem:s20+$0xFFFFFFE0] =	vst v6  }
0xcd: {  	v1 =	vld [tilespmem:s22+$0xFFFFFFF0];
	[tilespmem:s20+$0xFFFFFFF0] =	vst v7  }
0xce: {  	v6 =	vld [tilespmem:s22+$0x30];
	[tilespmem:s20+$0x0] =	vst v2  }
0xcf: {  	v8 =	vld [tilespmem:s22+$0x10];
	[tilespmem:s20+$0x20] =	vst v3  }
0xd0: {  	v7 =	vld [tilespmem:s22+$0xFFFFFFC0];
	[tilespmem:s20+$0xFFFFFFD0] =	vst v4;
	s20 =	smov.u32 s22  }
0xd1: {  	v2 =	vld.idx.msk [tilespmem:v5+s12+$0x0], $0xffff  }
0xd2: {  	v10 =	vld [tilespmem:s22+$0xFFFFFFE0]  }
0xd3: {  	v3 =	vld [tilespmem:s22+$0x20]  }
.Ltmp2:
0xd4: {  	v4 =	vld [tilespmem:s22+$0xFFFFFFD0];
	(pc) =	sbr.rel @p1 .LBB2_7-.Ltmp2, $3  }
0xd5: {  	v5 =	vld [tilespmem:s22+$0x0];
	_ =	sdelay $0x1  }
0xd6: {  	v7 =	vmul.f32 v7, v2;
	v9 =	vmul.f32 v6, v2  }
0xd7: {  	v8 =	vmul.f32 v8, v2;
	v6 =	vmul.f32 v10, v2  }
0xd8: {  	[tilespmem:s20+$0x30] =	vst v9  }
0xd9: {  	[tilespmem:s20+$0xFFFFFFC0] =	vst v7  }
0xda: {  	v1 =	vmul.f32 v1, v2;
	[tilespmem:s20+$0x10] =	vst v8  }
0xdb: {  	v3 =	vmul.f32 v3, v2;
	[tilespmem:s20+$0xFFFFFFE0] =	vst v6  }
0xdc: {  	v5 =	vmul.f32 v5, v2;
	[tilespmem:s20+$0xFFFFFFF0] =	vst v1  }
0xdd: {  	v1 =	vmul.f32 v4, v2;
	[tilespmem:s20+$0x20] =	vst v3  }
0xde: {  	[tilespmem:s20+$0x0] =	vst v5  }
0xdf: {  	[tilespmem:s20+$0xFFFFFFD0] =	vst v1  }
0xe0: {  	v1 =	vld [tilespmem:$0x180]  }
0xe1: {  	v2 =	vld [tilespmem:$0x190]  }
0xe2: {  	v3 =	vld [tilespmem:$0x1A0]  }
0xe3: {  	v63 =	vld [tilespmem:$0x1B0]  }
0xe4: {  	v5 =	vld [tilespmem:$0x1C0]  }
0xe5: {  	[tilespmem:$0x280] =	vst v1  }
0xe6: {  	[tilespmem:$0x290] =	vst v2  }
0xe7: {  	[tilespmem:$0x2A0] =	vst v3  }
0xe8: {  	p1 =	seq.s32 s18, $0x3D;
	[tilespmem:$0x2B0] =	vst v63  }
.Ltmp3:
0xe9: {  	[tilespmem:$0x2C0] =	vst v5;
	(pc) =	sbr.rel @p1 .LBB2_10-.Ltmp3, $4  }
0xea: {  	[spmem:s4] =	stream.indirect.scatter.add.f32 [tilespmem:s26], [sflag:$0x5], $0x80, s0, s24, $0xb8;
	[tilespmem:$0x18C80] =	vst v63  }
0xeb: {  	_ =	swait.ge [sflag:s7], $0x2800  }
0xec: {  	[sflag:s7] =	ssyncset.done $0x0  }
0xed: {  	[sflag:s7] =	ssyncadd.s32 $0xFFFFD800  }
0xee: {  	s19 =	sadd.s32 s19, s2  }
0xef: {  	s19 =	sshrl.u32 s19, $0x3  }
0xf0: {  	s20 =	sadd.s32 s1, s19  }
0xf1: {  	[tilespmem:s10], [sflag:$0x2] =	stream.linear.gather [hbm4b:s20+s5], $0x50, $0x38;
	[tilespmem:$0x18C80] =	vst v63  }
.Ltmp4:
0xf2: {  	_ = 	snop;
	(pc) =	sbr.rel .LBB2_4-.Ltmp4, $4  }
0xf3: {  	s23 =	sadd.s32 s15, s19  }
0xf4: {  	[tilespmem:s11], [sflag:$0x2] =	stream.linear.gather [hbm4b:s23+s5], $0x50, $0x38;
	[tilespmem:$0x18C80] =	vst v63  }
0xf5: {  	s18 =	sadd.s32 $0x1, s18;
	s19 =	sadd.s32 s3, s19  }
0xf6: {  	[tilespmem:s12], [sflag:$0x2] =	stream.linear.gather [hbm4b:s19+s5], $0x50, $0x38;
	[tilespmem:$0x18C80] =	vst v63  }
.LBB2_10:
0xf7: {  	_ =	swait.ge [sflag:s13], $0x50  }
0xf8: {  	[sflag:s13] =	ssyncset.done $0x0  }
0xf9: {  	[sflag:s13] =	ssyncadd.s32 $0xFFFFFFB0  }
0xfa: {  	_ =	swait.ge [sflag:s13], $0x50  }
0xfb: {  	[sflag:s13] =	ssyncset.done $0x0  }
0xfc: {  	[sflag:s13] =	ssyncadd.s32 $0xFFFFFFB0  }
0xfd: {  	_ =	swait.ge [sflag:s13], $0x50  }
0xfe: {  	[sflag:s13] =	ssyncset.done $0x0  }
0xff: {  	s17 =	simm.s32 $0x0;
	[sflag:s13] =	ssyncadd.s32 $0xFFFFFFB0  }
0x100: {  	[tilespmem:s6], [sflag:$0x3] =	stream.indirect.gather [hbm4b:s14+s24], $0x80, s17, s24, $0xb8;
	[tilespmem:$0x18C80] =	vst v63  }
0x101: {  	_ =	swait.ge [sflag:s28], $0x2800  }
0x102: {  	v1 =	vmov s17;
	[sflag:s28] =	ssyncset.done $0x0  }
0x103: {  	s17 =	simm.s32 $0x440;
	[sflag:s28] =	ssyncadd.s32 $0xFFFFD800  }
0x104: {  	v5 =	vld [tilespmem:s17+$0x30]  }
0x105: {  	v8 =	vld [tilespmem:s17+$0x10]  }
0x106: {  	v6 =	vld [tilespmem:s17+$0xFFFFFFC0]  }
0x107: {  	v2 =	vld.idx.msk [tilespmem:v1+s9+$0x0], $0xffff  }
0x108: {  	v10 =	vld [tilespmem:s17+$0xFFFFFFE0]  }
0x109: {  	v1 =	vld [tilespmem:s17+$0xFFFFFFF0]  }
0x10a: {  	v3 =	vld [tilespmem:s17+$0x20]  }
0x10b: {  	v4 =	vld [tilespmem:s17+$0xFFFFFFD0]  }
0x10c: {  	v9 =	vmul.f32 v5, v2;
	v5 =	vld [tilespmem:s17+$0x0]  }
0x10d: {  	v7 =	vmul.f32 v6, v2  }
0x10e: {  	s18 =	simm.s32 $0x1;
	s19 =	simm.s32 $0x440;
	v6 =	vmul.f32 v10, v2;
	v8 =	vmul.f32 v8, v2  }
.LBB2_11:
0x10f: {  	p1 =	sne.s32 s18, $0x4F  }
0x110: {  	v4 =	vmul.f32 v4, v2;
	v3 =	vmul.f32 v3, v2;
	[tilespmem:s17+$0x30] =	vst v9;
	s19 =	sadd.s32 $0x80, s19;
	s20 =	smov.u32 s18;
	s18 =	sadd.s32 $0x1, s18  }
0x111: {  	[tilespmem:s17+$0xFFFFFFC0] =	vst v7;
	v7 =	vmul.f32 v1, v2;
	v2 =	vmul.f32 v5, v2  }
0x112: {  	[tilespmem:s17+$0x10] =	vst v8  }
0x113: {  	v5 =	vmov s20;
	[tilespmem:s17+$0xFFFFFFE0] =	vst v6  }
0x114: {  	v1 =	vld [tilespmem:s19+$0xFFFFFFF0];
	[tilespmem:s17+$0xFFFFFFF0] =	vst v7  }
0x115: {  	v6 =	vld [tilespmem:s19+$0x30];
	[tilespmem:s17+$0x0] =	vst v2  }
0x116: {  	v8 =	vld [tilespmem:s19+$0x10];
	[tilespmem:s17+$0x20] =	vst v3  }
0x117: {  	v7 =	vld [tilespmem:s19+$0xFFFFFFC0];
	[tilespmem:s17+$0xFFFFFFD0] =	vst v4;
	s17 =	smov.u32 s19  }
0x118: {  	v2 =	vld.idx.msk [tilespmem:v5+s9+$0x0], $0xffff  }
0x119: {  	v10 =	vld [tilespmem:s19+$0xFFFFFFE0]  }
0x11a: {  	v3 =	vld [tilespmem:s19+$0x20]  }
.Ltmp5:
0x11b: {  	v4 =	vld [tilespmem:s19+$0xFFFFFFD0];
	(pc) =	sbr.rel @p1 .LBB2_11-.Ltmp5, $3  }
0x11c: {  	v5 =	vld [tilespmem:s19+$0x0];
	_ =	sdelay $0x1  }
0x11d: {  	v7 =	vmul.f32 v7, v2;
	v9 =	vmul.f32 v6, v2  }
0x11e: {  	v8 =	vmul.f32 v8, v2;
	v6 =	vmul.f32 v10, v2  }
0x11f: {  	[tilespmem:s17+$0x30] =	vst v9  }
0x120: {  	[tilespmem:s17+$0xFFFFFFC0] =	vst v7  }
0x121: {  	v1 =	vmul.f32 v1, v2;
	[tilespmem:s17+$0x10] =	vst v8  }
0x122: {  	v3 =	vmul.f32 v3, v2;
	[tilespmem:s17+$0xFFFFFFE0] =	vst v6  }
0x123: {  	v5 =	vmul.f32 v5, v2;
	[tilespmem:s17+$0xFFFFFFF0] =	vst v1  }
0x124: {  	v1 =	vmul.f32 v4, v2;
	[tilespmem:s17+$0x20] =	vst v3  }
0x125: {  	[tilespmem:s17+$0x0] =	vst v5  }
0x126: {  	[tilespmem:s17+$0xFFFFFFD0] =	vst v1  }
0x127: {  	v1 =	vld [tilespmem:$0x100]  }
0x128: {  	v2 =	vld [tilespmem:$0x110]  }
0x129: {  	v3 =	vld [tilespmem:$0x120]  }
0x12a: {  	v63 =	vld [tilespmem:$0x130]  }
0x12b: {  	v5 =	vld [tilespmem:$0x140]  }
0x12c: {  	[tilespmem:$0x200] =	vst v1  }
0x12d: {  	[tilespmem:$0x210] =	vst v2  }
0x12e: {  	[tilespmem:$0x220] =	vst v3  }
0x12f: {  	[tilespmem:$0x230] =	vst v63  }
0x130: {  	[tilespmem:$0x240] =	vst v5  }
0x131: {  	[spmem:s4] =	stream.indirect.scatter.add.f32 [tilespmem:s6], [sflag:$0x5], $0x80, s29, s24, $0xb8;
	[tilespmem:$0x18C80] =	vst v63  }
0x132: {  	_ =	swait.ge [sflag:s7], $0x2800  }
0x133: {  	[sflag:s7] =	ssyncset.done $0x0  }
0x134: {  	[sflag:s7] =	ssyncadd.s32 $0xFFFFD800  }
0x135: {  	s20 =	stileid.u32;
	[bflag:$0x0] =	sbarrier.arrive $0xFFFF  }
0x136: {  	s17 =	sshll.u32 s20, $0x6;
	s20 =	rddreg [dreg:$0xd]  }
0x137: {  	s17 =	sor.u32 $0x1C05, s17;
	s19 =	rddreg [dreg:$0x5];
	s18 =	sshrl.u32 s20, $0x3  }
0x138: {  	[hbm:s19], [sflag:s17] =	dma.local [spmem:s18], $0x500  }
0x139: {  	_ =	swait.ge [sflag:s7], $0x500  }
0x13a: {  	[sflag:s7] =	ssyncset.done $0x0;
	s22 =	rddreg [dreg:$0xe]  }
0x13b: {  	s23 =	rddreg [dreg:$0x6];
	[sflag:s7] =	ssyncadd.s32 $0xFFFFFB00;
	s21 =	sshrl.u32 s22, $0x3  }
0x13c: {  	[hbm:s23], [sflag:s17] =	dma.local [spmem:s21], $0x500  }
0x13d: {  	_ =	swait.ge [sflag:s7], $0x500  }
0x13e: {  	[sflag:s7] =	ssyncset.done $0x0;
	s21 =	rddreg [dreg:$0xf]  }
0x13f: {  	s23 =	rddreg [dreg:$0x7];
	[sflag:s7] =	ssyncadd.s32 $0xFFFFFB00;
	s18 =	sshrl.u32 s21, $0x3  }
0x140: {  	[hbm:s23], [sflag:s17] =	dma.local [spmem:s18], $0x500  }
0x141: {  	_ =	swait.ge [sflag:s7], $0x500  }
0x142: {  	[sflag:s7] =	ssyncset.done $0x0;
	s21 =	rddreg [dreg:$0x10]  }
0x143: {  	s23 =	rddreg [dreg:$0x8];
	[sflag:s7] =	ssyncadd.s32 $0xFFFFFB00;
	s19 =	sshrl.u32 s21, $0x3  }
0x144: {  	[hbm:s23], [sflag:s17] =	dma.local [spmem:s19], $0x500  }
0x145: {  	_ =	swait.ge [sflag:s7], $0x500  }
0x146: {  	[sflag:s7] =	ssyncset.done $0x0;
	s19 =	rddreg [dreg:$0x11]  }
0x147: {  	s23 =	rddreg [dreg:$0x9];
	[sflag:s7] =	ssyncadd.s32 $0xFFFFFB00;
	s18 =	sshrl.u32 s19, $0x3  }
0x148: {  	[hbm:s23], [sflag:s17] =	dma.local [spmem:s18], $0x500  }
0x149: {  	_ =	swait.ge [sflag:s7], $0x500  }
0x14a: {  	[sflag:s7] =	ssyncset.done $0x0;
	s19 =	rddreg [dreg:$0x12]  }
0x14b: {  	s23 =	rddreg [dreg:$0xa];
	[sflag:s7] =	ssyncadd.s32 $0xFFFFFB00;
	s18 =	sshrl.u32 s19, $0x3  }
0x14c: {  	[hbm:s23], [sflag:s17] =	dma.local [spmem:s18], $0x500  }
0x14d: {  	_ =	swait.ge [sflag:s7], $0x500  }
0x14e: {  	[sflag:s7] =	ssyncset.done $0x0;
	s19 =	rddreg [dreg:$0x13]  }
0x14f: {  	s23 =	rddreg [dreg:$0xb];
	[sflag:s7] =	ssyncadd.s32 $0xFFFFFB00;
	s18 =	sshrl.u32 s19, $0x3  }
0x150: {  	[hbm:s23], [sflag:s17] =	dma.local [spmem:s18], $0x500  }
0x151: {  	_ =	swait.ge [sflag:s7], $0x500  }
0x152: {  	[sflag:s7] =	ssyncset.done $0x0;
	s18 =	rddreg [dreg:$0x14]  }
0x153: {  	s19 =	rddreg [dreg:$0xc];
	[sflag:s7] =	ssyncadd.s32 $0xFFFFFB00;
	s18 =	sshrl.u32 @!p0 s18, $0x3  }
0x154: {  	[hbm:s19], [sflag:s17] =	dma.local @!p0 [spmem:s18], $0x500  }
0x155: {  	s17 =	simm.s32 @!p0 $0x5  }
0x156: {  	_ =	swait.ge @!p0 [sflag:s17], $0x500  }
0x157: {  	s16 =	sadd.s32 $0x1, s16;
	s23 =	rddreg [dreg:$0x1b]  }
0x158: {  	p1 =	sne.s32 s16, s23  }
.Ltmp6:
0x159: {  	_ = 	snop;
	(pc) =	sbr.rel @p1 .LBB2_1-.Ltmp6, $3  }
0x15a: {  	_ =	sdelay $0x1  }
0x15b: {  	[sflag:s17] =	ssyncset.done @!p0 $0x0  }
0x15c: {  	[sflag:s17] =	ssyncadd.s32 @!p0 $0xFFFFFB00  }
0x15d: {  	_ =	sfence.sel $0x180000  }
0x15e: {  	[bflag:$0x0] =	sbarrier.arrive $0xFFFF  }
0x15f: {  	_ =	strace $0x9000004D  }
0x160: {  	s0 =	stileid.u32;
	[bflag:$0x2] =	sbarrier.arrive $0xFFFF  }
0x161: {  	p0 =	sne.s32 s0, $0x0;
	s0 =	rddreg [dreg:$0x4]  }
0x162: {  	s0 =	sadd.s32 @!p0 $0x100000, s0  }
0x163: {  	[sflag:s0] =	ssyncadd.tile.s32 @!p0 $0x1;
	_ =	shalt  }
.Lfunc_end2:
_tile_overlayer_lowered:
.L_overlay_start_2:
0x164: {  	(tag) =	ssettag $0x2  }
0x165: {  	s0 =	rddreg [dreg:$0x0];
	s2 =	stileid.u32  }
0x166: {  	s1 =	rddreg [dreg:$0x1];
	p0 =	sne.s32 s2, $0x0  }
0x167: {  	s3 =	rddreg [dreg:$0x2];
	[bflag:$0x3] =	sbarrier.arrive $0xFFFF;
	s2 =	simm.s32 @!p0 $0x1C05  }
0x168: {  	[timem:s3], [sflag:s2] =	dma.local @!p0 [hbm:s0], s1  }
0x169: {  	s0 =	simm.s32 @!p0 $0x5  }
0x16a: {  	_ =	swait.ge @!p0 [sflag:s0], s1  }
0x16b: {  	s1 =	ssub.s32 @!p0 $0x0, s1;
	[sflag:s0] =	ssyncset.done @!p0 $0x0  }
0x16c: {  	[sflag:s0] =	ssyncadd.s32 @!p0 s1  }
0x16d: {  	[bflag:$0x3] =	sbarrier.arrive $0xFFFF  }
0x16e: {  	_ =	shalt  }

// kernel: kernel.8.cloned.1.call-start
scs
__scs_entry_jumppad:
0x0: {  	(pc) =	sbr.rel $0x88, $3  }
0x1: {  	(tag) =	ssettag $0x0;
	lr =	simm.s32 $0x1  }
0x2: {  	[smem:$0x3F9A] =	sst lr;
	_ =	strace $0xD0000000  }
0x3: {  	_ = 	snop  }
0x4: {  	_ = 	snop  }
0x5: {  	_ = 	snop  }
0x6: {  	_ = 	snop  }
0x7: {  	_ = 	snop  }
__scs_overlays_trampoline_lowered:
0x8: {  	[smem:$0x3FA9] =	sst s0  }
0x9: {  	[smem:$0x3FAA] =	sst s1  }
0xa: {  	[smem:$0x3FAB] =	sst s2  }
0xb: {  	[smem:$0x3FAC] =	sst s3  }
0xc: {  	[smem:$0x3FAD] =	sst s4  }
0xd: {  	[smem:$0x3FAE] =	sst s5  }
0xe: {  	[smem:$0x3FAF] =	sst s6  }
0xf: {  	[smem:$0x3FB0] =	sst s7  }
0x10: {  	[smem:$0x3FB1] =	sst s8  }
0x11: {  	[smem:$0x3FB2] =	sst s9;
	s0 =	simm.s32 @!p0 $0x0  }
0x12: {  	s1 =	sld [smem:$0x3F98];
	s0 =	simm.s32 @p0 $0x1  }
0x13: {  	[smem:$0x3FB3] =	sst s0;
	s0 =	simm.s32 @!p1 $0x0  }
0x14: {  	s2 =	sld [smem:$0x3F97];
	s0 =	simm.s32 @p1 $0x1  }
0x15: {  	[smem:$0x3FB4] =	sst s0;
	s0 =	simm.s32 @!p2 $0x0  }
0x16: {  	s3 =	sld [smem:$0x3FDB];
	s0 =	simm.s32 @p2 $0x1  }
0x17: {  	s4 =	simm.s32 $0x1BF5;
	[smem:$0x3FB6] =	sst s0  }
0x18: {  	s0 =	sld [smem:$0x3F99];
	_ =	swait.ge [sflag:s4], $0x0  }
0x19: {  	s7 =	sld [smem:$0x3F9A]  }
0x1a: {  	s8 =	sadd.s32 $0xFFFFE003, lr  }
0x1b: {  	s9 =	sadd.s32 $0xFFFFFEF7, lr;
	s5 =	simm.s32 $0xFFFFFFFF;
	p2 =	slt.u32 s8, $0xFFFFF086  }
0x1c: {  	p1 =	slt.u32 s9, $0xF7A;
	s5 =	simm.s32 @!p2 $0x0  }
0x1d: {  	s5 =	simm.s32 @p1 $0x1;
	p0 =	seq.s32 s7, s2  }
0x1e: {  	s7 =	smul.u32 @!p0 $0xF7A, s2;
	p2 =	seq.s32 @!p0 s5, $0x0  }
0x1f: {  	s9 =	smul.u32 $0xF7A, s1;
	s8 =	simm.s32 @!p0 $0x1BF5;
	p2 =	por !p2, p0  }
0x20: {  	[sflag:s8] =	ssyncset.s32 @!p0 $0xFFFFF086;
	s6 =	sadd.s32 @!p0 s3, s7;
	s7 =	simm.s32 @!p0 $0x108  }
0x21: {  	s3 =	sadd.s32 s3, s9;
	s6 =	sadd.s32 @!p0 $0x88, s6;
	s7 =	simm.s32 @p2 $0x1082  }
0x22: {  	[simem:s7], [sflag:s8] =	dma.local @!p0 [hbm:s6], $0xF7A  }
0x23: {  	s9 =	sor.u32 $0xD0000000, s2;
	s6 =	simm.s32 $0x108;
	_ =	swait.ge @!p0 [sflag:s8], $0x0  }
0x24: {  	s3 =	sadd.s32 $0x88, s3;
	s6 =	simm.s32 @!p1 $0x1082;
	[sflag:s4] =	ssyncset.s32 $0xFFFFF086  }
0x25: {  	[simem:s6], [sflag:s4] =	dma.local [hbm:s3], $0xF7A  }
0x26: {  	[smem:$0x3F9A] =	sst s1;
	(tag) =	ssettag s2;
	_ =	strace s9  }
0x27: {  	s1 =	sld [smem:$0x3FAA]  }
0x28: {  	s2 =	sld [smem:$0x3FAB]  }
0x29: {  	s4 =	sld [smem:$0x3FAD]  }
0x2a: {  	p0 =	seq.s32 s5, $0x0;
	s5 =	sld [smem:$0x3FAE]  }
0x2b: {  	s6 =	sld [smem:$0x3FAF]  }
0x2c: {  	s7 =	sld [smem:$0x3FB0]  }
0x2d: {  	s3 =	simm.s32 $0x108;
	s8 =	sld [smem:$0x3FB1]  }
0x2e: {  	s3 =	simm.s32 @!p0 $0x1082;
	s9 =	sld [smem:$0x3FB2]  }
0x2f: {  	lr =	sadd.s32 s0, s3;
	s0 =	sld [smem:$0x3FA9]  }
0x30: {  	s3 =	sld [smem:$0x3FAC]  }
0x31: {  	[smem:$0x3FB5] =	sst s10  }
0x32: {  	s10 =	sld [smem:$0x3FB3];
	_ =	sdelay $0x3  }
0x33: {  	p0 =	seq.s32 s10, $0x1;
	s10 =	sld [smem:$0x3FB5];
	_ =	sdelay $0x3  }
0x34: {  	[smem:$0x3FB5] =	sst s10  }
0x35: {  	s10 =	sld [smem:$0x3FB4];
	_ =	sdelay $0x3  }
0x36: {  	p1 =	seq.s32 s10, $0x1;
	s10 =	sld [smem:$0x3FB5];
	_ =	sdelay $0x3  }
0x37: {  	[smem:$0x3FB5] =	sst s10  }
0x38: {  	s10 =	sld [smem:$0x3FB6]  }
0x39: {  	_ = 	snop;
	(pc) =	sbr.ind lr, $3  }
0x3a: {  	_ = 	snop  }
0x3b: {  	_ = 	snop  }
0x3c: {  	p2 =	seq.s32 s10, $0x1;
	s10 =	sld [smem:$0x3FB5]  }
0x3d: {  	_ =	shalt  }
0x3e: {  	_ =	shalt  }
0x3f: {  	_ =	shalt  }
0x40: {  	_ =	shalt  }
0x41: {  	_ =	shalt  }
0x42: {  	_ =	shalt  }
0x43: {  	_ =	shalt  }
0x44: {  	_ =	shalt  }
0x45: {  	_ =	shalt  }
0x46: {  	_ =	shalt  }
0x47: {  	_ =	shalt  }
0x48: {  	_ =	shalt  }
0x49: {  	_ =	shalt  }
0x4a: {  	_ =	shalt  }
0x4b: {  	_ =	shalt  }
0x4c: {  	_ =	shalt  }
0x4d: {  	_ =	shalt  }
0x4e: {  	_ =	shalt  }
0x4f: {  	_ =	shalt  }
0x50: {  	_ =	shalt  }
0x51: {  	_ =	shalt  }
0x52: {  	_ =	shalt  }
0x53: {  	_ =	shalt  }
0x54: {  	_ =	shalt  }
0x55: {  	_ =	shalt  }
0x56: {  	_ =	shalt  }
0x57: {  	_ =	shalt  }
0x58: {  	_ =	shalt  }
0x59: {  	_ =	shalt  }
0x5a: {  	_ =	shalt  }
0x5b: {  	_ =	shalt  }
0x5c: {  	_ =	shalt  }
0x5d: {  	_ =	shalt  }
0x5e: {  	_ =	shalt  }
0x5f: {  	_ =	shalt  }
0x60: {  	_ =	shalt  }
0x61: {  	_ =	shalt  }
0x62: {  	_ =	shalt  }
0x63: {  	_ =	shalt  }
0x64: {  	_ =	shalt  }
0x65: {  	_ =	shalt  }
0x66: {  	_ =	shalt  }
0x67: {  	_ =	shalt  }
0x68: {  	_ =	shalt  }
0x69: {  	_ =	shalt  }
0x6a: {  	_ =	shalt  }
0x6b: {  	_ =	shalt  }
0x6c: {  	_ =	shalt  }
0x6d: {  	_ =	shalt  }
0x6e: {  	_ =	shalt  }
0x6f: {  	_ =	shalt  }
0x70: {  	_ =	shalt  }
0x71: {  	_ =	shalt  }
0x72: {  	_ =	shalt  }
0x73: {  	_ =	shalt  }
0x74: {  	_ =	shalt  }
0x75: {  	_ =	shalt  }
0x76: {  	_ =	shalt  }
0x77: {  	_ =	shalt  }
0x78: {  	_ =	shalt  }
0x79: {  	_ =	shalt  }
0x7a: {  	_ =	shalt  }
0x7b: {  	_ =	shalt  }
0x7c: {  	_ =	shalt  }
0x7d: {  	_ =	shalt  }
0x7e: {  	_ =	shalt  }
0x7f: {  	_ =	shalt  }
0x80: {  	_ =	shalt  }
0x81: {  	_ =	shalt  }
0x82: {  	_ =	shalt  }
0x83: {  	_ =	shalt  }
0x84: {  	_ =	shalt  }
0x85: {  	_ =	shalt  }
0x86: {  	_ =	shalt  }
0x87: {  	_ =	shalt  }
.Lfunc_end0:
.L_simem_size_0:
called_computation_lowered:
.L_overlay_start_0:
0x88: {  	s2 =	sld [smem:$0x3FD9]  }
0x89: {  	s3 =	sld [smem:$0x3FFE];
	_ =	sdelay $0x1  }
0x8a: {  	s1 =	srdreg.scid  }
0x8b: {  	s0 =	sand.u32 $0x1, s1  }
0x8c: {  	s17 =	sshll.u32 s0, $0xA;
	s2 =	sadd.s32 s3, s2  }
0x8d: {  	s2 =	sadd.s32 s2, s17  }
0x8e: {  	[smem:$0x3FC1] =	sst s2  }
0x8f: {  	_ = 	snop  }
0x90: {  	s2 =	sld [smem:$0x3FC7];
	(tm) =	ssettm $0x1  }
0x91: {  	s18 =	sld [smem:$0x3FFB];
	_ =	sdelay $0x3  }
0x92: {  	_ =	strace s18  }
0x93: {  	s3 =	sld [smem:$0x3FFC];
	_ =	sdelay $0x3  }
0x94: {  	_ =	strace s3  }
0x95: {  	s3 =	sld [smem:$0x3FFD];
	_ =	sdelay $0x3  }
0x96: {  	_ =	strace s3  }
0x97: {  	_ =	strace $0x8FFFFFFF  }
0x98: {  	s19 =	sld [smem:$0x3FDB];
	_ =	sdelay $0x1  }
0x99: {  	s4 =	simm.s32 $_scs_section_size  }
0x9a: {  	s5 =	simm.s32 $_size__tile_overlayer_lowered;
	s6 =	simm.s32 $_tile_overlayer_lowered  }
0x9b: {  	s22 =	simm.s32 $0x1BFF;
	s21 =	sshll.u32 s6, $0x1;
	s3 =	sadd.s32 s4, s19  }
0x9c: {  	s7 =	simm.s32 $0x0;
	s20 =	sshll.u32 s5, $0x1;
	s5 =	sadd.s32 s21, s3  }
0x9d: {  	[timem:s7], [sflag:s22] =	dma.local [hbm:s5], s20  }
0x9e: {  	_ =	swait.ge [sflag:s22], s20  }
0x9f: {  	s4 =	ssub.s32 $0x0, s20;
	[sflag:s22] =	ssyncset.done $0x0  }
0xa0: {  	[sflag:s22] =	ssyncadd.s32 s4;
	_ =	sdelay $0x1  }
0xa1: {  	s23 =	simm.s32 $0x1B8B  }
0xa2: {  	_ =	swait.ge [sflag:s23], $0x1  }
0xa3: {  	[sflag:s23] =	ssyncset.done $0x0  }
0xa4: {  	s25 =	simm.s32 $0x1B8E;
	s24 =	sld [smem:$0x3FFE];
	[sflag:s23] =	ssyncadd.s32 $0xFFFFFFFF  }
0xa5: {  	s26 =	simm.s32 $execute0_lowered;
	[smem:$0x3FD2] =	sst s25  }
0xa6: {  	s5 =	sshll.u32 s26, $0x1;
	_ =	strace $0x80000046;
	[dreg:$0x1] =	wrdreg $0xFFFFFFFF  }
0xa7: {  	s28 =	simm.s32 $_size_execute0_lowered;
	s3 =	sadd.s32 s3, s5;
	[dreg:$0x0] =	wrdreg $0x0  }
0xa8: {  	s5 =	sshll.u32 s28, $0x1;
	[dreg:$0x2] =	wrdreg s3  }
0xa9: {  	[dreg:$0x3] =	wrdreg s5  }
0xaa: {  	[dreg:$0x4] =	wrdreg $0xC0  }
0xab: {  	_ =	task [dreg:s7], $0x5FFFF  }
0xac: {  	[dreg:$0x1] =	wrdreg $0xFFFFFFFF  }
0xad: {  	[dreg:$0x0] =	wrdreg $0x60  }
0xae: {  	[dreg:$0x2] =	wrdreg s24  }
0xaf: {  	[dreg:$0x3] =	wrdreg s2  }
0xb0: {  	[dreg:$0x4] =	wrdreg $0x53000  }
0xb1: {  	[dreg:$0x5] =	wrdreg $0x9  }
0xb2: {  	_ =	task.clear_ibuf [dreg:s7], $0x6FFFF;
	_ =	strace $0x90000046  }
0xb3: {  	s29 =	simm.s32 $0x9;
	_ =	strace $0x80000048  }
0xb4: {  	_ =	swait.ge [sflag:s29], $0x1  }
0xb5: {  	[sflag:s29] =	ssyncadd.s32 $0xFFFFFFFF  }
0xb6: {  	_ =	strace $0x90000048  }
0xb7: {  	_ =	sfence  }
0xb8: {  	s30 =	sld [smem:$0x0];
	_ =	sdelay $0x2  }
0xb9: {  	s31 =	sshll.u32 s1, $0xD;
	s1 =	sshrl.u32 s1, $0x2  }
0xba: {  	s3 =	sand.u32 $0x4000, s31;
	s1 =	sadd.s32 s1, s30  }
0xbb: {  	s0 =	sor.u32 s3, s0;
	s1 =	sshll.u32 s1, $0x11  }
0xbc: {  	s0 =	sor.u32 s1, s0  }
0xbd: {  	s0 =	sadd.s32 $0x8F2B, s0  }
0xbe: {  	[sflag:s0] =	ssyncadd.remote.s32 $0x1  }
0xbf: {  	_ =	sfence.sel $0xFFFF  }
0xc0: {  	[dreg:$0x0] =	wrdreg $0xFFFFFFFF;
	(pc) =	sbr.abs _section_cstart, $3  }
0xc1: {  	[dreg:$0x1] =	wrdreg $0xFFFFFFFF  }
0xc2: {  	_ =	task.clear_ibuf [dreg:s7], $0x2FFFF;
	_ =	strace $0x9FFFFFFF  }
0xc3: {  	(tm) =	ssettm $0x7FFFFFFF  }
tec
execute0_lowered:
.L_overlay_start_1:
0x0: {  	(tag) =	ssettag $0x1  }
0x1: {  	s29 =	stileid.u32  }
0x2: {  	s0 =	srdreg.scid;
	s6 =	smul.u32 $0xA000, s29  }
0x3: {  	s1 =	rddreg [dreg:$0x0];
	s10 =	sor.u32 $0x10, s29;
	s24 =	smul.u32 $0x2800, s29  }
0x4: {  	s2 =	rddreg [dreg:$0x1];
	s11 =	sor.u32 $0x20, s29;
	s7 =	smul.u32 $0xA000, s10  }
0x5: {  	s3 =	rddreg [dreg:$0x2];
	s12 =	sor.u32 $0x30, s29;
	s9 =	smul.u32 $0xA000, s11  }
0x6: {  	s4 =	simm.s32 $0x0;
	s14 =	sor.u32 $0x40, s29;
	s13 =	smul.u32 $0xA000, s12  }
0x7: {  	s30 =	simm.s32 $0x300;
	s17 =	sor.u32 $0x50, s29;
	s16 =	smul.u32 $0xA000, s14  }
0x8: {  	s31 =	simm.s32 $0x3;
	s21 =	sor.u32 $0x70, s29;
	s19 =	smul.u32 $0xA000, s17  }
0x9: {  	s8 =	sand.u32 $0x1, s0;
	[smem:$0x7FF] =	sst s4;
	s22 =	smul.u32 $0xA000, s21  }
0xa: {  	s5 =	sadd.s32 $0x2800, s1;
	s1 =	sadd.s32 $0xC600, s1;
	s23 =	smul.u32 $0x138800, s8  }
0xb: {  	s20 =	sor.u32 $0x60, s29;
	p0 =	sgt.u32 s29, $0xC;
	s14 =	smul.u32 $0x2800, s14  }
0xc: {  	s0 =	sshll.u32 s8, $0x4;
	_ =	strace $0x80000047;
	s17 =	smul.u32 $0x2800, s17  }
0xd: {  	s15 =	ssub.s32 $0x2, s8;
	s21 =	smul.u32 $0x2800, s21;
	s0 =	sor.u32 s29, s0  }
0xe: {  	s18 =	sshrl.u32 s15, $0x1;
	s6 =	sshrl.u32 s6, $0x2;
	s0 =	smul.u32 $0x2710, s0  }
0xf: {  	s15 =	ssub.s32 s15, s18;
	s18 =	smul.u32 $0xA000, s20;
	s7 =	sshrl.u32 s7, $0x2  }
0x10: {  	s6 =	sadd.s32 s6, s3;
	s9 =	sshrl.u32 s9, $0x2;
	s25 =	sshrl.u32 s13, $0x2  }
0x11: {  	s26 =	sshrl.u32 s16, $0x2;
	s16 =	smul.u32 $0x2800, s11;
	s22 =	sshrl.u32 s22, $0x2  }
0x12: {  	s20 =	smul.u32 $0x2800, s20;
	s14 =	sadd.s32 s23, s14;
	s17 =	sadd.s32 s23, s17  }
0x13: {  	s21 =	sadd.s32 s23, s21;
	[dreg:$0x4] =	wrdreg s6;
	s7 =	sadd.s32 s7, s3  }
0x14: {  	s8 =	sadd.s32 s9, s3;
	s9 =	sadd.s32 s25, s3;
	s25 =	smul.u32 $0x2800, s10  }
0x15: {  	s6 =	sshrl.u32 s19, $0x2;
	s10 =	sadd.s32 s26, s3;
	s19 =	smul.u32 $0x2800, s12  }
0x16: {  	s13 =	sadd.s32 s22, s3;
	s26 =	sadd.s32 s24, s23;
	s14 =	sshrl.u32 s14, $0x3  }
0x17: {  	s11 =	sadd.s32 s6, s3;
	s18 =	sshrl.u32 s18, $0x2;
	s16 =	sadd.s32 s23, s16  }
0x18: {  	s20 =	sadd.s32 s23, s20;
	s14 =	sadd.s32 s1, s14;
	s28 =	sadd.s32 $0xF0, s0  }
0x19: {  	s12 =	sadd.s32 s18, s3;
	s6 =	sadd.s32 s23, s25;
	s18 =	sshrl.u32 s26, $0x3  }
0x1a: {  	s19 =	sadd.s32 s23, s19;
	s23 =	sshrl.u32 s0, $0x3;
	s16 =	sshrl.u32 s16, $0x3  }
0x1b: {  	[dreg:$0x9] =	wrdreg s14;
	s14 =	simm.s32 $0x280;
	s22 =	sshrl.u32 s6, $0x3  }
0x1c: {  	s18 =	sadd.s32 s1, s18;
	s24 =	sshrl.u32 s19, $0x3;
	s25 =	sadd.s32 s1, s16  }
0x1d: {  	s16 =	sshrl.u32 s17, $0x3;
	s17 =	sshrl.u32 s20, $0x3;
	[dreg:$0x5] =	wrdreg s18  }
0x1e: {  	s22 =	sadd.s32 s1, s22;
	[dreg:$0x7] =	wrdreg s25;
	s26 =	sadd.s32 s1, s24  }
0x1f: {  	s18 =	sshrl.u32 s21, $0x3;
	s19 =	sadd.s32 s1, s16;
	[dreg:$0x6] =	wrdreg s22  }
0x20: {  	s20 =	sadd.s32 s1, s17;
	s21 =	sadd.s32 s5, s23;
	[dreg:$0x8] =	wrdreg s26  }
0x21: {  	s25 =	smax.u32 s15, $0x1;
	s15 =	simm.s32 $0x1;
	[dreg:$0xa] =	wrdreg s19  }
0x22: {  	s16 =	simm.s32 $0x50;
	s17 =	simm.s32 $0x100;
	[dreg:$0xb] =	wrdreg s20  }
0x23: {  	s1 =	sadd.s32 s1, s18;
	[dreg:$0xd] =	wrdreg s21;
	s22 =	sadd.s32 s2, s23  }
0x24: {  	s23 =	sadd.s32 $0xA, s23;
	s26 =	sadd.s32 $0xA0, s0;
	[dreg:$0x11] =	wrdreg s25  }
0x25: {  	s0 =	simm.s32 $0x80;
	s18 =	simm.s32 $0x2;
	[dreg:$0xc] =	wrdreg s1  }
0x26: {  	s19 =	simm.s32 $0x180;
	[dreg:$0xe] =	wrdreg s22;
	s24 =	sadd.s32 s5, s23  }
0x27: {  	s20 =	simm.s32 $0x2B00;
	s1 =	sadd.s32 s2, s23;
	[dreg:$0xf] =	wrdreg s24  }
0x28: {  	v0 =	vimm.f32 $0.0e+00;
	s21 =	simm.s32 $0x0;
	[dreg:$0x10] =	wrdreg s1;
	s1 =	simm.s32 $0x200  }
.LBB2_1:
0x29: {  	s22 =	simm.s32 $0x200;
	s23 =	simm.s32 $0x0  }
.LBB2_2:
0x2a: {  	p1 =	sne.s32 s22, $0x9E00;
	[tilespmem:s23+$0x300] =	vst v0;
	s23 =	smov.u32 s22;
	s22 =	sadd.s32 $0x200, s22  }
.Ltmp0:
0x2b: {  	(pc) =	sbr.rel @p1 .LBB2_2-.Ltmp0, $2  }
0x2c: {  	_ =	sdelay $0x2  }
0x2d: {  	s23 =	sshra.s32 s23, $0x2  }
0x2e: {  	[tilespmem:s23+$0x300] =	vst v0;
	s6 =	rddreg [dreg:$0x4]  }
0x2f: {  	[spmem:s6] =	stream.linear.scatter [tilespmem:s30], [sflag:$0x3], $0x2800, $0x38;
	[tilespmem:$0x7A10] =	vst v63  }
0x30: {  	_ =	swait.ge [sflag:s31], $0x2800  }
0x31: {  	[sflag:s31] =	ssyncset.done $0x0  }
0x32: {  	[sflag:s31] =	ssyncadd.s32 $0xFFFFD800  }
0x33: {  	[spmem:s7] =	stream.linear.scatter [tilespmem:s30], [sflag:$0x3], $0x2800, $0x38;
	[tilespmem:$0x7A10] =	vst v63  }
0x34: {  	_ =	swait.ge [sflag:s31], $0x2800  }
0x35: {  	[sflag:s31] =	ssyncset.done $0x0  }
0x36: {  	[sflag:s31] =	ssyncadd.s32 $0xFFFFD800  }
0x37: {  	[spmem:s8] =	stream.linear.scatter [tilespmem:s30], [sflag:$0x3], $0x2800, $0x38;
	[tilespmem:$0x7A10] =	vst v63  }
0x38: {  	_ =	swait.ge [sflag:s31], $0x2800  }
0x39: {  	[sflag:s31] =	ssyncset.done $0x0  }
0x3a: {  	[sflag:s31] =	ssyncadd.s32 $0xFFFFD800  }
0x3b: {  	[spmem:s9] =	stream.linear.scatter [tilespmem:s30], [sflag:$0x3], $0x2800, $0x38;
	[tilespmem:$0x7A10] =	vst v63  }
0x3c: {  	_ =	swait.ge [sflag:s31], $0x2800  }
0x3d: {  	[sflag:s31] =	ssyncset.done $0x0  }
0x3e: {  	[sflag:s31] =	ssyncadd.s32 $0xFFFFD800  }
0x3f: {  	[spmem:s10] =	stream.linear.scatter [tilespmem:s30], [sflag:$0x3], $0x2800, $0x38;
	[tilespmem:$0x7A10] =	vst v63  }
0x40: {  	_ =	swait.ge [sflag:s31], $0x2800  }
0x41: {  	[sflag:s31] =	ssyncset.done $0x0  }
0x42: {  	[sflag:s31] =	ssyncadd.s32 $0xFFFFD800  }
0x43: {  	[spmem:s11] =	stream.linear.scatter [tilespmem:s30], [sflag:$0x3], $0x2800, $0x38;
	[tilespmem:$0x7A10] =	vst v63  }
0x44: {  	_ =	swait.ge [sflag:s31], $0x2800  }
0x45: {  	[sflag:s31] =	ssyncset.done $0x0  }
0x46: {  	[sflag:s31] =	ssyncadd.s32 $0xFFFFD800  }
0x47: {  	[spmem:s12] =	stream.linear.scatter [tilespmem:s30], [sflag:$0x3], $0x2800, $0x38;
	[tilespmem:$0x7A10] =	vst v63  }
0x48: {  	_ =	swait.ge [sflag:s31], $0x2800  }
0x49: {  	[sflag:s31] =	ssyncset.done $0x0  }
0x4a: {  	s22 =	simm.s32 @!p0 $0x300;
	[sflag:s31] =	ssyncadd.s32 $0xFFFFD800  }
0x4b: {  	[spmem:s13] =	stream.linear.scatter @!p0 [tilespmem:s22], [sflag:$0x3], $0x2800, $0x38;
	[tilespmem:$0x7A10] =	vst v63  }
0x4c: {  	s22 =	simm.s32 @!p0 $0x3  }
0x4d: {  	_ =	swait.ge @!p0 [sflag:s22], $0x2800  }
0x4e: {  	[sflag:s22] =	ssyncset.done @!p0 $0x0  }
0x4f: {  	[sflag:s22] =	ssyncadd.s32 @!p0 $0xFFFFD800  }
0x50: {  	[bflag:$0x0] =	sbarrier.arrive $0xFFFF  }
0x51: {  	s22 =	simm.s32 $0x0;
	s23 =	rddreg [dreg:$0xd]  }
0x52: {  	[tilespmem:s22], [sflag:$0x1] =	stream.linear.gather [hbm4b:s23+s22], $0x50, $0x38;
	[tilespmem:$0x7A10] =	vst v63  }
0x53: {  	s24 =	rddreg [dreg:$0xe]  }
0x54: {  	[tilespmem:s1], [sflag:$0x1] =	stream.linear.gather [hbm4b:s24+s22], $0x50, $0x38;
	[tilespmem:$0x7A10] =	vst v63  }
0x55: {  	s25 =	rddreg [dreg:$0xf]  }
0x56: {  	[tilespmem:s0], [sflag:$0x2] =	stream.linear.gather [hbm4b:s25+s22], $0x50, $0x38;
	[tilespmem:$0x7A10] =	vst v63  }
0x57: {  	s29 =	rddreg [dreg:$0x10];
	s23 =	simm.s32 $0x0  }
0x58: {  	[tilespmem:s14], [sflag:$0x2] =	stream.linear.gather [hbm4b:s29+s22], $0x50, $0x38;
	[tilespmem:$0x7A10] =	vst v63  }
.LBB2_4:
0x59: {  	_ =	swait.ge [sflag:s15], $0x50  }
0x5a: {  	v1 =	vmov s22;
	[sflag:s15] =	ssyncset.done $0x0  }
0x5b: {  	[sflag:s15] =	ssyncadd.s32 $0xFFFFFFB0  }
0x5c: {  	_ =	swait.ge [sflag:s15], $0x50  }
0x5d: {  	[sflag:s15] =	ssyncset.done $0x0  }
0x5e: {  	[sflag:s15] =	ssyncadd.s32 $0xFFFFFFB0  }
0x5f: {  	s24 =	simm.s32 $0x1;
	v1 =	vld.idx.msk [tilespmem:v1+s1+$0x0], $0xffff  }
0x60: {  	v2 =	vmov s24;
	_ =	sdelay $0x2  }
0x61: {  	s24 =	simm.s32 $0x300  }
0x62: {  	[tilespmem:s24+$0x0] =	vst v1  }
0x63: {  	s25 =	simm.s32 $0x2;
	v1 =	vld.idx.msk [tilespmem:v2+s1+$0x0], $0xffff  }
0x64: {  	v2 =	vmov s25;
	s25 =	simm.s32 $0x3  }
.LBB2_5:
0x65: {  	p1 =	sne.s32 s25, $0x4F;
	_ =	sdelay $0x1  }
.Ltmp1:
0x66: {  	s24 =	sadd.s32 $0x80, s24;
	(pc) =	sbr.rel @p1 .LBB2_5-.Ltmp1, $3  }
0x67: {  	[tilespmem:s24+$0x0] =	vst v1  }
0x68: {  	v1 =	vld.idx.msk [tilespmem:v2+s1+$0x0], $0xffff;
	_ =	sdelay $0x1  }
0x69: {  	v2 =	vmov s25;
	s25 =	sadd.s32 $0x1, s25  }
0x6a: {  	_ =	sdelay $0x1  }
0x6b: {  	s24 =	sadd.s32 $0x80, s24  }
0x6c: {  	[tilespmem:s24+$0x0] =	vst v1  }
0x6d: {  	v1 =	vld.idx.msk [tilespmem:v2+s1+$0x0], $0xffff;
	_ =	sdelay $0x3  }
0x6e: {  	s24 =	sadd.s32 $0x80, s24  }
0x6f: {  	[tilespmem:s24+$0x0] =	vst v1  }
0x70: {  	v1 =	vld [tilespmem:$0x0]  }
0x71: {  	v2 =	vld [tilespmem:$0x10]  }
0x72: {  	v3 =	vld [tilespmem:$0x20]  }
0x73: {  	v4 =	vld [tilespmem:$0x30]  }
0x74: {  	v5 =	vld [tilespmem:$0x40]  }
0x75: {  	[tilespmem:$0x100] =	vst v1  }
0x76: {  	[tilespmem:$0x110] =	vst v2  }
0x77: {  	[tilespmem:$0x120] =	vst v3  }
0x78: {  	[tilespmem:$0x130] =	vst v4  }
0x79: {  	s24 =	smul.u32 $0xA0, s23;
	[tilespmem:$0x140] =	vst v5  }
0x7a: {  	[spmem:s3] =	stream.indirect.scatter.add.f32 [tilespmem:s30], [sflag:$0x3], $0x10, s17, s16, $0xb8;
	[tilespmem:$0x7A10] =	vst v63  }
0x7b: {  	s25 =	sadd.s32 s24, s26;
	_ =	swait.ge [sflag:s31], $0x500  }
0x7c: {  	s25 =	sshrl.u32 s25, $0x3;
	[sflag:s31] =	ssyncset.done $0x0  }
0x7d: {  	s6 =	simm.s32 $0x0;
	s29 =	sadd.s32 s5, s25;
	[sflag:s31] =	ssyncadd.s32 $0xFFFFFB00  }
0x7e: {  	[tilespmem:s6], [sflag:$0x1] =	stream.linear.gather [hbm4b:s29+s6], $0x50, $0x38;
	[tilespmem:$0x7A10] =	vst v63  }
0x7f: {  	s25 =	sadd.s32 s2, s25  }
0x80: {  	[tilespmem:s1], [sflag:$0x1] =	stream.linear.gather [hbm4b:s25+s6], $0x50, $0x38;
	[tilespmem:$0x7A10] =	vst v63  }
0x81: {  	_ =	swait.ge [sflag:s18], $0x50  }
0x82: {  	v1 =	vmov s6;
	[sflag:s18] =	ssyncset.done $0x0  }
0x83: {  	[sflag:s18] =	ssyncadd.s32 $0xFFFFFFB0  }
0x84: {  	_ =	swait.ge [sflag:s18], $0x50  }
0x85: {  	[sflag:s18] =	ssyncset.done $0x0  }
0x86: {  	[sflag:s18] =	ssyncadd.s32 $0xFFFFFFB0  }
0x87: {  	s25 =	simm.s32 $0x1;
	v1 =	vld.idx.msk [tilespmem:v1+s14+$0x0], $0xffff  }
0x88: {  	v2 =	vmov s25;
	_ =	sdelay $0x2  }
0x89: {  	s25 =	simm.s32 $0x2B00  }
0x8a: {  	[tilespmem:s25+$0x0] =	vst v1  }
0x8b: {  	s6 =	simm.s32 $0x2;
	v1 =	vld.idx.msk [tilespmem:v2+s14+$0x0], $0xffff  }
0x8c: {  	s29 =	simm.s32 $0x3;
	v2 =	vmov s6  }
.LBB2_7:
0x8d: {  	p1 =	sne.s32 s29, $0x4F;
	_ =	sdelay $0x1  }
.Ltmp2:
0x8e: {  	s25 =	sadd.s32 $0x80, s25;
	(pc) =	sbr.rel @p1 .LBB2_7-.Ltmp2, $3  }
0x8f: {  	[tilespmem:s25+$0x0] =	vst v1  }
0x90: {  	v1 =	vld.idx.msk [tilespmem:v2+s14+$0x0], $0xffff;
	_ =	sdelay $0x1  }
0x91: {  	v2 =	vmov s29;
	s29 =	sadd.s32 $0x1, s29  }
0x92: {  	_ =	sdelay $0x1  }
0x93: {  	s6 =	sadd.s32 $0x80, s25  }
0x94: {  	[tilespmem:s6+$0x0] =	vst v1  }
0x95: {  	v1 =	vld.idx.msk [tilespmem:v2+s14+$0x0], $0xffff;
	_ =	sdelay $0x3  }
0x96: {  	s6 =	sadd.s32 $0x80, s6  }
0x97: {  	[tilespmem:s6+$0x0] =	vst v1  }
0x98: {  	v1 =	vld [tilespmem:$0x80]  }
0x99: {  	v2 =	vld [tilespmem:$0x90]  }
0x9a: {  	v3 =	vld [tilespmem:$0xA0]  }
0x9b: {  	v4 =	vld [tilespmem:$0xB0]  }
0x9c: {  	v5 =	vld [tilespmem:$0xC0]  }
0x9d: {  	[tilespmem:$0x180] =	vst v1  }
0x9e: {  	[tilespmem:$0x190] =	vst v2  }
0x9f: {  	[tilespmem:$0x1A0] =	vst v3  }
0xa0: {  	p1 =	seq.s32 s23, $0x3D;
	[tilespmem:$0x1B0] =	vst v4  }
.Ltmp3:
0xa1: {  	[tilespmem:$0x1C0] =	vst v5;
	(pc) =	sbr.rel @p1 .LBB2_10-.Ltmp3, $4  }
0xa2: {  	[spmem:s3] =	stream.indirect.scatter.add.f32 [tilespmem:s20], [sflag:$0x3], $0x10, s19, s16, $0xb8;
	[tilespmem:$0x7A10] =	vst v63  }
0xa3: {  	_ =	swait.ge [sflag:s31], $0x500  }
0xa4: {  	[sflag:s31] =	ssyncset.done $0x0  }
0xa5: {  	[sflag:s31] =	ssyncadd.s32 $0xFFFFFB00  }
0xa6: {  	s6 =	sadd.s32 s24, s28  }
.Ltmp4:
0xa7: {  	s6 =	sshrl.u32 s6, $0x3;
	(pc) =	sbr.rel .LBB2_4-.Ltmp4, $4  }
0xa8: {  	s29 =	sadd.s32 s5, s6  }
0xa9: {  	[tilespmem:s0], [sflag:$0x2] =	stream.linear.gather [hbm4b:s29+s4], $0x50, $0x38;
	[tilespmem:$0x7A10] =	vst v63  }
0xaa: {  	s23 =	sadd.s32 $0x1, s23;
	s6 =	sadd.s32 s2, s6  }
0xab: {  	[tilespmem:s14], [sflag:$0x2] =	stream.linear.gather [hbm4b:s6+s4], $0x50, $0x38;
	[tilespmem:$0x7A10] =	vst v63  }
.LBB2_10:
0xac: {  	_ =	swait.ge [sflag:s15], $0x50;
	s6 =	simm.s32 $0x0  }
0xad: {  	[sflag:s15] =	ssyncset.done $0x0;
	v1 =	vmov s6  }
0xae: {  	[sflag:s15] =	ssyncadd.s32 $0xFFFFFFB0  }
0xaf: {  	_ =	swait.ge [sflag:s15], $0x50  }
0xb0: {  	[sflag:s15] =	ssyncset.done $0x0  }
0xb1: {  	[sflag:s15] =	ssyncadd.s32 $0xFFFFFFB0  }
0xb2: {  	s25 =	simm.s32 $0x1;
	v1 =	vld.idx.msk [tilespmem:v1+s1+$0x0], $0xffff  }
0xb3: {  	v2 =	vmov s25;
	_ =	sdelay $0x2  }
0xb4: {  	s22 =	simm.s32 $0x300  }
0xb5: {  	[tilespmem:s22+$0x0] =	vst v1  }
0xb6: {  	s29 =	simm.s32 $0x2;
	v1 =	vld.idx.msk [tilespmem:v2+s1+$0x0], $0xffff  }
0xb7: {  	s23 =	simm.s32 $0x3;
	v2 =	vmov s29  }
.LBB2_11:
0xb8: {  	p1 =	sne.s32 s23, $0x4F;
	_ =	sdelay $0x1  }
.Ltmp5:
0xb9: {  	s22 =	sadd.s32 $0x80, s22;
	(pc) =	sbr.rel @p1 .LBB2_11-.Ltmp5, $3  }
0xba: {  	[tilespmem:s22+$0x0] =	vst v1  }
0xbb: {  	v1 =	vld.idx.msk [tilespmem:v2+s1+$0x0], $0xffff;
	_ =	sdelay $0x1  }
0xbc: {  	v2 =	vmov s23;
	s23 =	sadd.s32 $0x1, s23  }
0xbd: {  	_ =	sdelay $0x1  }
0xbe: {  	s6 =	sadd.s32 $0x80, s22  }
0xbf: {  	[tilespmem:s6+$0x0] =	vst v1  }
0xc0: {  	v1 =	vld.idx.msk [tilespmem:v2+s1+$0x0], $0xffff;
	_ =	sdelay $0x3  }
0xc1: {  	s6 =	sadd.s32 $0x80, s6  }
0xc2: {  	[tilespmem:s6+$0x0] =	vst v1  }
0xc3: {  	v1 =	vld [tilespmem:$0x0]  }
0xc4: {  	v2 =	vld [tilespmem:$0x10]  }
0xc5: {  	v3 =	vld [tilespmem:$0x20]  }
0xc6: {  	v4 =	vld [tilespmem:$0x30]  }
0xc7: {  	v5 =	vld [tilespmem:$0x40]  }
0xc8: {  	[tilespmem:$0x100] =	vst v1  }
0xc9: {  	[tilespmem:$0x110] =	vst v2  }
0xca: {  	[tilespmem:$0x120] =	vst v3  }
0xcb: {  	[tilespmem:$0x130] =	vst v4  }
0xcc: {  	[tilespmem:$0x140] =	vst v5  }
0xcd: {  	[spmem:s3] =	stream.indirect.scatter.add.f32 [tilespmem:s30], [sflag:$0x3], $0x10, s17, s16, $0xb8;
	[tilespmem:$0x7A10] =	vst v63  }
0xce: {  	_ =	swait.ge [sflag:s31], $0x500  }
0xcf: {  	[sflag:s31] =	ssyncset.done $0x0  }
0xd0: {  	[sflag:s31] =	ssyncadd.s32 $0xFFFFFB00  }
0xd1: {  	s23 =	stileid.u32;
	[bflag:$0x0] =	sbarrier.arrive $0xFFFF  }
0xd2: {  	s6 =	sshll.u32 s23, $0x6;
	s24 =	rddreg [dreg:$0x4]  }
0xd3: {  	s6 =	sor.u32 $0x1C03, s6;
	s23 =	rddreg [dreg:$0x5];
	s22 =	sshrl.u32 s24, $0x3  }
0xd4: {  	[hbm:s23], [sflag:s6] =	dma.local [spmem:s22], $0x500  }
0xd5: {  	_ =	swait.ge [sflag:s31], $0x500  }
0xd6: {  	[sflag:s31] =	ssyncset.done $0x0  }
0xd7: {  	s25 =	sshrl.u32 s7, $0x3;
	s29 =	rddreg [dreg:$0x6];
	[sflag:s31] =	ssyncadd.s32 $0xFFFFFB00  }
0xd8: {  	[hbm:s29], [sflag:s6] =	dma.local [spmem:s25], $0x500  }
0xd9: {  	_ =	swait.ge [sflag:s31], $0x500  }
0xda: {  	[sflag:s31] =	ssyncset.done $0x0  }
0xdb: {  	s23 =	sshrl.u32 s8, $0x3;
	s24 =	rddreg [dreg:$0x7];
	[sflag:s31] =	ssyncadd.s32 $0xFFFFFB00  }
0xdc: {  	[hbm:s24], [sflag:s6] =	dma.local [spmem:s23], $0x500  }
0xdd: {  	_ =	swait.ge [sflag:s31], $0x500  }
0xde: {  	[sflag:s31] =	ssyncset.done $0x0  }
0xdf: {  	s25 =	sshrl.u32 s9, $0x3;
	s29 =	rddreg [dreg:$0x8];
	[sflag:s31] =	ssyncadd.s32 $0xFFFFFB00  }
0xe0: {  	[hbm:s29], [sflag:s6] =	dma.local [spmem:s25], $0x500  }
0xe1: {  	_ =	swait.ge [sflag:s31], $0x500  }
0xe2: {  	[sflag:s31] =	ssyncset.done $0x0  }
0xe3: {  	s23 =	sshrl.u32 s10, $0x3;
	s24 =	rddreg [dreg:$0x9];
	[sflag:s31] =	ssyncadd.s32 $0xFFFFFB00  }
0xe4: {  	[hbm:s24], [sflag:s6] =	dma.local [spmem:s23], $0x500  }
0xe5: {  	_ =	swait.ge [sflag:s31], $0x500  }
0xe6: {  	[sflag:s31] =	ssyncset.done $0x0  }
0xe7: {  	s25 =	sshrl.u32 s11, $0x3;
	s29 =	rddreg [dreg:$0xa];
	[sflag:s31] =	ssyncadd.s32 $0xFFFFFB00  }
0xe8: {  	[hbm:s29], [sflag:s6] =	dma.local [spmem:s25], $0x500  }
0xe9: {  	_ =	swait.ge [sflag:s31], $0x500  }
0xea: {  	[sflag:s31] =	ssyncset.done $0x0  }
0xeb: {  	s24 =	sshrl.u32 s12, $0x3;
	s25 =	rddreg [dreg:$0xb];
	[sflag:s31] =	ssyncadd.s32 $0xFFFFFB00  }
0xec: {  	[hbm:s25], [sflag:s6] =	dma.local [spmem:s24], $0x500  }
0xed: {  	_ =	swait.ge [sflag:s31], $0x500  }
0xee: {  	[sflag:s31] =	ssyncset.done $0x0  }
0xef: {  	s22 =	sshrl.u32 @!p0 s13, $0x3;
	s23 =	rddreg [dreg:$0xc];
	[sflag:s31] =	ssyncadd.s32 $0xFFFFFB00  }
0xf0: {  	[hbm:s23], [sflag:s6] =	dma.local @!p0 [spmem:s22], $0x500  }
0xf1: {  	s6 =	simm.s32 @!p0 $0x3  }
0xf2: {  	_ =	swait.ge @!p0 [sflag:s6], $0x500  }
0xf3: {  	s21 =	sadd.s32 $0x1, s21;
	s29 =	rddreg [dreg:$0x11]  }
0xf4: {  	p1 =	sne.s32 s21, s29  }
.Ltmp6:
0xf5: {  	_ = 	snop;
	(pc) =	sbr.rel @p1 .LBB2_1-.Ltmp6, $3  }
0xf6: {  	_ =	sdelay $0x1  }
0xf7: {  	[sflag:s6] =	ssyncset.done @!p0 $0x0  }
0xf8: {  	[sflag:s6] =	ssyncadd.s32 @!p0 $0xFFFFFB00  }
0xf9: {  	_ =	sfence.sel $0x180000  }
0xfa: {  	[bflag:$0x0] =	sbarrier.arrive $0xFFFF  }
0xfb: {  	_ =	strace $0x90000047  }
0xfc: {  	s0 =	stileid.u32;
	[bflag:$0x2] =	sbarrier.arrive $0xFFFF  }
0xfd: {  	p0 =	sne.s32 s0, $0x0;
	s0 =	rddreg [dreg:$0x3]  }
0xfe: {  	s0 =	sadd.s32 @!p0 $0x100000, s0  }
0xff: {  	[sflag:s0] =	ssyncadd.tile.s32 @!p0 $0x1;
	_ =	shalt  }
.Lfunc_end2:
_tile_overlayer_lowered:
.L_overlay_start_2:
0x100: {  	(tag) =	ssettag $0x2  }
0x101: {  	s0 =	rddreg [dreg:$0x0];
	s2 =	stileid.u32  }
0x102: {  	s1 =	rddreg [dreg:$0x1];
	p0 =	sne.s32 s2, $0x0  }
0x103: {  	s3 =	rddreg [dreg:$0x2];
	[bflag:$0x3] =	sbarrier.arrive $0xFFFF;
	s2 =	simm.s32 @!p0 $0x1C03  }
0x104: {  	[timem:s3], [sflag:s2] =	dma.local @!p0 [hbm:s0], s1  }
0x105: {  	s0 =	simm.s32 @!p0 $0x3  }
0x106: {  	_ =	swait.ge @!p0 [sflag:s0], s1  }
0x107: {  	s1 =	ssub.s32 @!p0 $0x0, s1;
	[sflag:s0] =	ssyncset.done @!p0 $0x0  }
0x108: {  	[sflag:s0] =	ssyncadd.s32 @!p0 s1  }
0x109: {  	[bflag:$0x3] =	sbarrier.arrive $0xFFFF  }
0x10a: {  	_ =	shalt  }

</sc_bundles>
